<compile_context>
chip_gen: v7x
topology: tpu7x:2x2x1
jax: 0.10.2.dev20260603
libtpu: 0.0.44.dev20260713+nightly
codegen_flags: <defaults>
</compile_context>

<pallas_src>
import functools

import jax
import jax.numpy as jnp
from jax import lax
from jax.experimental import pallas as pl
from jax.experimental.pallas import tpu as pltpu
from jax.experimental.pallas import tpu_sc as plsc

N = 10000
D = 128
NC = 2
NS = 16
NW = NC * NS
N_PAD = 10112
STRIPE = N_PAD // NS
E = 320000 + N
K = 128
G = 81
G_AL = G + 1
E_PAD = NW * K * G
DEGC = 1
RB = 2000
NB = N // RB

_mesh = plsc.VectorSubcoreMesh(core_axis_name="c", subcore_axis_name="s")



@functools.partial(
    pl.kernel,
    out_type=jax.ShapeDtypeStruct((NC, N_PAD, DEGC), jnp.float32),
    mesh=_mesh,
    scratch_types=[
        pltpu.VMEM((K,), jnp.int32),
        pltpu.VMEM((K,), jnp.int32),
        pltpu.VMEM((K, DEGC), jnp.float32),
        pltpu.VMEM_SHARED((N_PAD, DEGC), jnp.float32),
        pltpu.SemaphoreType.DMA,
    ],
)
def _sc_deg(dst_hbm, ones_hbm, zdeg_hbm, out_hbm, didx0, didx1, ones_v,
            acc_sh, ssem):
    c = lax.axis_index("c")
    s = lax.axis_index("s")
    wid = c * NS + s
    pltpu.sync_copy(ones_hbm, ones_v)
    pltpu.sync_copy(zdeg_hbm, acc_sh.at[pl.ds(s * STRIPE, STRIPE)])
    plsc.subcore_barrier()
    base0 = wid * (G * K)
    didx = (didx0, didx1)
    UD = 16

    def body(t, carry):
        c0 = base0 + t * UD * K
        pltpu.sync_copy(dst_hbm.at[pl.ds(c0, K)], didx0)
        for u in range(1, UD):
            bu = u % 2
            sc = pltpu.async_copy(ones_v, acc_sh.at[didx[1 - bu]],
                                  ssem, add=True)
            pltpu.sync_copy(dst_hbm.at[pl.ds(c0 + u * K, K)], didx[bu])
            sc.wait()
        pltpu.sync_copy(ones_v, acc_sh.at[didx[(UD - 1) % 2]], add=True)
        return carry

    lax.fori_loop(0, G // UD, body, 0)
    for gch in range((G // UD) * UD, G):
        pltpu.sync_copy(dst_hbm.at[pl.ds(base0 + gch * K, K)], didx0)
        pltpu.sync_copy(ones_v, acc_sh.at[didx0], add=True)
    plsc.subcore_barrier()
    pltpu.sync_copy(acc_sh.at[pl.ds(s * STRIPE, STRIPE)],
                    out_hbm.at[c, pl.ds(s * STRIPE, STRIPE)])



@functools.partial(
    pl.kernel,
    out_type=jax.ShapeDtypeStruct((NC, N_PAD, D), jnp.float32),
    mesh=_mesh,
    scratch_types=[
        pltpu.VMEM((K,), jnp.int32),
        pltpu.VMEM((K,), jnp.int32),
        pltpu.VMEM((K,), jnp.int32),
        pltpu.VMEM((K,), jnp.int32),
        pltpu.VMEM((K,), jnp.int32),
        pltpu.VMEM((K,), jnp.int32),
        pltpu.VMEM((K, D), jnp.float32),
        pltpu.VMEM((K, D), jnp.float32),
        pltpu.VMEM((K, D), jnp.float32),
        pltpu.VMEM_SHARED((N_PAD, D), jnp.float32),
        pltpu.SemaphoreType.DMA,
        pltpu.SemaphoreType.DMA,
        pltpu.SemaphoreType.DMA,
    ],
)
def _sc_agg(h_hbm, src_hbm, dst_hbm, zrow_hbm, out_hbm,
            sidx0, sidx1, sidx2, didx0, didx1, didx2,
            rows0, rows1, rows2, acc_sh, gsem0, gsem1, ssem):
    c = lax.axis_index("c")
    s = lax.axis_index("s")
    wid = c * NS + s
    pltpu.sync_copy(zrow_hbm, acc_sh.at[pl.ds(s * STRIPE, STRIPE)])
    plsc.subcore_barrier()
    base0 = wid * (G * K)

    sidx = (sidx0, sidx1, sidx2)
    didx = (didx0, didx1, didx2)
    rows = (rows0, rows1, rows2)
    gsem = (gsem0, gsem1)
    U = 16

    def body(t, carry):
        c0 = base0 + t * U * K

        def src_at(i):
            return src_hbm.at[pl.ds(c0 + i * K, K)]

        def dst_at(i):
            return dst_hbm.at[pl.ds(c0 + i * K, K)]

        pltpu.sync_copy(src_at(0), sidx[0])
        pltpu.sync_copy(dst_at(0), didx[0])
        g_cur = pltpu.async_copy(h_hbm.at[sidx[0]], rows[0], gsem[0])
        pltpu.sync_copy(src_at(1), sidx[1])
        pltpu.sync_copy(dst_at(1), didx[1])
        g_nxt = pltpu.async_copy(h_hbm.at[sidx[1]], rows[1], gsem[1])
        pltpu.sync_copy(src_at(2), sidx[2])
        g_cur.wait()
        for u in range(1, U):
            sc = pltpu.async_copy(rows[(u - 1) % 3],
                                  acc_sh.at[didx[(u - 1) % 3]],
                                  ssem, add=True)
            g_cur = g_nxt
            if u + 1 < U:
                g_nxt = pltpu.async_copy(h_hbm.at[sidx[(u + 1) % 3]],
                                         rows[(u + 1) % 3],
                                         gsem[(u + 1) % 2])
            if u + 2 < U:
                pltpu.sync_copy(src_at(u + 2), sidx[(u + 2) % 3])
            if u + 1 < U:
                pltpu.sync_copy(dst_at(u + 1), didx[(u + 1) % 3])
            sc.wait()
            g_cur.wait()
        pltpu.sync_copy(rows[(U - 1) % 3], acc_sh.at[didx[(U - 1) % 3]],
                        add=True)
        return carry

    lax.fori_loop(0, G // U, body, 0)
    for gch in range((G // U) * U, G):
        base = base0 + gch * K
        pltpu.sync_copy(src_hbm.at[pl.ds(base, K)], sidx0)
        g = pltpu.async_copy(h_hbm.at[sidx0], rows0, gsem0)
        pltpu.sync_copy(dst_hbm.at[pl.ds(base, K)], didx0)
        g.wait()
        pltpu.sync_copy(rows0, acc_sh.at[didx0], add=True)
    plsc.subcore_barrier()
    pltpu.sync_copy(acc_sh.at[pl.ds(s * STRIPE, STRIPE)],
                    out_hbm.at[c, pl.ds(s * STRIPE, STRIPE)])



def _dinv(degp_ref):
    return lax.rsqrt(degp_ref[0, :, :1] + degp_ref[1, :, :1])


def _tc_in_body(x_ref, w_ref, degp_ref, o_ref):
    o_ref[...] = _dinv(degp_ref) * jnp.dot(
        x_ref[...], w_ref[...], preferred_element_type=jnp.float32)


_tc_in = pl.pallas_call(
    _tc_in_body,
    grid=(NB,),
    in_specs=[
        pl.BlockSpec((RB, D), lambda i: (i, 0)),
        pl.BlockSpec((D, D), lambda i: (0, 0)),
        pl.BlockSpec((NC, RB, DEGC), lambda i: (0, i, 0)),
    ],
    out_specs=pl.BlockSpec((RB, D), lambda i: (i, 0)),
    out_shape=jax.ShapeDtypeStruct((N, D), jnp.float32),
)


def _tc_mid_body(p_ref, degp_ref, b1_ref, w2_ref, o_ref):
    dinv = _dinv(degp_ref)
    h2 = jnp.maximum(dinv * (p_ref[0] + p_ref[1]) + b1_ref[...], 0.0)
    o_ref[...] = dinv * jnp.dot(h2, w2_ref[...],
                                preferred_element_type=jnp.float32)


_tc_mid = pl.pallas_call(
    _tc_mid_body,
    grid=(NB,),
    in_specs=[
        pl.BlockSpec((NC, RB, D), lambda i: (0, i, 0)),
        pl.BlockSpec((NC, RB, DEGC), lambda i: (0, i, 0)),
        pl.BlockSpec((1, D), lambda i: (0, 0)),
        pl.BlockSpec((D, D), lambda i: (0, 0)),
    ],
    out_specs=pl.BlockSpec((RB, D), lambda i: (i, 0)),
    out_shape=jax.ShapeDtypeStruct((N, D), jnp.float32),
)


def _tc_out_body(q_ref, degp_ref, b2_ref, o_ref):
    o_ref[...] = _dinv(degp_ref) * (q_ref[0] + q_ref[1]) + b2_ref[...]


_tc_out = pl.pallas_call(
    _tc_out_body,
    grid=(NB,),
    in_specs=[
        pl.BlockSpec((NC, RB, D), lambda i: (0, i, 0)),
        pl.BlockSpec((NC, RB, DEGC), lambda i: (0, i, 0)),
        pl.BlockSpec((1, D), lambda i: (0, 0)),
    ],
    out_specs=pl.BlockSpec((RB, D), lambda i: (i, 0)),
    out_shape=jax.ShapeDtypeStruct((N, D), jnp.float32),
)


def kernel(x, edge_index, W1, b1, W2, b2):
    ei = edge_index.astype(jnp.int32)
    loop = jnp.arange(N, dtype=jnp.int32)
    pad = E_PAD - E
    src = jnp.concatenate([ei[0], loop, jnp.zeros((pad,), jnp.int32)])
    dst = jnp.concatenate([ei[1], loop, jnp.full((pad,), N, jnp.int32)])
    ones_blk = jnp.ones((K, DEGC), jnp.float32)
    zdeg = jnp.zeros((STRIPE, DEGC), jnp.float32)
    zrow = jnp.zeros((STRIPE, D), jnp.float32)

    degp = _sc_deg(dst, ones_blk, zdeg)
    h1 = _tc_in(x, W1, degp)
    p = _sc_agg(h1, src, dst, zrow)
    h3 = _tc_mid(p, degp, b1.reshape(1, D), W2)
    q = _sc_agg(h3, src, dst, zrow)
    return _tc_out(q, degp, b2.reshape(1, D))

# --- scband reference (transcript-rebuilt; emitter-appended) ---
"""Pipeline reference for scband-gcn-48533130445252 (READ-ONLY COPY).

The authoritative reference and input builder live on the scoring server;
editing this copy changes nothing except your own understanding.
"""

import jax, jax.numpy as jnp
import numpy as np

N_NODES = 10000
N_EDGES = 320000
D_IN = 128
D_HID = 128
D_OUT = 128


def setup_inputs(seed: int = 0) -> dict:
    key = jax.random.key(seed)
    k1, k2, k3, k4, k5, k6 = jax.random.split(key, 6)
    x = jax.random.normal(k1, (N_NODES, D_IN), dtype=jnp.float32)
    edge_index = jax.random.randint(k2, (2, N_EDGES), 0, N_NODES, dtype=jnp.int64)
    # Glorot-style init for GCNConv linear weights (PyG uses glorot on lin.weight)
    s1 = float(np.sqrt(6.0 / (D_IN + D_HID)))
    s2 = float(np.sqrt(6.0 / (D_HID + D_OUT)))
    W1 = jax.random.uniform(k3, (D_IN, D_HID), dtype=jnp.float32, minval=-s1, maxval=s1)
    b1 = jnp.zeros((D_HID,), dtype=jnp.float32)
    W2 = jax.random.uniform(k4, (D_HID, D_OUT), dtype=jnp.float32, minval=-s2, maxval=s2)
    b2 = jnp.zeros((D_OUT,), dtype=jnp.float32)
    return {"x": x, "edge_index": edge_index, "W1": W1, "b1": b1, "W2": W2, "b2": b2}


def _gcn_conv(x, src, dst, W, b, num_nodes):
    # PyG GCNConv: x' = lin(x); symmetric-normalized scatter-add; add bias.
    h = x @ W
    deg = jnp.zeros((num_nodes,), dtype=h.dtype).at[dst].add(1.0)
    deg_inv_sqrt = jnp.where(deg > 0, deg ** -0.5, 0.0)
    norm = deg_inv_sqrt[src] * deg_inv_sqrt[dst]
    msgs = norm[:, None] * h[src]
    out = jnp.zeros_like(h).at[dst].add(msgs)
    return out + b


def reference(x, edge_index, W1, b1, W2, b2):
    num_nodes = x.shape[0]
    loop = jnp.arange(num_nodes, dtype=edge_index.dtype)
    src = jnp.concatenate([edge_index[0], loop])
    dst = jnp.concatenate([edge_index[1], loop])
    h = _gcn_conv(x, src, dst, W1, b1, num_nodes)
    h = jax.nn.relu(h)
    # dropout is identity at eval time
    out = _gcn_conv(h, src, dst, W2, b2, num_nodes)
    return out

if __name__ == "__main__":
    import jax
    _d = setup_inputs()
    print(jax.jit(kernel)(*tuple(_d.values())))

</pallas_src>

<mosaic_0001>
#map = affine_map<(d0, d1) -> (0, 0)>
#map1 = affine_map<(d0, d1) -> (0)>
#map2 = affine_map<(d0, d1) -> (0, 0, 0)>
module attributes {stable_mosaic.version = 14 : i64} {
  func.func @_sc_agg(%arg0: i32, %arg1: i32, %arg2: memref<10000x128xf32, #tpu.memory_space<hbm>>, %arg3: memref<331776xi32, #tpu.memory_space<hbm>>, %arg4: memref<331776xi32, #tpu.memory_space<hbm>>, %arg5: memref<632x128xf32, #tpu.memory_space<hbm>>, %arg6: memref<2x10112x128xf32, #tpu.memory_space<hbm>>, %arg7: memref<128xi32, #tpu.memory_space<vmem>>, %arg8: memref<128xi32, #tpu.memory_space<vmem>>, %arg9: memref<128xi32, #tpu.memory_space<vmem>>, %arg10: memref<128xi32, #tpu.memory_space<vmem>>, %arg11: memref<128xi32, #tpu.memory_space<vmem>>, %arg12: memref<128xi32, #tpu.memory_space<vmem>>, %arg13: memref<128x128xf32, #tpu.memory_space<vmem>>, %arg14: memref<128x128xf32, #tpu.memory_space<vmem>>, %arg15: memref<128x128xf32, #tpu.memory_space<vmem>>, %arg16: memref<10112x128xf32, #tpu.memory_space<vmem_shared>>, %arg17: memref<!tpu.dma_semaphore, #tpu.memory_space<semaphore_mem>>, %arg18: memref<!tpu.dma_semaphore, #tpu.memory_space<semaphore_mem>>, %arg19: memref<!tpu.dma_semaphore, #tpu.memory_space<semaphore_mem>>) attributes {dimension_semantics = [#tpu.dimension_semantics<core_parallel>, #tpu.dimension_semantics<subcore_parallel>], iteration_bounds = array<i64: 2, 16>, scalar_prefetch = 0 : i64, scratch_operands = 13 : i64, tpu.core_type = #tpu.core_type<sc_vector_subcore>, window_params = [{transform_indices = #map}, {transform_indices = #map1}, {transform_indices = #map1}, {transform_indices = #map}, {transform_indices = #map2}]} {
    %mul3A = arith.constant 16 : i32
    %mul3A_0 = arith.muli %arg0, %mul3A : i32
    %add3A = arith.addi %mul3A_0, %arg1 : i32
    %mul3A_1 = arith.constant 632 : i32
    %mul3A_2 = arith.muli %arg1, %mul3A_1 : i32
    "tpu.region"() ({
      %run_scoped3A = tpu.sem_alloc : memref<!tpu.dma_semaphore, #tpu.memory_space<semaphore_mem>>
      %dma_start3A_21 = arith.constant 0 : i32
      %dma_start3A_22 = tpu.memref_slice %arg16[%mul3A_2, %dma_start3A_21] : memref<10112x128xf32, #tpu.memory_space<vmem_shared>> -> memref<632x128xf32, #tpu.memory_space<vmem_shared>>
      tpu.enqueue_dma source(%arg5 : memref<632x128xf32, #tpu.memory_space<hbm>>) target(%dma_start3A_22 : memref<632x128xf32, #tpu.memory_space<vmem_shared>>) target_semaphore(%run_scoped3A : memref<!tpu.dma_semaphore, #tpu.memory_space<semaphore_mem>>)
      %dma_wait3A_23 = arith.constant 0 : i32
      %dma_wait3A_24 = tpu.memref_slice %arg16[%mul3A_2, %dma_wait3A_23] : memref<10112x128xf32, #tpu.memory_space<vmem_shared>> -> memref<632x128xf32, #tpu.memory_space<vmem_shared>>
      tpu.wait_dma2 semaphore(%run_scoped3A : memref<!tpu.dma_semaphore, #tpu.memory_space<semaphore_mem>>) src(%arg5 : memref<632x128xf32, #tpu.memory_space<hbm>>) dst(%dma_wait3A_24 : memref<632x128xf32, #tpu.memory_space<vmem_shared>>)
      tpu.yield
    }) : () -> ()
    %barrier3A = arith.constant 0 : index
    tpu.barrier barrier_id(%barrier3A)
    %mul3A_3 = arith.constant 10368 : i32
    %mul3A_4 = arith.muli %add3A, %mul3A_3 : i32
    %scan3A = arith.constant 0 : i32
    %scan3A_5 = arith.constant 0 : i32
    %scan3A_6 = arith.constant 5 : i32
    %scan3A_7 = arith.addi %scan3A_5, %scan3A_6 : i32
    %scan3A_8 = arith.constant 1 : i32
    scf.for %scan3A_21 = %scan3A_5 to %scan3A_7 step %scan3A_8  : i32 {
      %mul3A_22 = arith.constant 16 : i32
      %mul3A_23 = arith.muli %scan3A_21, %mul3A_22 : i32
      %mul3A_24 = arith.constant 128 : i32
      %mul3A_25 = arith.muli %mul3A_23, %mul3A_24 : i32
      %add3A_26 = arith.addi %mul3A_4, %mul3A_25 : i32
      %add3A_27 = arith.constant 0 : i32
      %add3A_28 = arith.addi %add3A_26, %add3A_27 : i32
      "tpu.region"() ({
        %run_scoped3A = tpu.sem_alloc : memref<!tpu.dma_semaphore, #tpu.memory_space<semaphore_mem>>
        %dma_start3A_277 = tpu.memref_slice %arg3[%add3A_28] : memref<331776xi32, #tpu.memory_space<hbm>> -> memref<128xi32, #tpu.memory_space<hbm>>
        %dma_start3A_278 = tpu.memref_slice %arg3[%add3A_28] : memref<331776xi32, #tpu.memory_space<hbm>> -> memref<128xi32, #tpu.memory_space<hbm>>
        tpu.enqueue_dma source(%dma_start3A_278 : memref<128xi32, #tpu.memory_space<hbm>>) target(%arg7 : memref<128xi32, #tpu.memory_space<vmem>>) target_semaphore(%run_scoped3A : memref<!tpu.dma_semaphore, #tpu.memory_space<semaphore_mem>>)
        %dma_wait3A_279 = tpu.memref_slice %arg3[%add3A_28] : memref<331776xi32, #tpu.memory_space<hbm>> -> memref<128xi32, #tpu.memory_space<hbm>>
        %dma_wait3A_280 = tpu.memref_slice %arg3[%add3A_28] : memref<331776xi32, #tpu.memory_space<hbm>> -> memref<128xi32, #tpu.memory_space<hbm>>
        tpu.wait_dma2 semaphore(%run_scoped3A : memref<!tpu.dma_semaphore, #tpu.memory_space<semaphore_mem>>) src(%dma_wait3A_280 : memref<128xi32, #tpu.memory_space<hbm>>) dst(%arg7 : memref<128xi32, #tpu.memory_space<vmem>>)
        tpu.yield
      }) : () -> ()
      %add3A_29 = arith.constant 0 : i32
      %add3A_30 = arith.addi %add3A_26, %add3A_29 : i32
      "tpu.region"() ({
        %run_scoped3A = tpu.sem_alloc : memref<!tpu.dma_semaphore, #tpu.memory_space<semaphore_mem>>
        %dma_start3A_277 = tpu.memref_slice %arg4[%add3A_30] : memref<331776xi32, #tpu.memory_space<hbm>> -> memref<128xi32, #tpu.memory_space<hbm>>
        %dma_start3A_278 = tpu.memref_slice %arg4[%add3A_30] : memref<331776xi32, #tpu.memory_space<hbm>> -> memref<128xi32, #tpu.memory_space<hbm>>
        tpu.enqueue_dma source(%dma_start3A_278 : memref<128xi32, #tpu.memory_space<hbm>>) target(%arg10 : memref<128xi32, #tpu.memory_space<vmem>>) target_semaphore(%run_scoped3A : memref<!tpu.dma_semaphore, #tpu.memory_space<semaphore_mem>>)
        %dma_wait3A_279 = tpu.memref_slice %arg4[%add3A_30] : memref<331776xi32, #tpu.memory_space<hbm>> -> memref<128xi32, #tpu.memory_space<hbm>>
        %dma_wait3A_280 = tpu.memref_slice %arg4[%add3A_30] : memref<331776xi32, #tpu.memory_space<hbm>> -> memref<128xi32, #tpu.memory_space<hbm>>
        tpu.wait_dma2 semaphore(%run_scoped3A : memref<!tpu.dma_semaphore, #tpu.memory_space<semaphore_mem>>) src(%dma_wait3A_280 : memref<128xi32, #tpu.memory_space<hbm>>) dst(%arg10 : memref<128xi32, #tpu.memory_space<vmem>>)
        tpu.yield
      }) : () -> ()
      %dma_start3A_31 = arith.constant 0 : i32
      %dma_start3A_32 = arith.constant 0 : i32
      %dma_start3A_33 = tpu.memref_slice %arg2[%dma_start3A_31, %dma_start3A_32] : memref<10000x128xf32, #tpu.memory_space<hbm>> -> memref<10000x128xf32, #tpu.memory_space<hbm>>
      tpu.enqueue_indirect_dma source(%dma_start3A_33 : memref<10000x128xf32, #tpu.memory_space<hbm>>) target(%arg13 : memref<128x128xf32, #tpu.memory_space<vmem>>) offsets(%arg7 : memref<128xi32, #tpu.memory_space<vmem>>) semaphore(%arg17 : memref<!tpu.dma_semaphore, #tpu.memory_space<semaphore_mem>>)
      %add3A_34 = arith.constant 128 : i32
      %add3A_35 = arith.addi %add3A_26, %add3A_34 : i32
      "tpu.region"() ({
        %run_scoped3A = tpu.sem_alloc : memref<!tpu.dma_semaphore, #tpu.memory_space<semaphore_mem>>
        %dma_start3A_277 = tpu.memref_slice %arg3[%add3A_35] : memref<331776xi32, #tpu.memory_space<hbm>> -> memref<128xi32, #tpu.memory_space<hbm>>
        %dma_start3A_278 = tpu.memref_slice %arg3[%add3A_35] : memref<331776xi32, #tpu.memory_space<hbm>> -> memref<128xi32, #tpu.memory_space<hbm>>
        tpu.enqueue_dma source(%dma_start3A_278 : memref<128xi32, #tpu.memory_space<hbm>>) target(%arg8 : memref<128xi32, #tpu.memory_space<vmem>>) target_semaphore(%run_scoped3A : memref<!tpu.dma_semaphore, #tpu.memory_space<semaphore_mem>>)
        %dma_wait3A_279 = tpu.memref_slice %arg3[%add3A_35] : memref<331776xi32, #tpu.memory_space<hbm>> -> memref<128xi32, #tpu.memory_space<hbm>>
        %dma_wait3A_280 = tpu.memref_slice %arg3[%add3A_35] : memref<331776xi32, #tpu.memory_space<hbm>> -> memref<128xi32, #tpu.memory_space<hbm>>
        tpu.wait_dma2 semaphore(%run_scoped3A : memref<!tpu.dma_semaphore, #tpu.memory_space<semaphore_mem>>) src(%dma_wait3A_280 : memref<128xi32, #tpu.memory_space<hbm>>) dst(%arg8 : memref<128xi32, #tpu.memory_space<vmem>>)
        tpu.yield
      }) : () -> ()
      %add3A_36 = arith.constant 128 : i32
      %add3A_37 = arith.addi %add3A_26, %add3A_36 : i32
      "tpu.region"() ({
        %run_scoped3A = tpu.sem_alloc : memref<!tpu.dma_semaphore, #tpu.memory_space<semaphore_mem>>
        %dma_start3A_277 = tpu.memref_slice %arg4[%add3A_37] : memref<331776xi32, #tpu.memory_space<hbm>> -> memref<128xi32, #tpu.memory_space<hbm>>
        %dma_start3A_278 = tpu.memref_slice %arg4[%add3A_37] : memref<331776xi32, #tpu.memory_space<hbm>> -> memref<128xi32, #tpu.memory_space<hbm>>
        tpu.enqueue_dma source(%dma_start3A_278 : memref<128xi32, #tpu.memory_space<hbm>>) target(%arg11 : memref<128xi32, #tpu.memory_space<vmem>>) target_semaphore(%run_scoped3A : memref<!tpu.dma_semaphore, #tpu.memory_space<semaphore_mem>>)
        %dma_wait3A_279 = tpu.memref_slice %arg4[%add3A_37] : memref<331776xi32, #tpu.memory_space<hbm>> -> memref<128xi32, #tpu.memory_space<hbm>>
        %dma_wait3A_280 = tpu.memref_slice %arg4[%add3A_37] : memref<331776xi32, #tpu.memory_space<hbm>> -> memref<128xi32, #tpu.memory_space<hbm>>
        tpu.wait_dma2 semaphore(%run_scoped3A : memref<!tpu.dma_semaphore, #tpu.memory_space<semaphore_mem>>) src(%dma_wait3A_280 : memref<128xi32, #tpu.memory_space<hbm>>) dst(%arg11 : memref<128xi32, #tpu.memory_space<vmem>>)
        tpu.yield
      }) : () -> ()
      %dma_start3A_38 = arith.constant 0 : i32
      %dma_start3A_39 = arith.constant 0 : i32
      %dma_start3A_40 = tpu.memref_slice %arg2[%dma_start3A_38, %dma_start3A_39] : memref<10000x128xf32, #tpu.memory_space<hbm>> -> memref<10000x128xf32, #tpu.memory_space<hbm>>
      tpu.enqueue_indirect_dma source(%dma_start3A_40 : memref<10000x128xf32, #tpu.memory_space<hbm>>) target(%arg14 : memref<128x128xf32, #tpu.memory_space<vmem>>) offsets(%arg8 : memref<128xi32, #tpu.memory_space<vmem>>) semaphore(%arg18 : memref<!tpu.dma_semaphore, #tpu.memory_space<semaphore_mem>>)
      %add3A_41 = arith.constant 256 : i32
      %add3A_42 = arith.addi %add3A_26, %add3A_41 : i32
      "tpu.region"() ({
        %run_scoped3A = tpu.sem_alloc : memref<!tpu.dma_semaphore, #tpu.memory_space<semaphore_mem>>
        %dma_start3A_277 = tpu.memref_slice %arg3[%add3A_42] : memref<331776xi32, #tpu.memory_space<hbm>> -> memref<128xi32, #tpu.memory_space<hbm>>
        %dma_start3A_278 = tpu.memref_slice %arg3[%add3A_42] : memref<331776xi32, #tpu.memory_space<hbm>> -> memref<128xi32, #tpu.memory_space<hbm>>
        tpu.enqueue_dma source(%dma_start3A_278 : memref<128xi32, #tpu.memory_space<hbm>>) target(%arg9 : memref<128xi32, #tpu.memory_space<vmem>>) target_semaphore(%run_scoped3A : memref<!tpu.dma_semaphore, #tpu.memory_space<semaphore_mem>>)
        %dma_wait3A_279 = tpu.memref_slice %arg3[%add3A_42] : memref<331776xi32, #tpu.memory_space<hbm>> -> memref<128xi32, #tpu.memory_space<hbm>>
        %dma_wait3A_280 = tpu.memref_slice %arg3[%add3A_42] : memref<331776xi32, #tpu.memory_space<hbm>> -> memref<128xi32, #tpu.memory_space<hbm>>
        tpu.wait_dma2 semaphore(%run_scoped3A : memref<!tpu.dma_semaphore, #tpu.memory_space<semaphore_mem>>) src(%dma_wait3A_280 : memref<128xi32, #tpu.memory_space<hbm>>) dst(%arg9 : memref<128xi32, #tpu.memory_space<vmem>>)
        tpu.yield
      }) : () -> ()
      %dma_wait3A_43 = arith.constant 0 : i32
      %dma_wait3A_44 = arith.constant 0 : i32
      %dma_wait3A_45 = tpu.memref_slice %arg2[%dma_wait3A_43, %dma_wait3A_44] : memref<10000x128xf32, #tpu.memory_space<hbm>> -> memref<10000x128xf32, #tpu.memory_space<hbm>>
      tpu.wait_indirect_dma semaphore(%arg17 : memref<!tpu.dma_semaphore, #tpu.memory_space<semaphore_mem>>) src(%dma_wait3A_45 : memref<10000x128xf32, #tpu.memory_space<hbm>>) dst(%arg13 : memref<128x128xf32, #tpu.memory_space<vmem>>)
      %dma_start3A_46 = arith.constant 0 : i32
      %dma_start3A_47 = arith.constant 0 : i32
      %dma_start3A_48 = tpu.memref_slice %arg16[%dma_start3A_46, %dma_start3A_47] : memref<10112x128xf32, #tpu.memory_space<vmem_shared>> -> memref<10112x128xf32, #tpu.memory_space<vmem_shared>>
      tpu.enqueue_indirect_dma source(%arg13 : memref<128x128xf32, #tpu.memory_space<vmem>>) target(%dma_start3A_48 : memref<10112x128xf32, #tpu.memory_space<vmem_shared>>) offsets(%arg10 : memref<128xi32, #tpu.memory_space<vmem>>) semaphore(%arg19 : memref<!tpu.dma_semaphore, #tpu.memory_space<semaphore_mem>>) {add = true}
      %dma_start3A_49 = arith.constant 0 : i32
      %dma_start3A_50 = arith.constant 0 : i32
      %dma_start3A_51 = tpu.memref_slice %arg2[%dma_start3A_49, %dma_start3A_50] : memref<10000x128xf32, #tpu.memory_space<hbm>> -> memref<10000x128xf32, #tpu.memory_space<hbm>>
      tpu.enqueue_indirect_dma source(%dma_start3A_51 : memref<10000x128xf32, #tpu.memory_space<hbm>>) target(%arg15 : memref<128x128xf32, #tpu.memory_space<vmem>>) offsets(%arg9 : memref<128xi32, #tpu.memory_space<vmem>>) semaphore(%arg17 : memref<!tpu.dma_semaphore, #tpu.memory_space<semaphore_mem>>)
      %add3A_52 = arith.constant 384 : i32
      %add3A_53 = arith.addi %add3A_26, %add3A_52 : i32
      "tpu.region"() ({
        %run_scoped3A = tpu.sem_alloc : memref<!tpu.dma_semaphore, #tpu.memory_space<semaphore_mem>>
        %dma_start3A_277 = tpu.memref_slice %arg3[%add3A_53] : memref<331776xi32, #tpu.memory_space<hbm>> -> memref<128xi32, #tpu.memory_space<hbm>>
        %dma_start3A_278 = tpu.memref_slice %arg3[%add3A_53] : memref<331776xi32, #tpu.memory_space<hbm>> -> memref<128xi32, #tpu.memory_space<hbm>>
        tpu.enqueue_dma source(%dma_start3A_278 : memref<128xi32, #tpu.memory_space<hbm>>) target(%arg7 : memref<128xi32, #tpu.memory_space<vmem>>) target_semaphore(%run_scoped3A : memref<!tpu.dma_semaphore, #tpu.memory_space<semaphore_mem>>)
        %dma_wait3A_279 = tpu.memref_slice %arg3[%add3A_53] : memref<331776xi32, #tpu.memory_space<hbm>> -> memref<128xi32, #tpu.memory_space<hbm>>
        %dma_wait3A_280 = tpu.memref_slice %arg3[%add3A_53] : memref<331776xi32, #tpu.memory_space<hbm>> -> memref<128xi32, #tpu.memory_space<hbm>>
        tpu.wait_dma2 semaphore(%run_scoped3A : memref<!tpu.dma_semaphore, #tpu.memory_space<semaphore_mem>>) src(%dma_wait3A_280 : memref<128xi32, #tpu.memory_space<hbm>>) dst(%arg7 : memref<128xi32, #tpu.memory_space<vmem>>)
        tpu.yield
      }) : () -> ()
      %add3A_54 = arith.constant 256 : i32
      %add3A_55 = arith.addi %add3A_26, %add3A_54 : i32
      "tpu.region"() ({
        %run_scoped3A = tpu.sem_alloc : memref<!tpu.dma_semaphore, #tpu.memory_space<semaphore_mem>>
        %dma_start3A_277 = tpu.memref_slice %arg4[%add3A_55] : memref<331776xi32, #tpu.memory_space<hbm>> -> memref<128xi32, #tpu.memory_space<hbm>>
        %dma_start3A_278 = tpu.memref_slice %arg4[%add3A_55] : memref<331776xi32, #tpu.memory_space<hbm>> -> memref<128xi32, #tpu.memory_space<hbm>>
        tpu.enqueue_dma source(%dma_start3A_278 : memref<128xi32, #tpu.memory_space<hbm>>) target(%arg12 : memref<128xi32, #tpu.memory_space<vmem>>) target_semaphore(%run_scoped3A : memref<!tpu.dma_semaphore, #tpu.memory_space<semaphore_mem>>)
        %dma_wait3A_279 = tpu.memref_slice %arg4[%add3A_55] : memref<331776xi32, #tpu.memory_space<hbm>> -> memref<128xi32, #tpu.memory_space<hbm>>
        %dma_wait3A_280 = tpu.memref_slice %arg4[%add3A_55] : memref<331776xi32, #tpu.memory_space<hbm>> -> memref<128xi32, #tpu.memory_space<hbm>>
        tpu.wait_dma2 semaphore(%run_scoped3A : memref<!tpu.dma_semaphore, #tpu.memory_space<semaphore_mem>>) src(%dma_wait3A_280 : memref<128xi32, #tpu.memory_space<hbm>>) dst(%arg12 : memref<128xi32, #tpu.memory_space<vmem>>)
        tpu.yield
      }) : () -> ()
      %dma_wait3A_56 = arith.constant 0 : i32
      %dma_wait3A_57 = arith.constant 0 : i32
      %dma_wait3A_58 = tpu.memref_slice %arg16[%dma_wait3A_56, %dma_wait3A_57] : memref<10112x128xf32, #tpu.memory_space<vmem_shared>> -> memref<10112x128xf32, #tpu.memory_space<vmem_shared>>
      tpu.wait_indirect_dma semaphore(%arg19 : memref<!tpu.dma_semaphore, #tpu.memory_space<semaphore_mem>>) src(%arg13 : memref<128x128xf32, #tpu.memory_space<vmem>>) dst(%dma_wait3A_58 : memref<10112x128xf32, #tpu.memory_space<vmem_shared>>)
      %dma_wait3A_59 = arith.constant 0 : i32
      %dma_wait3A_60 = arith.constant 0 : i32
      %dma_wait3A_61 = tpu.memref_slice %arg2[%dma_wait3A_59, %dma_wait3A_60] : memref<10000x128xf32, #tpu.memory_space<hbm>> -> memref<10000x128xf32, #tpu.memory_space<hbm>>
      tpu.wait_indirect_dma semaphore(%arg18 : memref<!tpu.dma_semaphore, #tpu.memory_space<semaphore_mem>>) src(%dma_wait3A_61 : memref<10000x128xf32, #tpu.memory_space<hbm>>) dst(%arg14 : memref<128x128xf32, #tpu.memory_space<vmem>>)
      %dma_start3A_62 = arith.constant 0 : i32
      %dma_start3A_63 = arith.constant 0 : i32
      %dma_start3A_64 = tpu.memref_slice %arg16[%dma_start3A_62, %dma_start3A_63] : memref<10112x128xf32, #tpu.memory_space<vmem_shared>> -> memref<10112x128xf32, #tpu.memory_space<vmem_shared>>
      tpu.enqueue_indirect_dma source(%arg14 : memref<128x128xf32, #tpu.memory_space<vmem>>) target(%dma_start3A_64 : memref<10112x128xf32, #tpu.memory_space<vmem_shared>>) offsets(%arg11 : memref<128xi32, #tpu.memory_space<vmem>>) semaphore(%arg19 : memref<!tpu.dma_semaphore, #tpu.memory_space<semaphore_mem>>) {add = true}
      %dma_start3A_65 = arith.constant 0 : i32
      %dma_start3A_66 = arith.constant 0 : i32
      %dma_start3A_67 = tpu.memref_slice %arg2[%dma_start3A_65, %dma_start3A_66] : memref<10000x128xf32, #tpu.memory_space<hbm>> -> memref<10000x128xf32, #tpu.memory_space<hbm>>
      tpu.enqueue_indirect_dma source(%dma_start3A_67 : memref<10000x128xf32, #tpu.memory_space<hbm>>) target(%arg13 : memref<128x128xf32, #tpu.memory_space<vmem>>) offsets(%arg7 : memref<128xi32, #tpu.memory_space<vmem>>) semaphore(%arg18 : memref<!tpu.dma_semaphore, #tpu.memory_space<semaphore_mem>>)
      %add3A_68 = arith.constant 512 : i32
      %add3A_69 = arith.addi %add3A_26, %add3A_68 : i32
      "tpu.region"() ({
        %run_scoped3A = tpu.sem_alloc : memref<!tpu.dma_semaphore, #tpu.memory_space<semaphore_mem>>
        %dma_start3A_277 = tpu.memref_slice %arg3[%add3A_69] : memref<331776xi32, #tpu.memory_space<hbm>> -> memref<128xi32, #tpu.memory_space<hbm>>
        %dma_start3A_278 = tpu.memref_slice %arg3[%add3A_69] : memref<331776xi32, #tpu.memory_space<hbm>> -> memref<128xi32, #tpu.memory_space<hbm>>
        tpu.enqueue_dma source(%dma_start3A_278 : memref<128xi32, #tpu.memory_space<hbm>>) target(%arg8 : memref<128xi32, #tpu.memory_space<vmem>>) target_semaphore(%run_scoped3A : memref<!tpu.dma_semaphore, #tpu.memory_space<semaphore_mem>>)
        %dma_wait3A_279 = tpu.memref_slice %arg3[%add3A_69] : memref<331776xi32, #tpu.memory_space<hbm>> -> memref<128xi32, #tpu.memory_space<hbm>>
        %dma_wait3A_280 = tpu.memref_slice %arg3[%add3A_69] : memref<331776xi32, #tpu.memory_space<hbm>> -> memref<128xi32, #tpu.memory_space<hbm>>
        tpu.wait_dma2 semaphore(%run_scoped3A : memref<!tpu.dma_semaphore, #tpu.memory_space<semaphore_mem>>) src(%dma_wait3A_280 : memref<128xi32, #tpu.memory_space<hbm>>) dst(%arg8 : memref<128xi32, #tpu.memory_space<vmem>>)
        tpu.yield
      }) : () -> ()
      %add3A_70 = arith.constant 384 : i32
      %add3A_71 = arith.addi %add3A_26, %add3A_70 : i32
      "tpu.region"() ({
        %run_scoped3A = tpu.sem_alloc : memref<!tpu.dma_semaphore, #tpu.memory_space<semaphore_mem>>
        %dma_start3A_277 = tpu.memref_slice %arg4[%add3A_71] : memref<331776xi32, #tpu.memory_space<hbm>> -> memref<128xi32, #tpu.memory_space<hbm>>
        %dma_start3A_278 = tpu.memref_slice %arg4[%add3A_71] : memref<331776xi32, #tpu.memory_space<hbm>> -> memref<128xi32, #tpu.memory_space<hbm>>
        tpu.enqueue_dma source(%dma_start3A_278 : memref<128xi32, #tpu.memory_space<hbm>>) target(%arg10 : memref<128xi32, #tpu.memory_space<vmem>>) target_semaphore(%run_scoped3A : memref<!tpu.dma_semaphore, #tpu.memory_space<semaphore_mem>>)
        %dma_wait3A_279 = tpu.memref_slice %arg4[%add3A_71] : memref<331776xi32, #tpu.memory_space<hbm>> -> memref<128xi32, #tpu.memory_space<hbm>>
        %dma_wait3A_280 = tpu.memref_slice %arg4[%add3A_71] : memref<331776xi32, #tpu.memory_space<hbm>> -> memref<128xi32, #tpu.memory_space<hbm>>
        tpu.wait_dma2 semaphore(%run_scoped3A : memref<!tpu.dma_semaphore, #tpu.memory_space<semaphore_mem>>) src(%dma_wait3A_280 : memref<128xi32, #tpu.memory_space<hbm>>) dst(%arg10 : memref<128xi32, #tpu.memory_space<vmem>>)
        tpu.yield
      }) : () -> ()
      %dma_wait3A_72 = arith.constant 0 : i32
      %dma_wait3A_73 = arith.constant 0 : i32
      %dma_wait3A_74 = tpu.memref_slice %arg16[%dma_wait3A_72, %dma_wait3A_73] : memref<10112x128xf32, #tpu.memory_space<vmem_shared>> -> memref<10112x128xf32, #tpu.memory_space<vmem_shared>>
      tpu.wait_indirect_dma semaphore(%arg19 : memref<!tpu.dma_semaphore, #tpu.memory_space<semaphore_mem>>) src(%arg14 : memref<128x128xf32, #tpu.memory_space<vmem>>) dst(%dma_wait3A_74 : memref<10112x128xf32, #tpu.memory_space<vmem_shared>>)
      %dma_wait3A_75 = arith.constant 0 : i32
      %dma_wait3A_76 = arith.constant 0 : i32
      %dma_wait3A_77 = tpu.memref_slice %arg2[%dma_wait3A_75, %dma_wait3A_76] : memref<10000x128xf32, #tpu.memory_space<hbm>> -> memref<10000x128xf32, #tpu.memory_space<hbm>>
      tpu.wait_indirect_dma semaphore(%arg17 : memref<!tpu.dma_semaphore, #tpu.memory_space<semaphore_mem>>) src(%dma_wait3A_77 : memref<10000x128xf32, #tpu.memory_space<hbm>>) dst(%arg15 : memref<128x128xf32, #tpu.memory_space<vmem>>)
      %dma_start3A_78 = arith.constant 0 : i32
      %dma_start3A_79 = arith.constant 0 : i32
      %dma_start3A_80 = tpu.memref_slice %arg16[%dma_start3A_78, %dma_start3A_79] : memref<10112x128xf32, #tpu.memory_space<vmem_shared>> -> memref<10112x128xf32, #tpu.memory_space<vmem_shared>>
      tpu.enqueue_indirect_dma source(%arg15 : memref<128x128xf32, #tpu.memory_space<vmem>>) target(%dma_start3A_80 : memref<10112x128xf32, #tpu.memory_space<vmem_shared>>) offsets(%arg12 : memref<128xi32, #tpu.memory_space<vmem>>) semaphore(%arg19 : memref<!tpu.dma_semaphore, #tpu.memory_space<semaphore_mem>>) {add = true}
      %dma_start3A_81 = arith.constant 0 : i32
      %dma_start3A_82 = arith.constant 0 : i32
      %dma_start3A_83 = tpu.memref_slice %arg2[%dma_start3A_81, %dma_start3A_82] : memref<10000x128xf32, #tpu.memory_space<hbm>> -> memref<10000x128xf32, #tpu.memory_space<hbm>>
      tpu.enqueue_indirect_dma source(%dma_start3A_83 : memref<10000x128xf32, #tpu.memory_space<hbm>>) target(%arg14 : memref<128x128xf32, #tpu.memory_space<vmem>>) offsets(%arg8 : memref<128xi32, #tpu.memory_space<vmem>>) semaphore(%arg17 : memref<!tpu.dma_semaphore, #tpu.memory_space<semaphore_mem>>)
      %add3A_84 = arith.constant 640 : i32
      %add3A_85 = arith.addi %add3A_26, %add3A_84 : i32
      "tpu.region"() ({
        %run_scoped3A = tpu.sem_alloc : memref<!tpu.dma_semaphore, #tpu.memory_space<semaphore_mem>>
        %dma_start3A_277 = tpu.memref_slice %arg3[%add3A_85] : memref<331776xi32, #tpu.memory_space<hbm>> -> memref<128xi32, #tpu.memory_space<hbm>>
        %dma_start3A_278 = tpu.memref_slice %arg3[%add3A_85] : memref<331776xi32, #tpu.memory_space<hbm>> -> memref<128xi32, #tpu.memory_space<hbm>>
        tpu.enqueue_dma source(%dma_start3A_278 : memref<128xi32, #tpu.memory_space<hbm>>) target(%arg9 : memref<128xi32, #tpu.memory_space<vmem>>) target_semaphore(%run_scoped3A : memref<!tpu.dma_semaphore, #tpu.memory_space<semaphore_mem>>)
        %dma_wait3A_279 = tpu.memref_slice %arg3[%add3A_85] : memref<331776xi32, #tpu.memory_space<hbm>> -> memref<128xi32, #tpu.memory_space<hbm>>
        %dma_wait3A_280 = tpu.memref_slice %arg3[%add3A_85] : memref<331776xi32, #tpu.memory_space<hbm>> -> memref<128xi32, #tpu.memory_space<hbm>>
        tpu.wait_dma2 semaphore(%run_scoped3A : memref<!tpu.dma_semaphore, #tpu.memory_space<semaphore_mem>>) src(%dma_wait3A_280 : memref<128xi32, #tpu.memory_space<hbm>>) dst(%arg9 : memref<128xi32, #tpu.memory_space<vmem>>)
        tpu.yield
      }) : () -> ()
      %add3A_86 = arith.constant 512 : i32
      %add3A_87 = arith.addi %add3A_26, %add3A_86 : i32
      "tpu.region"() ({
        %run_scoped3A = tpu.sem_alloc : memref<!tpu.dma_semaphore, #tpu.memory_space<semaphore_mem>>
        %dma_start3A_277 = tpu.memref_slice %arg4[%add3A_87] : memref<331776xi32, #tpu.memory_space<hbm>> -> memref<128xi32, #tpu.memory_space<hbm>>
        %dma_start3A_278 = tpu.memref_slice %arg4[%add3A_87] : memref<331776xi32, #tpu.memory_space<hbm>> -> memref<128xi32, #tpu.memory_space<hbm>>
        tpu.enqueue_dma source(%dma_start3A_278 : memref<128xi32, #tpu.memory_space<hbm>>) target(%arg11 : memref<128xi32, #tpu.memory_space<vmem>>) target_semaphore(%run_scoped3A : memref<!tpu.dma_semaphore, #tpu.memory_space<semaphore_mem>>)
        %dma_wait3A_279 = tpu.memref_slice %arg4[%add3A_87] : memref<331776xi32, #tpu.memory_space<hbm>> -> memref<128xi32, #tpu.memory_space<hbm>>
        %dma_wait3A_280 = tpu.memref_slice %arg4[%add3A_87] : memref<331776xi32, #tpu.memory_space<hbm>> -> memref<128xi32, #tpu.memory_space<hbm>>
        tpu.wait_dma2 semaphore(%run_scoped3A : memref<!tpu.dma_semaphore, #tpu.memory_space<semaphore_mem>>) src(%dma_wait3A_280 : memref<128xi32, #tpu.memory_space<hbm>>) dst(%arg11 : memref<128xi32, #tpu.memory_space<vmem>>)
        tpu.yield
      }) : () -> ()
      %dma_wait3A_88 = arith.constant 0 : i32
      %dma_wait3A_89 = arith.constant 0 : i32
      %dma_wait3A_90 = tpu.memref_slice %arg16[%dma_wait3A_88, %dma_wait3A_89] : memref<10112x128xf32, #tpu.memory_space<vmem_shared>> -> memref<10112x128xf32, #tpu.memory_space<vmem_shared>>
      tpu.wait_indirect_dma semaphore(%arg19 : memref<!tpu.dma_semaphore, #tpu.memory_space<semaphore_mem>>) src(%arg15 : memref<128x128xf32, #tpu.memory_space<vmem>>) dst(%dma_wait3A_90 : memref<10112x128xf32, #tpu.memory_space<vmem_shared>>)
      %dma_wait3A_91 = arith.constant 0 : i32
      %dma_wait3A_92 = arith.constant 0 : i32
      %dma_wait3A_93 = tpu.memref_slice %arg2[%dma_wait3A_91, %dma_wait3A_92] : memref<10000x128xf32, #tpu.memory_space<hbm>> -> memref<10000x128xf32, #tpu.memory_space<hbm>>
      tpu.wait_indirect_dma semaphore(%arg18 : memref<!tpu.dma_semaphore, #tpu.memory_space<semaphore_mem>>) src(%dma_wait3A_93 : memref<10000x128xf32, #tpu.memory_space<hbm>>) dst(%arg13 : memref<128x128xf32, #tpu.memory_space<vmem>>)
      %dma_start3A_94 = arith.constant 0 : i32
      %dma_start3A_95 = arith.constant 0 : i32
      %dma_start3A_96 = tpu.memref_slice %arg16[%dma_start3A_94, %dma_start3A_95] : memref<10112x128xf32, #tpu.memory_space<vmem_shared>> -> memref<10112x128xf32, #tpu.memory_space<vmem_shared>>
      tpu.enqueue_indirect_dma source(%arg13 : memref<128x128xf32, #tpu.memory_space<vmem>>) target(%dma_start3A_96 : memref<10112x128xf32, #tpu.memory_space<vmem_shared>>) offsets(%arg10 : memref<128xi32, #tpu.memory_space<vmem>>) semaphore(%arg19 : memref<!tpu.dma_semaphore, #tpu.memory_space<semaphore_mem>>) {add = true}
      %dma_start3A_97 = arith.constant 0 : i32
      %dma_start3A_98 = arith.constant 0 : i32
      %dma_start3A_99 = tpu.memref_slice %arg2[%dma_start3A_97, %dma_start3A_98] : memref<10000x128xf32, #tpu.memory_space<hbm>> -> memref<10000x128xf32, #tpu.memory_space<hbm>>
      tpu.enqueue_indirect_dma source(%dma_start3A_99 : memref<10000x128xf32, #tpu.memory_space<hbm>>) target(%arg15 : memref<128x128xf32, #tpu.memory_space<vmem>>) offsets(%arg9 : memref<128xi32, #tpu.memory_space<vmem>>) semaphore(%arg18 : memref<!tpu.dma_semaphore, #tpu.memory_space<semaphore_mem>>)
      %add3A_100 = arith.constant 768 : i32
      %add3A_101 = arith.addi %add3A_26, %add3A_100 : i32
      "tpu.region"() ({
        %run_scoped3A = tpu.sem_alloc : memref<!tpu.dma_semaphore, #tpu.memory_space<semaphore_mem>>
        %dma_start3A_277 = tpu.memref_slice %arg3[%add3A_101] : memref<331776xi32, #tpu.memory_space<hbm>> -> memref<128xi32, #tpu.memory_space<hbm>>
        %dma_start3A_278 = tpu.memref_slice %arg3[%add3A_101] : memref<331776xi32, #tpu.memory_space<hbm>> -> memref<128xi32, #tpu.memory_space<hbm>>
        tpu.enqueue_dma source(%dma_start3A_278 : memref<128xi32, #tpu.memory_space<hbm>>) target(%arg7 : memref<128xi32, #tpu.memory_space<vmem>>) target_semaphore(%run_scoped3A : memref<!tpu.dma_semaphore, #tpu.memory_space<semaphore_mem>>)
        %dma_wait3A_279 = tpu.memref_slice %arg3[%add3A_101] : memref<331776xi32, #tpu.memory_space<hbm>> -> memref<128xi32, #tpu.memory_space<hbm>>
        %dma_wait3A_280 = tpu.memref_slice %arg3[%add3A_101] : memref<331776xi32, #tpu.memory_space<hbm>> -> memref<128xi32, #tpu.memory_space<hbm>>
        tpu.wait_dma2 semaphore(%run_scoped3A : memref<!tpu.dma_semaphore, #tpu.memory_space<semaphore_mem>>) src(%dma_wait3A_280 : memref<128xi32, #tpu.memory_space<hbm>>) dst(%arg7 : memref<128xi32, #tpu.memory_space<vmem>>)
        tpu.yield
      }) : () -> ()
      %add3A_102 = arith.constant 640 : i32
      %add3A_103 = arith.addi %add3A_26, %add3A_102 : i32
      "tpu.region"() ({
        %run_scoped3A = tpu.sem_alloc : memref<!tpu.dma_semaphore, #tpu.memory_space<semaphore_mem>>
        %dma_start3A_277 = tpu.memref_slice %arg4[%add3A_103] : memref<331776xi32, #tpu.memory_space<hbm>> -> memref<128xi32, #tpu.memory_space<hbm>>
        %dma_start3A_278 = tpu.memref_slice %arg4[%add3A_103] : memref<331776xi32, #tpu.memory_space<hbm>> -> memref<128xi32, #tpu.memory_space<hbm>>
        tpu.enqueue_dma source(%dma_start3A_278 : memref<128xi32, #tpu.memory_space<hbm>>) target(%arg12 : memref<128xi32, #tpu.memory_space<vmem>>) target_semaphore(%run_scoped3A : memref<!tpu.dma_semaphore, #tpu.memory_space<semaphore_mem>>)
        %dma_wait3A_279 = tpu.memref_slice %arg4[%add3A_103] : memref<331776xi32, #tpu.memory_space<hbm>> -> memref<128xi32, #tpu.memory_space<hbm>>
        %dma_wait3A_280 = tpu.memref_slice %arg4[%add3A_103] : memref<331776xi32, #tpu.memory_space<hbm>> -> memref<128xi32, #tpu.memory_space<hbm>>
        tpu.wait_dma2 semaphore(%run_scoped3A : memref<!tpu.dma_semaphore, #tpu.memory_space<semaphore_mem>>) src(%dma_wait3A_280 : memref<128xi32, #tpu.memory_space<hbm>>) dst(%arg12 : memref<128xi32, #tpu.memory_space<vmem>>)
        tpu.yield
      }) : () -> ()
      %dma_wait3A_104 = arith.constant 0 : i32
      %dma_wait3A_105 = arith.constant 0 : i32
      %dma_wait3A_106 = tpu.memref_slice %arg16[%dma_wait3A_104, %dma_wait3A_105] : memref<10112x128xf32, #tpu.memory_space<vmem_shared>> -> memref<10112x128xf32, #tpu.memory_space<vmem_shared>>
      tpu.wait_indirect_dma semaphore(%arg19 : memref<!tpu.dma_semaphore, #tpu.memory_space<semaphore_mem>>) src(%arg13 : memref<128x128xf32, #tpu.memory_space<vmem>>) dst(%dma_wait3A_106 : memref<10112x128xf32, #tpu.memory_space<vmem_shared>>)
      %dma_wait3A_107 = arith.constant 0 : i32
      %dma_wait3A_108 = arith.constant 0 : i32
      %dma_wait3A_109 = tpu.memref_slice %arg2[%dma_wait3A_107, %dma_wait3A_108] : memref<10000x128xf32, #tpu.memory_space<hbm>> -> memref<10000x128xf32, #tpu.memory_space<hbm>>
      tpu.wait_indirect_dma semaphore(%arg17 : memref<!tpu.dma_semaphore, #tpu.memory_space<semaphore_mem>>) src(%dma_wait3A_109 : memref<10000x128xf32, #tpu.memory_space<hbm>>) dst(%arg14 : memref<128x128xf32, #tpu.memory_space<vmem>>)
      %dma_start3A_110 = arith.constant 0 : i32
      %dma_start3A_111 = arith.constant 0 : i32
      %dma_start3A_112 = tpu.memref_slice %arg16[%dma_start3A_110, %dma_start3A_111] : memref<10112x128xf32, #tpu.memory_space<vmem_shared>> -> memref<10112x128xf32, #tpu.memory_space<vmem_shared>>
      tpu.enqueue_indirect_dma source(%arg14 : memref<128x128xf32, #tpu.memory_space<vmem>>) target(%dma_start3A_112 : memref<10112x128xf32, #tpu.memory_space<vmem_shared>>) offsets(%arg11 : memref<128xi32, #tpu.memory_space<vmem>>) semaphore(%arg19 : memref<!tpu.dma_semaphore, #tpu.memory_space<semaphore_mem>>) {add = true}
      %dma_start3A_113 = arith.constant 0 : i32
      %dma_start3A_114 = arith.constant 0 : i32
      %dma_start3A_115 = tpu.memref_slice %arg2[%dma_start3A_113, %dma_start3A_114] : memref<10000x128xf32, #tpu.memory_space<hbm>> -> memref<10000x128xf32, #tpu.memory_space<hbm>>
      tpu.enqueue_indirect_dma source(%dma_start3A_115 : memref<10000x128xf32, #tpu.memory_space<hbm>>) target(%arg13 : memref<128x128xf32, #tpu.memory_space<vmem>>) offsets(%arg7 : memref<128xi32, #tpu.memory_space<vmem>>) semaphore(%arg17 : memref<!tpu.dma_semaphore, #tpu.memory_space<semaphore_mem>>)
      %add3A_116 = arith.constant 896 : i32
      %add3A_117 = arith.addi %add3A_26, %add3A_116 : i32
      "tpu.region"() ({
        %run_scoped3A = tpu.sem_alloc : memref<!tpu.dma_semaphore, #tpu.memory_space<semaphore_mem>>
        %dma_start3A_277 = tpu.memref_slice %arg3[%add3A_117] : memref<331776xi32, #tpu.memory_space<hbm>> -> memref<128xi32, #tpu.memory_space<hbm>>
        %dma_start3A_278 = tpu.memref_slice %arg3[%add3A_117] : memref<331776xi32, #tpu.memory_space<hbm>> -> memref<128xi32, #tpu.memory_space<hbm>>
        tpu.enqueue_dma source(%dma_start3A_278 : memref<128xi32, #tpu.memory_space<hbm>>) target(%arg8 : memref<128xi32, #tpu.memory_space<vmem>>) target_semaphore(%run_scoped3A : memref<!tpu.dma_semaphore, #tpu.memory_space<semaphore_mem>>)
        %dma_wait3A_279 = tpu.memref_slice %arg3[%add3A_117] : memref<331776xi32, #tpu.memory_space<hbm>> -> memref<128xi32, #tpu.memory_space<hbm>>
        %dma_wait3A_280 = tpu.memref_slice %arg3[%add3A_117] : memref<331776xi32, #tpu.memory_space<hbm>> -> memref<128xi32, #tpu.memory_space<hbm>>
        tpu.wait_dma2 semaphore(%run_scoped3A : memref<!tpu.dma_semaphore, #tpu.memory_space<semaphore_mem>>) src(%dma_wait3A_280 : memref<128xi32, #tpu.memory_space<hbm>>) dst(%arg8 : memref<128xi32, #tpu.memory_space<vmem>>)
        tpu.yield
      }) : () -> ()
      %add3A_118 = arith.constant 768 : i32
      %add3A_119 = arith.addi %add3A_26, %add3A_118 : i32
      "tpu.region"() ({
        %run_scoped3A = tpu.sem_alloc : memref<!tpu.dma_semaphore, #tpu.memory_space<semaphore_mem>>
        %dma_start3A_277 = tpu.memref_slice %arg4[%add3A_119] : memref<331776xi32, #tpu.memory_space<hbm>> -> memref<128xi32, #tpu.memory_space<hbm>>
        %dma_start3A_278 = tpu.memref_slice %arg4[%add3A_119] : memref<331776xi32, #tpu.memory_space<hbm>> -> memref<128xi32, #tpu.memory_space<hbm>>
        tpu.enqueue_dma source(%dma_start3A_278 : memref<128xi32, #tpu.memory_space<hbm>>) target(%arg10 : memref<128xi32, #tpu.memory_space<vmem>>) target_semaphore(%run_scoped3A : memref<!tpu.dma_semaphore, #tpu.memory_space<semaphore_mem>>)
        %dma_wait3A_279 = tpu.memref_slice %arg4[%add3A_119] : memref<331776xi32, #tpu.memory_space<hbm>> -> memref<128xi32, #tpu.memory_space<hbm>>
        %dma_wait3A_280 = tpu.memref_slice %arg4[%add3A_119] : memref<331776xi32, #tpu.memory_space<hbm>> -> memref<128xi32, #tpu.memory_space<hbm>>
        tpu.wait_dma2 semaphore(%run_scoped3A : memref<!tpu.dma_semaphore, #tpu.memory_space<semaphore_mem>>) src(%dma_wait3A_280 : memref<128xi32, #tpu.memory_space<hbm>>) dst(%arg10 : memref<128xi32, #tpu.memory_space<vmem>>)
        tpu.yield
      }) : () -> ()
      %dma_wait3A_120 = arith.constant 0 : i32
      %dma_wait3A_121 = arith.constant 0 : i32
      %dma_wait3A_122 = tpu.memref_slice %arg16[%dma_wait3A_120, %dma_wait3A_121] : memref<10112x128xf32, #tpu.memory_space<vmem_shared>> -> memref<10112x128xf32, #tpu.memory_space<vmem_shared>>
      tpu.wait_indirect_dma semaphore(%arg19 : memref<!tpu.dma_semaphore, #tpu.memory_space<semaphore_mem>>) src(%arg14 : memref<128x128xf32, #tpu.memory_space<vmem>>) dst(%dma_wait3A_122 : memref<10112x128xf32, #tpu.memory_space<vmem_shared>>)
      %dma_wait3A_123 = arith.constant 0 : i32
      %dma_wait3A_124 = arith.constant 0 : i32
      %dma_wait3A_125 = tpu.memref_slice %arg2[%dma_wait3A_123, %dma_wait3A_124] : memref<10000x128xf32, #tpu.memory_space<hbm>> -> memref<10000x128xf32, #tpu.memory_space<hbm>>
      tpu.wait_indirect_dma semaphore(%arg18 : memref<!tpu.dma_semaphore, #tpu.memory_space<semaphore_mem>>) src(%dma_wait3A_125 : memref<10000x128xf32, #tpu.memory_space<hbm>>) dst(%arg15 : memref<128x128xf32, #tpu.memory_space<vmem>>)
      %dma_start3A_126 = arith.constant 0 : i32
      %dma_start3A_127 = arith.constant 0 : i32
      %dma_start3A_128 = tpu.memref_slice %arg16[%dma_start3A_126, %dma_start3A_127] : memref<10112x128xf32, #tpu.memory_space<vmem_shared>> -> memref<10112x128xf32, #tpu.memory_space<vmem_shared>>
      tpu.enqueue_indirect_dma source(%arg15 : memref<128x128xf32, #tpu.memory_space<vmem>>) target(%dma_start3A_128 : memref<10112x128xf32, #tpu.memory_space<vmem_shared>>) offsets(%arg12 : memref<128xi32, #tpu.memory_space<vmem>>) semaphore(%arg19 : memref<!tpu.dma_semaphore, #tpu.memory_space<semaphore_mem>>) {add = true}
      %dma_start3A_129 = arith.constant 0 : i32
      %dma_start3A_130 = arith.constant 0 : i32
      %dma_start3A_131 = tpu.memref_slice %arg2[%dma_start3A_129, %dma_start3A_130] : memref<10000x128xf32, #tpu.memory_space<hbm>> -> memref<10000x128xf32, #tpu.memory_space<hbm>>
      tpu.enqueue_indirect_dma source(%dma_start3A_131 : memref<10000x128xf32, #tpu.memory_space<hbm>>) target(%arg14 : memref<128x128xf32, #tpu.memory_space<vmem>>) offsets(%arg8 : memref<128xi32, #tpu.memory_space<vmem>>) semaphore(%arg18 : memref<!tpu.dma_semaphore, #tpu.memory_space<semaphore_mem>>)
      %add3A_132 = arith.constant 1024 : i32
      %add3A_133 = arith.addi %add3A_26, %add3A_132 : i32
      "tpu.region"() ({
        %run_scoped3A = tpu.sem_alloc : memref<!tpu.dma_semaphore, #tpu.memory_space<semaphore_mem>>
        %dma_start3A_277 = tpu.memref_slice %arg3[%add3A_133] : memref<331776xi32, #tpu.memory_space<hbm>> -> memref<128xi32, #tpu.memory_space<hbm>>
        %dma_start3A_278 = tpu.memref_slice %arg3[%add3A_133] : memref<331776xi32, #tpu.memory_space<hbm>> -> memref<128xi32, #tpu.memory_space<hbm>>
        tpu.enqueue_dma source(%dma_start3A_278 : memref<128xi32, #tpu.memory_space<hbm>>) target(%arg9 : memref<128xi32, #tpu.memory_space<vmem>>) target_semaphore(%run_scoped3A : memref<!tpu.dma_semaphore, #tpu.memory_space<semaphore_mem>>)
        %dma_wait3A_279 = tpu.memref_slice %arg3[%add3A_133] : memref<331776xi32, #tpu.memory_space<hbm>> -> memref<128xi32, #tpu.memory_space<hbm>>
        %dma_wait3A_280 = tpu.memref_slice %arg3[%add3A_133] : memref<331776xi32, #tpu.memory_space<hbm>> -> memref<128xi32, #tpu.memory_space<hbm>>
        tpu.wait_dma2 semaphore(%run_scoped3A : memref<!tpu.dma_semaphore, #tpu.memory_space<semaphore_mem>>) src(%dma_wait3A_280 : memref<128xi32, #tpu.memory_space<hbm>>) dst(%arg9 : memref<128xi32, #tpu.memory_space<vmem>>)
        tpu.yield
      }) : () -> ()
      %add3A_134 = arith.constant 896 : i32
      %add3A_135 = arith.addi %add3A_26, %add3A_134 : i32
      "tpu.region"() ({
        %run_scoped3A = tpu.sem_alloc : memref<!tpu.dma_semaphore, #tpu.memory_space<semaphore_mem>>
        %dma_start3A_277 = tpu.memref_slice %arg4[%add3A_135] : memref<331776xi32, #tpu.memory_space<hbm>> -> memref<128xi32, #tpu.memory_space<hbm>>
        %dma_start3A_278 = tpu.memref_slice %arg4[%add3A_135] : memref<331776xi32, #tpu.memory_space<hbm>> -> memref<128xi32, #tpu.memory_space<hbm>>
        tpu.enqueue_dma source(%dma_start3A_278 : memref<128xi32, #tpu.memory_space<hbm>>) target(%arg11 : memref<128xi32, #tpu.memory_space<vmem>>) target_semaphore(%run_scoped3A : memref<!tpu.dma_semaphore, #tpu.memory_space<semaphore_mem>>)
        %dma_wait3A_279 = tpu.memref_slice %arg4[%add3A_135] : memref<331776xi32, #tpu.memory_space<hbm>> -> memref<128xi32, #tpu.memory_space<hbm>>
        %dma_wait3A_280 = tpu.memref_slice %arg4[%add3A_135] : memref<331776xi32, #tpu.memory_space<hbm>> -> memref<128xi32, #tpu.memory_space<hbm>>
        tpu.wait_dma2 semaphore(%run_scoped3A : memref<!tpu.dma_semaphore, #tpu.memory_space<semaphore_mem>>) src(%dma_wait3A_280 : memref<128xi32, #tpu.memory_space<hbm>>) dst(%arg11 : memref<128xi32, #tpu.memory_space<vmem>>)
        tpu.yield
      }) : () -> ()
      %dma_wait3A_136 = arith.constant 0 : i32
      %dma_wait3A_137 = arith.constant 0 : i32
      %dma_wait3A_138 = tpu.memref_slice %arg16[%dma_wait3A_136, %dma_wait3A_137] : memref<10112x128xf32, #tpu.memory_space<vmem_shared>> -> memref<10112x128xf32, #tpu.memory_space<vmem_shared>>
      tpu.wait_indirect_dma semaphore(%arg19 : memref<!tpu.dma_semaphore, #tpu.memory_space<semaphore_mem>>) src(%arg15 : memref<128x128xf32, #tpu.memory_space<vmem>>) dst(%dma_wait3A_138 : memref<10112x128xf32, #tpu.memory_space<vmem_shared>>)
      %dma_wait3A_139 = arith.constant 0 : i32
      %dma_wait3A_140 = arith.constant 0 : i32
      %dma_wait3A_141 = tpu.memref_slice %arg2[%dma_wait3A_139, %dma_wait3A_140] : memref<10000x128xf32, #tpu.memory_space<hbm>> -> memref<10000x128xf32, #tpu.memory_space<hbm>>
      tpu.wait_indirect_dma semaphore(%arg17 : memref<!tpu.dma_semaphore, #tpu.memory_space<semaphore_mem>>) src(%dma_wait3A_141 : memref<10000x128xf32, #tpu.memory_space<hbm>>) dst(%arg13 : memref<128x128xf32, #tpu.memory_space<vmem>>)
      %dma_start3A_142 = arith.constant 0 : i32
      %dma_start3A_143 = arith.constant 0 : i32
      %dma_start3A_144 = tpu.memref_slice %arg16[%dma_start3A_142, %dma_start3A_143] : memref<10112x128xf32, #tpu.memory_space<vmem_shared>> -> memref<10112x128xf32, #tpu.memory_space<vmem_shared>>
      tpu.enqueue_indirect_dma source(%arg13 : memref<128x128xf32, #tpu.memory_space<vmem>>) target(%dma_start3A_144 : memref<10112x128xf32, #tpu.memory_space<vmem_shared>>) offsets(%arg10 : memref<128xi32, #tpu.memory_space<vmem>>) semaphore(%arg19 : memref<!tpu.dma_semaphore, #tpu.memory_space<semaphore_mem>>) {add = true}
      %dma_start3A_145 = arith.constant 0 : i32
      %dma_start3A_146 = arith.constant 0 : i32
      %dma_start3A_147 = tpu.memref_slice %arg2[%dma_start3A_145, %dma_start3A_146] : memref<10000x128xf32, #tpu.memory_space<hbm>> -> memref<10000x128xf32, #tpu.memory_space<hbm>>
      tpu.enqueue_indirect_dma source(%dma_start3A_147 : memref<10000x128xf32, #tpu.memory_space<hbm>>) target(%arg15 : memref<128x128xf32, #tpu.memory_space<vmem>>) offsets(%arg9 : memref<128xi32, #tpu.memory_space<vmem>>) semaphore(%arg17 : memref<!tpu.dma_semaphore, #tpu.memory_space<semaphore_mem>>)
      %add3A_148 = arith.constant 1152 : i32
      %add3A_149 = arith.addi %add3A_26, %add3A_148 : i32
      "tpu.region"() ({
        %run_scoped3A = tpu.sem_alloc : memref<!tpu.dma_semaphore, #tpu.memory_space<semaphore_mem>>
        %dma_start3A_277 = tpu.memref_slice %arg3[%add3A_149] : memref<331776xi32, #tpu.memory_space<hbm>> -> memref<128xi32, #tpu.memory_space<hbm>>
        %dma_start3A_278 = tpu.memref_slice %arg3[%add3A_149] : memref<331776xi32, #tpu.memory_space<hbm>> -> memref<128xi32, #tpu.memory_space<hbm>>
        tpu.enqueue_dma source(%dma_start3A_278 : memref<128xi32, #tpu.memory_space<hbm>>) target(%arg7 : memref<128xi32, #tpu.memory_space<vmem>>) target_semaphore(%run_scoped3A : memref<!tpu.dma_semaphore, #tpu.memory_space<semaphore_mem>>)
        %dma_wait3A_279 = tpu.memref_slice %arg3[%add3A_149] : memref<331776xi32, #tpu.memory_space<hbm>> -> memref<128xi32, #tpu.memory_space<hbm>>
        %dma_wait3A_280 = tpu.memref_slice %arg3[%add3A_149] : memref<331776xi32, #tpu.memory_space<hbm>> -> memref<128xi32, #tpu.memory_space<hbm>>
        tpu.wait_dma2 semaphore(%run_scoped3A : memref<!tpu.dma_semaphore, #tpu.memory_space<semaphore_mem>>) src(%dma_wait3A_280 : memref<128xi32, #tpu.memory_space<hbm>>) dst(%arg7 : memref<128xi32, #tpu.memory_space<vmem>>)
        tpu.yield
      }) : () -> ()
      %add3A_150 = arith.constant 1024 : i32
      %add3A_151 = arith.addi %add3A_26, %add3A_150 : i32
      "tpu.region"() ({
        %run_scoped3A = tpu.sem_alloc : memref<!tpu.dma_semaphore, #tpu.memory_space<semaphore_mem>>
        %dma_start3A_277 = tpu.memref_slice %arg4[%add3A_151] : memref<331776xi32, #tpu.memory_space<hbm>> -> memref<128xi32, #tpu.memory_space<hbm>>
        %dma_start3A_278 = tpu.memref_slice %arg4[%add3A_151] : memref<331776xi32, #tpu.memory_space<hbm>> -> memref<128xi32, #tpu.memory_space<hbm>>
        tpu.enqueue_dma source(%dma_start3A_278 : memref<128xi32, #tpu.memory_space<hbm>>) target(%arg12 : memref<128xi32, #tpu.memory_space<vmem>>) target_semaphore(%run_scoped3A : memref<!tpu.dma_semaphore, #tpu.memory_space<semaphore_mem>>)
        %dma_wait3A_279 = tpu.memref_slice %arg4[%add3A_151] : memref<331776xi32, #tpu.memory_space<hbm>> -> memref<128xi32, #tpu.memory_space<hbm>>
        %dma_wait3A_280 = tpu.memref_slice %arg4[%add3A_151] : memref<331776xi32, #tpu.memory_space<hbm>> -> memref<128xi32, #tpu.memory_space<hbm>>
        tpu.wait_dma2 semaphore(%run_scoped3A : memref<!tpu.dma_semaphore, #tpu.memory_space<semaphore_mem>>) src(%dma_wait3A_280 : memref<128xi32, #tpu.memory_space<hbm>>) dst(%arg12 : memref<128xi32, #tpu.memory_space<vmem>>)
        tpu.yield
      }) : () -> ()
      %dma_wait3A_152 = arith.constant 0 : i32
      %dma_wait3A_153 = arith.constant 0 : i32
      %dma_wait3A_154 = tpu.memref_slice %arg16[%dma_wait3A_152, %dma_wait3A_153] : memref<10112x128xf32, #tpu.memory_space<vmem_shared>> -> memref<10112x128xf32, #tpu.memory_space<vmem_shared>>
      tpu.wait_indirect_dma semaphore(%arg19 : memref<!tpu.dma_semaphore, #tpu.memory_space<semaphore_mem>>) src(%arg13 : memref<128x128xf32, #tpu.memory_space<vmem>>) dst(%dma_wait3A_154 : memref<10112x128xf32, #tpu.memory_space<vmem_shared>>)
      %dma_wait3A_155 = arith.constant 0 : i32
      %dma_wait3A_156 = arith.constant 0 : i32
      %dma_wait3A_157 = tpu.memref_slice %arg2[%dma_wait3A_155, %dma_wait3A_156] : memref<10000x128xf32, #tpu.memory_space<hbm>> -> memref<10000x128xf32, #tpu.memory_space<hbm>>
      tpu.wait_indirect_dma semaphore(%arg18 : memref<!tpu.dma_semaphore, #tpu.memory_space<semaphore_mem>>) src(%dma_wait3A_157 : memref<10000x128xf32, #tpu.memory_space<hbm>>) dst(%arg14 : memref<128x128xf32, #tpu.memory_space<vmem>>)
      %dma_start3A_158 = arith.constant 0 : i32
      %dma_start3A_159 = arith.constant 0 : i32
      %dma_start3A_160 = tpu.memref_slice %arg16[%dma_start3A_158, %dma_start3A_159] : memref<10112x128xf32, #tpu.memory_space<vmem_shared>> -> memref<10112x128xf32, #tpu.memory_space<vmem_shared>>
      tpu.enqueue_indirect_dma source(%arg14 : memref<128x128xf32, #tpu.memory_space<vmem>>) target(%dma_start3A_160 : memref<10112x128xf32, #tpu.memory_space<vmem_shared>>) offsets(%arg11 : memref<128xi32, #tpu.memory_space<vmem>>) semaphore(%arg19 : memref<!tpu.dma_semaphore, #tpu.memory_space<semaphore_mem>>) {add = true}
      %dma_start3A_161 = arith.constant 0 : i32
      %dma_start3A_162 = arith.constant 0 : i32
      %dma_start3A_163 = tpu.memref_slice %arg2[%dma_start3A_161, %dma_start3A_162] : memref<10000x128xf32, #tpu.memory_space<hbm>> -> memref<10000x128xf32, #tpu.memory_space<hbm>>
      tpu.enqueue_indirect_dma source(%dma_start3A_163 : memref<10000x128xf32, #tpu.memory_space<hbm>>) target(%arg13 : memref<128x128xf32, #tpu.memory_space<vmem>>) offsets(%arg7 : memref<128xi32, #tpu.memory_space<vmem>>) semaphore(%arg18 : memref<!tpu.dma_semaphore, #tpu.memory_space<semaphore_mem>>)
      %add3A_164 = arith.constant 1280 : i32
      %add3A_165 = arith.addi %add3A_26, %add3A_164 : i32
      "tpu.region"() ({
        %run_scoped3A = tpu.sem_alloc : memref<!tpu.dma_semaphore, #tpu.memory_space<semaphore_mem>>
        %dma_start3A_277 = tpu.memref_slice %arg3[%add3A_165] : memref<331776xi32, #tpu.memory_space<hbm>> -> memref<128xi32, #tpu.memory_space<hbm>>
        %dma_start3A_278 = tpu.memref_slice %arg3[%add3A_165] : memref<331776xi32, #tpu.memory_space<hbm>> -> memref<128xi32, #tpu.memory_space<hbm>>
        tpu.enqueue_dma source(%dma_start3A_278 : memref<128xi32, #tpu.memory_space<hbm>>) target(%arg8 : memref<128xi32, #tpu.memory_space<vmem>>) target_semaphore(%run_scoped3A : memref<!tpu.dma_semaphore, #tpu.memory_space<semaphore_mem>>)
        %dma_wait3A_279 = tpu.memref_slice %arg3[%add3A_165] : memref<331776xi32, #tpu.memory_space<hbm>> -> memref<128xi32, #tpu.memory_space<hbm>>
        %dma_wait3A_280 = tpu.memref_slice %arg3[%add3A_165] : memref<331776xi32, #tpu.memory_space<hbm>> -> memref<128xi32, #tpu.memory_space<hbm>>
        tpu.wait_dma2 semaphore(%run_scoped3A : memref<!tpu.dma_semaphore, #tpu.memory_space<semaphore_mem>>) src(%dma_wait3A_280 : memref<128xi32, #tpu.memory_space<hbm>>) dst(%arg8 : memref<128xi32, #tpu.memory_space<vmem>>)
        tpu.yield
      }) : () -> ()
      %add3A_166 = arith.constant 1152 : i32
      %add3A_167 = arith.addi %add3A_26, %add3A_166 : i32
      "tpu.region"() ({
        %run_scoped3A = tpu.sem_alloc : memref<!tpu.dma_semaphore, #tpu.memory_space<semaphore_mem>>
        %dma_start3A_277 = tpu.memref_slice %arg4[%add3A_167] : memref<331776xi32, #tpu.memory_space<hbm>> -> memref<128xi32, #tpu.memory_space<hbm>>
        %dma_start3A_278 = tpu.memref_slice %arg4[%add3A_167] : memref<331776xi32, #tpu.memory_space<hbm>> -> memref<128xi32, #tpu.memory_space<hbm>>
        tpu.enqueue_dma source(%dma_start3A_278 : memref<128xi32, #tpu.memory_space<hbm>>) target(%arg10 : memref<128xi32, #tpu.memory_space<vmem>>) target_semaphore(%run_scoped3A : memref<!tpu.dma_semaphore, #tpu.memory_space<semaphore_mem>>)
        %dma_wait3A_279 = tpu.memref_slice %arg4[%add3A_167] : memref<331776xi32, #tpu.memory_space<hbm>> -> memref<128xi32, #tpu.memory_space<hbm>>
        %dma_wait3A_280 = tpu.memref_slice %arg4[%add3A_167] : memref<331776xi32, #tpu.memory_space<hbm>> -> memref<128xi32, #tpu.memory_space<hbm>>
        tpu.wait_dma2 semaphore(%run_scoped3A : memref<!tpu.dma_semaphore, #tpu.memory_space<semaphore_mem>>) src(%dma_wait3A_280 : memref<128xi32, #tpu.memory_space<hbm>>) dst(%arg10 : memref<128xi32, #tpu.memory_space<vmem>>)
        tpu.yield
      }) : () -> ()
      %dma_wait3A_168 = arith.constant 0 : i32
      %dma_wait3A_169 = arith.constant 0 : i32
      %dma_wait3A_170 = tpu.memref_slice %arg16[%dma_wait3A_168, %dma_wait3A_169] : memref<10112x128xf32, #tpu.memory_space<vmem_shared>> -> memref<10112x128xf32, #tpu.memory_space<vmem_shared>>
      tpu.wait_indirect_dma semaphore(%arg19 : memref<!tpu.dma_semaphore, #tpu.memory_space<semaphore_mem>>) src(%arg14 : memref<128x128xf32, #tpu.memory_space<vmem>>) dst(%dma_wait3A_170 : memref<10112x128xf32, #tpu.memory_space<vmem_shared>>)
      %dma_wait3A_171 = arith.constant 0 : i32
      %dma_wait3A_172 = arith.constant 0 : i32
      %dma_wait3A_173 = tpu.memref_slice %arg2[%dma_wait3A_171, %dma_wait3A_172] : memref<10000x128xf32, #tpu.memory_space<hbm>> -> memref<10000x128xf32, #tpu.memory_space<hbm>>
      tpu.wait_indirect_dma semaphore(%arg17 : memref<!tpu.dma_semaphore, #tpu.memory_space<semaphore_mem>>) src(%dma_wait3A_173 : memref<10000x128xf32, #tpu.memory_space<hbm>>) dst(%arg15 : memref<128x128xf32, #tpu.memory_space<vmem>>)
      %dma_start3A_174 = arith.constant 0 : i32
      %dma_start3A_175 = arith.constant 0 : i32
      %dma_start3A_176 = tpu.memref_slice %arg16[%dma_start3A_174, %dma_start3A_175] : memref<10112x128xf32, #tpu.memory_space<vmem_shared>> -> memref<10112x128xf32, #tpu.memory_space<vmem_shared>>
      tpu.enqueue_indirect_dma source(%arg15 : memref<128x128xf32, #tpu.memory_space<vmem>>) target(%dma_start3A_176 : memref<10112x128xf32, #tpu.memory_space<vmem_shared>>) offsets(%arg12 : memref<128xi32, #tpu.memory_space<vmem>>) semaphore(%arg19 : memref<!tpu.dma_semaphore, #tpu.memory_space<semaphore_mem>>) {add = true}
      %dma_start3A_177 = arith.constant 0 : i32
      %dma_start3A_178 = arith.constant 0 : i32
      %dma_start3A_179 = tpu.memref_slice %arg2[%dma_start3A_177, %dma_start3A_178] : memref<10000x128xf32, #tpu.memory_space<hbm>> -> memref<10000x128xf32, #tpu.memory_space<hbm>>
      tpu.enqueue_indirect_dma source(%dma_start3A_179 : memref<10000x128xf32, #tpu.memory_space<hbm>>) target(%arg14 : memref<128x128xf32, #tpu.memory_space<vmem>>) offsets(%arg8 : memref<128xi32, #tpu.memory_space<vmem>>) semaphore(%arg17 : memref<!tpu.dma_semaphore, #tpu.memory_space<semaphore_mem>>)
      %add3A_180 = arith.constant 1408 : i32
      %add3A_181 = arith.addi %add3A_26, %add3A_180 : i32
      "tpu.region"() ({
        %run_scoped3A = tpu.sem_alloc : memref<!tpu.dma_semaphore, #tpu.memory_space<semaphore_mem>>
        %dma_start3A_277 = tpu.memref_slice %arg3[%add3A_181] : memref<331776xi32, #tpu.memory_space<hbm>> -> memref<128xi32, #tpu.memory_space<hbm>>
        %dma_start3A_278 = tpu.memref_slice %arg3[%add3A_181] : memref<331776xi32, #tpu.memory_space<hbm>> -> memref<128xi32, #tpu.memory_space<hbm>>
        tpu.enqueue_dma source(%dma_start3A_278 : memref<128xi32, #tpu.memory_space<hbm>>) target(%arg9 : memref<128xi32, #tpu.memory_space<vmem>>) target_semaphore(%run_scoped3A : memref<!tpu.dma_semaphore, #tpu.memory_space<semaphore_mem>>)
        %dma_wait3A_279 = tpu.memref_slice %arg3[%add3A_181] : memref<331776xi32, #tpu.memory_space<hbm>> -> memref<128xi32, #tpu.memory_space<hbm>>
        %dma_wait3A_280 = tpu.memref_slice %arg3[%add3A_181] : memref<331776xi32, #tpu.memory_space<hbm>> -> memref<128xi32, #tpu.memory_space<hbm>>
        tpu.wait_dma2 semaphore(%run_scoped3A : memref<!tpu.dma_semaphore, #tpu.memory_space<semaphore_mem>>) src(%dma_wait3A_280 : memref<128xi32, #tpu.memory_space<hbm>>) dst(%arg9 : memref<128xi32, #tpu.memory_space<vmem>>)
        tpu.yield
      }) : () -> ()
      %add3A_182 = arith.constant 1280 : i32
      %add3A_183 = arith.addi %add3A_26, %add3A_182 : i32
      "tpu.region"() ({
        %run_scoped3A = tpu.sem_alloc : memref<!tpu.dma_semaphore, #tpu.memory_space<semaphore_mem>>
        %dma_start3A_277 = tpu.memref_slice %arg4[%add3A_183] : memref<331776xi32, #tpu.memory_space<hbm>> -> memref<128xi32, #tpu.memory_space<hbm>>
        %dma_start3A_278 = tpu.memref_slice %arg4[%add3A_183] : memref<331776xi32, #tpu.memory_space<hbm>> -> memref<128xi32, #tpu.memory_space<hbm>>
        tpu.enqueue_dma source(%dma_start3A_278 : memref<128xi32, #tpu.memory_space<hbm>>) target(%arg11 : memref<128xi32, #tpu.memory_space<vmem>>) target_semaphore(%run_scoped3A : memref<!tpu.dma_semaphore, #tpu.memory_space<semaphore_mem>>)
        %dma_wait3A_279 = tpu.memref_slice %arg4[%add3A_183] : memref<331776xi32, #tpu.memory_space<hbm>> -> memref<128xi32, #tpu.memory_space<hbm>>
        %dma_wait3A_280 = tpu.memref_slice %arg4[%add3A_183] : memref<331776xi32, #tpu.memory_space<hbm>> -> memref<128xi32, #tpu.memory_space<hbm>>
        tpu.wait_dma2 semaphore(%run_scoped3A : memref<!tpu.dma_semaphore, #tpu.memory_space<semaphore_mem>>) src(%dma_wait3A_280 : memref<128xi32, #tpu.memory_space<hbm>>) dst(%arg11 : memref<128xi32, #tpu.memory_space<vmem>>)
        tpu.yield
      }) : () -> ()
      %dma_wait3A_184 = arith.constant 0 : i32
      %dma_wait3A_185 = arith.constant 0 : i32
      %dma_wait3A_186 = tpu.memref_slice %arg16[%dma_wait3A_184, %dma_wait3A_185] : memref<10112x128xf32, #tpu.memory_space<vmem_shared>> -> memref<10112x128xf32, #tpu.memory_space<vmem_shared>>
      tpu.wait_indirect_dma semaphore(%arg19 : memref<!tpu.dma_semaphore, #tpu.memory_space<semaphore_mem>>) src(%arg15 : memref<128x128xf32, #tpu.memory_space<vmem>>) dst(%dma_wait3A_186 : memref<10112x128xf32, #tpu.memory_space<vmem_shared>>)
      %dma_wait3A_187 = arith.constant 0 : i32
      %dma_wait3A_188 = arith.constant 0 : i32
      %dma_wait3A_189 = tpu.memref_slice %arg2[%dma_wait3A_187, %dma_wait3A_188] : memref<10000x128xf32, #tpu.memory_space<hbm>> -> memref<10000x128xf32, #tpu.memory_space<hbm>>
      tpu.wait_indirect_dma semaphore(%arg18 : memref<!tpu.dma_semaphore, #tpu.memory_space<semaphore_mem>>) src(%dma_wait3A_189 : memref<10000x128xf32, #tpu.memory_space<hbm>>) dst(%arg13 : memref<128x128xf32, #tpu.memory_space<vmem>>)
      %dma_start3A_190 = arith.constant 0 : i32
      %dma_start3A_191 = arith.constant 0 : i32
      %dma_start3A_192 = tpu.memref_slice %arg16[%dma_start3A_190, %dma_start3A_191] : memref<10112x128xf32, #tpu.memory_space<vmem_shared>> -> memref<10112x128xf32, #tpu.memory_space<vmem_shared>>
      tpu.enqueue_indirect_dma source(%arg13 : memref<128x128xf32, #tpu.memory_space<vmem>>) target(%dma_start3A_192 : memref<10112x128xf32, #tpu.memory_space<vmem_shared>>) offsets(%arg10 : memref<128xi32, #tpu.memory_space<vmem>>) semaphore(%arg19 : memref<!tpu.dma_semaphore, #tpu.memory_space<semaphore_mem>>) {add = true}
      %dma_start3A_193 = arith.constant 0 : i32
      %dma_start3A_194 = arith.constant 0 : i32
      %dma_start3A_195 = tpu.memref_slice %arg2[%dma_start3A_193, %dma_start3A_194] : memref<10000x128xf32, #tpu.memory_space<hbm>> -> memref<10000x128xf32, #tpu.memory_space<hbm>>
      tpu.enqueue_indirect_dma source(%dma_start3A_195 : memref<10000x128xf32, #tpu.memory_space<hbm>>) target(%arg15 : memref<128x128xf32, #tpu.memory_space<vmem>>) offsets(%arg9 : memref<128xi32, #tpu.memory_space<vmem>>) semaphore(%arg18 : memref<!tpu.dma_semaphore, #tpu.memory_space<semaphore_mem>>)
      %add3A_196 = arith.constant 1536 : i32
      %add3A_197 = arith.addi %add3A_26, %add3A_196 : i32
      "tpu.region"() ({
        %run_scoped3A = tpu.sem_alloc : memref<!tpu.dma_semaphore, #tpu.memory_space<semaphore_mem>>
        %dma_start3A_277 = tpu.memref_slice %arg3[%add3A_197] : memref<331776xi32, #tpu.memory_space<hbm>> -> memref<128xi32, #tpu.memory_space<hbm>>
        %dma_start3A_278 = tpu.memref_slice %arg3[%add3A_197] : memref<331776xi32, #tpu.memory_space<hbm>> -> memref<128xi32, #tpu.memory_space<hbm>>
        tpu.enqueue_dma source(%dma_start3A_278 : memref<128xi32, #tpu.memory_space<hbm>>) target(%arg7 : memref<128xi32, #tpu.memory_space<vmem>>) target_semaphore(%run_scoped3A : memref<!tpu.dma_semaphore, #tpu.memory_space<semaphore_mem>>)
        %dma_wait3A_279 = tpu.memref_slice %arg3[%add3A_197] : memref<331776xi32, #tpu.memory_space<hbm>> -> memref<128xi32, #tpu.memory_space<hbm>>
        %dma_wait3A_280 = tpu.memref_slice %arg3[%add3A_197] : memref<331776xi32, #tpu.memory_space<hbm>> -> memref<128xi32, #tpu.memory_space<hbm>>
        tpu.wait_dma2 semaphore(%run_scoped3A : memref<!tpu.dma_semaphore, #tpu.memory_space<semaphore_mem>>) src(%dma_wait3A_280 : memref<128xi32, #tpu.memory_space<hbm>>) dst(%arg7 : memref<128xi32, #tpu.memory_space<vmem>>)
        tpu.yield
      }) : () -> ()
      %add3A_198 = arith.constant 1408 : i32
      %add3A_199 = arith.addi %add3A_26, %add3A_198 : i32
      "tpu.region"() ({
        %run_scoped3A = tpu.sem_alloc : memref<!tpu.dma_semaphore, #tpu.memory_space<semaphore_mem>>
        %dma_start3A_277 = tpu.memref_slice %arg4[%add3A_199] : memref<331776xi32, #tpu.memory_space<hbm>> -> memref<128xi32, #tpu.memory_space<hbm>>
        %dma_start3A_278 = tpu.memref_slice %arg4[%add3A_199] : memref<331776xi32, #tpu.memory_space<hbm>> -> memref<128xi32, #tpu.memory_space<hbm>>
        tpu.enqueue_dma source(%dma_start3A_278 : memref<128xi32, #tpu.memory_space<hbm>>) target(%arg12 : memref<128xi32, #tpu.memory_space<vmem>>) target_semaphore(%run_scoped3A : memref<!tpu.dma_semaphore, #tpu.memory_space<semaphore_mem>>)
        %dma_wait3A_279 = tpu.memref_slice %arg4[%add3A_199] : memref<331776xi32, #tpu.memory_space<hbm>> -> memref<128xi32, #tpu.memory_space<hbm>>
        %dma_wait3A_280 = tpu.memref_slice %arg4[%add3A_199] : memref<331776xi32, #tpu.memory_space<hbm>> -> memref<128xi32, #tpu.memory_space<hbm>>
        tpu.wait_dma2 semaphore(%run_scoped3A : memref<!tpu.dma_semaphore, #tpu.memory_space<semaphore_mem>>) src(%dma_wait3A_280 : memref<128xi32, #tpu.memory_space<hbm>>) dst(%arg12 : memref<128xi32, #tpu.memory_space<vmem>>)
        tpu.yield
      }) : () -> ()
      %dma_wait3A_200 = arith.constant 0 : i32
      %dma_wait3A_201 = arith.constant 0 : i32
      %dma_wait3A_202 = tpu.memref_slice %arg16[%dma_wait3A_200, %dma_wait3A_201] : memref<10112x128xf32, #tpu.memory_space<vmem_shared>> -> memref<10112x128xf32, #tpu.memory_space<vmem_shared>>
      tpu.wait_indirect_dma semaphore(%arg19 : memref<!tpu.dma_semaphore, #tpu.memory_space<semaphore_mem>>) src(%arg13 : memref<128x128xf32, #tpu.memory_space<vmem>>) dst(%dma_wait3A_202 : memref<10112x128xf32, #tpu.memory_space<vmem_shared>>)
      %dma_wait3A_203 = arith.constant 0 : i32
      %dma_wait3A_204 = arith.constant 0 : i32
      %dma_wait3A_205 = tpu.memref_slice %arg2[%dma_wait3A_203, %dma_wait3A_204] : memref<10000x128xf32, #tpu.memory_space<hbm>> -> memref<10000x128xf32, #tpu.memory_space<hbm>>
      tpu.wait_indirect_dma semaphore(%arg17 : memref<!tpu.dma_semaphore, #tpu.memory_space<semaphore_mem>>) src(%dma_wait3A_205 : memref<10000x128xf32, #tpu.memory_space<hbm>>) dst(%arg14 : memref<128x128xf32, #tpu.memory_space<vmem>>)
      %dma_start3A_206 = arith.constant 0 : i32
      %dma_start3A_207 = arith.constant 0 : i32
      %dma_start3A_208 = tpu.memref_slice %arg16[%dma_start3A_206, %dma_start3A_207] : memref<10112x128xf32, #tpu.memory_space<vmem_shared>> -> memref<10112x128xf32, #tpu.memory_space<vmem_shared>>
      tpu.enqueue_indirect_dma source(%arg14 : memref<128x128xf32, #tpu.memory_space<vmem>>) target(%dma_start3A_208 : memref<10112x128xf32, #tpu.memory_space<vmem_shared>>) offsets(%arg11 : memref<128xi32, #tpu.memory_space<vmem>>) semaphore(%arg19 : memref<!tpu.dma_semaphore, #tpu.memory_space<semaphore_mem>>) {add = true}
      %dma_start3A_209 = arith.constant 0 : i32
      %dma_start3A_210 = arith.constant 0 : i32
      %dma_start3A_211 = tpu.memref_slice %arg2[%dma_start3A_209, %dma_start3A_210] : memref<10000x128xf32, #tpu.memory_space<hbm>> -> memref<10000x128xf32, #tpu.memory_space<hbm>>
      tpu.enqueue_indirect_dma source(%dma_start3A_211 : memref<10000x128xf32, #tpu.memory_space<hbm>>) target(%arg13 : memref<128x128xf32, #tpu.memory_space<vmem>>) offsets(%arg7 : memref<128xi32, #tpu.memory_space<vmem>>) semaphore(%arg17 : memref<!tpu.dma_semaphore, #tpu.memory_space<semaphore_mem>>)
      %add3A_212 = arith.constant 1664 : i32
      %add3A_213 = arith.addi %add3A_26, %add3A_212 : i32
      "tpu.region"() ({
        %run_scoped3A = tpu.sem_alloc : memref<!tpu.dma_semaphore, #tpu.memory_space<semaphore_mem>>
        %dma_start3A_277 = tpu.memref_slice %arg3[%add3A_213] : memref<331776xi32, #tpu.memory_space<hbm>> -> memref<128xi32, #tpu.memory_space<hbm>>
        %dma_start3A_278 = tpu.memref_slice %arg3[%add3A_213] : memref<331776xi32, #tpu.memory_space<hbm>> -> memref<128xi32, #tpu.memory_space<hbm>>
        tpu.enqueue_dma source(%dma_start3A_278 : memref<128xi32, #tpu.memory_space<hbm>>) target(%arg8 : memref<128xi32, #tpu.memory_space<vmem>>) target_semaphore(%run_scoped3A : memref<!tpu.dma_semaphore, #tpu.memory_space<semaphore_mem>>)
        %dma_wait3A_279 = tpu.memref_slice %arg3[%add3A_213] : memref<331776xi32, #tpu.memory_space<hbm>> -> memref<128xi32, #tpu.memory_space<hbm>>
        %dma_wait3A_280 = tpu.memref_slice %arg3[%add3A_213] : memref<331776xi32, #tpu.memory_space<hbm>> -> memref<128xi32, #tpu.memory_space<hbm>>
        tpu.wait_dma2 semaphore(%run_scoped3A : memref<!tpu.dma_semaphore, #tpu.memory_space<semaphore_mem>>) src(%dma_wait3A_280 : memref<128xi32, #tpu.memory_space<hbm>>) dst(%arg8 : memref<128xi32, #tpu.memory_space<vmem>>)
        tpu.yield
      }) : () -> ()
      %add3A_214 = arith.constant 1536 : i32
      %add3A_215 = arith.addi %add3A_26, %add3A_214 : i32
      "tpu.region"() ({
        %run_scoped3A = tpu.sem_alloc : memref<!tpu.dma_semaphore, #tpu.memory_space<semaphore_mem>>
        %dma_start3A_277 = tpu.memref_slice %arg4[%add3A_215] : memref<331776xi32, #tpu.memory_space<hbm>> -> memref<128xi32, #tpu.memory_space<hbm>>
        %dma_start3A_278 = tpu.memref_slice %arg4[%add3A_215] : memref<331776xi32, #tpu.memory_space<hbm>> -> memref<128xi32, #tpu.memory_space<hbm>>
        tpu.enqueue_dma source(%dma_start3A_278 : memref<128xi32, #tpu.memory_space<hbm>>) target(%arg10 : memref<128xi32, #tpu.memory_space<vmem>>) target_semaphore(%run_scoped3A : memref<!tpu.dma_semaphore, #tpu.memory_space<semaphore_mem>>)
        %dma_wait3A_279 = tpu.memref_slice %arg4[%add3A_215] : memref<331776xi32, #tpu.memory_space<hbm>> -> memref<128xi32, #tpu.memory_space<hbm>>
        %dma_wait3A_280 = tpu.memref_slice %arg4[%add3A_215] : memref<331776xi32, #tpu.memory_space<hbm>> -> memref<128xi32, #tpu.memory_space<hbm>>
        tpu.wait_dma2 semaphore(%run_scoped3A : memref<!tpu.dma_semaphore, #tpu.memory_space<semaphore_mem>>) src(%dma_wait3A_280 : memref<128xi32, #tpu.memory_space<hbm>>) dst(%arg10 : memref<128xi32, #tpu.memory_space<vmem>>)
        tpu.yield
      }) : () -> ()
      %dma_wait3A_216 = arith.constant 0 : i32
      %dma_wait3A_217 = arith.constant 0 : i32
      %dma_wait3A_218 = tpu.memref_slice %arg16[%dma_wait3A_216, %dma_wait3A_217] : memref<10112x128xf32, #tpu.memory_space<vmem_shared>> -> memref<10112x128xf32, #tpu.memory_space<vmem_shared>>
      tpu.wait_indirect_dma semaphore(%arg19 : memref<!tpu.dma_semaphore, #tpu.memory_space<semaphore_mem>>) src(%arg14 : memref<128x128xf32, #tpu.memory_space<vmem>>) dst(%dma_wait3A_218 : memref<10112x128xf32, #tpu.memory_space<vmem_shared>>)
      %dma_wait3A_219 = arith.constant 0 : i32
      %dma_wait3A_220 = arith.constant 0 : i32
      %dma_wait3A_221 = tpu.memref_slice %arg2[%dma_wait3A_219, %dma_wait3A_220] : memref<10000x128xf32, #tpu.memory_space<hbm>> -> memref<10000x128xf32, #tpu.memory_space<hbm>>
      tpu.wait_indirect_dma semaphore(%arg18 : memref<!tpu.dma_semaphore, #tpu.memory_space<semaphore_mem>>) src(%dma_wait3A_221 : memref<10000x128xf32, #tpu.memory_space<hbm>>) dst(%arg15 : memref<128x128xf32, #tpu.memory_space<vmem>>)
      %dma_start3A_222 = arith.constant 0 : i32
      %dma_start3A_223 = arith.constant 0 : i32
      %dma_start3A_224 = tpu.memref_slice %arg16[%dma_start3A_222, %dma_start3A_223] : memref<10112x128xf32, #tpu.memory_space<vmem_shared>> -> memref<10112x128xf32, #tpu.memory_space<vmem_shared>>
      tpu.enqueue_indirect_dma source(%arg15 : memref<128x128xf32, #tpu.memory_space<vmem>>) target(%dma_start3A_224 : memref<10112x128xf32, #tpu.memory_space<vmem_shared>>) offsets(%arg12 : memref<128xi32, #tpu.memory_space<vmem>>) semaphore(%arg19 : memref<!tpu.dma_semaphore, #tpu.memory_space<semaphore_mem>>) {add = true}
      %dma_start3A_225 = arith.constant 0 : i32
      %dma_start3A_226 = arith.constant 0 : i32
      %dma_start3A_227 = tpu.memref_slice %arg2[%dma_start3A_225, %dma_start3A_226] : memref<10000x128xf32, #tpu.memory_space<hbm>> -> memref<10000x128xf32, #tpu.memory_space<hbm>>
      tpu.enqueue_indirect_dma source(%dma_start3A_227 : memref<10000x128xf32, #tpu.memory_space<hbm>>) target(%arg14 : memref<128x128xf32, #tpu.memory_space<vmem>>) offsets(%arg8 : memref<128xi32, #tpu.memory_space<vmem>>) semaphore(%arg18 : memref<!tpu.dma_semaphore, #tpu.memory_space<semaphore_mem>>)
      %add3A_228 = arith.constant 1792 : i32
      %add3A_229 = arith.addi %add3A_26, %add3A_228 : i32
      "tpu.region"() ({
        %run_scoped3A = tpu.sem_alloc : memref<!tpu.dma_semaphore, #tpu.memory_space<semaphore_mem>>
        %dma_start3A_277 = tpu.memref_slice %arg3[%add3A_229] : memref<331776xi32, #tpu.memory_space<hbm>> -> memref<128xi32, #tpu.memory_space<hbm>>
        %dma_start3A_278 = tpu.memref_slice %arg3[%add3A_229] : memref<331776xi32, #tpu.memory_space<hbm>> -> memref<128xi32, #tpu.memory_space<hbm>>
        tpu.enqueue_dma source(%dma_start3A_278 : memref<128xi32, #tpu.memory_space<hbm>>) target(%arg9 : memref<128xi32, #tpu.memory_space<vmem>>) target_semaphore(%run_scoped3A : memref<!tpu.dma_semaphore, #tpu.memory_space<semaphore_mem>>)
        %dma_wait3A_279 = tpu.memref_slice %arg3[%add3A_229] : memref<331776xi32, #tpu.memory_space<hbm>> -> memref<128xi32, #tpu.memory_space<hbm>>
        %dma_wait3A_280 = tpu.memref_slice %arg3[%add3A_229] : memref<331776xi32, #tpu.memory_space<hbm>> -> memref<128xi32, #tpu.memory_space<hbm>>
        tpu.wait_dma2 semaphore(%run_scoped3A : memref<!tpu.dma_semaphore, #tpu.memory_space<semaphore_mem>>) src(%dma_wait3A_280 : memref<128xi32, #tpu.memory_space<hbm>>) dst(%arg9 : memref<128xi32, #tpu.memory_space<vmem>>)
        tpu.yield
      }) : () -> ()
      %add3A_230 = arith.constant 1664 : i32
      %add3A_231 = arith.addi %add3A_26, %add3A_230 : i32
      "tpu.region"() ({
        %run_scoped3A = tpu.sem_alloc : memref<!tpu.dma_semaphore, #tpu.memory_space<semaphore_mem>>
        %dma_start3A_277 = tpu.memref_slice %arg4[%add3A_231] : memref<331776xi32, #tpu.memory_space<hbm>> -> memref<128xi32, #tpu.memory_space<hbm>>
        %dma_start3A_278 = tpu.memref_slice %arg4[%add3A_231] : memref<331776xi32, #tpu.memory_space<hbm>> -> memref<128xi32, #tpu.memory_space<hbm>>
        tpu.enqueue_dma source(%dma_start3A_278 : memref<128xi32, #tpu.memory_space<hbm>>) target(%arg11 : memref<128xi32, #tpu.memory_space<vmem>>) target_semaphore(%run_scoped3A : memref<!tpu.dma_semaphore, #tpu.memory_space<semaphore_mem>>)
        %dma_wait3A_279 = tpu.memref_slice %arg4[%add3A_231] : memref<331776xi32, #tpu.memory_space<hbm>> -> memref<128xi32, #tpu.memory_space<hbm>>
        %dma_wait3A_280 = tpu.memref_slice %arg4[%add3A_231] : memref<331776xi32, #tpu.memory_space<hbm>> -> memref<128xi32, #tpu.memory_space<hbm>>
        tpu.wait_dma2 semaphore(%run_scoped3A : memref<!tpu.dma_semaphore, #tpu.memory_space<semaphore_mem>>) src(%dma_wait3A_280 : memref<128xi32, #tpu.memory_space<hbm>>) dst(%arg11 : memref<128xi32, #tpu.memory_space<vmem>>)
        tpu.yield
      }) : () -> ()
      %dma_wait3A_232 = arith.constant 0 : i32
      %dma_wait3A_233 = arith.constant 0 : i32
      %dma_wait3A_234 = tpu.memref_slice %arg16[%dma_wait3A_232, %dma_wait3A_233] : memref<10112x128xf32, #tpu.memory_space<vmem_shared>> -> memref<10112x128xf32, #tpu.memory_space<vmem_shared>>
      tpu.wait_indirect_dma semaphore(%arg19 : memref<!tpu.dma_semaphore, #tpu.memory_space<semaphore_mem>>) src(%arg15 : memref<128x128xf32, #tpu.memory_space<vmem>>) dst(%dma_wait3A_234 : memref<10112x128xf32, #tpu.memory_space<vmem_shared>>)
      %dma_wait3A_235 = arith.constant 0 : i32
      %dma_wait3A_236 = arith.constant 0 : i32
      %dma_wait3A_237 = tpu.memref_slice %arg2[%dma_wait3A_235, %dma_wait3A_236] : memref<10000x128xf32, #tpu.memory_space<hbm>> -> memref<10000x128xf32, #tpu.memory_space<hbm>>
      tpu.wait_indirect_dma semaphore(%arg17 : memref<!tpu.dma_semaphore, #tpu.memory_space<semaphore_mem>>) src(%dma_wait3A_237 : memref<10000x128xf32, #tpu.memory_space<hbm>>) dst(%arg13 : memref<128x128xf32, #tpu.memory_space<vmem>>)
      %dma_start3A_238 = arith.constant 0 : i32
      %dma_start3A_239 = arith.constant 0 : i32
      %dma_start3A_240 = tpu.memref_slice %arg16[%dma_start3A_238, %dma_start3A_239] : memref<10112x128xf32, #tpu.memory_space<vmem_shared>> -> memref<10112x128xf32, #tpu.memory_space<vmem_shared>>
      tpu.enqueue_indirect_dma source(%arg13 : memref<128x128xf32, #tpu.memory_space<vmem>>) target(%dma_start3A_240 : memref<10112x128xf32, #tpu.memory_space<vmem_shared>>) offsets(%arg10 : memref<128xi32, #tpu.memory_space<vmem>>) semaphore(%arg19 : memref<!tpu.dma_semaphore, #tpu.memory_space<semaphore_mem>>) {add = true}
      %dma_start3A_241 = arith.constant 0 : i32
      %dma_start3A_242 = arith.constant 0 : i32
      %dma_start3A_243 = tpu.memref_slice %arg2[%dma_start3A_241, %dma_start3A_242] : memref<10000x128xf32, #tpu.memory_space<hbm>> -> memref<10000x128xf32, #tpu.memory_space<hbm>>
      tpu.enqueue_indirect_dma source(%dma_start3A_243 : memref<10000x128xf32, #tpu.memory_space<hbm>>) target(%arg15 : memref<128x128xf32, #tpu.memory_space<vmem>>) offsets(%arg9 : memref<128xi32, #tpu.memory_space<vmem>>) semaphore(%arg17 : memref<!tpu.dma_semaphore, #tpu.memory_space<semaphore_mem>>)
      %add3A_244 = arith.constant 1920 : i32
      %add3A_245 = arith.addi %add3A_26, %add3A_244 : i32
      "tpu.region"() ({
        %run_scoped3A = tpu.sem_alloc : memref<!tpu.dma_semaphore, #tpu.memory_space<semaphore_mem>>
        %dma_start3A_277 = tpu.memref_slice %arg3[%add3A_245] : memref<331776xi32, #tpu.memory_space<hbm>> -> memref<128xi32, #tpu.memory_space<hbm>>
        %dma_start3A_278 = tpu.memref_slice %arg3[%add3A_245] : memref<331776xi32, #tpu.memory_space<hbm>> -> memref<128xi32, #tpu.memory_space<hbm>>
        tpu.enqueue_dma source(%dma_start3A_278 : memref<128xi32, #tpu.memory_space<hbm>>) target(%arg7 : memref<128xi32, #tpu.memory_space<vmem>>) target_semaphore(%run_scoped3A : memref<!tpu.dma_semaphore, #tpu.memory_space<semaphore_mem>>)
        %dma_wait3A_279 = tpu.memref_slice %arg3[%add3A_245] : memref<331776xi32, #tpu.memory_space<hbm>> -> memref<128xi32, #tpu.memory_space<hbm>>
        %dma_wait3A_280 = tpu.memref_slice %arg3[%add3A_245] : memref<331776xi32, #tpu.memory_space<hbm>> -> memref<128xi32, #tpu.memory_space<hbm>>
        tpu.wait_dma2 semaphore(%run_scoped3A : memref<!tpu.dma_semaphore, #tpu.memory_space<semaphore_mem>>) src(%dma_wait3A_280 : memref<128xi32, #tpu.memory_space<hbm>>) dst(%arg7 : memref<128xi32, #tpu.memory_space<vmem>>)
        tpu.yield
      }) : () -> ()
      %add3A_246 = arith.constant 1792 : i32
      %add3A_247 = arith.addi %add3A_26, %add3A_246 : i32
      "tpu.region"() ({
        %run_scoped3A = tpu.sem_alloc : memref<!tpu.dma_semaphore, #tpu.memory_space<semaphore_mem>>
        %dma_start3A_277 = tpu.memref_slice %arg4[%add3A_247] : memref<331776xi32, #tpu.memory_space<hbm>> -> memref<128xi32, #tpu.memory_space<hbm>>
        %dma_start3A_278 = tpu.memref_slice %arg4[%add3A_247] : memref<331776xi32, #tpu.memory_space<hbm>> -> memref<128xi32, #tpu.memory_space<hbm>>
        tpu.enqueue_dma source(%dma_start3A_278 : memref<128xi32, #tpu.memory_space<hbm>>) target(%arg12 : memref<128xi32, #tpu.memory_space<vmem>>) target_semaphore(%run_scoped3A : memref<!tpu.dma_semaphore, #tpu.memory_space<semaphore_mem>>)
        %dma_wait3A_279 = tpu.memref_slice %arg4[%add3A_247] : memref<331776xi32, #tpu.memory_space<hbm>> -> memref<128xi32, #tpu.memory_space<hbm>>
        %dma_wait3A_280 = tpu.memref_slice %arg4[%add3A_247] : memref<331776xi32, #tpu.memory_space<hbm>> -> memref<128xi32, #tpu.memory_space<hbm>>
        tpu.wait_dma2 semaphore(%run_scoped3A : memref<!tpu.dma_semaphore, #tpu.memory_space<semaphore_mem>>) src(%dma_wait3A_280 : memref<128xi32, #tpu.memory_space<hbm>>) dst(%arg12 : memref<128xi32, #tpu.memory_space<vmem>>)
        tpu.yield
      }) : () -> ()
      %dma_wait3A_248 = arith.constant 0 : i32
      %dma_wait3A_249 = arith.constant 0 : i32
      %dma_wait3A_250 = tpu.memref_slice %arg16[%dma_wait3A_248, %dma_wait3A_249] : memref<10112x128xf32, #tpu.memory_space<vmem_shared>> -> memref<10112x128xf32, #tpu.memory_space<vmem_shared>>
      tpu.wait_indirect_dma semaphore(%arg19 : memref<!tpu.dma_semaphore, #tpu.memory_space<semaphore_mem>>) src(%arg13 : memref<128x128xf32, #tpu.memory_space<vmem>>) dst(%dma_wait3A_250 : memref<10112x128xf32, #tpu.memory_space<vmem_shared>>)
      %dma_wait3A_251 = arith.constant 0 : i32
      %dma_wait3A_252 = arith.constant 0 : i32
      %dma_wait3A_253 = tpu.memref_slice %arg2[%dma_wait3A_251, %dma_wait3A_252] : memref<10000x128xf32, #tpu.memory_space<hbm>> -> memref<10000x128xf32, #tpu.memory_space<hbm>>
      tpu.wait_indirect_dma semaphore(%arg18 : memref<!tpu.dma_semaphore, #tpu.memory_space<semaphore_mem>>) src(%dma_wait3A_253 : memref<10000x128xf32, #tpu.memory_space<hbm>>) dst(%arg14 : memref<128x128xf32, #tpu.memory_space<vmem>>)
      %dma_start3A_254 = arith.constant 0 : i32
      %dma_start3A_255 = arith.constant 0 : i32
      %dma_start3A_256 = tpu.memref_slice %arg16[%dma_start3A_254, %dma_start3A_255] : memref<10112x128xf32, #tpu.memory_space<vmem_shared>> -> memref<10112x128xf32, #tpu.memory_space<vmem_shared>>
      tpu.enqueue_indirect_dma source(%arg14 : memref<128x128xf32, #tpu.memory_space<vmem>>) target(%dma_start3A_256 : memref<10112x128xf32, #tpu.memory_space<vmem_shared>>) offsets(%arg11 : memref<128xi32, #tpu.memory_space<vmem>>) semaphore(%arg19 : memref<!tpu.dma_semaphore, #tpu.memory_space<semaphore_mem>>) {add = true}
      %dma_start3A_257 = arith.constant 0 : i32
      %dma_start3A_258 = arith.constant 0 : i32
      %dma_start3A_259 = tpu.memref_slice %arg2[%dma_start3A_257, %dma_start3A_258] : memref<10000x128xf32, #tpu.memory_space<hbm>> -> memref<10000x128xf32, #tpu.memory_space<hbm>>
      tpu.enqueue_indirect_dma source(%dma_start3A_259 : memref<10000x128xf32, #tpu.memory_space<hbm>>) target(%arg13 : memref<128x128xf32, #tpu.memory_space<vmem>>) offsets(%arg7 : memref<128xi32, #tpu.memory_space<vmem>>) semaphore(%arg18 : memref<!tpu.dma_semaphore, #tpu.memory_space<semaphore_mem>>)
      %add3A_260 = arith.constant 1920 : i32
      %add3A_261 = arith.addi %add3A_26, %add3A_260 : i32
      "tpu.region"() ({
        %run_scoped3A = tpu.sem_alloc : memref<!tpu.dma_semaphore, #tpu.memory_space<semaphore_mem>>
        %dma_start3A_277 = tpu.memref_slice %arg4[%add3A_261] : memref<331776xi32, #tpu.memory_space<hbm>> -> memref<128xi32, #tpu.memory_space<hbm>>
        %dma_start3A_278 = tpu.memref_slice %arg4[%add3A_261] : memref<331776xi32, #tpu.memory_space<hbm>> -> memref<128xi32, #tpu.memory_space<hbm>>
        tpu.enqueue_dma source(%dma_start3A_278 : memref<128xi32, #tpu.memory_space<hbm>>) target(%arg10 : memref<128xi32, #tpu.memory_space<vmem>>) target_semaphore(%run_scoped3A : memref<!tpu.dma_semaphore, #tpu.memory_space<semaphore_mem>>)
        %dma_wait3A_279 = tpu.memref_slice %arg4[%add3A_261] : memref<331776xi32, #tpu.memory_space<hbm>> -> memref<128xi32, #tpu.memory_space<hbm>>
        %dma_wait3A_280 = tpu.memref_slice %arg4[%add3A_261] : memref<331776xi32, #tpu.memory_space<hbm>> -> memref<128xi32, #tpu.memory_space<hbm>>
        tpu.wait_dma2 semaphore(%run_scoped3A : memref<!tpu.dma_semaphore, #tpu.memory_space<semaphore_mem>>) src(%dma_wait3A_280 : memref<128xi32, #tpu.memory_space<hbm>>) dst(%arg10 : memref<128xi32, #tpu.memory_space<vmem>>)
        tpu.yield
      }) : () -> ()
      %dma_wait3A_262 = arith.constant 0 : i32
      %dma_wait3A_263 = arith.constant 0 : i32
      %dma_wait3A_264 = tpu.memref_slice %arg16[%dma_wait3A_262, %dma_wait3A_263] : memref<10112x128xf32, #tpu.memory_space<vmem_shared>> -> memref<10112x128xf32, #tpu.memory_space<vmem_shared>>
      tpu.wait_indirect_dma semaphore(%arg19 : memref<!tpu.dma_semaphore, #tpu.memory_space<semaphore_mem>>) src(%arg14 : memref<128x128xf32, #tpu.memory_space<vmem>>) dst(%dma_wait3A_264 : memref<10112x128xf32, #tpu.memory_space<vmem_shared>>)
      %dma_wait3A_265 = arith.constant 0 : i32
      %dma_wait3A_266 = arith.constant 0 : i32
      %dma_wait3A_267 = tpu.memref_slice %arg2[%dma_wait3A_265, %dma_wait3A_266] : memref<10000x128xf32, #tpu.memory_space<hbm>> -> memref<10000x128xf32, #tpu.memory_space<hbm>>
      tpu.wait_indirect_dma semaphore(%arg17 : memref<!tpu.dma_semaphore, #tpu.memory_space<semaphore_mem>>) src(%dma_wait3A_267 : memref<10000x128xf32, #tpu.memory_space<hbm>>) dst(%arg15 : memref<128x128xf32, #tpu.memory_space<vmem>>)
      %dma_start3A_268 = arith.constant 0 : i32
      %dma_start3A_269 = arith.constant 0 : i32
      %dma_start3A_270 = tpu.memref_slice %arg16[%dma_start3A_268, %dma_start3A_269] : memref<10112x128xf32, #tpu.memory_space<vmem_shared>> -> memref<10112x128xf32, #tpu.memory_space<vmem_shared>>
      tpu.enqueue_indirect_dma source(%arg15 : memref<128x128xf32, #tpu.memory_space<vmem>>) target(%dma_start3A_270 : memref<10112x128xf32, #tpu.memory_space<vmem_shared>>) offsets(%arg12 : memref<128xi32, #tpu.memory_space<vmem>>) semaphore(%arg19 : memref<!tpu.dma_semaphore, #tpu.memory_space<semaphore_mem>>) {add = true}
      %dma_wait3A_271 = arith.constant 0 : i32
      %dma_wait3A_272 = arith.constant 0 : i32
      %dma_wait3A_273 = tpu.memref_slice %arg16[%dma_wait3A_271, %dma_wait3A_272] : memref<10112x128xf32, #tpu.memory_space<vmem_shared>> -> memref<10112x128xf32, #tpu.memory_space<vmem_shared>>
      tpu.wait_indirect_dma semaphore(%arg19 : memref<!tpu.dma_semaphore, #tpu.memory_space<semaphore_mem>>) src(%arg15 : memref<128x128xf32, #tpu.memory_space<vmem>>) dst(%dma_wait3A_273 : memref<10112x128xf32, #tpu.memory_space<vmem_shared>>)
      %dma_wait3A_274 = arith.constant 0 : i32
      %dma_wait3A_275 = arith.constant 0 : i32
      %dma_wait3A_276 = tpu.memref_slice %arg2[%dma_wait3A_274, %dma_wait3A_275] : memref<10000x128xf32, #tpu.memory_space<hbm>> -> memref<10000x128xf32, #tpu.memory_space<hbm>>
      tpu.wait_indirect_dma semaphore(%arg18 : memref<!tpu.dma_semaphore, #tpu.memory_space<semaphore_mem>>) src(%dma_wait3A_276 : memref<10000x128xf32, #tpu.memory_space<hbm>>) dst(%arg13 : memref<128x128xf32, #tpu.memory_space<vmem>>)
      "tpu.region"() ({
        %run_scoped3A = tpu.sem_alloc : memref<!tpu.dma_semaphore, #tpu.memory_space<semaphore_mem>>
        %dma_start3A_277 = arith.constant 0 : i32
        %dma_start3A_278 = arith.constant 0 : i32
        %dma_start3A_279 = tpu.memref_slice %arg16[%dma_start3A_277, %dma_start3A_278] : memref<10112x128xf32, #tpu.memory_space<vmem_shared>> -> memref<10112x128xf32, #tpu.memory_space<vmem_shared>>
        tpu.enqueue_indirect_dma source(%arg13 : memref<128x128xf32, #tpu.memory_space<vmem>>) target(%dma_start3A_279 : memref<10112x128xf32, #tpu.memory_space<vmem_shared>>) offsets(%arg10 : memref<128xi32, #tpu.memory_space<vmem>>) semaphore(%run_scoped3A : memref<!tpu.dma_semaphore, #tpu.memory_space<semaphore_mem>>) {add = true}
        %dma_wait3A_280 = arith.constant 0 : i32
        %dma_wait3A_281 = arith.constant 0 : i32
        %dma_wait3A_282 = tpu.memref_slice %arg16[%dma_wait3A_280, %dma_wait3A_281] : memref<10112x128xf32, #tpu.memory_space<vmem_shared>> -> memref<10112x128xf32, #tpu.memory_space<vmem_shared>>
        tpu.wait_indirect_dma semaphore(%run_scoped3A : memref<!tpu.dma_semaphore, #tpu.memory_space<semaphore_mem>>) src(%arg13 : memref<128x128xf32, #tpu.memory_space<vmem>>) dst(%dma_wait3A_282 : memref<10112x128xf32, #tpu.memory_space<vmem_shared>>)
        tpu.yield
      }) : () -> ()
    }
    %scan3A_9 = arith.constant 5 : i32
    %add3A_10 = arith.constant 10240 : i32
    %add3A_11 = arith.addi %mul3A_4, %add3A_10 : i32
    "tpu.region"() ({
      %run_scoped3A = tpu.sem_alloc : memref<!tpu.dma_semaphore, #tpu.memory_space<semaphore_mem>>
      %dma_start3A_21 = tpu.memref_slice %arg3[%add3A_11] : memref<331776xi32, #tpu.memory_space<hbm>> -> memref<128xi32, #tpu.memory_space<hbm>>
      %dma_start3A_22 = tpu.memref_slice %arg3[%add3A_11] : memref<331776xi32, #tpu.memory_space<hbm>> -> memref<128xi32, #tpu.memory_space<hbm>>
      tpu.enqueue_dma source(%dma_start3A_22 : memref<128xi32, #tpu.memory_space<hbm>>) target(%arg7 : memref<128xi32, #tpu.memory_space<vmem>>) target_semaphore(%run_scoped3A : memref<!tpu.dma_semaphore, #tpu.memory_space<semaphore_mem>>)
      %dma_wait3A_23 = tpu.memref_slice %arg3[%add3A_11] : memref<331776xi32, #tpu.memory_space<hbm>> -> memref<128xi32, #tpu.memory_space<hbm>>
      %dma_wait3A_24 = tpu.memref_slice %arg3[%add3A_11] : memref<331776xi32, #tpu.memory_space<hbm>> -> memref<128xi32, #tpu.memory_space<hbm>>
      tpu.wait_dma2 semaphore(%run_scoped3A : memref<!tpu.dma_semaphore, #tpu.memory_space<semaphore_mem>>) src(%dma_wait3A_24 : memref<128xi32, #tpu.memory_space<hbm>>) dst(%arg7 : memref<128xi32, #tpu.memory_space<vmem>>)
      tpu.yield
    }) : () -> ()
    %dma_start3A = arith.constant 0 : i32
    %dma_start3A_12 = arith.constant 0 : i32
    %dma_start3A_13 = tpu.memref_slice %arg2[%dma_start3A, %dma_start3A_12] : memref<10000x128xf32, #tpu.memory_space<hbm>> -> memref<10000x128xf32, #tpu.memory_space<hbm>>
    tpu.enqueue_indirect_dma source(%dma_start3A_13 : memref<10000x128xf32, #tpu.memory_space<hbm>>) target(%arg13 : memref<128x128xf32, #tpu.memory_space<vmem>>) offsets(%arg7 : memref<128xi32, #tpu.memory_space<vmem>>) semaphore(%arg17 : memref<!tpu.dma_semaphore, #tpu.memory_space<semaphore_mem>>)
    "tpu.region"() ({
      %run_scoped3A = tpu.sem_alloc : memref<!tpu.dma_semaphore, #tpu.memory_space<semaphore_mem>>
      %dma_start3A_21 = tpu.memref_slice %arg4[%add3A_11] : memref<331776xi32, #tpu.memory_space<hbm>> -> memref<128xi32, #tpu.memory_space<hbm>>
      %dma_start3A_22 = tpu.memref_slice %arg4[%add3A_11] : memref<331776xi32, #tpu.memory_space<hbm>> -> memref<128xi32, #tpu.memory_space<hbm>>
      tpu.enqueue_dma source(%dma_start3A_22 : memref<128xi32, #tpu.memory_space<hbm>>) target(%arg10 : memref<128xi32, #tpu.memory_space<vmem>>) target_semaphore(%run_scoped3A : memref<!tpu.dma_semaphore, #tpu.memory_space<semaphore_mem>>)
      %dma_wait3A_23 = tpu.memref_slice %arg4[%add3A_11] : memref<331776xi32, #tpu.memory_space<hbm>> -> memref<128xi32, #tpu.memory_space<hbm>>
      %dma_wait3A_24 = tpu.memref_slice %arg4[%add3A_11] : memref<331776xi32, #tpu.memory_space<hbm>> -> memref<128xi32, #tpu.memory_space<hbm>>
      tpu.wait_dma2 semaphore(%run_scoped3A : memref<!tpu.dma_semaphore, #tpu.memory_space<semaphore_mem>>) src(%dma_wait3A_24 : memref<128xi32, #tpu.memory_space<hbm>>) dst(%arg10 : memref<128xi32, #tpu.memory_space<vmem>>)
      tpu.yield
    }) : () -> ()
    %dma_wait3A = arith.constant 0 : i32
    %dma_wait3A_14 = arith.constant 0 : i32
    %dma_wait3A_15 = tpu.memref_slice %arg2[%dma_wait3A, %dma_wait3A_14] : memref<10000x128xf32, #tpu.memory_space<hbm>> -> memref<10000x128xf32, #tpu.memory_space<hbm>>
    tpu.wait_indirect_dma semaphore(%arg17 : memref<!tpu.dma_semaphore, #tpu.memory_space<semaphore_mem>>) src(%dma_wait3A_15 : memref<10000x128xf32, #tpu.memory_space<hbm>>) dst(%arg13 : memref<128x128xf32, #tpu.memory_space<vmem>>)
    "tpu.region"() ({
      %run_scoped3A = tpu.sem_alloc : memref<!tpu.dma_semaphore, #tpu.memory_space<semaphore_mem>>
      %dma_start3A_21 = arith.constant 0 : i32
      %dma_start3A_22 = arith.constant 0 : i32
      %dma_start3A_23 = tpu.memref_slice %arg16[%dma_start3A_21, %dma_start3A_22] : memref<10112x128xf32, #tpu.memory_space<vmem_shared>> -> memref<10112x128xf32, #tpu.memory_space<vmem_shared>>
      tpu.enqueue_indirect_dma source(%arg13 : memref<128x128xf32, #tpu.memory_space<vmem>>) target(%dma_start3A_23 : memref<10112x128xf32, #tpu.memory_space<vmem_shared>>) offsets(%arg10 : memref<128xi32, #tpu.memory_space<vmem>>) semaphore(%run_scoped3A : memref<!tpu.dma_semaphore, #tpu.memory_space<semaphore_mem>>) {add = true}
      %dma_wait3A_24 = arith.constant 0 : i32
      %dma_wait3A_25 = arith.constant 0 : i32
      %dma_wait3A_26 = tpu.memref_slice %arg16[%dma_wait3A_24, %dma_wait3A_25] : memref<10112x128xf32, #tpu.memory_space<vmem_shared>> -> memref<10112x128xf32, #tpu.memory_space<vmem_shared>>
      tpu.wait_indirect_dma semaphore(%run_scoped3A : memref<!tpu.dma_semaphore, #tpu.memory_space<semaphore_mem>>) src(%arg13 : memref<128x128xf32, #tpu.memory_space<vmem>>) dst(%dma_wait3A_26 : memref<10112x128xf32, #tpu.memory_space<vmem_shared>>)
      tpu.yield
    }) : () -> ()
    %barrier3A_16 = arith.constant 0 : index
    tpu.barrier barrier_id(%barrier3A_16)
    %mul3A_17 = arith.constant 632 : i32
    %mul3A_18 = arith.muli %arg1, %mul3A_17 : i32
    %mul3A_19 = arith.constant 632 : i32
    %mul3A_20 = arith.muli %arg1, %mul3A_19 : i32
    "tpu.region"() ({
      %run_scoped3A = tpu.sem_alloc : memref<!tpu.dma_semaphore, #tpu.memory_space<semaphore_mem>>
      %dma_start3A_21 = arith.constant 0 : i32
      %dma_start3A_22 = tpu.memref_slice %arg6[%arg0, %mul3A_20, %dma_start3A_21] : memref<2x10112x128xf32, #tpu.memory_space<hbm>> -> memref<1x632x128xf32, #tpu.memory_space<hbm>>
      %dma_start3A_23 = tpu.memref_squeeze %dma_start3A_22 : memref<1x632x128xf32, #tpu.memory_space<hbm>> -> memref<632x128xf32, #tpu.memory_space<hbm>>
      %dma_start3A_24 = arith.constant 0 : i32
      %dma_start3A_25 = tpu.memref_slice %arg16[%mul3A_18, %dma_start3A_24] : memref<10112x128xf32, #tpu.memory_space<vmem_shared>> -> memref<632x128xf32, #tpu.memory_space<vmem_shared>>
      tpu.enqueue_dma source(%dma_start3A_25 : memref<632x128xf32, #tpu.memory_space<vmem_shared>>) target(%dma_start3A_23 : memref<632x128xf32, #tpu.memory_space<hbm>>) target_semaphore(%run_scoped3A : memref<!tpu.dma_semaphore, #tpu.memory_space<semaphore_mem>>)
      %dma_wait3A_26 = arith.constant 0 : i32
      %dma_wait3A_27 = tpu.memref_slice %arg6[%arg0, %mul3A_20, %dma_wait3A_26] : memref<2x10112x128xf32, #tpu.memory_space<hbm>> -> memref<1x632x128xf32, #tpu.memory_space<hbm>>
      %dma_wait3A_28 = tpu.memref_squeeze %dma_wait3A_27 : memref<1x632x128xf32, #tpu.memory_space<hbm>> -> memref<632x128xf32, #tpu.memory_space<hbm>>
      %dma_wait3A_29 = arith.constant 0 : i32
      %dma_wait3A_30 = tpu.memref_slice %arg16[%mul3A_18, %dma_wait3A_29] : memref<10112x128xf32, #tpu.memory_space<vmem_shared>> -> memref<632x128xf32, #tpu.memory_space<vmem_shared>>
      tpu.wait_dma2 semaphore(%run_scoped3A : memref<!tpu.dma_semaphore, #tpu.memory_space<semaphore_mem>>) src(%dma_wait3A_30 : memref<632x128xf32, #tpu.memory_space<vmem_shared>>) dst(%dma_wait3A_28 : memref<632x128xf32, #tpu.memory_space<hbm>>)
      tpu.yield
    }) : () -> ()
    return
  }
}

#map = affine_map<(d0, d1) -> (0)>
#map1 = affine_map<(d0, d1) -> (0, 0)>
#map2 = affine_map<(d0, d1) -> (0, 0, 0)>
module attributes {stable_mosaic.version = 14 : i64} {
  func.func @_sc_deg(%arg0: i32, %arg1: i32, %arg2: memref<331776xi32, #tpu.memory_space<hbm>>, %arg3: memref<128x1xf32, #tpu.memory_space<hbm>>, %arg4: memref<632x1xf32, #tpu.memory_space<hbm>>, %arg5: memref<2x10112x1xf32, #tpu.memory_space<hbm>>, %arg6: memref<128xi32, #tpu.memory_space<vmem>>, %arg7: memref<128xi32, #tpu.memory_space<vmem>>, %arg8: memref<128x1xf32, #tpu.memory_space<vmem>>, %arg9: memref<10112x1xf32, #tpu.memory_space<vmem_shared>>, %arg10: memref<!tpu.dma_semaphore, #tpu.memory_space<semaphore_mem>>) attributes {dimension_semantics = [#tpu.dimension_semantics<core_parallel>, #tpu.dimension_semantics<subcore_parallel>], iteration_bounds = array<i64: 2, 16>, scalar_prefetch = 0 : i64, scratch_operands = 5 : i64, tpu.core_type = #tpu.core_type<sc_vector_subcore>, window_params = [{transform_indices = #map}, {transform_indices = #map1}, {transform_indices = #map1}, {transform_indices = #map2}]} {
    %mul3A = arith.constant 16 : i32
    %mul3A_0 = arith.muli %arg0, %mul3A : i32
    %add3A = arith.addi %mul3A_0, %arg1 : i32
    "tpu.region"() ({
      %run_scoped3A = tpu.sem_alloc : memref<!tpu.dma_semaphore, #tpu.memory_space<semaphore_mem>>
      tpu.enqueue_dma source(%arg3 : memref<128x1xf32, #tpu.memory_space<hbm>>) target(%arg8 : memref<128x1xf32, #tpu.memory_space<vmem>>) target_semaphore(%run_scoped3A : memref<!tpu.dma_semaphore, #tpu.memory_space<semaphore_mem>>)
      tpu.wait_dma2 semaphore(%run_scoped3A : memref<!tpu.dma_semaphore, #tpu.memory_space<semaphore_mem>>) src(%arg3 : memref<128x1xf32, #tpu.memory_space<hbm>>) dst(%arg8 : memref<128x1xf32, #tpu.memory_space<vmem>>)
      tpu.yield
    }) : () -> ()
    %mul3A_1 = arith.constant 632 : i32
    %mul3A_2 = arith.muli %arg1, %mul3A_1 : i32
    "tpu.region"() ({
      %run_scoped3A = tpu.sem_alloc : memref<!tpu.dma_semaphore, #tpu.memory_space<semaphore_mem>>
      %dma_start3A = arith.constant 0 : i32
      %dma_start3A_17 = tpu.memref_slice %arg9[%mul3A_2, %dma_start3A] : memref<10112x1xf32, #tpu.memory_space<vmem_shared>> -> memref<632x1xf32, #tpu.memory_space<vmem_shared>>
      tpu.enqueue_dma source(%arg4 : memref<632x1xf32, #tpu.memory_space<hbm>>) target(%dma_start3A_17 : memref<632x1xf32, #tpu.memory_space<vmem_shared>>) target_semaphore(%run_scoped3A : memref<!tpu.dma_semaphore, #tpu.memory_space<semaphore_mem>>)
      %dma_wait3A = arith.constant 0 : i32
      %dma_wait3A_18 = tpu.memref_slice %arg9[%mul3A_2, %dma_wait3A] : memref<10112x1xf32, #tpu.memory_space<vmem_shared>> -> memref<632x1xf32, #tpu.memory_space<vmem_shared>>
      tpu.wait_dma2 semaphore(%run_scoped3A : memref<!tpu.dma_semaphore, #tpu.memory_space<semaphore_mem>>) src(%arg4 : memref<632x1xf32, #tpu.memory_space<hbm>>) dst(%dma_wait3A_18 : memref<632x1xf32, #tpu.memory_space<vmem_shared>>)
      tpu.yield
    }) : () -> ()
    %barrier3A = arith.constant 0 : index
    tpu.barrier barrier_id(%barrier3A)
    %mul3A_3 = arith.constant 10368 : i32
    %mul3A_4 = arith.muli %add3A, %mul3A_3 : i32
    %scan3A = arith.constant 0 : i32
    %scan3A_5 = arith.constant 0 : i32
    %scan3A_6 = arith.constant 5 : i32
    %scan3A_7 = arith.addi %scan3A_5, %scan3A_6 : i32
    %scan3A_8 = arith.constant 1 : i32
    scf.for %scan3A_17 = %scan3A_5 to %scan3A_7 step %scan3A_8  : i32 {
      %mul3A_18 = arith.constant 16 : i32
      %mul3A_19 = arith.muli %scan3A_17, %mul3A_18 : i32
      %mul3A_20 = arith.constant 128 : i32
      %mul3A_21 = arith.muli %mul3A_19, %mul3A_20 : i32
      %add3A_22 = arith.addi %mul3A_4, %mul3A_21 : i32
      "tpu.region"() ({
        %run_scoped3A = tpu.sem_alloc : memref<!tpu.dma_semaphore, #tpu.memory_space<semaphore_mem>>
        %dma_start3A_141 = tpu.memref_slice %arg2[%add3A_22] : memref<331776xi32, #tpu.memory_space<hbm>> -> memref<128xi32, #tpu.memory_space<hbm>>
        %dma_start3A_142 = tpu.memref_slice %arg2[%add3A_22] : memref<331776xi32, #tpu.memory_space<hbm>> -> memref<128xi32, #tpu.memory_space<hbm>>
        tpu.enqueue_dma source(%dma_start3A_142 : memref<128xi32, #tpu.memory_space<hbm>>) target(%arg6 : memref<128xi32, #tpu.memory_space<vmem>>) target_semaphore(%run_scoped3A : memref<!tpu.dma_semaphore, #tpu.memory_space<semaphore_mem>>)
        %dma_wait3A_143 = tpu.memref_slice %arg2[%add3A_22] : memref<331776xi32, #tpu.memory_space<hbm>> -> memref<128xi32, #tpu.memory_space<hbm>>
        %dma_wait3A_144 = tpu.memref_slice %arg2[%add3A_22] : memref<331776xi32, #tpu.memory_space<hbm>> -> memref<128xi32, #tpu.memory_space<hbm>>
        tpu.wait_dma2 semaphore(%run_scoped3A : memref<!tpu.dma_semaphore, #tpu.memory_space<semaphore_mem>>) src(%dma_wait3A_144 : memref<128xi32, #tpu.memory_space<hbm>>) dst(%arg6 : memref<128xi32, #tpu.memory_space<vmem>>)
        tpu.yield
      }) : () -> ()
      %dma_start3A = arith.constant 0 : i32
      %dma_start3A_23 = arith.constant 0 : i32
      %dma_start3A_24 = tpu.memref_slice %arg9[%dma_start3A, %dma_start3A_23] : memref<10112x1xf32, #tpu.memory_space<vmem_shared>> -> memref<10112x1xf32, #tpu.memory_space<vmem_shared>>
      tpu.enqueue_indirect_dma source(%arg8 : memref<128x1xf32, #tpu.memory_space<vmem>>) target(%dma_start3A_24 : memref<10112x1xf32, #tpu.memory_space<vmem_shared>>) offsets(%arg6 : memref<128xi32, #tpu.memory_space<vmem>>) semaphore(%arg10 : memref<!tpu.dma_semaphore, #tpu.memory_space<semaphore_mem>>) {add = true}
      %add3A_25 = arith.constant 128 : i32
      %add3A_26 = arith.addi %add3A_22, %add3A_25 : i32
      "tpu.region"() ({
        %run_scoped3A = tpu.sem_alloc : memref<!tpu.dma_semaphore, #tpu.memory_space<semaphore_mem>>
        %dma_start3A_141 = tpu.memref_slice %arg2[%add3A_26] : memref<331776xi32, #tpu.memory_space<hbm>> -> memref<128xi32, #tpu.memory_space<hbm>>
        %dma_start3A_142 = tpu.memref_slice %arg2[%add3A_26] : memref<331776xi32, #tpu.memory_space<hbm>> -> memref<128xi32, #tpu.memory_space<hbm>>
        tpu.enqueue_dma source(%dma_start3A_142 : memref<128xi32, #tpu.memory_space<hbm>>) target(%arg7 : memref<128xi32, #tpu.memory_space<vmem>>) target_semaphore(%run_scoped3A : memref<!tpu.dma_semaphore, #tpu.memory_space<semaphore_mem>>)
        %dma_wait3A_143 = tpu.memref_slice %arg2[%add3A_26] : memref<331776xi32, #tpu.memory_space<hbm>> -> memref<128xi32, #tpu.memory_space<hbm>>
        %dma_wait3A_144 = tpu.memref_slice %arg2[%add3A_26] : memref<331776xi32, #tpu.memory_space<hbm>> -> memref<128xi32, #tpu.memory_space<hbm>>
        tpu.wait_dma2 semaphore(%run_scoped3A : memref<!tpu.dma_semaphore, #tpu.memory_space<semaphore_mem>>) src(%dma_wait3A_144 : memref<128xi32, #tpu.memory_space<hbm>>) dst(%arg7 : memref<128xi32, #tpu.memory_space<vmem>>)
        tpu.yield
      }) : () -> ()
      %dma_wait3A = arith.constant 0 : i32
      %dma_wait3A_27 = arith.constant 0 : i32
      %dma_wait3A_28 = tpu.memref_slice %arg9[%dma_wait3A, %dma_wait3A_27] : memref<10112x1xf32, #tpu.memory_space<vmem_shared>> -> memref<10112x1xf32, #tpu.memory_space<vmem_shared>>
      tpu.wait_indirect_dma semaphore(%arg10 : memref<!tpu.dma_semaphore, #tpu.memory_space<semaphore_mem>>) src(%arg8 : memref<128x1xf32, #tpu.memory_space<vmem>>) dst(%dma_wait3A_28 : memref<10112x1xf32, #tpu.memory_space<vmem_shared>>)
      %dma_start3A_29 = arith.constant 0 : i32
      %dma_start3A_30 = arith.constant 0 : i32
      %dma_start3A_31 = tpu.memref_slice %arg9[%dma_start3A_29, %dma_start3A_30] : memref<10112x1xf32, #tpu.memory_space<vmem_shared>> -> memref<10112x1xf32, #tpu.memory_space<vmem_shared>>
      tpu.enqueue_indirect_dma source(%arg8 : memref<128x1xf32, #tpu.memory_space<vmem>>) target(%dma_start3A_31 : memref<10112x1xf32, #tpu.memory_space<vmem_shared>>) offsets(%arg7 : memref<128xi32, #tpu.memory_space<vmem>>) semaphore(%arg10 : memref<!tpu.dma_semaphore, #tpu.memory_space<semaphore_mem>>) {add = true}
      %add3A_32 = arith.constant 256 : i32
      %add3A_33 = arith.addi %add3A_22, %add3A_32 : i32
      "tpu.region"() ({
        %run_scoped3A = tpu.sem_alloc : memref<!tpu.dma_semaphore, #tpu.memory_space<semaphore_mem>>
        %dma_start3A_141 = tpu.memref_slice %arg2[%add3A_33] : memref<331776xi32, #tpu.memory_space<hbm>> -> memref<128xi32, #tpu.memory_space<hbm>>
        %dma_start3A_142 = tpu.memref_slice %arg2[%add3A_33] : memref<331776xi32, #tpu.memory_space<hbm>> -> memref<128xi32, #tpu.memory_space<hbm>>
        tpu.enqueue_dma source(%dma_start3A_142 : memref<128xi32, #tpu.memory_space<hbm>>) target(%arg6 : memref<128xi32, #tpu.memory_space<vmem>>) target_semaphore(%run_scoped3A : memref<!tpu.dma_semaphore, #tpu.memory_space<semaphore_mem>>)
        %dma_wait3A_143 = tpu.memref_slice %arg2[%add3A_33] : memref<331776xi32, #tpu.memory_space<hbm>> -> memref<128xi32, #tpu.memory_space<hbm>>
        %dma_wait3A_144 = tpu.memref_slice %arg2[%add3A_33] : memref<331776xi32, #tpu.memory_space<hbm>> -> memref<128xi32, #tpu.memory_space<hbm>>
        tpu.wait_dma2 semaphore(%run_scoped3A : memref<!tpu.dma_semaphore, #tpu.memory_space<semaphore_mem>>) src(%dma_wait3A_144 : memref<128xi32, #tpu.memory_space<hbm>>) dst(%arg6 : memref<128xi32, #tpu.memory_space<vmem>>)
        tpu.yield
      }) : () -> ()
      %dma_wait3A_34 = arith.constant 0 : i32
      %dma_wait3A_35 = arith.constant 0 : i32
      %dma_wait3A_36 = tpu.memref_slice %arg9[%dma_wait3A_34, %dma_wait3A_35] : memref<10112x1xf32, #tpu.memory_space<vmem_shared>> -> memref<10112x1xf32, #tpu.memory_space<vmem_shared>>
      tpu.wait_indirect_dma semaphore(%arg10 : memref<!tpu.dma_semaphore, #tpu.memory_space<semaphore_mem>>) src(%arg8 : memref<128x1xf32, #tpu.memory_space<vmem>>) dst(%dma_wait3A_36 : memref<10112x1xf32, #tpu.memory_space<vmem_shared>>)
      %dma_start3A_37 = arith.constant 0 : i32
      %dma_start3A_38 = arith.constant 0 : i32
      %dma_start3A_39 = tpu.memref_slice %arg9[%dma_start3A_37, %dma_start3A_38] : memref<10112x1xf32, #tpu.memory_space<vmem_shared>> -> memref<10112x1xf32, #tpu.memory_space<vmem_shared>>
      tpu.enqueue_indirect_dma source(%arg8 : memref<128x1xf32, #tpu.memory_space<vmem>>) target(%dma_start3A_39 : memref<10112x1xf32, #tpu.memory_space<vmem_shared>>) offsets(%arg6 : memref<128xi32, #tpu.memory_space<vmem>>) semaphore(%arg10 : memref<!tpu.dma_semaphore, #tpu.memory_space<semaphore_mem>>) {add = true}
      %add3A_40 = arith.constant 384 : i32
      %add3A_41 = arith.addi %add3A_22, %add3A_40 : i32
      "tpu.region"() ({
        %run_scoped3A = tpu.sem_alloc : memref<!tpu.dma_semaphore, #tpu.memory_space<semaphore_mem>>
        %dma_start3A_141 = tpu.memref_slice %arg2[%add3A_41] : memref<331776xi32, #tpu.memory_space<hbm>> -> memref<128xi32, #tpu.memory_space<hbm>>
        %dma_start3A_142 = tpu.memref_slice %arg2[%add3A_41] : memref<331776xi32, #tpu.memory_space<hbm>> -> memref<128xi32, #tpu.memory_space<hbm>>
        tpu.enqueue_dma source(%dma_start3A_142 : memref<128xi32, #tpu.memory_space<hbm>>) target(%arg7 : memref<128xi32, #tpu.memory_space<vmem>>) target_semaphore(%run_scoped3A : memref<!tpu.dma_semaphore, #tpu.memory_space<semaphore_mem>>)
        %dma_wait3A_143 = tpu.memref_slice %arg2[%add3A_41] : memref<331776xi32, #tpu.memory_space<hbm>> -> memref<128xi32, #tpu.memory_space<hbm>>
        %dma_wait3A_144 = tpu.memref_slice %arg2[%add3A_41] : memref<331776xi32, #tpu.memory_space<hbm>> -> memref<128xi32, #tpu.memory_space<hbm>>
        tpu.wait_dma2 semaphore(%run_scoped3A : memref<!tpu.dma_semaphore, #tpu.memory_space<semaphore_mem>>) src(%dma_wait3A_144 : memref<128xi32, #tpu.memory_space<hbm>>) dst(%arg7 : memref<128xi32, #tpu.memory_space<vmem>>)
        tpu.yield
      }) : () -> ()
      %dma_wait3A_42 = arith.constant 0 : i32
      %dma_wait3A_43 = arith.constant 0 : i32
      %dma_wait3A_44 = tpu.memref_slice %arg9[%dma_wait3A_42, %dma_wait3A_43] : memref<10112x1xf32, #tpu.memory_space<vmem_shared>> -> memref<10112x1xf32, #tpu.memory_space<vmem_shared>>
      tpu.wait_indirect_dma semaphore(%arg10 : memref<!tpu.dma_semaphore, #tpu.memory_space<semaphore_mem>>) src(%arg8 : memref<128x1xf32, #tpu.memory_space<vmem>>) dst(%dma_wait3A_44 : memref<10112x1xf32, #tpu.memory_space<vmem_shared>>)
      %dma_start3A_45 = arith.constant 0 : i32
      %dma_start3A_46 = arith.constant 0 : i32
      %dma_start3A_47 = tpu.memref_slice %arg9[%dma_start3A_45, %dma_start3A_46] : memref<10112x1xf32, #tpu.memory_space<vmem_shared>> -> memref<10112x1xf32, #tpu.memory_space<vmem_shared>>
      tpu.enqueue_indirect_dma source(%arg8 : memref<128x1xf32, #tpu.memory_space<vmem>>) target(%dma_start3A_47 : memref<10112x1xf32, #tpu.memory_space<vmem_shared>>) offsets(%arg7 : memref<128xi32, #tpu.memory_space<vmem>>) semaphore(%arg10 : memref<!tpu.dma_semaphore, #tpu.memory_space<semaphore_mem>>) {add = true}
      %add3A_48 = arith.constant 512 : i32
      %add3A_49 = arith.addi %add3A_22, %add3A_48 : i32
      "tpu.region"() ({
        %run_scoped3A = tpu.sem_alloc : memref<!tpu.dma_semaphore, #tpu.memory_space<semaphore_mem>>
        %dma_start3A_141 = tpu.memref_slice %arg2[%add3A_49] : memref<331776xi32, #tpu.memory_space<hbm>> -> memref<128xi32, #tpu.memory_space<hbm>>
        %dma_start3A_142 = tpu.memref_slice %arg2[%add3A_49] : memref<331776xi32, #tpu.memory_space<hbm>> -> memref<128xi32, #tpu.memory_space<hbm>>
        tpu.enqueue_dma source(%dma_start3A_142 : memref<128xi32, #tpu.memory_space<hbm>>) target(%arg6 : memref<128xi32, #tpu.memory_space<vmem>>) target_semaphore(%run_scoped3A : memref<!tpu.dma_semaphore, #tpu.memory_space<semaphore_mem>>)
        %dma_wait3A_143 = tpu.memref_slice %arg2[%add3A_49] : memref<331776xi32, #tpu.memory_space<hbm>> -> memref<128xi32, #tpu.memory_space<hbm>>
        %dma_wait3A_144 = tpu.memref_slice %arg2[%add3A_49] : memref<331776xi32, #tpu.memory_space<hbm>> -> memref<128xi32, #tpu.memory_space<hbm>>
        tpu.wait_dma2 semaphore(%run_scoped3A : memref<!tpu.dma_semaphore, #tpu.memory_space<semaphore_mem>>) src(%dma_wait3A_144 : memref<128xi32, #tpu.memory_space<hbm>>) dst(%arg6 : memref<128xi32, #tpu.memory_space<vmem>>)
        tpu.yield
      }) : () -> ()
      %dma_wait3A_50 = arith.constant 0 : i32
      %dma_wait3A_51 = arith.constant 0 : i32
      %dma_wait3A_52 = tpu.memref_slice %arg9[%dma_wait3A_50, %dma_wait3A_51] : memref<10112x1xf32, #tpu.memory_space<vmem_shared>> -> memref<10112x1xf32, #tpu.memory_space<vmem_shared>>
      tpu.wait_indirect_dma semaphore(%arg10 : memref<!tpu.dma_semaphore, #tpu.memory_space<semaphore_mem>>) src(%arg8 : memref<128x1xf32, #tpu.memory_space<vmem>>) dst(%dma_wait3A_52 : memref<10112x1xf32, #tpu.memory_space<vmem_shared>>)
      %dma_start3A_53 = arith.constant 0 : i32
      %dma_start3A_54 = arith.constant 0 : i32
      %dma_start3A_55 = tpu.memref_slice %arg9[%dma_start3A_53, %dma_start3A_54] : memref<10112x1xf32, #tpu.memory_space<vmem_shared>> -> memref<10112x1xf32, #tpu.memory_space<vmem_shared>>
      tpu.enqueue_indirect_dma source(%arg8 : memref<128x1xf32, #tpu.memory_space<vmem>>) target(%dma_start3A_55 : memref<10112x1xf32, #tpu.memory_space<vmem_shared>>) offsets(%arg6 : memref<128xi32, #tpu.memory_space<vmem>>) semaphore(%arg10 : memref<!tpu.dma_semaphore, #tpu.memory_space<semaphore_mem>>) {add = true}
      %add3A_56 = arith.constant 640 : i32
      %add3A_57 = arith.addi %add3A_22, %add3A_56 : i32
      "tpu.region"() ({
        %run_scoped3A = tpu.sem_alloc : memref<!tpu.dma_semaphore, #tpu.memory_space<semaphore_mem>>
        %dma_start3A_141 = tpu.memref_slice %arg2[%add3A_57] : memref<331776xi32, #tpu.memory_space<hbm>> -> memref<128xi32, #tpu.memory_space<hbm>>
        %dma_start3A_142 = tpu.memref_slice %arg2[%add3A_57] : memref<331776xi32, #tpu.memory_space<hbm>> -> memref<128xi32, #tpu.memory_space<hbm>>
        tpu.enqueue_dma source(%dma_start3A_142 : memref<128xi32, #tpu.memory_space<hbm>>) target(%arg7 : memref<128xi32, #tpu.memory_space<vmem>>) target_semaphore(%run_scoped3A : memref<!tpu.dma_semaphore, #tpu.memory_space<semaphore_mem>>)
        %dma_wait3A_143 = tpu.memref_slice %arg2[%add3A_57] : memref<331776xi32, #tpu.memory_space<hbm>> -> memref<128xi32, #tpu.memory_space<hbm>>
        %dma_wait3A_144 = tpu.memref_slice %arg2[%add3A_57] : memref<331776xi32, #tpu.memory_space<hbm>> -> memref<128xi32, #tpu.memory_space<hbm>>
        tpu.wait_dma2 semaphore(%run_scoped3A : memref<!tpu.dma_semaphore, #tpu.memory_space<semaphore_mem>>) src(%dma_wait3A_144 : memref<128xi32, #tpu.memory_space<hbm>>) dst(%arg7 : memref<128xi32, #tpu.memory_space<vmem>>)
        tpu.yield
      }) : () -> ()
      %dma_wait3A_58 = arith.constant 0 : i32
      %dma_wait3A_59 = arith.constant 0 : i32
      %dma_wait3A_60 = tpu.memref_slice %arg9[%dma_wait3A_58, %dma_wait3A_59] : memref<10112x1xf32, #tpu.memory_space<vmem_shared>> -> memref<10112x1xf32, #tpu.memory_space<vmem_shared>>
      tpu.wait_indirect_dma semaphore(%arg10 : memref<!tpu.dma_semaphore, #tpu.memory_space<semaphore_mem>>) src(%arg8 : memref<128x1xf32, #tpu.memory_space<vmem>>) dst(%dma_wait3A_60 : memref<10112x1xf32, #tpu.memory_space<vmem_shared>>)
      %dma_start3A_61 = arith.constant 0 : i32
      %dma_start3A_62 = arith.constant 0 : i32
      %dma_start3A_63 = tpu.memref_slice %arg9[%dma_start3A_61, %dma_start3A_62] : memref<10112x1xf32, #tpu.memory_space<vmem_shared>> -> memref<10112x1xf32, #tpu.memory_space<vmem_shared>>
      tpu.enqueue_indirect_dma source(%arg8 : memref<128x1xf32, #tpu.memory_space<vmem>>) target(%dma_start3A_63 : memref<10112x1xf32, #tpu.memory_space<vmem_shared>>) offsets(%arg7 : memref<128xi32, #tpu.memory_space<vmem>>) semaphore(%arg10 : memref<!tpu.dma_semaphore, #tpu.memory_space<semaphore_mem>>) {add = true}
      %add3A_64 = arith.constant 768 : i32
      %add3A_65 = arith.addi %add3A_22, %add3A_64 : i32
      "tpu.region"() ({
        %run_scoped3A = tpu.sem_alloc : memref<!tpu.dma_semaphore, #tpu.memory_space<semaphore_mem>>
        %dma_start3A_141 = tpu.memref_slice %arg2[%add3A_65] : memref<331776xi32, #tpu.memory_space<hbm>> -> memref<128xi32, #tpu.memory_space<hbm>>
        %dma_start3A_142 = tpu.memref_slice %arg2[%add3A_65] : memref<331776xi32, #tpu.memory_space<hbm>> -> memref<128xi32, #tpu.memory_space<hbm>>
        tpu.enqueue_dma source(%dma_start3A_142 : memref<128xi32, #tpu.memory_space<hbm>>) target(%arg6 : memref<128xi32, #tpu.memory_space<vmem>>) target_semaphore(%run_scoped3A : memref<!tpu.dma_semaphore, #tpu.memory_space<semaphore_mem>>)
        %dma_wait3A_143 = tpu.memref_slice %arg2[%add3A_65] : memref<331776xi32, #tpu.memory_space<hbm>> -> memref<128xi32, #tpu.memory_space<hbm>>
        %dma_wait3A_144 = tpu.memref_slice %arg2[%add3A_65] : memref<331776xi32, #tpu.memory_space<hbm>> -> memref<128xi32, #tpu.memory_space<hbm>>
        tpu.wait_dma2 semaphore(%run_scoped3A : memref<!tpu.dma_semaphore, #tpu.memory_space<semaphore_mem>>) src(%dma_wait3A_144 : memref<128xi32, #tpu.memory_space<hbm>>) dst(%arg6 : memref<128xi32, #tpu.memory_space<vmem>>)
        tpu.yield
      }) : () -> ()
      %dma_wait3A_66 = arith.constant 0 : i32
      %dma_wait3A_67 = arith.constant 0 : i32
      %dma_wait3A_68 = tpu.memref_slice %arg9[%dma_wait3A_66, %dma_wait3A_67] : memref<10112x1xf32, #tpu.memory_space<vmem_shared>> -> memref<10112x1xf32, #tpu.memory_space<vmem_shared>>
      tpu.wait_indirect_dma semaphore(%arg10 : memref<!tpu.dma_semaphore, #tpu.memory_space<semaphore_mem>>) src(%arg8 : memref<128x1xf32, #tpu.memory_space<vmem>>) dst(%dma_wait3A_68 : memref<10112x1xf32, #tpu.memory_space<vmem_shared>>)
      %dma_start3A_69 = arith.constant 0 : i32
      %dma_start3A_70 = arith.constant 0 : i32
      %dma_start3A_71 = tpu.memref_slice %arg9[%dma_start3A_69, %dma_start3A_70] : memref<10112x1xf32, #tpu.memory_space<vmem_shared>> -> memref<10112x1xf32, #tpu.memory_space<vmem_shared>>
      tpu.enqueue_indirect_dma source(%arg8 : memref<128x1xf32, #tpu.memory_space<vmem>>) target(%dma_start3A_71 : memref<10112x1xf32, #tpu.memory_space<vmem_shared>>) offsets(%arg6 : memref<128xi32, #tpu.memory_space<vmem>>) semaphore(%arg10 : memref<!tpu.dma_semaphore, #tpu.memory_space<semaphore_mem>>) {add = true}
      %add3A_72 = arith.constant 896 : i32
      %add3A_73 = arith.addi %add3A_22, %add3A_72 : i32
      "tpu.region"() ({
        %run_scoped3A = tpu.sem_alloc : memref<!tpu.dma_semaphore, #tpu.memory_space<semaphore_mem>>
        %dma_start3A_141 = tpu.memref_slice %arg2[%add3A_73] : memref<331776xi32, #tpu.memory_space<hbm>> -> memref<128xi32, #tpu.memory_space<hbm>>
        %dma_start3A_142 = tpu.memref_slice %arg2[%add3A_73] : memref<331776xi32, #tpu.memory_space<hbm>> -> memref<128xi32, #tpu.memory_space<hbm>>
        tpu.enqueue_dma source(%dma_start3A_142 : memref<128xi32, #tpu.memory_space<hbm>>) target(%arg7 : memref<128xi32, #tpu.memory_space<vmem>>) target_semaphore(%run_scoped3A : memref<!tpu.dma_semaphore, #tpu.memory_space<semaphore_mem>>)
        %dma_wait3A_143 = tpu.memref_slice %arg2[%add3A_73] : memref<331776xi32, #tpu.memory_space<hbm>> -> memref<128xi32, #tpu.memory_space<hbm>>
        %dma_wait3A_144 = tpu.memref_slice %arg2[%add3A_73] : memref<331776xi32, #tpu.memory_space<hbm>> -> memref<128xi32, #tpu.memory_space<hbm>>
        tpu.wait_dma2 semaphore(%run_scoped3A : memref<!tpu.dma_semaphore, #tpu.memory_space<semaphore_mem>>) src(%dma_wait3A_144 : memref<128xi32, #tpu.memory_space<hbm>>) dst(%arg7 : memref<128xi32, #tpu.memory_space<vmem>>)
        tpu.yield
      }) : () -> ()
      %dma_wait3A_74 = arith.constant 0 : i32
      %dma_wait3A_75 = arith.constant 0 : i32
      %dma_wait3A_76 = tpu.memref_slice %arg9[%dma_wait3A_74, %dma_wait3A_75] : memref<10112x1xf32, #tpu.memory_space<vmem_shared>> -> memref<10112x1xf32, #tpu.memory_space<vmem_shared>>
      tpu.wait_indirect_dma semaphore(%arg10 : memref<!tpu.dma_semaphore, #tpu.memory_space<semaphore_mem>>) src(%arg8 : memref<128x1xf32, #tpu.memory_space<vmem>>) dst(%dma_wait3A_76 : memref<10112x1xf32, #tpu.memory_space<vmem_shared>>)
      %dma_start3A_77 = arith.constant 0 : i32
      %dma_start3A_78 = arith.constant 0 : i32
      %dma_start3A_79 = tpu.memref_slice %arg9[%dma_start3A_77, %dma_start3A_78] : memref<10112x1xf32, #tpu.memory_space<vmem_shared>> -> memref<10112x1xf32, #tpu.memory_space<vmem_shared>>
      tpu.enqueue_indirect_dma source(%arg8 : memref<128x1xf32, #tpu.memory_space<vmem>>) target(%dma_start3A_79 : memref<10112x1xf32, #tpu.memory_space<vmem_shared>>) offsets(%arg7 : memref<128xi32, #tpu.memory_space<vmem>>) semaphore(%arg10 : memref<!tpu.dma_semaphore, #tpu.memory_space<semaphore_mem>>) {add = true}
      %add3A_80 = arith.constant 1024 : i32
      %add3A_81 = arith.addi %add3A_22, %add3A_80 : i32
      "tpu.region"() ({
        %run_scoped3A = tpu.sem_alloc : memref<!tpu.dma_semaphore, #tpu.memory_space<semaphore_mem>>
        %dma_start3A_141 = tpu.memref_slice %arg2[%add3A_81] : memref<331776xi32, #tpu.memory_space<hbm>> -> memref<128xi32, #tpu.memory_space<hbm>>
        %dma_start3A_142 = tpu.memref_slice %arg2[%add3A_81] : memref<331776xi32, #tpu.memory_space<hbm>> -> memref<128xi32, #tpu.memory_space<hbm>>
        tpu.enqueue_dma source(%dma_start3A_142 : memref<128xi32, #tpu.memory_space<hbm>>) target(%arg6 : memref<128xi32, #tpu.memory_space<vmem>>) target_semaphore(%run_scoped3A : memref<!tpu.dma_semaphore, #tpu.memory_space<semaphore_mem>>)
        %dma_wait3A_143 = tpu.memref_slice %arg2[%add3A_81] : memref<331776xi32, #tpu.memory_space<hbm>> -> memref<128xi32, #tpu.memory_space<hbm>>
        %dma_wait3A_144 = tpu.memref_slice %arg2[%add3A_81] : memref<331776xi32, #tpu.memory_space<hbm>> -> memref<128xi32, #tpu.memory_space<hbm>>
        tpu.wait_dma2 semaphore(%run_scoped3A : memref<!tpu.dma_semaphore, #tpu.memory_space<semaphore_mem>>) src(%dma_wait3A_144 : memref<128xi32, #tpu.memory_space<hbm>>) dst(%arg6 : memref<128xi32, #tpu.memory_space<vmem>>)
        tpu.yield
      }) : () -> ()
      %dma_wait3A_82 = arith.constant 0 : i32
      %dma_wait3A_83 = arith.constant 0 : i32
      %dma_wait3A_84 = tpu.memref_slice %arg9[%dma_wait3A_82, %dma_wait3A_83] : memref<10112x1xf32, #tpu.memory_space<vmem_shared>> -> memref<10112x1xf32, #tpu.memory_space<vmem_shared>>
      tpu.wait_indirect_dma semaphore(%arg10 : memref<!tpu.dma_semaphore, #tpu.memory_space<semaphore_mem>>) src(%arg8 : memref<128x1xf32, #tpu.memory_space<vmem>>) dst(%dma_wait3A_84 : memref<10112x1xf32, #tpu.memory_space<vmem_shared>>)
      %dma_start3A_85 = arith.constant 0 : i32
      %dma_start3A_86 = arith.constant 0 : i32
      %dma_start3A_87 = tpu.memref_slice %arg9[%dma_start3A_85, %dma_start3A_86] : memref<10112x1xf32, #tpu.memory_space<vmem_shared>> -> memref<10112x1xf32, #tpu.memory_space<vmem_shared>>
      tpu.enqueue_indirect_dma source(%arg8 : memref<128x1xf32, #tpu.memory_space<vmem>>) target(%dma_start3A_87 : memref<10112x1xf32, #tpu.memory_space<vmem_shared>>) offsets(%arg6 : memref<128xi32, #tpu.memory_space<vmem>>) semaphore(%arg10 : memref<!tpu.dma_semaphore, #tpu.memory_space<semaphore_mem>>) {add = true}
      %add3A_88 = arith.constant 1152 : i32
      %add3A_89 = arith.addi %add3A_22, %add3A_88 : i32
      "tpu.region"() ({
        %run_scoped3A = tpu.sem_alloc : memref<!tpu.dma_semaphore, #tpu.memory_space<semaphore_mem>>
        %dma_start3A_141 = tpu.memref_slice %arg2[%add3A_89] : memref<331776xi32, #tpu.memory_space<hbm>> -> memref<128xi32, #tpu.memory_space<hbm>>
        %dma_start3A_142 = tpu.memref_slice %arg2[%add3A_89] : memref<331776xi32, #tpu.memory_space<hbm>> -> memref<128xi32, #tpu.memory_space<hbm>>
        tpu.enqueue_dma source(%dma_start3A_142 : memref<128xi32, #tpu.memory_space<hbm>>) target(%arg7 : memref<128xi32, #tpu.memory_space<vmem>>) target_semaphore(%run_scoped3A : memref<!tpu.dma_semaphore, #tpu.memory_space<semaphore_mem>>)
        %dma_wait3A_143 = tpu.memref_slice %arg2[%add3A_89] : memref<331776xi32, #tpu.memory_space<hbm>> -> memref<128xi32, #tpu.memory_space<hbm>>
        %dma_wait3A_144 = tpu.memref_slice %arg2[%add3A_89] : memref<331776xi32, #tpu.memory_space<hbm>> -> memref<128xi32, #tpu.memory_space<hbm>>
        tpu.wait_dma2 semaphore(%run_scoped3A : memref<!tpu.dma_semaphore, #tpu.memory_space<semaphore_mem>>) src(%dma_wait3A_144 : memref<128xi32, #tpu.memory_space<hbm>>) dst(%arg7 : memref<128xi32, #tpu.memory_space<vmem>>)
        tpu.yield
      }) : () -> ()
      %dma_wait3A_90 = arith.constant 0 : i32
      %dma_wait3A_91 = arith.constant 0 : i32
      %dma_wait3A_92 = tpu.memref_slice %arg9[%dma_wait3A_90, %dma_wait3A_91] : memref<10112x1xf32, #tpu.memory_space<vmem_shared>> -> memref<10112x1xf32, #tpu.memory_space<vmem_shared>>
      tpu.wait_indirect_dma semaphore(%arg10 : memref<!tpu.dma_semaphore, #tpu.memory_space<semaphore_mem>>) src(%arg8 : memref<128x1xf32, #tpu.memory_space<vmem>>) dst(%dma_wait3A_92 : memref<10112x1xf32, #tpu.memory_space<vmem_shared>>)
      %dma_start3A_93 = arith.constant 0 : i32
      %dma_start3A_94 = arith.constant 0 : i32
      %dma_start3A_95 = tpu.memref_slice %arg9[%dma_start3A_93, %dma_start3A_94] : memref<10112x1xf32, #tpu.memory_space<vmem_shared>> -> memref<10112x1xf32, #tpu.memory_space<vmem_shared>>
      tpu.enqueue_indirect_dma source(%arg8 : memref<128x1xf32, #tpu.memory_space<vmem>>) target(%dma_start3A_95 : memref<10112x1xf32, #tpu.memory_space<vmem_shared>>) offsets(%arg7 : memref<128xi32, #tpu.memory_space<vmem>>) semaphore(%arg10 : memref<!tpu.dma_semaphore, #tpu.memory_space<semaphore_mem>>) {add = true}
      %add3A_96 = arith.constant 1280 : i32
      %add3A_97 = arith.addi %add3A_22, %add3A_96 : i32
      "tpu.region"() ({
        %run_scoped3A = tpu.sem_alloc : memref<!tpu.dma_semaphore, #tpu.memory_space<semaphore_mem>>
        %dma_start3A_141 = tpu.memref_slice %arg2[%add3A_97] : memref<331776xi32, #tpu.memory_space<hbm>> -> memref<128xi32, #tpu.memory_space<hbm>>
        %dma_start3A_142 = tpu.memref_slice %arg2[%add3A_97] : memref<331776xi32, #tpu.memory_space<hbm>> -> memref<128xi32, #tpu.memory_space<hbm>>
        tpu.enqueue_dma source(%dma_start3A_142 : memref<128xi32, #tpu.memory_space<hbm>>) target(%arg6 : memref<128xi32, #tpu.memory_space<vmem>>) target_semaphore(%run_scoped3A : memref<!tpu.dma_semaphore, #tpu.memory_space<semaphore_mem>>)
        %dma_wait3A_143 = tpu.memref_slice %arg2[%add3A_97] : memref<331776xi32, #tpu.memory_space<hbm>> -> memref<128xi32, #tpu.memory_space<hbm>>
        %dma_wait3A_144 = tpu.memref_slice %arg2[%add3A_97] : memref<331776xi32, #tpu.memory_space<hbm>> -> memref<128xi32, #tpu.memory_space<hbm>>
        tpu.wait_dma2 semaphore(%run_scoped3A : memref<!tpu.dma_semaphore, #tpu.memory_space<semaphore_mem>>) src(%dma_wait3A_144 : memref<128xi32, #tpu.memory_space<hbm>>) dst(%arg6 : memref<128xi32, #tpu.memory_space<vmem>>)
        tpu.yield
      }) : () -> ()
      %dma_wait3A_98 = arith.constant 0 : i32
      %dma_wait3A_99 = arith.constant 0 : i32
      %dma_wait3A_100 = tpu.memref_slice %arg9[%dma_wait3A_98, %dma_wait3A_99] : memref<10112x1xf32, #tpu.memory_space<vmem_shared>> -> memref<10112x1xf32, #tpu.memory_space<vmem_shared>>
      tpu.wait_indirect_dma semaphore(%arg10 : memref<!tpu.dma_semaphore, #tpu.memory_space<semaphore_mem>>) src(%arg8 : memref<128x1xf32, #tpu.memory_space<vmem>>) dst(%dma_wait3A_100 : memref<10112x1xf32, #tpu.memory_space<vmem_shared>>)
      %dma_start3A_101 = arith.constant 0 : i32
      %dma_start3A_102 = arith.constant 0 : i32
      %dma_start3A_103 = tpu.memref_slice %arg9[%dma_start3A_101, %dma_start3A_102] : memref<10112x1xf32, #tpu.memory_space<vmem_shared>> -> memref<10112x1xf32, #tpu.memory_space<vmem_shared>>
      tpu.enqueue_indirect_dma source(%arg8 : memref<128x1xf32, #tpu.memory_space<vmem>>) target(%dma_start3A_103 : memref<10112x1xf32, #tpu.memory_space<vmem_shared>>) offsets(%arg6 : memref<128xi32, #tpu.memory_space<vmem>>) semaphore(%arg10 : memref<!tpu.dma_semaphore, #tpu.memory_space<semaphore_mem>>) {add = true}
      %add3A_104 = arith.constant 1408 : i32
      %add3A_105 = arith.addi %add3A_22, %add3A_104 : i32
      "tpu.region"() ({
        %run_scoped3A = tpu.sem_alloc : memref<!tpu.dma_semaphore, #tpu.memory_space<semaphore_mem>>
        %dma_start3A_141 = tpu.memref_slice %arg2[%add3A_105] : memref<331776xi32, #tpu.memory_space<hbm>> -> memref<128xi32, #tpu.memory_space<hbm>>
        %dma_start3A_142 = tpu.memref_slice %arg2[%add3A_105] : memref<331776xi32, #tpu.memory_space<hbm>> -> memref<128xi32, #tpu.memory_space<hbm>>
        tpu.enqueue_dma source(%dma_start3A_142 : memref<128xi32, #tpu.memory_space<hbm>>) target(%arg7 : memref<128xi32, #tpu.memory_space<vmem>>) target_semaphore(%run_scoped3A : memref<!tpu.dma_semaphore, #tpu.memory_space<semaphore_mem>>)
        %dma_wait3A_143 = tpu.memref_slice %arg2[%add3A_105] : memref<331776xi32, #tpu.memory_space<hbm>> -> memref<128xi32, #tpu.memory_space<hbm>>
        %dma_wait3A_144 = tpu.memref_slice %arg2[%add3A_105] : memref<331776xi32, #tpu.memory_space<hbm>> -> memref<128xi32, #tpu.memory_space<hbm>>
        tpu.wait_dma2 semaphore(%run_scoped3A : memref<!tpu.dma_semaphore, #tpu.memory_space<semaphore_mem>>) src(%dma_wait3A_144 : memref<128xi32, #tpu.memory_space<hbm>>) dst(%arg7 : memref<128xi32, #tpu.memory_space<vmem>>)
        tpu.yield
      }) : () -> ()
      %dma_wait3A_106 = arith.constant 0 : i32
      %dma_wait3A_107 = arith.constant 0 : i32
      %dma_wait3A_108 = tpu.memref_slice %arg9[%dma_wait3A_106, %dma_wait3A_107] : memref<10112x1xf32, #tpu.memory_space<vmem_shared>> -> memref<10112x1xf32, #tpu.memory_space<vmem_shared>>
      tpu.wait_indirect_dma semaphore(%arg10 : memref<!tpu.dma_semaphore, #tpu.memory_space<semaphore_mem>>) src(%arg8 : memref<128x1xf32, #tpu.memory_space<vmem>>) dst(%dma_wait3A_108 : memref<10112x1xf32, #tpu.memory_space<vmem_shared>>)
      %dma_start3A_109 = arith.constant 0 : i32
      %dma_start3A_110 = arith.constant 0 : i32
      %dma_start3A_111 = tpu.memref_slice %arg9[%dma_start3A_109, %dma_start3A_110] : memref<10112x1xf32, #tpu.memory_space<vmem_shared>> -> memref<10112x1xf32, #tpu.memory_space<vmem_shared>>
      tpu.enqueue_indirect_dma source(%arg8 : memref<128x1xf32, #tpu.memory_space<vmem>>) target(%dma_start3A_111 : memref<10112x1xf32, #tpu.memory_space<vmem_shared>>) offsets(%arg7 : memref<128xi32, #tpu.memory_space<vmem>>) semaphore(%arg10 : memref<!tpu.dma_semaphore, #tpu.memory_space<semaphore_mem>>) {add = true}
      %add3A_112 = arith.constant 1536 : i32
      %add3A_113 = arith.addi %add3A_22, %add3A_112 : i32
      "tpu.region"() ({
        %run_scoped3A = tpu.sem_alloc : memref<!tpu.dma_semaphore, #tpu.memory_space<semaphore_mem>>
        %dma_start3A_141 = tpu.memref_slice %arg2[%add3A_113] : memref<331776xi32, #tpu.memory_space<hbm>> -> memref<128xi32, #tpu.memory_space<hbm>>
        %dma_start3A_142 = tpu.memref_slice %arg2[%add3A_113] : memref<331776xi32, #tpu.memory_space<hbm>> -> memref<128xi32, #tpu.memory_space<hbm>>
        tpu.enqueue_dma source(%dma_start3A_142 : memref<128xi32, #tpu.memory_space<hbm>>) target(%arg6 : memref<128xi32, #tpu.memory_space<vmem>>) target_semaphore(%run_scoped3A : memref<!tpu.dma_semaphore, #tpu.memory_space<semaphore_mem>>)
        %dma_wait3A_143 = tpu.memref_slice %arg2[%add3A_113] : memref<331776xi32, #tpu.memory_space<hbm>> -> memref<128xi32, #tpu.memory_space<hbm>>
        %dma_wait3A_144 = tpu.memref_slice %arg2[%add3A_113] : memref<331776xi32, #tpu.memory_space<hbm>> -> memref<128xi32, #tpu.memory_space<hbm>>
        tpu.wait_dma2 semaphore(%run_scoped3A : memref<!tpu.dma_semaphore, #tpu.memory_space<semaphore_mem>>) src(%dma_wait3A_144 : memref<128xi32, #tpu.memory_space<hbm>>) dst(%arg6 : memref<128xi32, #tpu.memory_space<vmem>>)
        tpu.yield
      }) : () -> ()
      %dma_wait3A_114 = arith.constant 0 : i32
      %dma_wait3A_115 = arith.constant 0 : i32
      %dma_wait3A_116 = tpu.memref_slice %arg9[%dma_wait3A_114, %dma_wait3A_115] : memref<10112x1xf32, #tpu.memory_space<vmem_shared>> -> memref<10112x1xf32, #tpu.memory_space<vmem_shared>>
      tpu.wait_indirect_dma semaphore(%arg10 : memref<!tpu.dma_semaphore, #tpu.memory_space<semaphore_mem>>) src(%arg8 : memref<128x1xf32, #tpu.memory_space<vmem>>) dst(%dma_wait3A_116 : memref<10112x1xf32, #tpu.memory_space<vmem_shared>>)
      %dma_start3A_117 = arith.constant 0 : i32
      %dma_start3A_118 = arith.constant 0 : i32
      %dma_start3A_119 = tpu.memref_slice %arg9[%dma_start3A_117, %dma_start3A_118] : memref<10112x1xf32, #tpu.memory_space<vmem_shared>> -> memref<10112x1xf32, #tpu.memory_space<vmem_shared>>
      tpu.enqueue_indirect_dma source(%arg8 : memref<128x1xf32, #tpu.memory_space<vmem>>) target(%dma_start3A_119 : memref<10112x1xf32, #tpu.memory_space<vmem_shared>>) offsets(%arg6 : memref<128xi32, #tpu.memory_space<vmem>>) semaphore(%arg10 : memref<!tpu.dma_semaphore, #tpu.memory_space<semaphore_mem>>) {add = true}
      %add3A_120 = arith.constant 1664 : i32
      %add3A_121 = arith.addi %add3A_22, %add3A_120 : i32
      "tpu.region"() ({
        %run_scoped3A = tpu.sem_alloc : memref<!tpu.dma_semaphore, #tpu.memory_space<semaphore_mem>>
        %dma_start3A_141 = tpu.memref_slice %arg2[%add3A_121] : memref<331776xi32, #tpu.memory_space<hbm>> -> memref<128xi32, #tpu.memory_space<hbm>>
        %dma_start3A_142 = tpu.memref_slice %arg2[%add3A_121] : memref<331776xi32, #tpu.memory_space<hbm>> -> memref<128xi32, #tpu.memory_space<hbm>>
        tpu.enqueue_dma source(%dma_start3A_142 : memref<128xi32, #tpu.memory_space<hbm>>) target(%arg7 : memref<128xi32, #tpu.memory_space<vmem>>) target_semaphore(%run_scoped3A : memref<!tpu.dma_semaphore, #tpu.memory_space<semaphore_mem>>)
        %dma_wait3A_143 = tpu.memref_slice %arg2[%add3A_121] : memref<331776xi32, #tpu.memory_space<hbm>> -> memref<128xi32, #tpu.memory_space<hbm>>
        %dma_wait3A_144 = tpu.memref_slice %arg2[%add3A_121] : memref<331776xi32, #tpu.memory_space<hbm>> -> memref<128xi32, #tpu.memory_space<hbm>>
        tpu.wait_dma2 semaphore(%run_scoped3A : memref<!tpu.dma_semaphore, #tpu.memory_space<semaphore_mem>>) src(%dma_wait3A_144 : memref<128xi32, #tpu.memory_space<hbm>>) dst(%arg7 : memref<128xi32, #tpu.memory_space<vmem>>)
        tpu.yield
      }) : () -> ()
      %dma_wait3A_122 = arith.constant 0 : i32
      %dma_wait3A_123 = arith.constant 0 : i32
      %dma_wait3A_124 = tpu.memref_slice %arg9[%dma_wait3A_122, %dma_wait3A_123] : memref<10112x1xf32, #tpu.memory_space<vmem_shared>> -> memref<10112x1xf32, #tpu.memory_space<vmem_shared>>
      tpu.wait_indirect_dma semaphore(%arg10 : memref<!tpu.dma_semaphore, #tpu.memory_space<semaphore_mem>>) src(%arg8 : memref<128x1xf32, #tpu.memory_space<vmem>>) dst(%dma_wait3A_124 : memref<10112x1xf32, #tpu.memory_space<vmem_shared>>)
      %dma_start3A_125 = arith.constant 0 : i32
      %dma_start3A_126 = arith.constant 0 : i32
      %dma_start3A_127 = tpu.memref_slice %arg9[%dma_start3A_125, %dma_start3A_126] : memref<10112x1xf32, #tpu.memory_space<vmem_shared>> -> memref<10112x1xf32, #tpu.memory_space<vmem_shared>>
      tpu.enqueue_indirect_dma source(%arg8 : memref<128x1xf32, #tpu.memory_space<vmem>>) target(%dma_start3A_127 : memref<10112x1xf32, #tpu.memory_space<vmem_shared>>) offsets(%arg7 : memref<128xi32, #tpu.memory_space<vmem>>) semaphore(%arg10 : memref<!tpu.dma_semaphore, #tpu.memory_space<semaphore_mem>>) {add = true}
      %add3A_128 = arith.constant 1792 : i32
      %add3A_129 = arith.addi %add3A_22, %add3A_128 : i32
      "tpu.region"() ({
        %run_scoped3A = tpu.sem_alloc : memref<!tpu.dma_semaphore, #tpu.memory_space<semaphore_mem>>
        %dma_start3A_141 = tpu.memref_slice %arg2[%add3A_129] : memref<331776xi32, #tpu.memory_space<hbm>> -> memref<128xi32, #tpu.memory_space<hbm>>
        %dma_start3A_142 = tpu.memref_slice %arg2[%add3A_129] : memref<331776xi32, #tpu.memory_space<hbm>> -> memref<128xi32, #tpu.memory_space<hbm>>
        tpu.enqueue_dma source(%dma_start3A_142 : memref<128xi32, #tpu.memory_space<hbm>>) target(%arg6 : memref<128xi32, #tpu.memory_space<vmem>>) target_semaphore(%run_scoped3A : memref<!tpu.dma_semaphore, #tpu.memory_space<semaphore_mem>>)
        %dma_wait3A_143 = tpu.memref_slice %arg2[%add3A_129] : memref<331776xi32, #tpu.memory_space<hbm>> -> memref<128xi32, #tpu.memory_space<hbm>>
        %dma_wait3A_144 = tpu.memref_slice %arg2[%add3A_129] : memref<331776xi32, #tpu.memory_space<hbm>> -> memref<128xi32, #tpu.memory_space<hbm>>
        tpu.wait_dma2 semaphore(%run_scoped3A : memref<!tpu.dma_semaphore, #tpu.memory_space<semaphore_mem>>) src(%dma_wait3A_144 : memref<128xi32, #tpu.memory_space<hbm>>) dst(%arg6 : memref<128xi32, #tpu.memory_space<vmem>>)
        tpu.yield
      }) : () -> ()
      %dma_wait3A_130 = arith.constant 0 : i32
      %dma_wait3A_131 = arith.constant 0 : i32
      %dma_wait3A_132 = tpu.memref_slice %arg9[%dma_wait3A_130, %dma_wait3A_131] : memref<10112x1xf32, #tpu.memory_space<vmem_shared>> -> memref<10112x1xf32, #tpu.memory_space<vmem_shared>>
      tpu.wait_indirect_dma semaphore(%arg10 : memref<!tpu.dma_semaphore, #tpu.memory_space<semaphore_mem>>) src(%arg8 : memref<128x1xf32, #tpu.memory_space<vmem>>) dst(%dma_wait3A_132 : memref<10112x1xf32, #tpu.memory_space<vmem_shared>>)
      %dma_start3A_133 = arith.constant 0 : i32
      %dma_start3A_134 = arith.constant 0 : i32
      %dma_start3A_135 = tpu.memref_slice %arg9[%dma_start3A_133, %dma_start3A_134] : memref<10112x1xf32, #tpu.memory_space<vmem_shared>> -> memref<10112x1xf32, #tpu.memory_space<vmem_shared>>
      tpu.enqueue_indirect_dma source(%arg8 : memref<128x1xf32, #tpu.memory_space<vmem>>) target(%dma_start3A_135 : memref<10112x1xf32, #tpu.memory_space<vmem_shared>>) offsets(%arg6 : memref<128xi32, #tpu.memory_space<vmem>>) semaphore(%arg10 : memref<!tpu.dma_semaphore, #tpu.memory_space<semaphore_mem>>) {add = true}
      %add3A_136 = arith.constant 1920 : i32
      %add3A_137 = arith.addi %add3A_22, %add3A_136 : i32
      "tpu.region"() ({
        %run_scoped3A = tpu.sem_alloc : memref<!tpu.dma_semaphore, #tpu.memory_space<semaphore_mem>>
        %dma_start3A_141 = tpu.memref_slice %arg2[%add3A_137] : memref<331776xi32, #tpu.memory_space<hbm>> -> memref<128xi32, #tpu.memory_space<hbm>>
        %dma_start3A_142 = tpu.memref_slice %arg2[%add3A_137] : memref<331776xi32, #tpu.memory_space<hbm>> -> memref<128xi32, #tpu.memory_space<hbm>>
        tpu.enqueue_dma source(%dma_start3A_142 : memref<128xi32, #tpu.memory_space<hbm>>) target(%arg7 : memref<128xi32, #tpu.memory_space<vmem>>) target_semaphore(%run_scoped3A : memref<!tpu.dma_semaphore, #tpu.memory_space<semaphore_mem>>)
        %dma_wait3A_143 = tpu.memref_slice %arg2[%add3A_137] : memref<331776xi32, #tpu.memory_space<hbm>> -> memref<128xi32, #tpu.memory_space<hbm>>
        %dma_wait3A_144 = tpu.memref_slice %arg2[%add3A_137] : memref<331776xi32, #tpu.memory_space<hbm>> -> memref<128xi32, #tpu.memory_space<hbm>>
        tpu.wait_dma2 semaphore(%run_scoped3A : memref<!tpu.dma_semaphore, #tpu.memory_space<semaphore_mem>>) src(%dma_wait3A_144 : memref<128xi32, #tpu.memory_space<hbm>>) dst(%arg7 : memref<128xi32, #tpu.memory_space<vmem>>)
        tpu.yield
      }) : () -> ()
      %dma_wait3A_138 = arith.constant 0 : i32
      %dma_wait3A_139 = arith.constant 0 : i32
      %dma_wait3A_140 = tpu.memref_slice %arg9[%dma_wait3A_138, %dma_wait3A_139] : memref<10112x1xf32, #tpu.memory_space<vmem_shared>> -> memref<10112x1xf32, #tpu.memory_space<vmem_shared>>
      tpu.wait_indirect_dma semaphore(%arg10 : memref<!tpu.dma_semaphore, #tpu.memory_space<semaphore_mem>>) src(%arg8 : memref<128x1xf32, #tpu.memory_space<vmem>>) dst(%dma_wait3A_140 : memref<10112x1xf32, #tpu.memory_space<vmem_shared>>)
      "tpu.region"() ({
        %run_scoped3A = tpu.sem_alloc : memref<!tpu.dma_semaphore, #tpu.memory_space<semaphore_mem>>
        %dma_start3A_141 = arith.constant 0 : i32
        %dma_start3A_142 = arith.constant 0 : i32
        %dma_start3A_143 = tpu.memref_slice %arg9[%dma_start3A_141, %dma_start3A_142] : memref<10112x1xf32, #tpu.memory_space<vmem_shared>> -> memref<10112x1xf32, #tpu.memory_space<vmem_shared>>
        tpu.enqueue_indirect_dma source(%arg8 : memref<128x1xf32, #tpu.memory_space<vmem>>) target(%dma_start3A_143 : memref<10112x1xf32, #tpu.memory_space<vmem_shared>>) offsets(%arg7 : memref<128xi32, #tpu.memory_space<vmem>>) semaphore(%run_scoped3A : memref<!tpu.dma_semaphore, #tpu.memory_space<semaphore_mem>>) {add = true}
        %dma_wait3A_144 = arith.constant 0 : i32
        %dma_wait3A_145 = arith.constant 0 : i32
        %dma_wait3A_146 = tpu.memref_slice %arg9[%dma_wait3A_144, %dma_wait3A_145] : memref<10112x1xf32, #tpu.memory_space<vmem_shared>> -> memref<10112x1xf32, #tpu.memory_space<vmem_shared>>
        tpu.wait_indirect_dma semaphore(%run_scoped3A : memref<!tpu.dma_semaphore, #tpu.memory_space<semaphore_mem>>) src(%arg8 : memref<128x1xf32, #tpu.memory_space<vmem>>) dst(%dma_wait3A_146 : memref<10112x1xf32, #tpu.memory_space<vmem_shared>>)
        tpu.yield
      }) : () -> ()
    }
    %scan3A_9 = arith.constant 5 : i32
    %add3A_10 = arith.constant 10240 : i32
    %add3A_11 = arith.addi %mul3A_4, %add3A_10 : i32
    "tpu.region"() ({
      %run_scoped3A = tpu.sem_alloc : memref<!tpu.dma_semaphore, #tpu.memory_space<semaphore_mem>>
      %dma_start3A = tpu.memref_slice %arg2[%add3A_11] : memref<331776xi32, #tpu.memory_space<hbm>> -> memref<128xi32, #tpu.memory_space<hbm>>
      %dma_start3A_17 = tpu.memref_slice %arg2[%add3A_11] : memref<331776xi32, #tpu.memory_space<hbm>> -> memref<128xi32, #tpu.memory_space<hbm>>
      tpu.enqueue_dma source(%dma_start3A_17 : memref<128xi32, #tpu.memory_space<hbm>>) target(%arg6 : memref<128xi32, #tpu.memory_space<vmem>>) target_semaphore(%run_scoped3A : memref<!tpu.dma_semaphore, #tpu.memory_space<semaphore_mem>>)
      %dma_wait3A = tpu.memref_slice %arg2[%add3A_11] : memref<331776xi32, #tpu.memory_space<hbm>> -> memref<128xi32, #tpu.memory_space<hbm>>
      %dma_wait3A_18 = tpu.memref_slice %arg2[%add3A_11] : memref<331776xi32, #tpu.memory_space<hbm>> -> memref<128xi32, #tpu.memory_space<hbm>>
      tpu.wait_dma2 semaphore(%run_scoped3A : memref<!tpu.dma_semaphore, #tpu.memory_space<semaphore_mem>>) src(%dma_wait3A_18 : memref<128xi32, #tpu.memory_space<hbm>>) dst(%arg6 : memref<128xi32, #tpu.memory_space<vmem>>)
      tpu.yield
    }) : () -> ()
    "tpu.region"() ({
      %run_scoped3A = tpu.sem_alloc : memref<!tpu.dma_semaphore, #tpu.memory_space<semaphore_mem>>
      %dma_start3A = arith.constant 0 : i32
      %dma_start3A_17 = arith.constant 0 : i32
      %dma_start3A_18 = tpu.memref_slice %arg9[%dma_start3A, %dma_start3A_17] : memref<10112x1xf32, #tpu.memory_space<vmem_shared>> -> memref<10112x1xf32, #tpu.memory_space<vmem_shared>>
      tpu.enqueue_indirect_dma source(%arg8 : memref<128x1xf32, #tpu.memory_space<vmem>>) target(%dma_start3A_18 : memref<10112x1xf32, #tpu.memory_space<vmem_shared>>) offsets(%arg6 : memref<128xi32, #tpu.memory_space<vmem>>) semaphore(%run_scoped3A : memref<!tpu.dma_semaphore, #tpu.memory_space<semaphore_mem>>) {add = true}
      %dma_wait3A = arith.constant 0 : i32
      %dma_wait3A_19 = arith.constant 0 : i32
      %dma_wait3A_20 = tpu.memref_slice %arg9[%dma_wait3A, %dma_wait3A_19] : memref<10112x1xf32, #tpu.memory_space<vmem_shared>> -> memref<10112x1xf32, #tpu.memory_space<vmem_shared>>
      tpu.wait_indirect_dma semaphore(%run_scoped3A : memref<!tpu.dma_semaphore, #tpu.memory_space<semaphore_mem>>) src(%arg8 : memref<128x1xf32, #tpu.memory_space<vmem>>) dst(%dma_wait3A_20 : memref<10112x1xf32, #tpu.memory_space<vmem_shared>>)
      tpu.yield
    }) : () -> ()
    %barrier3A_12 = arith.constant 0 : index
    tpu.barrier barrier_id(%barrier3A_12)
    %mul3A_13 = arith.constant 632 : i32
    %mul3A_14 = arith.muli %arg1, %mul3A_13 : i32
    %mul3A_15 = arith.constant 632 : i32
    %mul3A_16 = arith.muli %arg1, %mul3A_15 : i32
    "tpu.region"() ({
      %run_scoped3A = tpu.sem_alloc : memref<!tpu.dma_semaphore, #tpu.memory_space<semaphore_mem>>
      %dma_start3A = arith.constant 0 : i32
      %dma_start3A_17 = tpu.memref_slice %arg5[%arg0, %mul3A_16, %dma_start3A] : memref<2x10112x1xf32, #tpu.memory_space<hbm>> -> memref<1x632x1xf32, #tpu.memory_space<hbm>>
      %dma_start3A_18 = tpu.memref_squeeze %dma_start3A_17 : memref<1x632x1xf32, #tpu.memory_space<hbm>> -> memref<632x1xf32, #tpu.memory_space<hbm>>
      %dma_start3A_19 = arith.constant 0 : i32
      %dma_start3A_20 = tpu.memref_slice %arg9[%mul3A_14, %dma_start3A_19] : memref<10112x1xf32, #tpu.memory_space<vmem_shared>> -> memref<632x1xf32, #tpu.memory_space<vmem_shared>>
      tpu.enqueue_dma source(%dma_start3A_20 : memref<632x1xf32, #tpu.memory_space<vmem_shared>>) target(%dma_start3A_18 : memref<632x1xf32, #tpu.memory_space<hbm>>) target_semaphore(%run_scoped3A : memref<!tpu.dma_semaphore, #tpu.memory_space<semaphore_mem>>)
      %dma_wait3A = arith.constant 0 : i32
      %dma_wait3A_21 = tpu.memref_slice %arg5[%arg0, %mul3A_16, %dma_wait3A] : memref<2x10112x1xf32, #tpu.memory_space<hbm>> -> memref<1x632x1xf32, #tpu.memory_space<hbm>>
      %dma_wait3A_22 = tpu.memref_squeeze %dma_wait3A_21 : memref<1x632x1xf32, #tpu.memory_space<hbm>> -> memref<632x1xf32, #tpu.memory_space<hbm>>
      %dma_wait3A_23 = arith.constant 0 : i32
      %dma_wait3A_24 = tpu.memref_slice %arg9[%mul3A_14, %dma_wait3A_23] : memref<10112x1xf32, #tpu.memory_space<vmem_shared>> -> memref<632x1xf32, #tpu.memory_space<vmem_shared>>
      tpu.wait_dma2 semaphore(%run_scoped3A : memref<!tpu.dma_semaphore, #tpu.memory_space<semaphore_mem>>) src(%dma_wait3A_24 : memref<632x1xf32, #tpu.memory_space<vmem_shared>>) dst(%dma_wait3A_22 : memref<632x1xf32, #tpu.memory_space<hbm>>)
      tpu.yield
    }) : () -> ()
    return
  }
}

#map = affine_map<(d0, d1) -> (0, 0)>
#map1 = affine_map<(d0, d1) -> (0)>
#map2 = affine_map<(d0, d1) -> (0, 0, 0)>
module attributes {stable_mosaic.version = 14 : i64} {
  func.func @_sc_agg(%arg0: i32, %arg1: i32, %arg2: memref<10000x128xf32, #tpu.memory_space<hbm>>, %arg3: memref<331776xi32, #tpu.memory_space<hbm>>, %arg4: memref<331776xi32, #tpu.memory_space<hbm>>, %arg5: memref<632x128xf32, #tpu.memory_space<hbm>>, %arg6: memref<2x10112x128xf32, #tpu.memory_space<hbm>>, %arg7: memref<128xi32, #tpu.memory_space<vmem>>, %arg8: memref<128xi32, #tpu.memory_space<vmem>>, %arg9: memref<128xi32, #tpu.memory_space<vmem>>, %arg10: memref<128xi32, #tpu.memory_space<vmem>>, %arg11: memref<128xi32, #tpu.memory_space<vmem>>, %arg12: memref<128xi32, #tpu.memory_space<vmem>>, %arg13: memref<128x128xf32, #tpu.memory_space<vmem>>, %arg14: memref<128x128xf32, #tpu.memory_space<vmem>>, %arg15: memref<128x128xf32, #tpu.memory_space<vmem>>, %arg16: memref<10112x128xf32, #tpu.memory_space<vmem_shared>>, %arg17: memref<!tpu.dma_semaphore, #tpu.memory_space<semaphore_mem>>, %arg18: memref<!tpu.dma_semaphore, #tpu.memory_space<semaphore_mem>>, %arg19: memref<!tpu.dma_semaphore, #tpu.memory_space<semaphore_mem>>) attributes {dimension_semantics = [#tpu.dimension_semantics<core_parallel>, #tpu.dimension_semantics<subcore_parallel>], iteration_bounds = array<i64: 2, 16>, scalar_prefetch = 0 : i64, scratch_operands = 13 : i64, tpu.core_type = #tpu.core_type<sc_vector_subcore>, window_params = [{transform_indices = #map}, {transform_indices = #map1}, {transform_indices = #map1}, {transform_indices = #map}, {transform_indices = #map2}]} {
    %mul3A = arith.constant 16 : i32
    %mul3A_0 = arith.muli %arg0, %mul3A : i32
    %add3A = arith.addi %mul3A_0, %arg1 : i32
    %mul3A_1 = arith.constant 632 : i32
    %mul3A_2 = arith.muli %arg1, %mul3A_1 : i32
    "tpu.region"() ({
      %run_scoped3A = tpu.sem_alloc : memref<!tpu.dma_semaphore, #tpu.memory_space<semaphore_mem>>
      %dma_start3A_21 = arith.constant 0 : i32
      %dma_start3A_22 = tpu.memref_slice %arg16[%mul3A_2, %dma_start3A_21] : memref<10112x128xf32, #tpu.memory_space<vmem_shared>> -> memref<632x128xf32, #tpu.memory_space<vmem_shared>>
      tpu.enqueue_dma source(%arg5 : memref<632x128xf32, #tpu.memory_space<hbm>>) target(%dma_start3A_22 : memref<632x128xf32, #tpu.memory_space<vmem_shared>>) target_semaphore(%run_scoped3A : memref<!tpu.dma_semaphore, #tpu.memory_space<semaphore_mem>>)
      %dma_wait3A_23 = arith.constant 0 : i32
      %dma_wait3A_24 = tpu.memref_slice %arg16[%mul3A_2, %dma_wait3A_23] : memref<10112x128xf32, #tpu.memory_space<vmem_shared>> -> memref<632x128xf32, #tpu.memory_space<vmem_shared>>
      tpu.wait_dma2 semaphore(%run_scoped3A : memref<!tpu.dma_semaphore, #tpu.memory_space<semaphore_mem>>) src(%arg5 : memref<632x128xf32, #tpu.memory_space<hbm>>) dst(%dma_wait3A_24 : memref<632x128xf32, #tpu.memory_space<vmem_shared>>)
      tpu.yield
    }) : () -> ()
    %barrier3A = arith.constant 0 : index
    tpu.barrier barrier_id(%barrier3A)
    %mul3A_3 = arith.constant 10368 : i32
    %mul3A_4 = arith.muli %add3A, %mul3A_3 : i32
    %scan3A = arith.constant 0 : i32
    %scan3A_5 = arith.constant 0 : i32
    %scan3A_6 = arith.constant 5 : i32
    %scan3A_7 = arith.addi %scan3A_5, %scan3A_6 : i32
    %scan3A_8 = arith.constant 1 : i32
    scf.for %scan3A_21 = %scan3A_5 to %scan3A_7 step %scan3A_8  : i32 {
      %mul3A_22 = arith.constant 16 : i32
      %mul3A_23 = arith.muli %scan3A_21, %mul3A_22 : i32
      %mul3A_24 = arith.constant 128 : i32
      %mul3A_25 = arith.muli %mul3A_23, %mul3A_24 : i32
      %add3A_26 = arith.addi %mul3A_4, %mul3A_25 : i32
      %add3A_27 = arith.constant 0 : i32
      %add3A_28 = arith.addi %add3A_26, %add3A_27 : i32
      "tpu.region"() ({
        %run_scoped3A = tpu.sem_alloc : memref<!tpu.dma_semaphore, #tpu.memory_space<semaphore_mem>>
        %dma_start3A_277 = tpu.memref_slice %arg3[%add3A_28] : memref<331776xi32, #tpu.memory_space<hbm>> -> memref<128xi32, #tpu.memory_space<hbm>>
        %dma_start3A_278 = tpu.memref_slice %arg3[%add3A_28] : memref<331776xi32, #tpu.memory_space<hbm>> -> memref<128xi32, #tpu.memory_space<hbm>>
        tpu.enqueue_dma source(%dma_start3A_278 : memref<128xi32, #tpu.memory_space<hbm>>) target(%arg7 : memref<128xi32, #tpu.memory_space<vmem>>) target_semaphore(%run_scoped3A : memref<!tpu.dma_semaphore, #tpu.memory_space<semaphore_mem>>)
        %dma_wait3A_279 = tpu.memref_slice %arg3[%add3A_28] : memref<331776xi32, #tpu.memory_space<hbm>> -> memref<128xi32, #tpu.memory_space<hbm>>
        %dma_wait3A_280 = tpu.memref_slice %arg3[%add3A_28] : memref<331776xi32, #tpu.memory_space<hbm>> -> memref<128xi32, #tpu.memory_space<hbm>>
        tpu.wait_dma2 semaphore(%run_scoped3A : memref<!tpu.dma_semaphore, #tpu.memory_space<semaphore_mem>>) src(%dma_wait3A_280 : memref<128xi32, #tpu.memory_space<hbm>>) dst(%arg7 : memref<128xi32, #tpu.memory_space<vmem>>)
        tpu.yield
      }) : () -> ()
      %add3A_29 = arith.constant 0 : i32
      %add3A_30 = arith.addi %add3A_26, %add3A_29 : i32
      "tpu.region"() ({
        %run_scoped3A = tpu.sem_alloc : memref<!tpu.dma_semaphore, #tpu.memory_space<semaphore_mem>>
        %dma_start3A_277 = tpu.memref_slice %arg4[%add3A_30] : memref<331776xi32, #tpu.memory_space<hbm>> -> memref<128xi32, #tpu.memory_space<hbm>>
        %dma_start3A_278 = tpu.memref_slice %arg4[%add3A_30] : memref<331776xi32, #tpu.memory_space<hbm>> -> memref<128xi32, #tpu.memory_space<hbm>>
        tpu.enqueue_dma source(%dma_start3A_278 : memref<128xi32, #tpu.memory_space<hbm>>) target(%arg10 : memref<128xi32, #tpu.memory_space<vmem>>) target_semaphore(%run_scoped3A : memref<!tpu.dma_semaphore, #tpu.memory_space<semaphore_mem>>)
        %dma_wait3A_279 = tpu.memref_slice %arg4[%add3A_30] : memref<331776xi32, #tpu.memory_space<hbm>> -> memref<128xi32, #tpu.memory_space<hbm>>
        %dma_wait3A_280 = tpu.memref_slice %arg4[%add3A_30] : memref<331776xi32, #tpu.memory_space<hbm>> -> memref<128xi32, #tpu.memory_space<hbm>>
        tpu.wait_dma2 semaphore(%run_scoped3A : memref<!tpu.dma_semaphore, #tpu.memory_space<semaphore_mem>>) src(%dma_wait3A_280 : memref<128xi32, #tpu.memory_space<hbm>>) dst(%arg10 : memref<128xi32, #tpu.memory_space<vmem>>)
        tpu.yield
      }) : () -> ()
      %dma_start3A_31 = arith.constant 0 : i32
      %dma_start3A_32 = arith.constant 0 : i32
      %dma_start3A_33 = tpu.memref_slice %arg2[%dma_start3A_31, %dma_start3A_32] : memref<10000x128xf32, #tpu.memory_space<hbm>> -> memref<10000x128xf32, #tpu.memory_space<hbm>>
      tpu.enqueue_indirect_dma source(%dma_start3A_33 : memref<10000x128xf32, #tpu.memory_space<hbm>>) target(%arg13 : memref<128x128xf32, #tpu.memory_space<vmem>>) offsets(%arg7 : memref<128xi32, #tpu.memory_space<vmem>>) semaphore(%arg17 : memref<!tpu.dma_semaphore, #tpu.memory_space<semaphore_mem>>)
      %add3A_34 = arith.constant 128 : i32
      %add3A_35 = arith.addi %add3A_26, %add3A_34 : i32
      "tpu.region"() ({
        %run_scoped3A = tpu.sem_alloc : memref<!tpu.dma_semaphore, #tpu.memory_space<semaphore_mem>>
        %dma_start3A_277 = tpu.memref_slice %arg3[%add3A_35] : memref<331776xi32, #tpu.memory_space<hbm>> -> memref<128xi32, #tpu.memory_space<hbm>>
        %dma_start3A_278 = tpu.memref_slice %arg3[%add3A_35] : memref<331776xi32, #tpu.memory_space<hbm>> -> memref<128xi32, #tpu.memory_space<hbm>>
        tpu.enqueue_dma source(%dma_start3A_278 : memref<128xi32, #tpu.memory_space<hbm>>) target(%arg8 : memref<128xi32, #tpu.memory_space<vmem>>) target_semaphore(%run_scoped3A : memref<!tpu.dma_semaphore, #tpu.memory_space<semaphore_mem>>)
        %dma_wait3A_279 = tpu.memref_slice %arg3[%add3A_35] : memref<331776xi32, #tpu.memory_space<hbm>> -> memref<128xi32, #tpu.memory_space<hbm>>
        %dma_wait3A_280 = tpu.memref_slice %arg3[%add3A_35] : memref<331776xi32, #tpu.memory_space<hbm>> -> memref<128xi32, #tpu.memory_space<hbm>>
        tpu.wait_dma2 semaphore(%run_scoped3A : memref<!tpu.dma_semaphore, #tpu.memory_space<semaphore_mem>>) src(%dma_wait3A_280 : memref<128xi32, #tpu.memory_space<hbm>>) dst(%arg8 : memref<128xi32, #tpu.memory_space<vmem>>)
        tpu.yield
      }) : () -> ()
      %add3A_36 = arith.constant 128 : i32
      %add3A_37 = arith.addi %add3A_26, %add3A_36 : i32
      "tpu.region"() ({
        %run_scoped3A = tpu.sem_alloc : memref<!tpu.dma_semaphore, #tpu.memory_space<semaphore_mem>>
        %dma_start3A_277 = tpu.memref_slice %arg4[%add3A_37] : memref<331776xi32, #tpu.memory_space<hbm>> -> memref<128xi32, #tpu.memory_space<hbm>>
        %dma_start3A_278 = tpu.memref_slice %arg4[%add3A_37] : memref<331776xi32, #tpu.memory_space<hbm>> -> memref<128xi32, #tpu.memory_space<hbm>>
        tpu.enqueue_dma source(%dma_start3A_278 : memref<128xi32, #tpu.memory_space<hbm>>) target(%arg11 : memref<128xi32, #tpu.memory_space<vmem>>) target_semaphore(%run_scoped3A : memref<!tpu.dma_semaphore, #tpu.memory_space<semaphore_mem>>)
        %dma_wait3A_279 = tpu.memref_slice %arg4[%add3A_37] : memref<331776xi32, #tpu.memory_space<hbm>> -> memref<128xi32, #tpu.memory_space<hbm>>
        %dma_wait3A_280 = tpu.memref_slice %arg4[%add3A_37] : memref<331776xi32, #tpu.memory_space<hbm>> -> memref<128xi32, #tpu.memory_space<hbm>>
        tpu.wait_dma2 semaphore(%run_scoped3A : memref<!tpu.dma_semaphore, #tpu.memory_space<semaphore_mem>>) src(%dma_wait3A_280 : memref<128xi32, #tpu.memory_space<hbm>>) dst(%arg11 : memref<128xi32, #tpu.memory_space<vmem>>)
        tpu.yield
      }) : () -> ()
      %dma_start3A_38 = arith.constant 0 : i32
      %dma_start3A_39 = arith.constant 0 : i32
      %dma_start3A_40 = tpu.memref_slice %arg2[%dma_start3A_38, %dma_start3A_39] : memref<10000x128xf32, #tpu.memory_space<hbm>> -> memref<10000x128xf32, #tpu.memory_space<hbm>>
      tpu.enqueue_indirect_dma source(%dma_start3A_40 : memref<10000x128xf32, #tpu.memory_space<hbm>>) target(%arg14 : memref<128x128xf32, #tpu.memory_space<vmem>>) offsets(%arg8 : memref<128xi32, #tpu.memory_space<vmem>>) semaphore(%arg18 : memref<!tpu.dma_semaphore, #tpu.memory_space<semaphore_mem>>)
      %add3A_41 = arith.constant 256 : i32
      %add3A_42 = arith.addi %add3A_26, %add3A_41 : i32
      "tpu.region"() ({
        %run_scoped3A = tpu.sem_alloc : memref<!tpu.dma_semaphore, #tpu.memory_space<semaphore_mem>>
        %dma_start3A_277 = tpu.memref_slice %arg3[%add3A_42] : memref<331776xi32, #tpu.memory_space<hbm>> -> memref<128xi32, #tpu.memory_space<hbm>>
        %dma_start3A_278 = tpu.memref_slice %arg3[%add3A_42] : memref<331776xi32, #tpu.memory_space<hbm>> -> memref<128xi32, #tpu.memory_space<hbm>>
        tpu.enqueue_dma source(%dma_start3A_278 : memref<128xi32, #tpu.memory_space<hbm>>) target(%arg9 : memref<128xi32, #tpu.memory_space<vmem>>) target_semaphore(%run_scoped3A : memref<!tpu.dma_semaphore, #tpu.memory_space<semaphore_mem>>)
        %dma_wait3A_279 = tpu.memref_slice %arg3[%add3A_42] : memref<331776xi32, #tpu.memory_space<hbm>> -> memref<128xi32, #tpu.memory_space<hbm>>
        %dma_wait3A_280 = tpu.memref_slice %arg3[%add3A_42] : memref<331776xi32, #tpu.memory_space<hbm>> -> memref<128xi32, #tpu.memory_space<hbm>>
        tpu.wait_dma2 semaphore(%run_scoped3A : memref<!tpu.dma_semaphore, #tpu.memory_space<semaphore_mem>>) src(%dma_wait3A_280 : memref<128xi32, #tpu.memory_space<hbm>>) dst(%arg9 : memref<128xi32, #tpu.memory_space<vmem>>)
        tpu.yield
      }) : () -> ()
      %dma_wait3A_43 = arith.constant 0 : i32
      %dma_wait3A_44 = arith.constant 0 : i32
      %dma_wait3A_45 = tpu.memref_slice %arg2[%dma_wait3A_43, %dma_wait3A_44] : memref<10000x128xf32, #tpu.memory_space<hbm>> -> memref<10000x128xf32, #tpu.memory_space<hbm>>
      tpu.wait_indirect_dma semaphore(%arg17 : memref<!tpu.dma_semaphore, #tpu.memory_space<semaphore_mem>>) src(%dma_wait3A_45 : memref<10000x128xf32, #tpu.memory_space<hbm>>) dst(%arg13 : memref<128x128xf32, #tpu.memory_space<vmem>>)
      %dma_start3A_46 = arith.constant 0 : i32
      %dma_start3A_47 = arith.constant 0 : i32
      %dma_start3A_48 = tpu.memref_slice %arg16[%dma_start3A_46, %dma_start3A_47] : memref<10112x128xf32, #tpu.memory_space<vmem_shared>> -> memref<10112x128xf32, #tpu.memory_space<vmem_shared>>
      tpu.enqueue_indirect_dma source(%arg13 : memref<128x128xf32, #tpu.memory_space<vmem>>) target(%dma_start3A_48 : memref<10112x128xf32, #tpu.memory_space<vmem_shared>>) offsets(%arg10 : memref<128xi32, #tpu.memory_space<vmem>>) semaphore(%arg19 : memref<!tpu.dma_semaphore, #tpu.memory_space<semaphore_mem>>) {add = true}
      %dma_start3A_49 = arith.constant 0 : i32
      %dma_start3A_50 = arith.constant 0 : i32
      %dma_start3A_51 = tpu.memref_slice %arg2[%dma_start3A_49, %dma_start3A_50] : memref<10000x128xf32, #tpu.memory_space<hbm>> -> memref<10000x128xf32, #tpu.memory_space<hbm>>
      tpu.enqueue_indirect_dma source(%dma_start3A_51 : memref<10000x128xf32, #tpu.memory_space<hbm>>) target(%arg15 : memref<128x128xf32, #tpu.memory_space<vmem>>) offsets(%arg9 : memref<128xi32, #tpu.memory_space<vmem>>) semaphore(%arg17 : memref<!tpu.dma_semaphore, #tpu.memory_space<semaphore_mem>>)
      %add3A_52 = arith.constant 384 : i32
      %add3A_53 = arith.addi %add3A_26, %add3A_52 : i32
      "tpu.region"() ({
        %run_scoped3A = tpu.sem_alloc : memref<!tpu.dma_semaphore, #tpu.memory_space<semaphore_mem>>
        %dma_start3A_277 = tpu.memref_slice %arg3[%add3A_53] : memref<331776xi32, #tpu.memory_space<hbm>> -> memref<128xi32, #tpu.memory_space<hbm>>
        %dma_start3A_278 = tpu.memref_slice %arg3[%add3A_53] : memref<331776xi32, #tpu.memory_space<hbm>> -> memref<128xi32, #tpu.memory_space<hbm>>
        tpu.enqueue_dma source(%dma_start3A_278 : memref<128xi32, #tpu.memory_space<hbm>>) target(%arg7 : memref<128xi32, #tpu.memory_space<vmem>>) target_semaphore(%run_scoped3A : memref<!tpu.dma_semaphore, #tpu.memory_space<semaphore_mem>>)
        %dma_wait3A_279 = tpu.memref_slice %arg3[%add3A_53] : memref<331776xi32, #tpu.memory_space<hbm>> -> memref<128xi32, #tpu.memory_space<hbm>>
        %dma_wait3A_280 = tpu.memref_slice %arg3[%add3A_53] : memref<331776xi32, #tpu.memory_space<hbm>> -> memref<128xi32, #tpu.memory_space<hbm>>
        tpu.wait_dma2 semaphore(%run_scoped3A : memref<!tpu.dma_semaphore, #tpu.memory_space<semaphore_mem>>) src(%dma_wait3A_280 : memref<128xi32, #tpu.memory_space<hbm>>) dst(%arg7 : memref<128xi32, #tpu.memory_space<vmem>>)
        tpu.yield
      }) : () -> ()
      %add3A_54 = arith.constant 256 : i32
      %add3A_55 = arith.addi %add3A_26, %add3A_54 : i32
      "tpu.region"() ({
        %run_scoped3A = tpu.sem_alloc : memref<!tpu.dma_semaphore, #tpu.memory_space<semaphore_mem>>
        %dma_start3A_277 = tpu.memref_slice %arg4[%add3A_55] : memref<331776xi32, #tpu.memory_space<hbm>> -> memref<128xi32, #tpu.memory_space<hbm>>
        %dma_start3A_278 = tpu.memref_slice %arg4[%add3A_55] : memref<331776xi32, #tpu.memory_space<hbm>> -> memref<128xi32, #tpu.memory_space<hbm>>
        tpu.enqueue_dma source(%dma_start3A_278 : memref<128xi32, #tpu.memory_space<hbm>>) target(%arg12 : memref<128xi32, #tpu.memory_space<vmem>>) target_semaphore(%run_scoped3A : memref<!tpu.dma_semaphore, #tpu.memory_space<semaphore_mem>>)
        %dma_wait3A_279 = tpu.memref_slice %arg4[%add3A_55] : memref<331776xi32, #tpu.memory_space<hbm>> -> memref<128xi32, #tpu.memory_space<hbm>>
        %dma_wait3A_280 = tpu.memref_slice %arg4[%add3A_55] : memref<331776xi32, #tpu.memory_space<hbm>> -> memref<128xi32, #tpu.memory_space<hbm>>
        tpu.wait_dma2 semaphore(%run_scoped3A : memref<!tpu.dma_semaphore, #tpu.memory_space<semaphore_mem>>) src(%dma_wait3A_280 : memref<128xi32, #tpu.memory_space<hbm>>) dst(%arg12 : memref<128xi32, #tpu.memory_space<vmem>>)
        tpu.yield
      }) : () -> ()
      %dma_wait3A_56 = arith.constant 0 : i32
      %dma_wait3A_57 = arith.constant 0 : i32
      %dma_wait3A_58 = tpu.memref_slice %arg16[%dma_wait3A_56, %dma_wait3A_57] : memref<10112x128xf32, #tpu.memory_space<vmem_shared>> -> memref<10112x128xf32, #tpu.memory_space<vmem_shared>>
      tpu.wait_indirect_dma semaphore(%arg19 : memref<!tpu.dma_semaphore, #tpu.memory_space<semaphore_mem>>) src(%arg13 : memref<128x128xf32, #tpu.memory_space<vmem>>) dst(%dma_wait3A_58 : memref<10112x128xf32, #tpu.memory_space<vmem_shared>>)
      %dma_wait3A_59 = arith.constant 0 : i32
      %dma_wait3A_60 = arith.constant 0 : i32
      %dma_wait3A_61 = tpu.memref_slice %arg2[%dma_wait3A_59, %dma_wait3A_60] : memref<10000x128xf32, #tpu.memory_space<hbm>> -> memref<10000x128xf32, #tpu.memory_space<hbm>>
      tpu.wait_indirect_dma semaphore(%arg18 : memref<!tpu.dma_semaphore, #tpu.memory_space<semaphore_mem>>) src(%dma_wait3A_61 : memref<10000x128xf32, #tpu.memory_space<hbm>>) dst(%arg14 : memref<128x128xf32, #tpu.memory_space<vmem>>)
      %dma_start3A_62 = arith.constant 0 : i32
      %dma_start3A_63 = arith.constant 0 : i32
      %dma_start3A_64 = tpu.memref_slice %arg16[%dma_start3A_62, %dma_start3A_63] : memref<10112x128xf32, #tpu.memory_space<vmem_shared>> -> memref<10112x128xf32, #tpu.memory_space<vmem_shared>>
      tpu.enqueue_indirect_dma source(%arg14 : memref<128x128xf32, #tpu.memory_space<vmem>>) target(%dma_start3A_64 : memref<10112x128xf32, #tpu.memory_space<vmem_shared>>) offsets(%arg11 : memref<128xi32, #tpu.memory_space<vmem>>) semaphore(%arg19 : memref<!tpu.dma_semaphore, #tpu.memory_space<semaphore_mem>>) {add = true}
      %dma_start3A_65 = arith.constant 0 : i32
      %dma_start3A_66 = arith.constant 0 : i32
      %dma_start3A_67 = tpu.memref_slice %arg2[%dma_start3A_65, %dma_start3A_66] : memref<10000x128xf32, #tpu.memory_space<hbm>> -> memref<10000x128xf32, #tpu.memory_space<hbm>>
      tpu.enqueue_indirect_dma source(%dma_start3A_67 : memref<10000x128xf32, #tpu.memory_space<hbm>>) target(%arg13 : memref<128x128xf32, #tpu.memory_space<vmem>>) offsets(%arg7 : memref<128xi32, #tpu.memory_space<vmem>>) semaphore(%arg18 : memref<!tpu.dma_semaphore, #tpu.memory_space<semaphore_mem>>)
      %add3A_68 = arith.constant 512 : i32
      %add3A_69 = arith.addi %add3A_26, %add3A_68 : i32
      "tpu.region"() ({
        %run_scoped3A = tpu.sem_alloc : memref<!tpu.dma_semaphore, #tpu.memory_space<semaphore_mem>>
        %dma_start3A_277 = tpu.memref_slice %arg3[%add3A_69] : memref<331776xi32, #tpu.memory_space<hbm>> -> memref<128xi32, #tpu.memory_space<hbm>>
        %dma_start3A_278 = tpu.memref_slice %arg3[%add3A_69] : memref<331776xi32, #tpu.memory_space<hbm>> -> memref<128xi32, #tpu.memory_space<hbm>>
        tpu.enqueue_dma source(%dma_start3A_278 : memref<128xi32, #tpu.memory_space<hbm>>) target(%arg8 : memref<128xi32, #tpu.memory_space<vmem>>) target_semaphore(%run_scoped3A : memref<!tpu.dma_semaphore, #tpu.memory_space<semaphore_mem>>)
        %dma_wait3A_279 = tpu.memref_slice %arg3[%add3A_69] : memref<331776xi32, #tpu.memory_space<hbm>> -> memref<128xi32, #tpu.memory_space<hbm>>
        %dma_wait3A_280 = tpu.memref_slice %arg3[%add3A_69] : memref<331776xi32, #tpu.memory_space<hbm>> -> memref<128xi32, #tpu.memory_space<hbm>>
        tpu.wait_dma2 semaphore(%run_scoped3A : memref<!tpu.dma_semaphore, #tpu.memory_space<semaphore_mem>>) src(%dma_wait3A_280 : memref<128xi32, #tpu.memory_space<hbm>>) dst(%arg8 : memref<128xi32, #tpu.memory_space<vmem>>)
        tpu.yield
      }) : () -> ()
      %add3A_70 = arith.constant 384 : i32
      %add3A_71 = arith.addi %add3A_26, %add3A_70 : i32
      "tpu.region"() ({
        %run_scoped3A = tpu.sem_alloc : memref<!tpu.dma_semaphore, #tpu.memory_space<semaphore_mem>>
        %dma_start3A_277 = tpu.memref_slice %arg4[%add3A_71] : memref<331776xi32, #tpu.memory_space<hbm>> -> memref<128xi32, #tpu.memory_space<hbm>>
        %dma_start3A_278 = tpu.memref_slice %arg4[%add3A_71] : memref<331776xi32, #tpu.memory_space<hbm>> -> memref<128xi32, #tpu.memory_space<hbm>>
        tpu.enqueue_dma source(%dma_start3A_278 : memref<128xi32, #tpu.memory_space<hbm>>) target(%arg10 : memref<128xi32, #tpu.memory_space<vmem>>) target_semaphore(%run_scoped3A : memref<!tpu.dma_semaphore, #tpu.memory_space<semaphore_mem>>)
        %dma_wait3A_279 = tpu.memref_slice %arg4[%add3A_71] : memref<331776xi32, #tpu.memory_space<hbm>> -> memref<128xi32, #tpu.memory_space<hbm>>
        %dma_wait3A_280 = tpu.memref_slice %arg4[%add3A_71] : memref<331776xi32, #tpu.memory_space<hbm>> -> memref<128xi32, #tpu.memory_space<hbm>>
        tpu.wait_dma2 semaphore(%run_scoped3A : memref<!tpu.dma_semaphore, #tpu.memory_space<semaphore_mem>>) src(%dma_wait3A_280 : memref<128xi32, #tpu.memory_space<hbm>>) dst(%arg10 : memref<128xi32, #tpu.memory_space<vmem>>)
        tpu.yield
      }) : () -> ()
      %dma_wait3A_72 = arith.constant 0 : i32
      %dma_wait3A_73 = arith.constant 0 : i32
      %dma_wait3A_74 = tpu.memref_slice %arg16[%dma_wait3A_72, %dma_wait3A_73] : memref<10112x128xf32, #tpu.memory_space<vmem_shared>> -> memref<10112x128xf32, #tpu.memory_space<vmem_shared>>
      tpu.wait_indirect_dma semaphore(%arg19 : memref<!tpu.dma_semaphore, #tpu.memory_space<semaphore_mem>>) src(%arg14 : memref<128x128xf32, #tpu.memory_space<vmem>>) dst(%dma_wait3A_74 : memref<10112x128xf32, #tpu.memory_space<vmem_shared>>)
      %dma_wait3A_75 = arith.constant 0 : i32
      %dma_wait3A_76 = arith.constant 0 : i32
      %dma_wait3A_77 = tpu.memref_slice %arg2[%dma_wait3A_75, %dma_wait3A_76] : memref<10000x128xf32, #tpu.memory_space<hbm>> -> memref<10000x128xf32, #tpu.memory_space<hbm>>
      tpu.wait_indirect_dma semaphore(%arg17 : memref<!tpu.dma_semaphore, #tpu.memory_space<semaphore_mem>>) src(%dma_wait3A_77 : memref<10000x128xf32, #tpu.memory_space<hbm>>) dst(%arg15 : memref<128x128xf32, #tpu.memory_space<vmem>>)
      %dma_start3A_78 = arith.constant 0 : i32
      %dma_start3A_79 = arith.constant 0 : i32
      %dma_start3A_80 = tpu.memref_slice %arg16[%dma_start3A_78, %dma_start3A_79] : memref<10112x128xf32, #tpu.memory_space<vmem_shared>> -> memref<10112x128xf32, #tpu.memory_space<vmem_shared>>
      tpu.enqueue_indirect_dma source(%arg15 : memref<128x128xf32, #tpu.memory_space<vmem>>) target(%dma_start3A_80 : memref<10112x128xf32, #tpu.memory_space<vmem_shared>>) offsets(%arg12 : memref<128xi32, #tpu.memory_space<vmem>>) semaphore(%arg19 : memref<!tpu.dma_semaphore, #tpu.memory_space<semaphore_mem>>) {add = true}
      %dma_start3A_81 = arith.constant 0 : i32
      %dma_start3A_82 = arith.constant 0 : i32
      %dma_start3A_83 = tpu.memref_slice %arg2[%dma_start3A_81, %dma_start3A_82] : memref<10000x128xf32, #tpu.memory_space<hbm>> -> memref<10000x128xf32, #tpu.memory_space<hbm>>
      tpu.enqueue_indirect_dma source(%dma_start3A_83 : memref<10000x128xf32, #tpu.memory_space<hbm>>) target(%arg14 : memref<128x128xf32, #tpu.memory_space<vmem>>) offsets(%arg8 : memref<128xi32, #tpu.memory_space<vmem>>) semaphore(%arg17 : memref<!tpu.dma_semaphore, #tpu.memory_space<semaphore_mem>>)
      %add3A_84 = arith.constant 640 : i32
      %add3A_85 = arith.addi %add3A_26, %add3A_84 : i32
      "tpu.region"() ({
        %run_scoped3A = tpu.sem_alloc : memref<!tpu.dma_semaphore, #tpu.memory_space<semaphore_mem>>
        %dma_start3A_277 = tpu.memref_slice %arg3[%add3A_85] : memref<331776xi32, #tpu.memory_space<hbm>> -> memref<128xi32, #tpu.memory_space<hbm>>
        %dma_start3A_278 = tpu.memref_slice %arg3[%add3A_85] : memref<331776xi32, #tpu.memory_space<hbm>> -> memref<128xi32, #tpu.memory_space<hbm>>
        tpu.enqueue_dma source(%dma_start3A_278 : memref<128xi32, #tpu.memory_space<hbm>>) target(%arg9 : memref<128xi32, #tpu.memory_space<vmem>>) target_semaphore(%run_scoped3A : memref<!tpu.dma_semaphore, #tpu.memory_space<semaphore_mem>>)
        %dma_wait3A_279 = tpu.memref_slice %arg3[%add3A_85] : memref<331776xi32, #tpu.memory_space<hbm>> -> memref<128xi32, #tpu.memory_space<hbm>>
        %dma_wait3A_280 = tpu.memref_slice %arg3[%add3A_85] : memref<331776xi32, #tpu.memory_space<hbm>> -> memref<128xi32, #tpu.memory_space<hbm>>
        tpu.wait_dma2 semaphore(%run_scoped3A : memref<!tpu.dma_semaphore, #tpu.memory_space<semaphore_mem>>) src(%dma_wait3A_280 : memref<128xi32, #tpu.memory_space<hbm>>) dst(%arg9 : memref<128xi32, #tpu.memory_space<vmem>>)
        tpu.yield
      }) : () -> ()
      %add3A_86 = arith.constant 512 : i32
      %add3A_87 = arith.addi %add3A_26, %add3A_86 : i32
      "tpu.region"() ({
        %run_scoped3A = tpu.sem_alloc : memref<!tpu.dma_semaphore, #tpu.memory_space<semaphore_mem>>
        %dma_start3A_277 = tpu.memref_slice %arg4[%add3A_87] : memref<331776xi32, #tpu.memory_space<hbm>> -> memref<128xi32, #tpu.memory_space<hbm>>
        %dma_start3A_278 = tpu.memref_slice %arg4[%add3A_87] : memref<331776xi32, #tpu.memory_space<hbm>> -> memref<128xi32, #tpu.memory_space<hbm>>
        tpu.enqueue_dma source(%dma_start3A_278 : memref<128xi32, #tpu.memory_space<hbm>>) target(%arg11 : memref<128xi32, #tpu.memory_space<vmem>>) target_semaphore(%run_scoped3A : memref<!tpu.dma_semaphore, #tpu.memory_space<semaphore_mem>>)
        %dma_wait3A_279 = tpu.memref_slice %arg4[%add3A_87] : memref<331776xi32, #tpu.memory_space<hbm>> -> memref<128xi32, #tpu.memory_space<hbm>>
        %dma_wait3A_280 = tpu.memref_slice %arg4[%add3A_87] : memref<331776xi32, #tpu.memory_space<hbm>> -> memref<128xi32, #tpu.memory_space<hbm>>
        tpu.wait_dma2 semaphore(%run_scoped3A : memref<!tpu.dma_semaphore, #tpu.memory_space<semaphore_mem>>) src(%dma_wait3A_280 : memref<128xi32, #tpu.memory_space<hbm>>) dst(%arg11 : memref<128xi32, #tpu.memory_space<vmem>>)
        tpu.yield
      }) : () -> ()
      %dma_wait3A_88 = arith.constant 0 : i32
      %dma_wait3A_89 = arith.constant 0 : i32
      %dma_wait3A_90 = tpu.memref_slice %arg16[%dma_wait3A_88, %dma_wait3A_89] : memref<10112x128xf32, #tpu.memory_space<vmem_shared>> -> memref<10112x128xf32, #tpu.memory_space<vmem_shared>>
      tpu.wait_indirect_dma semaphore(%arg19 : memref<!tpu.dma_semaphore, #tpu.memory_space<semaphore_mem>>) src(%arg15 : memref<128x128xf32, #tpu.memory_space<vmem>>) dst(%dma_wait3A_90 : memref<10112x128xf32, #tpu.memory_space<vmem_shared>>)
      %dma_wait3A_91 = arith.constant 0 : i32
      %dma_wait3A_92 = arith.constant 0 : i32
      %dma_wait3A_93 = tpu.memref_slice %arg2[%dma_wait3A_91, %dma_wait3A_92] : memref<10000x128xf32, #tpu.memory_space<hbm>> -> memref<10000x128xf32, #tpu.memory_space<hbm>>
      tpu.wait_indirect_dma semaphore(%arg18 : memref<!tpu.dma_semaphore, #tpu.memory_space<semaphore_mem>>) src(%dma_wait3A_93 : memref<10000x128xf32, #tpu.memory_space<hbm>>) dst(%arg13 : memref<128x128xf32, #tpu.memory_space<vmem>>)
      %dma_start3A_94 = arith.constant 0 : i32
      %dma_start3A_95 = arith.constant 0 : i32
      %dma_start3A_96 = tpu.memref_slice %arg16[%dma_start3A_94, %dma_start3A_95] : memref<10112x128xf32, #tpu.memory_space<vmem_shared>> -> memref<10112x128xf32, #tpu.memory_space<vmem_shared>>
      tpu.enqueue_indirect_dma source(%arg13 : memref<128x128xf32, #tpu.memory_space<vmem>>) target(%dma_start3A_96 : memref<10112x128xf32, #tpu.memory_space<vmem_shared>>) offsets(%arg10 : memref<128xi32, #tpu.memory_space<vmem>>) semaphore(%arg19 : memref<!tpu.dma_semaphore, #tpu.memory_space<semaphore_mem>>) {add = true}
      %dma_start3A_97 = arith.constant 0 : i32
      %dma_start3A_98 = arith.constant 0 : i32
      %dma_start3A_99 = tpu.memref_slice %arg2[%dma_start3A_97, %dma_start3A_98] : memref<10000x128xf32, #tpu.memory_space<hbm>> -> memref<10000x128xf32, #tpu.memory_space<hbm>>
      tpu.enqueue_indirect_dma source(%dma_start3A_99 : memref<10000x128xf32, #tpu.memory_space<hbm>>) target(%arg15 : memref<128x128xf32, #tpu.memory_space<vmem>>) offsets(%arg9 : memref<128xi32, #tpu.memory_space<vmem>>) semaphore(%arg18 : memref<!tpu.dma_semaphore, #tpu.memory_space<semaphore_mem>>)
      %add3A_100 = arith.constant 768 : i32
      %add3A_101 = arith.addi %add3A_26, %add3A_100 : i32
      "tpu.region"() ({
        %run_scoped3A = tpu.sem_alloc : memref<!tpu.dma_semaphore, #tpu.memory_space<semaphore_mem>>
        %dma_start3A_277 = tpu.memref_slice %arg3[%add3A_101] : memref<331776xi32, #tpu.memory_space<hbm>> -> memref<128xi32, #tpu.memory_space<hbm>>
        %dma_start3A_278 = tpu.memref_slice %arg3[%add3A_101] : memref<331776xi32, #tpu.memory_space<hbm>> -> memref<128xi32, #tpu.memory_space<hbm>>
        tpu.enqueue_dma source(%dma_start3A_278 : memref<128xi32, #tpu.memory_space<hbm>>) target(%arg7 : memref<128xi32, #tpu.memory_space<vmem>>) target_semaphore(%run_scoped3A : memref<!tpu.dma_semaphore, #tpu.memory_space<semaphore_mem>>)
        %dma_wait3A_279 = tpu.memref_slice %arg3[%add3A_101] : memref<331776xi32, #tpu.memory_space<hbm>> -> memref<128xi32, #tpu.memory_space<hbm>>
        %dma_wait3A_280 = tpu.memref_slice %arg3[%add3A_101] : memref<331776xi32, #tpu.memory_space<hbm>> -> memref<128xi32, #tpu.memory_space<hbm>>
        tpu.wait_dma2 semaphore(%run_scoped3A : memref<!tpu.dma_semaphore, #tpu.memory_space<semaphore_mem>>) src(%dma_wait3A_280 : memref<128xi32, #tpu.memory_space<hbm>>) dst(%arg7 : memref<128xi32, #tpu.memory_space<vmem>>)
        tpu.yield
      }) : () -> ()
      %add3A_102 = arith.constant 640 : i32
      %add3A_103 = arith.addi %add3A_26, %add3A_102 : i32
      "tpu.region"() ({
        %run_scoped3A = tpu.sem_alloc : memref<!tpu.dma_semaphore, #tpu.memory_space<semaphore_mem>>
        %dma_start3A_277 = tpu.memref_slice %arg4[%add3A_103] : memref<331776xi32, #tpu.memory_space<hbm>> -> memref<128xi32, #tpu.memory_space<hbm>>
        %dma_start3A_278 = tpu.memref_slice %arg4[%add3A_103] : memref<331776xi32, #tpu.memory_space<hbm>> -> memref<128xi32, #tpu.memory_space<hbm>>
        tpu.enqueue_dma source(%dma_start3A_278 : memref<128xi32, #tpu.memory_space<hbm>>) target(%arg12 : memref<128xi32, #tpu.memory_space<vmem>>) target_semaphore(%run_scoped3A : memref<!tpu.dma_semaphore, #tpu.memory_space<semaphore_mem>>)
        %dma_wait3A_279 = tpu.memref_slice %arg4[%add3A_103] : memref<331776xi32, #tpu.memory_space<hbm>> -> memref<128xi32, #tpu.memory_space<hbm>>
        %dma_wait3A_280 = tpu.memref_slice %arg4[%add3A_103] : memref<331776xi32, #tpu.memory_space<hbm>> -> memref<128xi32, #tpu.memory_space<hbm>>
        tpu.wait_dma2 semaphore(%run_scoped3A : memref<!tpu.dma_semaphore, #tpu.memory_space<semaphore_mem>>) src(%dma_wait3A_280 : memref<128xi32, #tpu.memory_space<hbm>>) dst(%arg12 : memref<128xi32, #tpu.memory_space<vmem>>)
        tpu.yield
      }) : () -> ()
      %dma_wait3A_104 = arith.constant 0 : i32
      %dma_wait3A_105 = arith.constant 0 : i32
      %dma_wait3A_106 = tpu.memref_slice %arg16[%dma_wait3A_104, %dma_wait3A_105] : memref<10112x128xf32, #tpu.memory_space<vmem_shared>> -> memref<10112x128xf32, #tpu.memory_space<vmem_shared>>
      tpu.wait_indirect_dma semaphore(%arg19 : memref<!tpu.dma_semaphore, #tpu.memory_space<semaphore_mem>>) src(%arg13 : memref<128x128xf32, #tpu.memory_space<vmem>>) dst(%dma_wait3A_106 : memref<10112x128xf32, #tpu.memory_space<vmem_shared>>)
      %dma_wait3A_107 = arith.constant 0 : i32
      %dma_wait3A_108 = arith.constant 0 : i32
      %dma_wait3A_109 = tpu.memref_slice %arg2[%dma_wait3A_107, %dma_wait3A_108] : memref<10000x128xf32, #tpu.memory_space<hbm>> -> memref<10000x128xf32, #tpu.memory_space<hbm>>
      tpu.wait_indirect_dma semaphore(%arg17 : memref<!tpu.dma_semaphore, #tpu.memory_space<semaphore_mem>>) src(%dma_wait3A_109 : memref<10000x128xf32, #tpu.memory_space<hbm>>) dst(%arg14 : memref<128x128xf32, #tpu.memory_space<vmem>>)
      %dma_start3A_110 = arith.constant 0 : i32
      %dma_start3A_111 = arith.constant 0 : i32
      %dma_start3A_112 = tpu.memref_slice %arg16[%dma_start3A_110, %dma_start3A_111] : memref<10112x128xf32, #tpu.memory_space<vmem_shared>> -> memref<10112x128xf32, #tpu.memory_space<vmem_shared>>
      tpu.enqueue_indirect_dma source(%arg14 : memref<128x128xf32, #tpu.memory_space<vmem>>) target(%dma_start3A_112 : memref<10112x128xf32, #tpu.memory_space<vmem_shared>>) offsets(%arg11 : memref<128xi32, #tpu.memory_space<vmem>>) semaphore(%arg19 : memref<!tpu.dma_semaphore, #tpu.memory_space<semaphore_mem>>) {add = true}
      %dma_start3A_113 = arith.constant 0 : i32
      %dma_start3A_114 = arith.constant 0 : i32
      %dma_start3A_115 = tpu.memref_slice %arg2[%dma_start3A_113, %dma_start3A_114] : memref<10000x128xf32, #tpu.memory_space<hbm>> -> memref<10000x128xf32, #tpu.memory_space<hbm>>
      tpu.enqueue_indirect_dma source(%dma_start3A_115 : memref<10000x128xf32, #tpu.memory_space<hbm>>) target(%arg13 : memref<128x128xf32, #tpu.memory_space<vmem>>) offsets(%arg7 : memref<128xi32, #tpu.memory_space<vmem>>) semaphore(%arg17 : memref<!tpu.dma_semaphore, #tpu.memory_space<semaphore_mem>>)
      %add3A_116 = arith.constant 896 : i32
      %add3A_117 = arith.addi %add3A_26, %add3A_116 : i32
      "tpu.region"() ({
        %run_scoped3A = tpu.sem_alloc : memref<!tpu.dma_semaphore, #tpu.memory_space<semaphore_mem>>
        %dma_start3A_277 = tpu.memref_slice %arg3[%add3A_117] : memref<331776xi32, #tpu.memory_space<hbm>> -> memref<128xi32, #tpu.memory_space<hbm>>
        %dma_start3A_278 = tpu.memref_slice %arg3[%add3A_117] : memref<331776xi32, #tpu.memory_space<hbm>> -> memref<128xi32, #tpu.memory_space<hbm>>
        tpu.enqueue_dma source(%dma_start3A_278 : memref<128xi32, #tpu.memory_space<hbm>>) target(%arg8 : memref<128xi32, #tpu.memory_space<vmem>>) target_semaphore(%run_scoped3A : memref<!tpu.dma_semaphore, #tpu.memory_space<semaphore_mem>>)
        %dma_wait3A_279 = tpu.memref_slice %arg3[%add3A_117] : memref<331776xi32, #tpu.memory_space<hbm>> -> memref<128xi32, #tpu.memory_space<hbm>>
        %dma_wait3A_280 = tpu.memref_slice %arg3[%add3A_117] : memref<331776xi32, #tpu.memory_space<hbm>> -> memref<128xi32, #tpu.memory_space<hbm>>
        tpu.wait_dma2 semaphore(%run_scoped3A : memref<!tpu.dma_semaphore, #tpu.memory_space<semaphore_mem>>) src(%dma_wait3A_280 : memref<128xi32, #tpu.memory_space<hbm>>) dst(%arg8 : memref<128xi32, #tpu.memory_space<vmem>>)
        tpu.yield
      }) : () -> ()
      %add3A_118 = arith.constant 768 : i32
      %add3A_119 = arith.addi %add3A_26, %add3A_118 : i32
      "tpu.region"() ({
        %run_scoped3A = tpu.sem_alloc : memref<!tpu.dma_semaphore, #tpu.memory_space<semaphore_mem>>
        %dma_start3A_277 = tpu.memref_slice %arg4[%add3A_119] : memref<331776xi32, #tpu.memory_space<hbm>> -> memref<128xi32, #tpu.memory_space<hbm>>
        %dma_start3A_278 = tpu.memref_slice %arg4[%add3A_119] : memref<331776xi32, #tpu.memory_space<hbm>> -> memref<128xi32, #tpu.memory_space<hbm>>
        tpu.enqueue_dma source(%dma_start3A_278 : memref<128xi32, #tpu.memory_space<hbm>>) target(%arg10 : memref<128xi32, #tpu.memory_space<vmem>>) target_semaphore(%run_scoped3A : memref<!tpu.dma_semaphore, #tpu.memory_space<semaphore_mem>>)
        %dma_wait3A_279 = tpu.memref_slice %arg4[%add3A_119] : memref<331776xi32, #tpu.memory_space<hbm>> -> memref<128xi32, #tpu.memory_space<hbm>>
        %dma_wait3A_280 = tpu.memref_slice %arg4[%add3A_119] : memref<331776xi32, #tpu.memory_space<hbm>> -> memref<128xi32, #tpu.memory_space<hbm>>
        tpu.wait_dma2 semaphore(%run_scoped3A : memref<!tpu.dma_semaphore, #tpu.memory_space<semaphore_mem>>) src(%dma_wait3A_280 : memref<128xi32, #tpu.memory_space<hbm>>) dst(%arg10 : memref<128xi32, #tpu.memory_space<vmem>>)
        tpu.yield
      }) : () -> ()
      %dma_wait3A_120 = arith.constant 0 : i32
      %dma_wait3A_121 = arith.constant 0 : i32
      %dma_wait3A_122 = tpu.memref_slice %arg16[%dma_wait3A_120, %dma_wait3A_121] : memref<10112x128xf32, #tpu.memory_space<vmem_shared>> -> memref<10112x128xf32, #tpu.memory_space<vmem_shared>>
      tpu.wait_indirect_dma semaphore(%arg19 : memref<!tpu.dma_semaphore, #tpu.memory_space<semaphore_mem>>) src(%arg14 : memref<128x128xf32, #tpu.memory_space<vmem>>) dst(%dma_wait3A_122 : memref<10112x128xf32, #tpu.memory_space<vmem_shared>>)
      %dma_wait3A_123 = arith.constant 0 : i32
      %dma_wait3A_124 = arith.constant 0 : i32
      %dma_wait3A_125 = tpu.memref_slice %arg2[%dma_wait3A_123, %dma_wait3A_124] : memref<10000x128xf32, #tpu.memory_space<hbm>> -> memref<10000x128xf32, #tpu.memory_space<hbm>>
      tpu.wait_indirect_dma semaphore(%arg18 : memref<!tpu.dma_semaphore, #tpu.memory_space<semaphore_mem>>) src(%dma_wait3A_125 : memref<10000x128xf32, #tpu.memory_space<hbm>>) dst(%arg15 : memref<128x128xf32, #tpu.memory_space<vmem>>)
      %dma_start3A_126 = arith.constant 0 : i32
      %dma_start3A_127 = arith.constant 0 : i32
      %dma_start3A_128 = tpu.memref_slice %arg16[%dma_start3A_126, %dma_start3A_127] : memref<10112x128xf32, #tpu.memory_space<vmem_shared>> -> memref<10112x128xf32, #tpu.memory_space<vmem_shared>>
      tpu.enqueue_indirect_dma source(%arg15 : memref<128x128xf32, #tpu.memory_space<vmem>>) target(%dma_start3A_128 : memref<10112x128xf32, #tpu.memory_space<vmem_shared>>) offsets(%arg12 : memref<128xi32, #tpu.memory_space<vmem>>) semaphore(%arg19 : memref<!tpu.dma_semaphore, #tpu.memory_space<semaphore_mem>>) {add = true}
      %dma_start3A_129 = arith.constant 0 : i32
      %dma_start3A_130 = arith.constant 0 : i32
      %dma_start3A_131 = tpu.memref_slice %arg2[%dma_start3A_129, %dma_start3A_130] : memref<10000x128xf32, #tpu.memory_space<hbm>> -> memref<10000x128xf32, #tpu.memory_space<hbm>>
      tpu.enqueue_indirect_dma source(%dma_start3A_131 : memref<10000x128xf32, #tpu.memory_space<hbm>>) target(%arg14 : memref<128x128xf32, #tpu.memory_space<vmem>>) offsets(%arg8 : memref<128xi32, #tpu.memory_space<vmem>>) semaphore(%arg18 : memref<!tpu.dma_semaphore, #tpu.memory_space<semaphore_mem>>)
      %add3A_132 = arith.constant 1024 : i32
      %add3A_133 = arith.addi %add3A_26, %add3A_132 : i32
      "tpu.region"() ({
        %run_scoped3A = tpu.sem_alloc : memref<!tpu.dma_semaphore, #tpu.memory_space<semaphore_mem>>
        %dma_start3A_277 = tpu.memref_slice %arg3[%add3A_133] : memref<331776xi32, #tpu.memory_space<hbm>> -> memref<128xi32, #tpu.memory_space<hbm>>
        %dma_start3A_278 = tpu.memref_slice %arg3[%add3A_133] : memref<331776xi32, #tpu.memory_space<hbm>> -> memref<128xi32, #tpu.memory_space<hbm>>
        tpu.enqueue_dma source(%dma_start3A_278 : memref<128xi32, #tpu.memory_space<hbm>>) target(%arg9 : memref<128xi32, #tpu.memory_space<vmem>>) target_semaphore(%run_scoped3A : memref<!tpu.dma_semaphore, #tpu.memory_space<semaphore_mem>>)
        %dma_wait3A_279 = tpu.memref_slice %arg3[%add3A_133] : memref<331776xi32, #tpu.memory_space<hbm>> -> memref<128xi32, #tpu.memory_space<hbm>>
        %dma_wait3A_280 = tpu.memref_slice %arg3[%add3A_133] : memref<331776xi32, #tpu.memory_space<hbm>> -> memref<128xi32, #tpu.memory_space<hbm>>
        tpu.wait_dma2 semaphore(%run_scoped3A : memref<!tpu.dma_semaphore, #tpu.memory_space<semaphore_mem>>) src(%dma_wait3A_280 : memref<128xi32, #tpu.memory_space<hbm>>) dst(%arg9 : memref<128xi32, #tpu.memory_space<vmem>>)
        tpu.yield
      }) : () -> ()
      %add3A_134 = arith.constant 896 : i32
      %add3A_135 = arith.addi %add3A_26, %add3A_134 : i32
      "tpu.region"() ({
        %run_scoped3A = tpu.sem_alloc : memref<!tpu.dma_semaphore, #tpu.memory_space<semaphore_mem>>
        %dma_start3A_277 = tpu.memref_slice %arg4[%add3A_135] : memref<331776xi32, #tpu.memory_space<hbm>> -> memref<128xi32, #tpu.memory_space<hbm>>
        %dma_start3A_278 = tpu.memref_slice %arg4[%add3A_135] : memref<331776xi32, #tpu.memory_space<hbm>> -> memref<128xi32, #tpu.memory_space<hbm>>
        tpu.enqueue_dma source(%dma_start3A_278 : memref<128xi32, #tpu.memory_space<hbm>>) target(%arg11 : memref<128xi32, #tpu.memory_space<vmem>>) target_semaphore(%run_scoped3A : memref<!tpu.dma_semaphore, #tpu.memory_space<semaphore_mem>>)
        %dma_wait3A_279 = tpu.memref_slice %arg4[%add3A_135] : memref<331776xi32, #tpu.memory_space<hbm>> -> memref<128xi32, #tpu.memory_space<hbm>>
        %dma_wait3A_280 = tpu.memref_slice %arg4[%add3A_135] : memref<331776xi32, #tpu.memory_space<hbm>> -> memref<128xi32, #tpu.memory_space<hbm>>
        tpu.wait_dma2 semaphore(%run_scoped3A : memref<!tpu.dma_semaphore, #tpu.memory_space<semaphore_mem>>) src(%dma_wait3A_280 : memref<128xi32, #tpu.memory_space<hbm>>) dst(%arg11 : memref<128xi32, #tpu.memory_space<vmem>>)
        tpu.yield
      }) : () -> ()
      %dma_wait3A_136 = arith.constant 0 : i32
      %dma_wait3A_137 = arith.constant 0 : i32
      %dma_wait3A_138 = tpu.memref_slice %arg16[%dma_wait3A_136, %dma_wait3A_137] : memref<10112x128xf32, #tpu.memory_space<vmem_shared>> -> memref<10112x128xf32, #tpu.memory_space<vmem_shared>>
      tpu.wait_indirect_dma semaphore(%arg19 : memref<!tpu.dma_semaphore, #tpu.memory_space<semaphore_mem>>) src(%arg15 : memref<128x128xf32, #tpu.memory_space<vmem>>) dst(%dma_wait3A_138 : memref<10112x128xf32, #tpu.memory_space<vmem_shared>>)
      %dma_wait3A_139 = arith.constant 0 : i32
      %dma_wait3A_140 = arith.constant 0 : i32
      %dma_wait3A_141 = tpu.memref_slice %arg2[%dma_wait3A_139, %dma_wait3A_140] : memref<10000x128xf32, #tpu.memory_space<hbm>> -> memref<10000x128xf32, #tpu.memory_space<hbm>>
      tpu.wait_indirect_dma semaphore(%arg17 : memref<!tpu.dma_semaphore, #tpu.memory_space<semaphore_mem>>) src(%dma_wait3A_141 : memref<10000x128xf32, #tpu.memory_space<hbm>>) dst(%arg13 : memref<128x128xf32, #tpu.memory_space<vmem>>)
      %dma_start3A_142 = arith.constant 0 : i32
      %dma_start3A_143 = arith.constant 0 : i32
      %dma_start3A_144 = tpu.memref_slice %arg16[%dma_start3A_142, %dma_start3A_143] : memref<10112x128xf32, #tpu.memory_space<vmem_shared>> -> memref<10112x128xf32, #tpu.memory_space<vmem_shared>>
      tpu.enqueue_indirect_dma source(%arg13 : memref<128x128xf32, #tpu.memory_space<vmem>>) target(%dma_start3A_144 : memref<10112x128xf32, #tpu.memory_space<vmem_shared>>) offsets(%arg10 : memref<128xi32, #tpu.memory_space<vmem>>) semaphore(%arg19 : memref<!tpu.dma_semaphore, #tpu.memory_space<semaphore_mem>>) {add = true}
      %dma_start3A_145 = arith.constant 0 : i32
      %dma_start3A_146 = arith.constant 0 : i32
      %dma_start3A_147 = tpu.memref_slice %arg2[%dma_start3A_145, %dma_start3A_146] : memref<10000x128xf32, #tpu.memory_space<hbm>> -> memref<10000x128xf32, #tpu.memory_space<hbm>>
      tpu.enqueue_indirect_dma source(%dma_start3A_147 : memref<10000x128xf32, #tpu.memory_space<hbm>>) target(%arg15 : memref<128x128xf32, #tpu.memory_space<vmem>>) offsets(%arg9 : memref<128xi32, #tpu.memory_space<vmem>>) semaphore(%arg17 : memref<!tpu.dma_semaphore, #tpu.memory_space<semaphore_mem>>)
      %add3A_148 = arith.constant 1152 : i32
      %add3A_149 = arith.addi %add3A_26, %add3A_148 : i32
      "tpu.region"() ({
        %run_scoped3A = tpu.sem_alloc : memref<!tpu.dma_semaphore, #tpu.memory_space<semaphore_mem>>
        %dma_start3A_277 = tpu.memref_slice %arg3[%add3A_149] : memref<331776xi32, #tpu.memory_space<hbm>> -> memref<128xi32, #tpu.memory_space<hbm>>
        %dma_start3A_278 = tpu.memref_slice %arg3[%add3A_149] : memref<331776xi32, #tpu.memory_space<hbm>> -> memref<128xi32, #tpu.memory_space<hbm>>
        tpu.enqueue_dma source(%dma_start3A_278 : memref<128xi32, #tpu.memory_space<hbm>>) target(%arg7 : memref<128xi32, #tpu.memory_space<vmem>>) target_semaphore(%run_scoped3A : memref<!tpu.dma_semaphore, #tpu.memory_space<semaphore_mem>>)
        %dma_wait3A_279 = tpu.memref_slice %arg3[%add3A_149] : memref<331776xi32, #tpu.memory_space<hbm>> -> memref<128xi32, #tpu.memory_space<hbm>>
        %dma_wait3A_280 = tpu.memref_slice %arg3[%add3A_149] : memref<331776xi32, #tpu.memory_space<hbm>> -> memref<128xi32, #tpu.memory_space<hbm>>
        tpu.wait_dma2 semaphore(%run_scoped3A : memref<!tpu.dma_semaphore, #tpu.memory_space<semaphore_mem>>) src(%dma_wait3A_280 : memref<128xi32, #tpu.memory_space<hbm>>) dst(%arg7 : memref<128xi32, #tpu.memory_space<vmem>>)
        tpu.yield
      }) : () -> ()
      %add3A_150 = arith.constant 1024 : i32
      %add3A_151 = arith.addi %add3A_26, %add3A_150 : i32
      "tpu.region"() ({
        %run_scoped3A = tpu.sem_alloc : memref<!tpu.dma_semaphore, #tpu.memory_space<semaphore_mem>>
        %dma_start3A_277 = tpu.memref_slice %arg4[%add3A_151] : memref<331776xi32, #tpu.memory_space<hbm>> -> memref<128xi32, #tpu.memory_space<hbm>>
        %dma_start3A_278 = tpu.memref_slice %arg4[%add3A_151] : memref<331776xi32, #tpu.memory_space<hbm>> -> memref<128xi32, #tpu.memory_space<hbm>>
        tpu.enqueue_dma source(%dma_start3A_278 : memref<128xi32, #tpu.memory_space<hbm>>) target(%arg12 : memref<128xi32, #tpu.memory_space<vmem>>) target_semaphore(%run_scoped3A : memref<!tpu.dma_semaphore, #tpu.memory_space<semaphore_mem>>)
        %dma_wait3A_279 = tpu.memref_slice %arg4[%add3A_151] : memref<331776xi32, #tpu.memory_space<hbm>> -> memref<128xi32, #tpu.memory_space<hbm>>
        %dma_wait3A_280 = tpu.memref_slice %arg4[%add3A_151] : memref<331776xi32, #tpu.memory_space<hbm>> -> memref<128xi32, #tpu.memory_space<hbm>>
        tpu.wait_dma2 semaphore(%run_scoped3A : memref<!tpu.dma_semaphore, #tpu.memory_space<semaphore_mem>>) src(%dma_wait3A_280 : memref<128xi32, #tpu.memory_space<hbm>>) dst(%arg12 : memref<128xi32, #tpu.memory_space<vmem>>)
        tpu.yield
      }) : () -> ()
      %dma_wait3A_152 = arith.constant 0 : i32
      %dma_wait3A_153 = arith.constant 0 : i32
      %dma_wait3A_154 = tpu.memref_slice %arg16[%dma_wait3A_152, %dma_wait3A_153] : memref<10112x128xf32, #tpu.memory_space<vmem_shared>> -> memref<10112x128xf32, #tpu.memory_space<vmem_shared>>
      tpu.wait_indirect_dma semaphore(%arg19 : memref<!tpu.dma_semaphore, #tpu.memory_space<semaphore_mem>>) src(%arg13 : memref<128x128xf32, #tpu.memory_space<vmem>>) dst(%dma_wait3A_154 : memref<10112x128xf32, #tpu.memory_space<vmem_shared>>)
      %dma_wait3A_155 = arith.constant 0 : i32
      %dma_wait3A_156 = arith.constant 0 : i32
      %dma_wait3A_157 = tpu.memref_slice %arg2[%dma_wait3A_155, %dma_wait3A_156] : memref<10000x128xf32, #tpu.memory_space<hbm>> -> memref<10000x128xf32, #tpu.memory_space<hbm>>
      tpu.wait_indirect_dma semaphore(%arg18 : memref<!tpu.dma_semaphore, #tpu.memory_space<semaphore_mem>>) src(%dma_wait3A_157 : memref<10000x128xf32, #tpu.memory_space<hbm>>) dst(%arg14 : memref<128x128xf32, #tpu.memory_space<vmem>>)
      %dma_start3A_158 = arith.constant 0 : i32
      %dma_start3A_159 = arith.constant 0 : i32
      %dma_start3A_160 = tpu.memref_slice %arg16[%dma_start3A_158, %dma_start3A_159] : memref<10112x128xf32, #tpu.memory_space<vmem_shared>> -> memref<10112x128xf32, #tpu.memory_space<vmem_shared>>
      tpu.enqueue_indirect_dma source(%arg14 : memref<128x128xf32, #tpu.memory_space<vmem>>) target(%dma_start3A_160 : memref<10112x128xf32, #tpu.memory_space<vmem_shared>>) offsets(%arg11 : memref<128xi32, #tpu.memory_space<vmem>>) semaphore(%arg19 : memref<!tpu.dma_semaphore, #tpu.memory_space<semaphore_mem>>) {add = true}
      %dma_start3A_161 = arith.constant 0 : i32
      %dma_start3A_162 = arith.constant 0 : i32
      %dma_start3A_163 = tpu.memref_slice %arg2[%dma_start3A_161, %dma_start3A_162] : memref<10000x128xf32, #tpu.memory_space<hbm>> -> memref<10000x128xf32, #tpu.memory_space<hbm>>
      tpu.enqueue_indirect_dma source(%dma_start3A_163 : memref<10000x128xf32, #tpu.memory_space<hbm>>) target(%arg13 : memref<128x128xf32, #tpu.memory_space<vmem>>) offsets(%arg7 : memref<128xi32, #tpu.memory_space<vmem>>) semaphore(%arg18 : memref<!tpu.dma_semaphore, #tpu.memory_space<semaphore_mem>>)
      %add3A_164 = arith.constant 1280 : i32
      %add3A_165 = arith.addi %add3A_26, %add3A_164 : i32
      "tpu.region"() ({
        %run_scoped3A = tpu.sem_alloc : memref<!tpu.dma_semaphore, #tpu.memory_space<semaphore_mem>>
        %dma_start3A_277 = tpu.memref_slice %arg3[%add3A_165] : memref<331776xi32, #tpu.memory_space<hbm>> -> memref<128xi32, #tpu.memory_space<hbm>>
        %dma_start3A_278 = tpu.memref_slice %arg3[%add3A_165] : memref<331776xi32, #tpu.memory_space<hbm>> -> memref<128xi32, #tpu.memory_space<hbm>>
        tpu.enqueue_dma source(%dma_start3A_278 : memref<128xi32, #tpu.memory_space<hbm>>) target(%arg8 : memref<128xi32, #tpu.memory_space<vmem>>) target_semaphore(%run_scoped3A : memref<!tpu.dma_semaphore, #tpu.memory_space<semaphore_mem>>)
        %dma_wait3A_279 = tpu.memref_slice %arg3[%add3A_165] : memref<331776xi32, #tpu.memory_space<hbm>> -> memref<128xi32, #tpu.memory_space<hbm>>
        %dma_wait3A_280 = tpu.memref_slice %arg3[%add3A_165] : memref<331776xi32, #tpu.memory_space<hbm>> -> memref<128xi32, #tpu.memory_space<hbm>>
        tpu.wait_dma2 semaphore(%run_scoped3A : memref<!tpu.dma_semaphore, #tpu.memory_space<semaphore_mem>>) src(%dma_wait3A_280 : memref<128xi32, #tpu.memory_space<hbm>>) dst(%arg8 : memref<128xi32, #tpu.memory_space<vmem>>)
        tpu.yield
      }) : () -> ()
      %add3A_166 = arith.constant 1152 : i32
      %add3A_167 = arith.addi %add3A_26, %add3A_166 : i32
      "tpu.region"() ({
        %run_scoped3A = tpu.sem_alloc : memref<!tpu.dma_semaphore, #tpu.memory_space<semaphore_mem>>
        %dma_start3A_277 = tpu.memref_slice %arg4[%add3A_167] : memref<331776xi32, #tpu.memory_space<hbm>> -> memref<128xi32, #tpu.memory_space<hbm>>
        %dma_start3A_278 = tpu.memref_slice %arg4[%add3A_167] : memref<331776xi32, #tpu.memory_space<hbm>> -> memref<128xi32, #tpu.memory_space<hbm>>
        tpu.enqueue_dma source(%dma_start3A_278 : memref<128xi32, #tpu.memory_space<hbm>>) target(%arg10 : memref<128xi32, #tpu.memory_space<vmem>>) target_semaphore(%run_scoped3A : memref<!tpu.dma_semaphore, #tpu.memory_space<semaphore_mem>>)
        %dma_wait3A_279 = tpu.memref_slice %arg4[%add3A_167] : memref<331776xi32, #tpu.memory_space<hbm>> -> memref<128xi32, #tpu.memory_space<hbm>>
        %dma_wait3A_280 = tpu.memref_slice %arg4[%add3A_167] : memref<331776xi32, #tpu.memory_space<hbm>> -> memref<128xi32, #tpu.memory_space<hbm>>
        tpu.wait_dma2 semaphore(%run_scoped3A : memref<!tpu.dma_semaphore, #tpu.memory_space<semaphore_mem>>) src(%dma_wait3A_280 : memref<128xi32, #tpu.memory_space<hbm>>) dst(%arg10 : memref<128xi32, #tpu.memory_space<vmem>>)
        tpu.yield
      }) : () -> ()
      %dma_wait3A_168 = arith.constant 0 : i32
      %dma_wait3A_169 = arith.constant 0 : i32
      %dma_wait3A_170 = tpu.memref_slice %arg16[%dma_wait3A_168, %dma_wait3A_169] : memref<10112x128xf32, #tpu.memory_space<vmem_shared>> -> memref<10112x128xf32, #tpu.memory_space<vmem_shared>>
      tpu.wait_indirect_dma semaphore(%arg19 : memref<!tpu.dma_semaphore, #tpu.memory_space<semaphore_mem>>) src(%arg14 : memref<128x128xf32, #tpu.memory_space<vmem>>) dst(%dma_wait3A_170 : memref<10112x128xf32, #tpu.memory_space<vmem_shared>>)
      %dma_wait3A_171 = arith.constant 0 : i32
      %dma_wait3A_172 = arith.constant 0 : i32
      %dma_wait3A_173 = tpu.memref_slice %arg2[%dma_wait3A_171, %dma_wait3A_172] : memref<10000x128xf32, #tpu.memory_space<hbm>> -> memref<10000x128xf32, #tpu.memory_space<hbm>>
      tpu.wait_indirect_dma semaphore(%arg17 : memref<!tpu.dma_semaphore, #tpu.memory_space<semaphore_mem>>) src(%dma_wait3A_173 : memref<10000x128xf32, #tpu.memory_space<hbm>>) dst(%arg15 : memref<128x128xf32, #tpu.memory_space<vmem>>)
      %dma_start3A_174 = arith.constant 0 : i32
      %dma_start3A_175 = arith.constant 0 : i32
      %dma_start3A_176 = tpu.memref_slice %arg16[%dma_start3A_174, %dma_start3A_175] : memref<10112x128xf32, #tpu.memory_space<vmem_shared>> -> memref<10112x128xf32, #tpu.memory_space<vmem_shared>>
      tpu.enqueue_indirect_dma source(%arg15 : memref<128x128xf32, #tpu.memory_space<vmem>>) target(%dma_start3A_176 : memref<10112x128xf32, #tpu.memory_space<vmem_shared>>) offsets(%arg12 : memref<128xi32, #tpu.memory_space<vmem>>) semaphore(%arg19 : memref<!tpu.dma_semaphore, #tpu.memory_space<semaphore_mem>>) {add = true}
      %dma_start3A_177 = arith.constant 0 : i32
      %dma_start3A_178 = arith.constant 0 : i32
      %dma_start3A_179 = tpu.memref_slice %arg2[%dma_start3A_177, %dma_start3A_178] : memref<10000x128xf32, #tpu.memory_space<hbm>> -> memref<10000x128xf32, #tpu.memory_space<hbm>>
      tpu.enqueue_indirect_dma source(%dma_start3A_179 : memref<10000x128xf32, #tpu.memory_space<hbm>>) target(%arg14 : memref<128x128xf32, #tpu.memory_space<vmem>>) offsets(%arg8 : memref<128xi32, #tpu.memory_space<vmem>>) semaphore(%arg17 : memref<!tpu.dma_semaphore, #tpu.memory_space<semaphore_mem>>)
      %add3A_180 = arith.constant 1408 : i32
      %add3A_181 = arith.addi %add3A_26, %add3A_180 : i32
      "tpu.region"() ({
        %run_scoped3A = tpu.sem_alloc : memref<!tpu.dma_semaphore, #tpu.memory_space<semaphore_mem>>
        %dma_start3A_277 = tpu.memref_slice %arg3[%add3A_181] : memref<331776xi32, #tpu.memory_space<hbm>> -> memref<128xi32, #tpu.memory_space<hbm>>
        %dma_start3A_278 = tpu.memref_slice %arg3[%add3A_181] : memref<331776xi32, #tpu.memory_space<hbm>> -> memref<128xi32, #tpu.memory_space<hbm>>
        tpu.enqueue_dma source(%dma_start3A_278 : memref<128xi32, #tpu.memory_space<hbm>>) target(%arg9 : memref<128xi32, #tpu.memory_space<vmem>>) target_semaphore(%run_scoped3A : memref<!tpu.dma_semaphore, #tpu.memory_space<semaphore_mem>>)
        %dma_wait3A_279 = tpu.memref_slice %arg3[%add3A_181] : memref<331776xi32, #tpu.memory_space<hbm>> -> memref<128xi32, #tpu.memory_space<hbm>>
        %dma_wait3A_280 = tpu.memref_slice %arg3[%add3A_181] : memref<331776xi32, #tpu.memory_space<hbm>> -> memref<128xi32, #tpu.memory_space<hbm>>
        tpu.wait_dma2 semaphore(%run_scoped3A : memref<!tpu.dma_semaphore, #tpu.memory_space<semaphore_mem>>) src(%dma_wait3A_280 : memref<128xi32, #tpu.memory_space<hbm>>) dst(%arg9 : memref<128xi32, #tpu.memory_space<vmem>>)
        tpu.yield
      }) : () -> ()
      %add3A_182 = arith.constant 1280 : i32
      %add3A_183 = arith.addi %add3A_26, %add3A_182 : i32
      "tpu.region"() ({
        %run_scoped3A = tpu.sem_alloc : memref<!tpu.dma_semaphore, #tpu.memory_space<semaphore_mem>>
        %dma_start3A_277 = tpu.memref_slice %arg4[%add3A_183] : memref<331776xi32, #tpu.memory_space<hbm>> -> memref<128xi32, #tpu.memory_space<hbm>>
        %dma_start3A_278 = tpu.memref_slice %arg4[%add3A_183] : memref<331776xi32, #tpu.memory_space<hbm>> -> memref<128xi32, #tpu.memory_space<hbm>>
        tpu.enqueue_dma source(%dma_start3A_278 : memref<128xi32, #tpu.memory_space<hbm>>) target(%arg11 : memref<128xi32, #tpu.memory_space<vmem>>) target_semaphore(%run_scoped3A : memref<!tpu.dma_semaphore, #tpu.memory_space<semaphore_mem>>)
        %dma_wait3A_279 = tpu.memref_slice %arg4[%add3A_183] : memref<331776xi32, #tpu.memory_space<hbm>> -> memref<128xi32, #tpu.memory_space<hbm>>
        %dma_wait3A_280 = tpu.memref_slice %arg4[%add3A_183] : memref<331776xi32, #tpu.memory_space<hbm>> -> memref<128xi32, #tpu.memory_space<hbm>>
        tpu.wait_dma2 semaphore(%run_scoped3A : memref<!tpu.dma_semaphore, #tpu.memory_space<semaphore_mem>>) src(%dma_wait3A_280 : memref<128xi32, #tpu.memory_space<hbm>>) dst(%arg11 : memref<128xi32, #tpu.memory_space<vmem>>)
        tpu.yield
      }) : () -> ()
      %dma_wait3A_184 = arith.constant 0 : i32
      %dma_wait3A_185 = arith.constant 0 : i32
      %dma_wait3A_186 = tpu.memref_slice %arg16[%dma_wait3A_184, %dma_wait3A_185] : memref<10112x128xf32, #tpu.memory_space<vmem_shared>> -> memref<10112x128xf32, #tpu.memory_space<vmem_shared>>
      tpu.wait_indirect_dma semaphore(%arg19 : memref<!tpu.dma_semaphore, #tpu.memory_space<semaphore_mem>>) src(%arg15 : memref<128x128xf32, #tpu.memory_space<vmem>>) dst(%dma_wait3A_186 : memref<10112x128xf32, #tpu.memory_space<vmem_shared>>)
      %dma_wait3A_187 = arith.constant 0 : i32
      %dma_wait3A_188 = arith.constant 0 : i32
      %dma_wait3A_189 = tpu.memref_slice %arg2[%dma_wait3A_187, %dma_wait3A_188] : memref<10000x128xf32, #tpu.memory_space<hbm>> -> memref<10000x128xf32, #tpu.memory_space<hbm>>
      tpu.wait_indirect_dma semaphore(%arg18 : memref<!tpu.dma_semaphore, #tpu.memory_space<semaphore_mem>>) src(%dma_wait3A_189 : memref<10000x128xf32, #tpu.memory_space<hbm>>) dst(%arg13 : memref<128x128xf32, #tpu.memory_space<vmem>>)
      %dma_start3A_190 = arith.constant 0 : i32
      %dma_start3A_191 = arith.constant 0 : i32
      %dma_start3A_192 = tpu.memref_slice %arg16[%dma_start3A_190, %dma_start3A_191] : memref<10112x128xf32, #tpu.memory_space<vmem_shared>> -> memref<10112x128xf32, #tpu.memory_space<vmem_shared>>
      tpu.enqueue_indirect_dma source(%arg13 : memref<128x128xf32, #tpu.memory_space<vmem>>) target(%dma_start3A_192 : memref<10112x128xf32, #tpu.memory_space<vmem_shared>>) offsets(%arg10 : memref<128xi32, #tpu.memory_space<vmem>>) semaphore(%arg19 : memref<!tpu.dma_semaphore, #tpu.memory_space<semaphore_mem>>) {add = true}
      %dma_start3A_193 = arith.constant 0 : i32
      %dma_start3A_194 = arith.constant 0 : i32
      %dma_start3A_195 = tpu.memref_slice %arg2[%dma_start3A_193, %dma_start3A_194] : memref<10000x128xf32, #tpu.memory_space<hbm>> -> memref<10000x128xf32, #tpu.memory_space<hbm>>
      tpu.enqueue_indirect_dma source(%dma_start3A_195 : memref<10000x128xf32, #tpu.memory_space<hbm>>) target(%arg15 : memref<128x128xf32, #tpu.memory_space<vmem>>) offsets(%arg9 : memref<128xi32, #tpu.memory_space<vmem>>) semaphore(%arg18 : memref<!tpu.dma_semaphore, #tpu.memory_space<semaphore_mem>>)
      %add3A_196 = arith.constant 1536 : i32
      %add3A_197 = arith.addi %add3A_26, %add3A_196 : i32
      "tpu.region"() ({
        %run_scoped3A = tpu.sem_alloc : memref<!tpu.dma_semaphore, #tpu.memory_space<semaphore_mem>>
        %dma_start3A_277 = tpu.memref_slice %arg3[%add3A_197] : memref<331776xi32, #tpu.memory_space<hbm>> -> memref<128xi32, #tpu.memory_space<hbm>>
        %dma_start3A_278 = tpu.memref_slice %arg3[%add3A_197] : memref<331776xi32, #tpu.memory_space<hbm>> -> memref<128xi32, #tpu.memory_space<hbm>>
        tpu.enqueue_dma source(%dma_start3A_278 : memref<128xi32, #tpu.memory_space<hbm>>) target(%arg7 : memref<128xi32, #tpu.memory_space<vmem>>) target_semaphore(%run_scoped3A : memref<!tpu.dma_semaphore, #tpu.memory_space<semaphore_mem>>)
        %dma_wait3A_279 = tpu.memref_slice %arg3[%add3A_197] : memref<331776xi32, #tpu.memory_space<hbm>> -> memref<128xi32, #tpu.memory_space<hbm>>
        %dma_wait3A_280 = tpu.memref_slice %arg3[%add3A_197] : memref<331776xi32, #tpu.memory_space<hbm>> -> memref<128xi32, #tpu.memory_space<hbm>>
        tpu.wait_dma2 semaphore(%run_scoped3A : memref<!tpu.dma_semaphore, #tpu.memory_space<semaphore_mem>>) src(%dma_wait3A_280 : memref<128xi32, #tpu.memory_space<hbm>>) dst(%arg7 : memref<128xi32, #tpu.memory_space<vmem>>)
        tpu.yield
      }) : () -> ()
      %add3A_198 = arith.constant 1408 : i32
      %add3A_199 = arith.addi %add3A_26, %add3A_198 : i32
      "tpu.region"() ({
        %run_scoped3A = tpu.sem_alloc : memref<!tpu.dma_semaphore, #tpu.memory_space<semaphore_mem>>
        %dma_start3A_277 = tpu.memref_slice %arg4[%add3A_199] : memref<331776xi32, #tpu.memory_space<hbm>> -> memref<128xi32, #tpu.memory_space<hbm>>
        %dma_start3A_278 = tpu.memref_slice %arg4[%add3A_199] : memref<331776xi32, #tpu.memory_space<hbm>> -> memref<128xi32, #tpu.memory_space<hbm>>
        tpu.enqueue_dma source(%dma_start3A_278 : memref<128xi32, #tpu.memory_space<hbm>>) target(%arg12 : memref<128xi32, #tpu.memory_space<vmem>>) target_semaphore(%run_scoped3A : memref<!tpu.dma_semaphore, #tpu.memory_space<semaphore_mem>>)
        %dma_wait3A_279 = tpu.memref_slice %arg4[%add3A_199] : memref<331776xi32, #tpu.memory_space<hbm>> -> memref<128xi32, #tpu.memory_space<hbm>>
        %dma_wait3A_280 = tpu.memref_slice %arg4[%add3A_199] : memref<331776xi32, #tpu.memory_space<hbm>> -> memref<128xi32, #tpu.memory_space<hbm>>
        tpu.wait_dma2 semaphore(%run_scoped3A : memref<!tpu.dma_semaphore, #tpu.memory_space<semaphore_mem>>) src(%dma_wait3A_280 : memref<128xi32, #tpu.memory_space<hbm>>) dst(%arg12 : memref<128xi32, #tpu.memory_space<vmem>>)
        tpu.yield
      }) : () -> ()
      %dma_wait3A_200 = arith.constant 0 : i32
      %dma_wait3A_201 = arith.constant 0 : i32
      %dma_wait3A_202 = tpu.memref_slice %arg16[%dma_wait3A_200, %dma_wait3A_201] : memref<10112x128xf32, #tpu.memory_space<vmem_shared>> -> memref<10112x128xf32, #tpu.memory_space<vmem_shared>>
      tpu.wait_indirect_dma semaphore(%arg19 : memref<!tpu.dma_semaphore, #tpu.memory_space<semaphore_mem>>) src(%arg13 : memref<128x128xf32, #tpu.memory_space<vmem>>) dst(%dma_wait3A_202 : memref<10112x128xf32, #tpu.memory_space<vmem_shared>>)
      %dma_wait3A_203 = arith.constant 0 : i32
      %dma_wait3A_204 = arith.constant 0 : i32
      %dma_wait3A_205 = tpu.memref_slice %arg2[%dma_wait3A_203, %dma_wait3A_204] : memref<10000x128xf32, #tpu.memory_space<hbm>> -> memref<10000x128xf32, #tpu.memory_space<hbm>>
      tpu.wait_indirect_dma semaphore(%arg17 : memref<!tpu.dma_semaphore, #tpu.memory_space<semaphore_mem>>) src(%dma_wait3A_205 : memref<10000x128xf32, #tpu.memory_space<hbm>>) dst(%arg14 : memref<128x128xf32, #tpu.memory_space<vmem>>)
      %dma_start3A_206 = arith.constant 0 : i32
      %dma_start3A_207 = arith.constant 0 : i32
      %dma_start3A_208 = tpu.memref_slice %arg16[%dma_start3A_206, %dma_start3A_207] : memref<10112x128xf32, #tpu.memory_space<vmem_shared>> -> memref<10112x128xf32, #tpu.memory_space<vmem_shared>>
      tpu.enqueue_indirect_dma source(%arg14 : memref<128x128xf32, #tpu.memory_space<vmem>>) target(%dma_start3A_208 : memref<10112x128xf32, #tpu.memory_space<vmem_shared>>) offsets(%arg11 : memref<128xi32, #tpu.memory_space<vmem>>) semaphore(%arg19 : memref<!tpu.dma_semaphore, #tpu.memory_space<semaphore_mem>>) {add = true}
      %dma_start3A_209 = arith.constant 0 : i32
      %dma_start3A_210 = arith.constant 0 : i32
      %dma_start3A_211 = tpu.memref_slice %arg2[%dma_start3A_209, %dma_start3A_210] : memref<10000x128xf32, #tpu.memory_space<hbm>> -> memref<10000x128xf32, #tpu.memory_space<hbm>>
      tpu.enqueue_indirect_dma source(%dma_start3A_211 : memref<10000x128xf32, #tpu.memory_space<hbm>>) target(%arg13 : memref<128x128xf32, #tpu.memory_space<vmem>>) offsets(%arg7 : memref<128xi32, #tpu.memory_space<vmem>>) semaphore(%arg17 : memref<!tpu.dma_semaphore, #tpu.memory_space<semaphore_mem>>)
      %add3A_212 = arith.constant 1664 : i32
      %add3A_213 = arith.addi %add3A_26, %add3A_212 : i32
      "tpu.region"() ({
        %run_scoped3A = tpu.sem_alloc : memref<!tpu.dma_semaphore, #tpu.memory_space<semaphore_mem>>
        %dma_start3A_277 = tpu.memref_slice %arg3[%add3A_213] : memref<331776xi32, #tpu.memory_space<hbm>> -> memref<128xi32, #tpu.memory_space<hbm>>
        %dma_start3A_278 = tpu.memref_slice %arg3[%add3A_213] : memref<331776xi32, #tpu.memory_space<hbm>> -> memref<128xi32, #tpu.memory_space<hbm>>
        tpu.enqueue_dma source(%dma_start3A_278 : memref<128xi32, #tpu.memory_space<hbm>>) target(%arg8 : memref<128xi32, #tpu.memory_space<vmem>>) target_semaphore(%run_scoped3A : memref<!tpu.dma_semaphore, #tpu.memory_space<semaphore_mem>>)
        %dma_wait3A_279 = tpu.memref_slice %arg3[%add3A_213] : memref<331776xi32, #tpu.memory_space<hbm>> -> memref<128xi32, #tpu.memory_space<hbm>>
        %dma_wait3A_280 = tpu.memref_slice %arg3[%add3A_213] : memref<331776xi32, #tpu.memory_space<hbm>> -> memref<128xi32, #tpu.memory_space<hbm>>
        tpu.wait_dma2 semaphore(%run_scoped3A : memref<!tpu.dma_semaphore, #tpu.memory_space<semaphore_mem>>) src(%dma_wait3A_280 : memref<128xi32, #tpu.memory_space<hbm>>) dst(%arg8 : memref<128xi32, #tpu.memory_space<vmem>>)
        tpu.yield
      }) : () -> ()
      %add3A_214 = arith.constant 1536 : i32
      %add3A_215 = arith.addi %add3A_26, %add3A_214 : i32
      "tpu.region"() ({
        %run_scoped3A = tpu.sem_alloc : memref<!tpu.dma_semaphore, #tpu.memory_space<semaphore_mem>>
        %dma_start3A_277 = tpu.memref_slice %arg4[%add3A_215] : memref<331776xi32, #tpu.memory_space<hbm>> -> memref<128xi32, #tpu.memory_space<hbm>>
        %dma_start3A_278 = tpu.memref_slice %arg4[%add3A_215] : memref<331776xi32, #tpu.memory_space<hbm>> -> memref<128xi32, #tpu.memory_space<hbm>>
        tpu.enqueue_dma source(%dma_start3A_278 : memref<128xi32, #tpu.memory_space<hbm>>) target(%arg10 : memref<128xi32, #tpu.memory_space<vmem>>) target_semaphore(%run_scoped3A : memref<!tpu.dma_semaphore, #tpu.memory_space<semaphore_mem>>)
        %dma_wait3A_279 = tpu.memref_slice %arg4[%add3A_215] : memref<331776xi32, #tpu.memory_space<hbm>> -> memref<128xi32, #tpu.memory_space<hbm>>
        %dma_wait3A_280 = tpu.memref_slice %arg4[%add3A_215] : memref<331776xi32, #tpu.memory_space<hbm>> -> memref<128xi32, #tpu.memory_space<hbm>>
        tpu.wait_dma2 semaphore(%run_scoped3A : memref<!tpu.dma_semaphore, #tpu.memory_space<semaphore_mem>>) src(%dma_wait3A_280 : memref<128xi32, #tpu.memory_space<hbm>>) dst(%arg10 : memref<128xi32, #tpu.memory_space<vmem>>)
        tpu.yield
      }) : () -> ()
      %dma_wait3A_216 = arith.constant 0 : i32
      %dma_wait3A_217 = arith.constant 0 : i32
      %dma_wait3A_218 = tpu.memref_slice %arg16[%dma_wait3A_216, %dma_wait3A_217] : memref<10112x128xf32, #tpu.memory_space<vmem_shared>> -> memref<10112x128xf32, #tpu.memory_space<vmem_shared>>
      tpu.wait_indirect_dma semaphore(%arg19 : memref<!tpu.dma_semaphore, #tpu.memory_space<semaphore_mem>>) src(%arg14 : memref<128x128xf32, #tpu.memory_space<vmem>>) dst(%dma_wait3A_218 : memref<10112x128xf32, #tpu.memory_space<vmem_shared>>)
      %dma_wait3A_219 = arith.constant 0 : i32
      %dma_wait3A_220 = arith.constant 0 : i32
      %dma_wait3A_221 = tpu.memref_slice %arg2[%dma_wait3A_219, %dma_wait3A_220] : memref<10000x128xf32, #tpu.memory_space<hbm>> -> memref<10000x128xf32, #tpu.memory_space<hbm>>
      tpu.wait_indirect_dma semaphore(%arg18 : memref<!tpu.dma_semaphore, #tpu.memory_space<semaphore_mem>>) src(%dma_wait3A_221 : memref<10000x128xf32, #tpu.memory_space<hbm>>) dst(%arg15 : memref<128x128xf32, #tpu.memory_space<vmem>>)
      %dma_start3A_222 = arith.constant 0 : i32
      %dma_start3A_223 = arith.constant 0 : i32
      %dma_start3A_224 = tpu.memref_slice %arg16[%dma_start3A_222, %dma_start3A_223] : memref<10112x128xf32, #tpu.memory_space<vmem_shared>> -> memref<10112x128xf32, #tpu.memory_space<vmem_shared>>
      tpu.enqueue_indirect_dma source(%arg15 : memref<128x128xf32, #tpu.memory_space<vmem>>) target(%dma_start3A_224 : memref<10112x128xf32, #tpu.memory_space<vmem_shared>>) offsets(%arg12 : memref<128xi32, #tpu.memory_space<vmem>>) semaphore(%arg19 : memref<!tpu.dma_semaphore, #tpu.memory_space<semaphore_mem>>) {add = true}
      %dma_start3A_225 = arith.constant 0 : i32
      %dma_start3A_226 = arith.constant 0 : i32
      %dma_start3A_227 = tpu.memref_slice %arg2[%dma_start3A_225, %dma_start3A_226] : memref<10000x128xf32, #tpu.memory_space<hbm>> -> memref<10000x128xf32, #tpu.memory_space<hbm>>
      tpu.enqueue_indirect_dma source(%dma_start3A_227 : memref<10000x128xf32, #tpu.memory_space<hbm>>) target(%arg14 : memref<128x128xf32, #tpu.memory_space<vmem>>) offsets(%arg8 : memref<128xi32, #tpu.memory_space<vmem>>) semaphore(%arg18 : memref<!tpu.dma_semaphore, #tpu.memory_space<semaphore_mem>>)
      %add3A_228 = arith.constant 1792 : i32
      %add3A_229 = arith.addi %add3A_26, %add3A_228 : i32
      "tpu.region"() ({
        %run_scoped3A = tpu.sem_alloc : memref<!tpu.dma_semaphore, #tpu.memory_space<semaphore_mem>>
        %dma_start3A_277 = tpu.memref_slice %arg3[%add3A_229] : memref<331776xi32, #tpu.memory_space<hbm>> -> memref<128xi32, #tpu.memory_space<hbm>>
        %dma_start3A_278 = tpu.memref_slice %arg3[%add3A_229] : memref<331776xi32, #tpu.memory_space<hbm>> -> memref<128xi32, #tpu.memory_space<hbm>>
        tpu.enqueue_dma source(%dma_start3A_278 : memref<128xi32, #tpu.memory_space<hbm>>) target(%arg9 : memref<128xi32, #tpu.memory_space<vmem>>) target_semaphore(%run_scoped3A : memref<!tpu.dma_semaphore, #tpu.memory_space<semaphore_mem>>)
        %dma_wait3A_279 = tpu.memref_slice %arg3[%add3A_229] : memref<331776xi32, #tpu.memory_space<hbm>> -> memref<128xi32, #tpu.memory_space<hbm>>
        %dma_wait3A_280 = tpu.memref_slice %arg3[%add3A_229] : memref<331776xi32, #tpu.memory_space<hbm>> -> memref<128xi32, #tpu.memory_space<hbm>>
        tpu.wait_dma2 semaphore(%run_scoped3A : memref<!tpu.dma_semaphore, #tpu.memory_space<semaphore_mem>>) src(%dma_wait3A_280 : memref<128xi32, #tpu.memory_space<hbm>>) dst(%arg9 : memref<128xi32, #tpu.memory_space<vmem>>)
        tpu.yield
      }) : () -> ()
      %add3A_230 = arith.constant 1664 : i32
      %add3A_231 = arith.addi %add3A_26, %add3A_230 : i32
      "tpu.region"() ({
        %run_scoped3A = tpu.sem_alloc : memref<!tpu.dma_semaphore, #tpu.memory_space<semaphore_mem>>
        %dma_start3A_277 = tpu.memref_slice %arg4[%add3A_231] : memref<331776xi32, #tpu.memory_space<hbm>> -> memref<128xi32, #tpu.memory_space<hbm>>
        %dma_start3A_278 = tpu.memref_slice %arg4[%add3A_231] : memref<331776xi32, #tpu.memory_space<hbm>> -> memref<128xi32, #tpu.memory_space<hbm>>
        tpu.enqueue_dma source(%dma_start3A_278 : memref<128xi32, #tpu.memory_space<hbm>>) target(%arg11 : memref<128xi32, #tpu.memory_space<vmem>>) target_semaphore(%run_scoped3A : memref<!tpu.dma_semaphore, #tpu.memory_space<semaphore_mem>>)
        %dma_wait3A_279 = tpu.memref_slice %arg4[%add3A_231] : memref<331776xi32, #tpu.memory_space<hbm>> -> memref<128xi32, #tpu.memory_space<hbm>>
        %dma_wait3A_280 = tpu.memref_slice %arg4[%add3A_231] : memref<331776xi32, #tpu.memory_space<hbm>> -> memref<128xi32, #tpu.memory_space<hbm>>
        tpu.wait_dma2 semaphore(%run_scoped3A : memref<!tpu.dma_semaphore, #tpu.memory_space<semaphore_mem>>) src(%dma_wait3A_280 : memref<128xi32, #tpu.memory_space<hbm>>) dst(%arg11 : memref<128xi32, #tpu.memory_space<vmem>>)
        tpu.yield
      }) : () -> ()
      %dma_wait3A_232 = arith.constant 0 : i32
      %dma_wait3A_233 = arith.constant 0 : i32
      %dma_wait3A_234 = tpu.memref_slice %arg16[%dma_wait3A_232, %dma_wait3A_233] : memref<10112x128xf32, #tpu.memory_space<vmem_shared>> -> memref<10112x128xf32, #tpu.memory_space<vmem_shared>>
      tpu.wait_indirect_dma semaphore(%arg19 : memref<!tpu.dma_semaphore, #tpu.memory_space<semaphore_mem>>) src(%arg15 : memref<128x128xf32, #tpu.memory_space<vmem>>) dst(%dma_wait3A_234 : memref<10112x128xf32, #tpu.memory_space<vmem_shared>>)
      %dma_wait3A_235 = arith.constant 0 : i32
      %dma_wait3A_236 = arith.constant 0 : i32
      %dma_wait3A_237 = tpu.memref_slice %arg2[%dma_wait3A_235, %dma_wait3A_236] : memref<10000x128xf32, #tpu.memory_space<hbm>> -> memref<10000x128xf32, #tpu.memory_space<hbm>>
      tpu.wait_indirect_dma semaphore(%arg17 : memref<!tpu.dma_semaphore, #tpu.memory_space<semaphore_mem>>) src(%dma_wait3A_237 : memref<10000x128xf32, #tpu.memory_space<hbm>>) dst(%arg13 : memref<128x128xf32, #tpu.memory_space<vmem>>)
      %dma_start3A_238 = arith.constant 0 : i32
      %dma_start3A_239 = arith.constant 0 : i32
      %dma_start3A_240 = tpu.memref_slice %arg16[%dma_start3A_238, %dma_start3A_239] : memref<10112x128xf32, #tpu.memory_space<vmem_shared>> -> memref<10112x128xf32, #tpu.memory_space<vmem_shared>>
      tpu.enqueue_indirect_dma source(%arg13 : memref<128x128xf32, #tpu.memory_space<vmem>>) target(%dma_start3A_240 : memref<10112x128xf32, #tpu.memory_space<vmem_shared>>) offsets(%arg10 : memref<128xi32, #tpu.memory_space<vmem>>) semaphore(%arg19 : memref<!tpu.dma_semaphore, #tpu.memory_space<semaphore_mem>>) {add = true}
      %dma_start3A_241 = arith.constant 0 : i32
      %dma_start3A_242 = arith.constant 0 : i32
      %dma_start3A_243 = tpu.memref_slice %arg2[%dma_start3A_241, %dma_start3A_242] : memref<10000x128xf32, #tpu.memory_space<hbm>> -> memref<10000x128xf32, #tpu.memory_space<hbm>>
      tpu.enqueue_indirect_dma source(%dma_start3A_243 : memref<10000x128xf32, #tpu.memory_space<hbm>>) target(%arg15 : memref<128x128xf32, #tpu.memory_space<vmem>>) offsets(%arg9 : memref<128xi32, #tpu.memory_space<vmem>>) semaphore(%arg17 : memref<!tpu.dma_semaphore, #tpu.memory_space<semaphore_mem>>)
      %add3A_244 = arith.constant 1920 : i32
      %add3A_245 = arith.addi %add3A_26, %add3A_244 : i32
      "tpu.region"() ({
        %run_scoped3A = tpu.sem_alloc : memref<!tpu.dma_semaphore, #tpu.memory_space<semaphore_mem>>
        %dma_start3A_277 = tpu.memref_slice %arg3[%add3A_245] : memref<331776xi32, #tpu.memory_space<hbm>> -> memref<128xi32, #tpu.memory_space<hbm>>
        %dma_start3A_278 = tpu.memref_slice %arg3[%add3A_245] : memref<331776xi32, #tpu.memory_space<hbm>> -> memref<128xi32, #tpu.memory_space<hbm>>
        tpu.enqueue_dma source(%dma_start3A_278 : memref<128xi32, #tpu.memory_space<hbm>>) target(%arg7 : memref<128xi32, #tpu.memory_space<vmem>>) target_semaphore(%run_scoped3A : memref<!tpu.dma_semaphore, #tpu.memory_space<semaphore_mem>>)
        %dma_wait3A_279 = tpu.memref_slice %arg3[%add3A_245] : memref<331776xi32, #tpu.memory_space<hbm>> -> memref<128xi32, #tpu.memory_space<hbm>>
        %dma_wait3A_280 = tpu.memref_slice %arg3[%add3A_245] : memref<331776xi32, #tpu.memory_space<hbm>> -> memref<128xi32, #tpu.memory_space<hbm>>
        tpu.wait_dma2 semaphore(%run_scoped3A : memref<!tpu.dma_semaphore, #tpu.memory_space<semaphore_mem>>) src(%dma_wait3A_280 : memref<128xi32, #tpu.memory_space<hbm>>) dst(%arg7 : memref<128xi32, #tpu.memory_space<vmem>>)
        tpu.yield
      }) : () -> ()
      %add3A_246 = arith.constant 1792 : i32
      %add3A_247 = arith.addi %add3A_26, %add3A_246 : i32
      "tpu.region"() ({
        %run_scoped3A = tpu.sem_alloc : memref<!tpu.dma_semaphore, #tpu.memory_space<semaphore_mem>>
        %dma_start3A_277 = tpu.memref_slice %arg4[%add3A_247] : memref<331776xi32, #tpu.memory_space<hbm>> -> memref<128xi32, #tpu.memory_space<hbm>>
        %dma_start3A_278 = tpu.memref_slice %arg4[%add3A_247] : memref<331776xi32, #tpu.memory_space<hbm>> -> memref<128xi32, #tpu.memory_space<hbm>>
        tpu.enqueue_dma source(%dma_start3A_278 : memref<128xi32, #tpu.memory_space<hbm>>) target(%arg12 : memref<128xi32, #tpu.memory_space<vmem>>) target_semaphore(%run_scoped3A : memref<!tpu.dma_semaphore, #tpu.memory_space<semaphore_mem>>)
        %dma_wait3A_279 = tpu.memref_slice %arg4[%add3A_247] : memref<331776xi32, #tpu.memory_space<hbm>> -> memref<128xi32, #tpu.memory_space<hbm>>
        %dma_wait3A_280 = tpu.memref_slice %arg4[%add3A_247] : memref<331776xi32, #tpu.memory_space<hbm>> -> memref<128xi32, #tpu.memory_space<hbm>>
        tpu.wait_dma2 semaphore(%run_scoped3A : memref<!tpu.dma_semaphore, #tpu.memory_space<semaphore_mem>>) src(%dma_wait3A_280 : memref<128xi32, #tpu.memory_space<hbm>>) dst(%arg12 : memref<128xi32, #tpu.memory_space<vmem>>)
        tpu.yield
      }) : () -> ()
      %dma_wait3A_248 = arith.constant 0 : i32
      %dma_wait3A_249 = arith.constant 0 : i32
      %dma_wait3A_250 = tpu.memref_slice %arg16[%dma_wait3A_248, %dma_wait3A_249] : memref<10112x128xf32, #tpu.memory_space<vmem_shared>> -> memref<10112x128xf32, #tpu.memory_space<vmem_shared>>
      tpu.wait_indirect_dma semaphore(%arg19 : memref<!tpu.dma_semaphore, #tpu.memory_space<semaphore_mem>>) src(%arg13 : memref<128x128xf32, #tpu.memory_space<vmem>>) dst(%dma_wait3A_250 : memref<10112x128xf32, #tpu.memory_space<vmem_shared>>)
      %dma_wait3A_251 = arith.constant 0 : i32
      %dma_wait3A_252 = arith.constant 0 : i32
      %dma_wait3A_253 = tpu.memref_slice %arg2[%dma_wait3A_251, %dma_wait3A_252] : memref<10000x128xf32, #tpu.memory_space<hbm>> -> memref<10000x128xf32, #tpu.memory_space<hbm>>
      tpu.wait_indirect_dma semaphore(%arg18 : memref<!tpu.dma_semaphore, #tpu.memory_space<semaphore_mem>>) src(%dma_wait3A_253 : memref<10000x128xf32, #tpu.memory_space<hbm>>) dst(%arg14 : memref<128x128xf32, #tpu.memory_space<vmem>>)
      %dma_start3A_254 = arith.constant 0 : i32
      %dma_start3A_255 = arith.constant 0 : i32
      %dma_start3A_256 = tpu.memref_slice %arg16[%dma_start3A_254, %dma_start3A_255] : memref<10112x128xf32, #tpu.memory_space<vmem_shared>> -> memref<10112x128xf32, #tpu.memory_space<vmem_shared>>
      tpu.enqueue_indirect_dma source(%arg14 : memref<128x128xf32, #tpu.memory_space<vmem>>) target(%dma_start3A_256 : memref<10112x128xf32, #tpu.memory_space<vmem_shared>>) offsets(%arg11 : memref<128xi32, #tpu.memory_space<vmem>>) semaphore(%arg19 : memref<!tpu.dma_semaphore, #tpu.memory_space<semaphore_mem>>) {add = true}
      %dma_start3A_257 = arith.constant 0 : i32
      %dma_start3A_258 = arith.constant 0 : i32
      %dma_start3A_259 = tpu.memref_slice %arg2[%dma_start3A_257, %dma_start3A_258] : memref<10000x128xf32, #tpu.memory_space<hbm>> -> memref<10000x128xf32, #tpu.memory_space<hbm>>
      tpu.enqueue_indirect_dma source(%dma_start3A_259 : memref<10000x128xf32, #tpu.memory_space<hbm>>) target(%arg13 : memref<128x128xf32, #tpu.memory_space<vmem>>) offsets(%arg7 : memref<128xi32, #tpu.memory_space<vmem>>) semaphore(%arg18 : memref<!tpu.dma_semaphore, #tpu.memory_space<semaphore_mem>>)
      %add3A_260 = arith.constant 1920 : i32
      %add3A_261 = arith.addi %add3A_26, %add3A_260 : i32
      "tpu.region"() ({
        %run_scoped3A = tpu.sem_alloc : memref<!tpu.dma_semaphore, #tpu.memory_space<semaphore_mem>>
        %dma_start3A_277 = tpu.memref_slice %arg4[%add3A_261] : memref<331776xi32, #tpu.memory_space<hbm>> -> memref<128xi32, #tpu.memory_space<hbm>>
        %dma_start3A_278 = tpu.memref_slice %arg4[%add3A_261] : memref<331776xi32, #tpu.memory_space<hbm>> -> memref<128xi32, #tpu.memory_space<hbm>>
        tpu.enqueue_dma source(%dma_start3A_278 : memref<128xi32, #tpu.memory_space<hbm>>) target(%arg10 : memref<128xi32, #tpu.memory_space<vmem>>) target_semaphore(%run_scoped3A : memref<!tpu.dma_semaphore, #tpu.memory_space<semaphore_mem>>)
        %dma_wait3A_279 = tpu.memref_slice %arg4[%add3A_261] : memref<331776xi32, #tpu.memory_space<hbm>> -> memref<128xi32, #tpu.memory_space<hbm>>
        %dma_wait3A_280 = tpu.memref_slice %arg4[%add3A_261] : memref<331776xi32, #tpu.memory_space<hbm>> -> memref<128xi32, #tpu.memory_space<hbm>>
        tpu.wait_dma2 semaphore(%run_scoped3A : memref<!tpu.dma_semaphore, #tpu.memory_space<semaphore_mem>>) src(%dma_wait3A_280 : memref<128xi32, #tpu.memory_space<hbm>>) dst(%arg10 : memref<128xi32, #tpu.memory_space<vmem>>)
        tpu.yield
      }) : () -> ()
      %dma_wait3A_262 = arith.constant 0 : i32
      %dma_wait3A_263 = arith.constant 0 : i32
      %dma_wait3A_264 = tpu.memref_slice %arg16[%dma_wait3A_262, %dma_wait3A_263] : memref<10112x128xf32, #tpu.memory_space<vmem_shared>> -> memref<10112x128xf32, #tpu.memory_space<vmem_shared>>
      tpu.wait_indirect_dma semaphore(%arg19 : memref<!tpu.dma_semaphore, #tpu.memory_space<semaphore_mem>>) src(%arg14 : memref<128x128xf32, #tpu.memory_space<vmem>>) dst(%dma_wait3A_264 : memref<10112x128xf32, #tpu.memory_space<vmem_shared>>)
      %dma_wait3A_265 = arith.constant 0 : i32
      %dma_wait3A_266 = arith.constant 0 : i32
      %dma_wait3A_267 = tpu.memref_slice %arg2[%dma_wait3A_265, %dma_wait3A_266] : memref<10000x128xf32, #tpu.memory_space<hbm>> -> memref<10000x128xf32, #tpu.memory_space<hbm>>
      tpu.wait_indirect_dma semaphore(%arg17 : memref<!tpu.dma_semaphore, #tpu.memory_space<semaphore_mem>>) src(%dma_wait3A_267 : memref<10000x128xf32, #tpu.memory_space<hbm>>) dst(%arg15 : memref<128x128xf32, #tpu.memory_space<vmem>>)
      %dma_start3A_268 = arith.constant 0 : i32
      %dma_start3A_269 = arith.constant 0 : i32
      %dma_start3A_270 = tpu.memref_slice %arg16[%dma_start3A_268, %dma_start3A_269] : memref<10112x128xf32, #tpu.memory_space<vmem_shared>> -> memref<10112x128xf32, #tpu.memory_space<vmem_shared>>
      tpu.enqueue_indirect_dma source(%arg15 : memref<128x128xf32, #tpu.memory_space<vmem>>) target(%dma_start3A_270 : memref<10112x128xf32, #tpu.memory_space<vmem_shared>>) offsets(%arg12 : memref<128xi32, #tpu.memory_space<vmem>>) semaphore(%arg19 : memref<!tpu.dma_semaphore, #tpu.memory_space<semaphore_mem>>) {add = true}
      %dma_wait3A_271 = arith.constant 0 : i32
      %dma_wait3A_272 = arith.constant 0 : i32
      %dma_wait3A_273 = tpu.memref_slice %arg16[%dma_wait3A_271, %dma_wait3A_272] : memref<10112x128xf32, #tpu.memory_space<vmem_shared>> -> memref<10112x128xf32, #tpu.memory_space<vmem_shared>>
      tpu.wait_indirect_dma semaphore(%arg19 : memref<!tpu.dma_semaphore, #tpu.memory_space<semaphore_mem>>) src(%arg15 : memref<128x128xf32, #tpu.memory_space<vmem>>) dst(%dma_wait3A_273 : memref<10112x128xf32, #tpu.memory_space<vmem_shared>>)
      %dma_wait3A_274 = arith.constant 0 : i32
      %dma_wait3A_275 = arith.constant 0 : i32
      %dma_wait3A_276 = tpu.memref_slice %arg2[%dma_wait3A_274, %dma_wait3A_275] : memref<10000x128xf32, #tpu.memory_space<hbm>> -> memref<10000x128xf32, #tpu.memory_space<hbm>>
      tpu.wait_indirect_dma semaphore(%arg18 : memref<!tpu.dma_semaphore, #tpu.memory_space<semaphore_mem>>) src(%dma_wait3A_276 : memref<10000x128xf32, #tpu.memory_space<hbm>>) dst(%arg13 : memref<128x128xf32, #tpu.memory_space<vmem>>)
      "tpu.region"() ({
        %run_scoped3A = tpu.sem_alloc : memref<!tpu.dma_semaphore, #tpu.memory_space<semaphore_mem>>
        %dma_start3A_277 = arith.constant 0 : i32
        %dma_start3A_278 = arith.constant 0 : i32
        %dma_start3A_279 = tpu.memref_slice %arg16[%dma_start3A_277, %dma_start3A_278] : memref<10112x128xf32, #tpu.memory_space<vmem_shared>> -> memref<10112x128xf32, #tpu.memory_space<vmem_shared>>
        tpu.enqueue_indirect_dma source(%arg13 : memref<128x128xf32, #tpu.memory_space<vmem>>) target(%dma_start3A_279 : memref<10112x128xf32, #tpu.memory_space<vmem_shared>>) offsets(%arg10 : memref<128xi32, #tpu.memory_space<vmem>>) semaphore(%run_scoped3A : memref<!tpu.dma_semaphore, #tpu.memory_space<semaphore_mem>>) {add = true}
        %dma_wait3A_280 = arith.constant 0 : i32
        %dma_wait3A_281 = arith.constant 0 : i32
        %dma_wait3A_282 = tpu.memref_slice %arg16[%dma_wait3A_280, %dma_wait3A_281] : memref<10112x128xf32, #tpu.memory_space<vmem_shared>> -> memref<10112x128xf32, #tpu.memory_space<vmem_shared>>
        tpu.wait_indirect_dma semaphore(%run_scoped3A : memref<!tpu.dma_semaphore, #tpu.memory_space<semaphore_mem>>) src(%arg13 : memref<128x128xf32, #tpu.memory_space<vmem>>) dst(%dma_wait3A_282 : memref<10112x128xf32, #tpu.memory_space<vmem_shared>>)
        tpu.yield
      }) : () -> ()
    }
    %scan3A_9 = arith.constant 5 : i32
    %add3A_10 = arith.constant 10240 : i32
    %add3A_11 = arith.addi %mul3A_4, %add3A_10 : i32
    "tpu.region"() ({
      %run_scoped3A = tpu.sem_alloc : memref<!tpu.dma_semaphore, #tpu.memory_space<semaphore_mem>>
      %dma_start3A_21 = tpu.memref_slice %arg3[%add3A_11] : memref<331776xi32, #tpu.memory_space<hbm>> -> memref<128xi32, #tpu.memory_space<hbm>>
      %dma_start3A_22 = tpu.memref_slice %arg3[%add3A_11] : memref<331776xi32, #tpu.memory_space<hbm>> -> memref<128xi32, #tpu.memory_space<hbm>>
      tpu.enqueue_dma source(%dma_start3A_22 : memref<128xi32, #tpu.memory_space<hbm>>) target(%arg7 : memref<128xi32, #tpu.memory_space<vmem>>) target_semaphore(%run_scoped3A : memref<!tpu.dma_semaphore, #tpu.memory_space<semaphore_mem>>)
      %dma_wait3A_23 = tpu.memref_slice %arg3[%add3A_11] : memref<331776xi32, #tpu.memory_space<hbm>> -> memref<128xi32, #tpu.memory_space<hbm>>
      %dma_wait3A_24 = tpu.memref_slice %arg3[%add3A_11] : memref<331776xi32, #tpu.memory_space<hbm>> -> memref<128xi32, #tpu.memory_space<hbm>>
      tpu.wait_dma2 semaphore(%run_scoped3A : memref<!tpu.dma_semaphore, #tpu.memory_space<semaphore_mem>>) src(%dma_wait3A_24 : memref<128xi32, #tpu.memory_space<hbm>>) dst(%arg7 : memref<128xi32, #tpu.memory_space<vmem>>)
      tpu.yield
    }) : () -> ()
    %dma_start3A = arith.constant 0 : i32
    %dma_start3A_12 = arith.constant 0 : i32
    %dma_start3A_13 = tpu.memref_slice %arg2[%dma_start3A, %dma_start3A_12] : memref<10000x128xf32, #tpu.memory_space<hbm>> -> memref<10000x128xf32, #tpu.memory_space<hbm>>
    tpu.enqueue_indirect_dma source(%dma_start3A_13 : memref<10000x128xf32, #tpu.memory_space<hbm>>) target(%arg13 : memref<128x128xf32, #tpu.memory_space<vmem>>) offsets(%arg7 : memref<128xi32, #tpu.memory_space<vmem>>) semaphore(%arg17 : memref<!tpu.dma_semaphore, #tpu.memory_space<semaphore_mem>>)
    "tpu.region"() ({
      %run_scoped3A = tpu.sem_alloc : memref<!tpu.dma_semaphore, #tpu.memory_space<semaphore_mem>>
      %dma_start3A_21 = tpu.memref_slice %arg4[%add3A_11] : memref<331776xi32, #tpu.memory_space<hbm>> -> memref<128xi32, #tpu.memory_space<hbm>>
      %dma_start3A_22 = tpu.memref_slice %arg4[%add3A_11] : memref<331776xi32, #tpu.memory_space<hbm>> -> memref<128xi32, #tpu.memory_space<hbm>>
      tpu.enqueue_dma source(%dma_start3A_22 : memref<128xi32, #tpu.memory_space<hbm>>) target(%arg10 : memref<128xi32, #tpu.memory_space<vmem>>) target_semaphore(%run_scoped3A : memref<!tpu.dma_semaphore, #tpu.memory_space<semaphore_mem>>)
      %dma_wait3A_23 = tpu.memref_slice %arg4[%add3A_11] : memref<331776xi32, #tpu.memory_space<hbm>> -> memref<128xi32, #tpu.memory_space<hbm>>
      %dma_wait3A_24 = tpu.memref_slice %arg4[%add3A_11] : memref<331776xi32, #tpu.memory_space<hbm>> -> memref<128xi32, #tpu.memory_space<hbm>>
      tpu.wait_dma2 semaphore(%run_scoped3A : memref<!tpu.dma_semaphore, #tpu.memory_space<semaphore_mem>>) src(%dma_wait3A_24 : memref<128xi32, #tpu.memory_space<hbm>>) dst(%arg10 : memref<128xi32, #tpu.memory_space<vmem>>)
      tpu.yield
    }) : () -> ()
    %dma_wait3A = arith.constant 0 : i32
    %dma_wait3A_14 = arith.constant 0 : i32
    %dma_wait3A_15 = tpu.memref_slice %arg2[%dma_wait3A, %dma_wait3A_14] : memref<10000x128xf32, #tpu.memory_space<hbm>> -> memref<10000x128xf32, #tpu.memory_space<hbm>>
    tpu.wait_indirect_dma semaphore(%arg17 : memref<!tpu.dma_semaphore, #tpu.memory_space<semaphore_mem>>) src(%dma_wait3A_15 : memref<10000x128xf32, #tpu.memory_space<hbm>>) dst(%arg13 : memref<128x128xf32, #tpu.memory_space<vmem>>)
    "tpu.region"() ({
      %run_scoped3A = tpu.sem_alloc : memref<!tpu.dma_semaphore, #tpu.memory_space<semaphore_mem>>
      %dma_start3A_21 = arith.constant 0 : i32
      %dma_start3A_22 = arith.constant 0 : i32
      %dma_start3A_23 = tpu.memref_slice %arg16[%dma_start3A_21, %dma_start3A_22] : memref<10112x128xf32, #tpu.memory_space<vmem_shared>> -> memref<10112x128xf32, #tpu.memory_space<vmem_shared>>
      tpu.enqueue_indirect_dma source(%arg13 : memref<128x128xf32, #tpu.memory_space<vmem>>) target(%dma_start3A_23 : memref<10112x128xf32, #tpu.memory_space<vmem_shared>>) offsets(%arg10 : memref<128xi32, #tpu.memory_space<vmem>>) semaphore(%run_scoped3A : memref<!tpu.dma_semaphore, #tpu.memory_space<semaphore_mem>>) {add = true}
      %dma_wait3A_24 = arith.constant 0 : i32
      %dma_wait3A_25 = arith.constant 0 : i32
      %dma_wait3A_26 = tpu.memref_slice %arg16[%dma_wait3A_24, %dma_wait3A_25] : memref<10112x128xf32, #tpu.memory_space<vmem_shared>> -> memref<10112x128xf32, #tpu.memory_space<vmem_shared>>
      tpu.wait_indirect_dma semaphore(%run_scoped3A : memref<!tpu.dma_semaphore, #tpu.memory_space<semaphore_mem>>) src(%arg13 : memref<128x128xf32, #tpu.memory_space<vmem>>) dst(%dma_wait3A_26 : memref<10112x128xf32, #tpu.memory_space<vmem_shared>>)
      tpu.yield
    }) : () -> ()
    %barrier3A_16 = arith.constant 0 : index
    tpu.barrier barrier_id(%barrier3A_16)
    %mul3A_17 = arith.constant 632 : i32
    %mul3A_18 = arith.muli %arg1, %mul3A_17 : i32
    %mul3A_19 = arith.constant 632 : i32
    %mul3A_20 = arith.muli %arg1, %mul3A_19 : i32
    "tpu.region"() ({
      %run_scoped3A = tpu.sem_alloc : memref<!tpu.dma_semaphore, #tpu.memory_space<semaphore_mem>>
      %dma_start3A_21 = arith.constant 0 : i32
      %dma_start3A_22 = tpu.memref_slice %arg6[%arg0, %mul3A_20, %dma_start3A_21] : memref<2x10112x128xf32, #tpu.memory_space<hbm>> -> memref<1x632x128xf32, #tpu.memory_space<hbm>>
      %dma_start3A_23 = tpu.memref_squeeze %dma_start3A_22 : memref<1x632x128xf32, #tpu.memory_space<hbm>> -> memref<632x128xf32, #tpu.memory_space<hbm>>
      %dma_start3A_24 = arith.constant 0 : i32
      %dma_start3A_25 = tpu.memref_slice %arg16[%mul3A_18, %dma_start3A_24] : memref<10112x128xf32, #tpu.memory_space<vmem_shared>> -> memref<632x128xf32, #tpu.memory_space<vmem_shared>>
      tpu.enqueue_dma source(%dma_start3A_25 : memref<632x128xf32, #tpu.memory_space<vmem_shared>>) target(%dma_start3A_23 : memref<632x128xf32, #tpu.memory_space<hbm>>) target_semaphore(%run_scoped3A : memref<!tpu.dma_semaphore, #tpu.memory_space<semaphore_mem>>)
      %dma_wait3A_26 = arith.constant 0 : i32
      %dma_wait3A_27 = tpu.memref_slice %arg6[%arg0, %mul3A_20, %dma_wait3A_26] : memref<2x10112x128xf32, #tpu.memory_space<hbm>> -> memref<1x632x128xf32, #tpu.memory_space<hbm>>
      %dma_wait3A_28 = tpu.memref_squeeze %dma_wait3A_27 : memref<1x632x128xf32, #tpu.memory_space<hbm>> -> memref<632x128xf32, #tpu.memory_space<hbm>>
      %dma_wait3A_29 = arith.constant 0 : i32
      %dma_wait3A_30 = tpu.memref_slice %arg16[%mul3A_18, %dma_wait3A_29] : memref<10112x128xf32, #tpu.memory_space<vmem_shared>> -> memref<632x128xf32, #tpu.memory_space<vmem_shared>>
      tpu.wait_dma2 semaphore(%run_scoped3A : memref<!tpu.dma_semaphore, #tpu.memory_space<semaphore_mem>>) src(%dma_wait3A_30 : memref<632x128xf32, #tpu.memory_space<vmem_shared>>) dst(%dma_wait3A_28 : memref<632x128xf32, #tpu.memory_space<hbm>>)
      tpu.yield
    }) : () -> ()
    return
  }
}

module attributes {stable_mosaic.version = 14 : i64} {
  func.func @_tc_in_body(%arg0: i32, %arg1: memref<2000x128xf32, #tpu.memory_space<vmem>>, %arg2: memref<128x128xf32, #tpu.memory_space<vmem>>, %arg3: memref<2x2000x1xf32, #tpu.memory_space<vmem>>, %arg4: memref<2000x128xf32, #tpu.memory_space<vmem>>) attributes {dimension_semantics = [#tpu.dimension_semantics<arbitrary>], iteration_bounds = array<i64: 5>, scalar_prefetch = 0 : i64, scratch_operands = 0 : i64, tpu.core_type = #tpu.core_type<tc>, window_params = [{transform_indices = @transform_0, window_bounds = array<i64: 2000, 128>}, {pipeline_mode = #tpu.pipeline_mode<synchronous>, transform_indices = @transform_1, window_bounds = array<i64: 128, 128>}, {transform_indices = @transform_2, window_bounds = array<i64: 2, 2000, 1>}, {transform_indices = @transform_3, window_bounds = array<i64: 2000, 128>}]} {
    %get3A = arith.constant 0 : index
    %get3A_0 = arith.constant 0 : index
    %get3A_1 = arith.constant 0 : index
    %get3A_2 = vector.load %arg3[%get3A, %get3A_0, %get3A_1] : memref<2x2000x1xf32, #tpu.memory_space<vmem>>, vector<1x2000x1xf32>
    %get3A_3 = vector.shape_cast %get3A_2 : vector<1x2000x1xf32> to vector<2000x1xf32>
    %get3A_4 = arith.constant 1 : index
    %get3A_5 = arith.constant 0 : index
    %get3A_6 = arith.constant 0 : index
    %get3A_7 = vector.load %arg3[%get3A_4, %get3A_5, %get3A_6] : memref<2x2000x1xf32, #tpu.memory_space<vmem>>, vector<1x2000x1xf32>
    %get3A_8 = vector.shape_cast %get3A_7 : vector<1x2000x1xf32> to vector<2000x1xf32>
    %add3A = arith.addf %get3A_3, %get3A_8 : vector<2000x1xf32>
    %rsqrt3A = math.rsqrt %add3A : vector<2000x1xf32>
    %get3A_9 = arith.constant 0 : index
    %get3A_10 = arith.constant 0 : index
    %get3A_11 = vector.load %arg1[%get3A_9, %get3A_10] : memref<2000x128xf32, #tpu.memory_space<vmem>>, vector<2000x128xf32>
    %get3A_12 = arith.constant 0 : index
    %get3A_13 = arith.constant 0 : index
    %get3A_14 = vector.load %arg2[%get3A_12, %get3A_13] : memref<128x128xf32, #tpu.memory_space<vmem>>, vector<128x128xf32>
    %dot_general3A = arith.constant dense<0.000000e+00> : vector<2000x128xf32>
    %dot_general3A_15 = tpu.matmul %get3A_11, %get3A_14, %dot_general3A {dimension_numbers = #tpu.dot_dimension_numbers<[1], [0], [0], [1], [0, 0, 1, 1], [], []>, transpose_lhs_hint = false} : vector<2000x128xf32>, vector<128x128xf32>, vector<2000x128xf32> -> vector<2000x128xf32>
    %mul3A = vector.broadcast %rsqrt3A : vector<2000x1xf32> to vector<2000x128xf32>
    %mul3A_16 = arith.mulf %mul3A, %dot_general3A_15 : vector<2000x128xf32>
    %swap3A = arith.constant 0 : index
    %swap3A_17 = arith.constant 0 : index
    %swap3A_18 = vector.load %arg4[%swap3A, %swap3A_17] : memref<2000x128xf32, #tpu.memory_space<vmem>>, vector<2000x128xf32>
    tpu.vector_store %arg4[%swap3A, %swap3A_17], %mul3A_16 {strides = array<i32>} : memref<2000x128xf32, #tpu.memory_space<vmem>>, vector<2000x128xf32>,
    return
  }
  func.func @transform_0(%arg0: i32) -> (i32, i32) {
    %c0_i32 = arith.constant 0 : i32
    %c0_i32_0 = arith.constant 0 : i32
    return %arg0, %c0_i32 : i32, i32
  }
  func.func @transform_1(%arg0: i32) -> (i32, i32) {
    %c0_i32 = arith.constant 0 : i32
    %c0_i32_0 = arith.constant 0 : i32
    %c0_i32_1 = arith.constant 0 : i32
    return %c0_i32, %c0_i32_0 : i32, i32
  }
  func.func @transform_2(%arg0: i32) -> (i32, i32, i32) {
    %c0_i32 = arith.constant 0 : i32
    %c0_i32_0 = arith.constant 0 : i32
    %c0_i32_1 = arith.constant 0 : i32
    return %c0_i32, %arg0, %c0_i32_0 : i32, i32, i32
  }
  func.func @transform_3(%arg0: i32) -> (i32, i32) {
    %c0_i32 = arith.constant 0 : i32
    %c0_i32_0 = arith.constant 0 : i32
    return %arg0, %c0_i32 : i32, i32
  }
}

module attributes {stable_mosaic.version = 14 : i64} {
  func.func @_tc_mid_body(%arg0: i32, %arg1: memref<2x2000x128xf32, #tpu.memory_space<vmem>>, %arg2: memref<2x2000x1xf32, #tpu.memory_space<vmem>>, %arg3: memref<1x128xf32, #tpu.memory_space<vmem>>, %arg4: memref<128x128xf32, #tpu.memory_space<vmem>>, %arg5: memref<2000x128xf32, #tpu.memory_space<vmem>>) attributes {dimension_semantics = [#tpu.dimension_semantics<arbitrary>], iteration_bounds = array<i64: 5>, scalar_prefetch = 0 : i64, scratch_operands = 0 : i64, tpu.core_type = #tpu.core_type<tc>, window_params = [{transform_indices = @transform_0, window_bounds = array<i64: 2, 2000, 128>}, {transform_indices = @transform_1, window_bounds = array<i64: 2, 2000, 1>}, {pipeline_mode = #tpu.pipeline_mode<synchronous>, transform_indices = @transform_2, window_bounds = array<i64: 1, 128>}, {pipeline_mode = #tpu.pipeline_mode<synchronous>, transform_indices = @transform_3, window_bounds = array<i64: 128, 128>}, {transform_indices = @transform_4, window_bounds = array<i64: 2000, 128>}]} {
    %get3A = arith.constant 0 : index
    %get3A_0 = arith.constant 0 : index
    %get3A_1 = arith.constant 0 : index
    %get3A_2 = vector.load %arg2[%get3A, %get3A_0, %get3A_1] : memref<2x2000x1xf32, #tpu.memory_space<vmem>>, vector<1x2000x1xf32>
    %get3A_3 = vector.shape_cast %get3A_2 : vector<1x2000x1xf32> to vector<2000x1xf32>
    %get3A_4 = arith.constant 1 : index
    %get3A_5 = arith.constant 0 : index
    %get3A_6 = arith.constant 0 : index
    %get3A_7 = vector.load %arg2[%get3A_4, %get3A_5, %get3A_6] : memref<2x2000x1xf32, #tpu.memory_space<vmem>>, vector<1x2000x1xf32>
    %get3A_8 = vector.shape_cast %get3A_7 : vector<1x2000x1xf32> to vector<2000x1xf32>
    %add3A = arith.addf %get3A_3, %get3A_8 : vector<2000x1xf32>
    %rsqrt3A = math.rsqrt %add3A : vector<2000x1xf32>
    %get3A_9 = arith.constant 0 : index
    %get3A_10 = arith.constant 0 : index
    %get3A_11 = arith.constant 0 : index
    %get3A_12 = vector.load %arg1[%get3A_9, %get3A_10, %get3A_11] : memref<2x2000x128xf32, #tpu.memory_space<vmem>>, vector<1x2000x128xf32>
    %get3A_13 = vector.shape_cast %get3A_12 : vector<1x2000x128xf32> to vector<2000x128xf32>
    %get3A_14 = arith.constant 1 : index
    %get3A_15 = arith.constant 0 : index
    %get3A_16 = arith.constant 0 : index
    %get3A_17 = vector.load %arg1[%get3A_14, %get3A_15, %get3A_16] : memref<2x2000x128xf32, #tpu.memory_space<vmem>>, vector<1x2000x128xf32>
    %get3A_18 = vector.shape_cast %get3A_17 : vector<1x2000x128xf32> to vector<2000x128xf32>
    %add3A_19 = arith.addf %get3A_13, %get3A_18 : vector<2000x128xf32>
    %mul3A = vector.broadcast %rsqrt3A : vector<2000x1xf32> to vector<2000x128xf32>
    %mul3A_20 = arith.mulf %mul3A, %add3A_19 : vector<2000x128xf32>
    %get3A_21 = arith.constant 0 : index
    %get3A_22 = arith.constant 0 : index
    %get3A_23 = vector.load %arg3[%get3A_21, %get3A_22] : memref<1x128xf32, #tpu.memory_space<vmem>>, vector<1x128xf32>
    %add3A_24 = vector.broadcast %get3A_23 : vector<1x128xf32> to vector<2000x128xf32>
    %add3A_25 = arith.addf %mul3A_20, %add3A_24 : vector<2000x128xf32>
    %max3A = arith.constant 0.000000e+00 : f32
    %max3A_26 = vector.broadcast %max3A : f32 to vector<2000x128xf32>
    %max3A_27 = arith.maximumf %add3A_25, %max3A_26 : vector<2000x128xf32>
    %get3A_28 = arith.constant 0 : index
    %get3A_29 = arith.constant 0 : index
    %get3A_30 = vector.load %arg4[%get3A_28, %get3A_29] : memref<128x128xf32, #tpu.memory_space<vmem>>, vector<128x128xf32>
    %dot_general3A = arith.constant dense<0.000000e+00> : vector<2000x128xf32>
    %dot_general3A_31 = tpu.matmul %max3A_27, %get3A_30, %dot_general3A {dimension_numbers = #tpu.dot_dimension_numbers<[1], [0], [0], [1], [0, 0, 1, 1], [], []>, transpose_lhs_hint = false} : vector<2000x128xf32>, vector<128x128xf32>, vector<2000x128xf32> -> vector<2000x128xf32>
    %mul3A_32 = vector.broadcast %rsqrt3A : vector<2000x1xf32> to vector<2000x128xf32>
    %mul3A_33 = arith.mulf %mul3A_32, %dot_general3A_31 : vector<2000x128xf32>
    %swap3A = arith.constant 0 : index
    %swap3A_34 = arith.constant 0 : index
    %swap3A_35 = vector.load %arg5[%swap3A, %swap3A_34] : memref<2000x128xf32, #tpu.memory_space<vmem>>, vector<2000x128xf32>
    tpu.vector_store %arg5[%swap3A, %swap3A_34], %mul3A_33 {strides = array<i32>} : memref<2000x128xf32, #tpu.memory_space<vmem>>, vector<2000x128xf32>,
    return
  }
  func.func @transform_0(%arg0: i32) -> (i32, i32, i32) {
    %c0_i32 = arith.constant 0 : i32
    %c0_i32_0 = arith.constant 0 : i32
    %c0_i32_1 = arith.constant 0 : i32
    return %c0_i32, %arg0, %c0_i32_0 : i32, i32, i32
  }
  func.func @transform_1(%arg0: i32) -> (i32, i32, i32) {
    %c0_i32 = arith.constant 0 : i32
    %c0_i32_0 = arith.constant 0 : i32
    %c0_i32_1 = arith.constant 0 : i32
    return %c0_i32, %arg0, %c0_i32_0 : i32, i32, i32
  }
  func.func @transform_2(%arg0: i32) -> (i32, i32) {
    %c0_i32 = arith.constant 0 : i32
    %c0_i32_0 = arith.constant 0 : i32
    %c0_i32_1 = arith.constant 0 : i32
    return %c0_i32, %c0_i32_0 : i32, i32
  }
  func.func @transform_3(%arg0: i32) -> (i32, i32) {
    %c0_i32 = arith.constant 0 : i32
    %c0_i32_0 = arith.constant 0 : i32
    %c0_i32_1 = arith.constant 0 : i32
    return %c0_i32, %c0_i32_0 : i32, i32
  }
  func.func @transform_4(%arg0: i32) -> (i32, i32) {
    %c0_i32 = arith.constant 0 : i32
    %c0_i32_0 = arith.constant 0 : i32
    return %arg0, %c0_i32 : i32, i32
  }
}

module attributes {stable_mosaic.version = 14 : i64} {
  func.func @_tc_out_body(%arg0: i32, %arg1: memref<2x2000x128xf32, #tpu.memory_space<vmem>>, %arg2: memref<2x2000x1xf32, #tpu.memory_space<vmem>>, %arg3: memref<1x128xf32, #tpu.memory_space<vmem>>, %arg4: memref<2000x128xf32, #tpu.memory_space<vmem>>) attributes {dimension_semantics = [#tpu.dimension_semantics<arbitrary>], iteration_bounds = array<i64: 5>, scalar_prefetch = 0 : i64, scratch_operands = 0 : i64, tpu.core_type = #tpu.core_type<tc>, window_params = [{transform_indices = @transform_0, window_bounds = array<i64: 2, 2000, 128>}, {transform_indices = @transform_1, window_bounds = array<i64: 2, 2000, 1>}, {pipeline_mode = #tpu.pipeline_mode<synchronous>, transform_indices = @transform_2, window_bounds = array<i64: 1, 128>}, {transform_indices = @transform_3, window_bounds = array<i64: 2000, 128>}]} {
    %get3A = arith.constant 0 : index
    %get3A_0 = arith.constant 0 : index
    %get3A_1 = arith.constant 0 : index
    %get3A_2 = vector.load %arg2[%get3A, %get3A_0, %get3A_1] : memref<2x2000x1xf32, #tpu.memory_space<vmem>>, vector<1x2000x1xf32>
    %get3A_3 = vector.shape_cast %get3A_2 : vector<1x2000x1xf32> to vector<2000x1xf32>
    %get3A_4 = arith.constant 1 : index
    %get3A_5 = arith.constant 0 : index
    %get3A_6 = arith.constant 0 : index
    %get3A_7 = vector.load %arg2[%get3A_4, %get3A_5, %get3A_6] : memref<2x2000x1xf32, #tpu.memory_space<vmem>>, vector<1x2000x1xf32>
    %get3A_8 = vector.shape_cast %get3A_7 : vector<1x2000x1xf32> to vector<2000x1xf32>
    %add3A = arith.addf %get3A_3, %get3A_8 : vector<2000x1xf32>
    %rsqrt3A = math.rsqrt %add3A : vector<2000x1xf32>
    %get3A_9 = arith.constant 0 : index
    %get3A_10 = arith.constant 0 : index
    %get3A_11 = arith.constant 0 : index
    %get3A_12 = vector.load %arg1[%get3A_9, %get3A_10, %get3A_11] : memref<2x2000x128xf32, #tpu.memory_space<vmem>>, vector<1x2000x128xf32>
    %get3A_13 = vector.shape_cast %get3A_12 : vector<1x2000x128xf32> to vector<2000x128xf32>
    %get3A_14 = arith.constant 1 : index
    %get3A_15 = arith.constant 0 : index
    %get3A_16 = arith.constant 0 : index
    %get3A_17 = vector.load %arg1[%get3A_14, %get3A_15, %get3A_16] : memref<2x2000x128xf32, #tpu.memory_space<vmem>>, vector<1x2000x128xf32>
    %get3A_18 = vector.shape_cast %get3A_17 : vector<1x2000x128xf32> to vector<2000x128xf32>
    %add3A_19 = arith.addf %get3A_13, %get3A_18 : vector<2000x128xf32>
    %mul3A = vector.broadcast %rsqrt3A : vector<2000x1xf32> to vector<2000x128xf32>
    %mul3A_20 = arith.mulf %mul3A, %add3A_19 : vector<2000x128xf32>
    %get3A_21 = arith.constant 0 : index
    %get3A_22 = arith.constant 0 : index
    %get3A_23 = vector.load %arg3[%get3A_21, %get3A_22] : memref<1x128xf32, #tpu.memory_space<vmem>>, vector<1x128xf32>
    %add3A_24 = vector.broadcast %get3A_23 : vector<1x128xf32> to vector<2000x128xf32>
    %add3A_25 = arith.addf %mul3A_20, %add3A_24 : vector<2000x128xf32>
    %swap3A = arith.constant 0 : index
    %swap3A_26 = arith.constant 0 : index
    %swap3A_27 = vector.load %arg4[%swap3A, %swap3A_26] : memref<2000x128xf32, #tpu.memory_space<vmem>>, vector<2000x128xf32>
    tpu.vector_store %arg4[%swap3A, %swap3A_26], %add3A_25 {strides = array<i32>} : memref<2000x128xf32, #tpu.memory_space<vmem>>, vector<2000x128xf32>,
    return
  }
  func.func @transform_0(%arg0: i32) -> (i32, i32, i32) {
    %c0_i32 = arith.constant 0 : i32
    %c0_i32_0 = arith.constant 0 : i32
    %c0_i32_1 = arith.constant 0 : i32
    return %c0_i32, %arg0, %c0_i32_0 : i32, i32, i32
  }
  func.func @transform_1(%arg0: i32) -> (i32, i32, i32) {
    %c0_i32 = arith.constant 0 : i32
    %c0_i32_0 = arith.constant 0 : i32
    %c0_i32_1 = arith.constant 0 : i32
    return %c0_i32, %arg0, %c0_i32_0 : i32, i32, i32
  }
  func.func @transform_2(%arg0: i32) -> (i32, i32) {
    %c0_i32 = arith.constant 0 : i32
    %c0_i32_0 = arith.constant 0 : i32
    %c0_i32_1 = arith.constant 0 : i32
    return %c0_i32, %c0_i32_0 : i32, i32
  }
  func.func @transform_3(%arg0: i32) -> (i32, i32) {
    %c0_i32 = arith.constant 0 : i32
    %c0_i32_0 = arith.constant 0 : i32
    return %arg0, %c0_i32 : i32, i32
  }
}

</mosaic_0001>

<sc_bundles>
// kernel: kernel.11.cloned.1.call-start
scs
__scs_entry_jumppad:
0x0: {  	(pc) =	sbr.rel $0x88, $3  }
0x1: {  	(tag) =	ssettag $0x0;
	lr =	simm.s32 $0x1  }
0x2: {  	[smem:$0x3F9B] =	sst lr;
	_ =	strace $0xD0000000  }
0x3: {  	_ = 	snop  }
0x4: {  	_ = 	snop  }
0x5: {  	_ = 	snop  }
0x6: {  	_ = 	snop  }
0x7: {  	_ = 	snop  }
__scs_overlays_trampoline_lowered:
0x8: {  	[smem:$0x3FAA] =	sst s0  }
0x9: {  	[smem:$0x3FAB] =	sst s1  }
0xa: {  	[smem:$0x3FAC] =	sst s2  }
0xb: {  	[smem:$0x3FAD] =	sst s3  }
0xc: {  	[smem:$0x3FAE] =	sst s4  }
0xd: {  	[smem:$0x3FAF] =	sst s5  }
0xe: {  	[smem:$0x3FB0] =	sst s6  }
0xf: {  	[smem:$0x3FB1] =	sst s7  }
0x10: {  	[smem:$0x3FB2] =	sst s8  }
0x11: {  	[smem:$0x3FB3] =	sst s9;
	s0 =	simm.s32 @!p0 $0x0  }
0x12: {  	s1 =	sld [smem:$0x3F99];
	s0 =	simm.s32 @p0 $0x1  }
0x13: {  	[smem:$0x3FB4] =	sst s0;
	s0 =	simm.s32 @!p1 $0x0  }
0x14: {  	s2 =	sld [smem:$0x3F98];
	s0 =	simm.s32 @p1 $0x1  }
0x15: {  	[smem:$0x3FB5] =	sst s0;
	s0 =	simm.s32 @!p2 $0x0  }
0x16: {  	s3 =	sld [smem:$0x3FDB];
	s0 =	simm.s32 @p2 $0x1  }
0x17: {  	s4 =	simm.s32 $0x1BF5;
	[smem:$0x3FB7] =	sst s0  }
0x18: {  	s0 =	sld [smem:$0x3F9A];
	_ =	swait.ge [sflag:s4], $0x0  }
0x19: {  	s7 =	sld [smem:$0x3F9B]  }
0x1a: {  	s8 =	sadd.s32 $0xFFFFE003, lr  }
0x1b: {  	s9 =	sadd.s32 $0xFFFFFEF7, lr;
	s5 =	simm.s32 $0xFFFFFFFF;
	p2 =	slt.u32 s8, $0xFFFFF086  }
0x1c: {  	p1 =	slt.u32 s9, $0xF7A;
	s5 =	simm.s32 @!p2 $0x0  }
0x1d: {  	s5 =	simm.s32 @p1 $0x1;
	p0 =	seq.s32 s7, s2  }
0x1e: {  	s7 =	smul.u32 @!p0 $0xF7A, s2;
	p2 =	seq.s32 @!p0 s5, $0x0  }
0x1f: {  	s9 =	smul.u32 $0xF7A, s1;
	s8 =	simm.s32 @!p0 $0x1BF5;
	p2 =	por !p2, p0  }
0x20: {  	[sflag:s8] =	ssyncset.s32 @!p0 $0xFFFFF086;
	s6 =	sadd.s32 @!p0 s3, s7;
	s7 =	simm.s32 @!p0 $0x108  }
0x21: {  	s3 =	sadd.s32 s3, s9;
	s6 =	sadd.s32 @!p0 $0x88, s6;
	s7 =	simm.s32 @p2 $0x1082  }
0x22: {  	[simem:s7], [sflag:s8] =	dma.local @!p0 [hbm:s6], $0xF7A  }
0x23: {  	s9 =	sor.u32 $0xD0000000, s2;
	s6 =	simm.s32 $0x108;
	_ =	swait.ge @!p0 [sflag:s8], $0x0  }
0x24: {  	s3 =	sadd.s32 $0x88, s3;
	s6 =	simm.s32 @!p1 $0x1082;
	[sflag:s4] =	ssyncset.s32 $0xFFFFF086  }
0x25: {  	[simem:s6], [sflag:s4] =	dma.local [hbm:s3], $0xF7A  }
0x26: {  	[smem:$0x3F9B] =	sst s1;
	(tag) =	ssettag s2;
	_ =	strace s9  }
0x27: {  	s1 =	sld [smem:$0x3FAB]  }
0x28: {  	s2 =	sld [smem:$0x3FAC]  }
0x29: {  	s4 =	sld [smem:$0x3FAE]  }
0x2a: {  	p0 =	seq.s32 s5, $0x0;
	s5 =	sld [smem:$0x3FAF]  }
0x2b: {  	s6 =	sld [smem:$0x3FB0]  }
0x2c: {  	s7 =	sld [smem:$0x3FB1]  }
0x2d: {  	s3 =	simm.s32 $0x108;
	s8 =	sld [smem:$0x3FB2]  }
0x2e: {  	s3 =	simm.s32 @!p0 $0x1082;
	s9 =	sld [smem:$0x3FB3]  }
0x2f: {  	lr =	sadd.s32 s0, s3;
	s0 =	sld [smem:$0x3FAA]  }
0x30: {  	s3 =	sld [smem:$0x3FAD]  }
0x31: {  	[smem:$0x3FB6] =	sst s10  }
0x32: {  	s10 =	sld [smem:$0x3FB4];
	_ =	sdelay $0x3  }
0x33: {  	p0 =	seq.s32 s10, $0x1;
	s10 =	sld [smem:$0x3FB6];
	_ =	sdelay $0x3  }
0x34: {  	[smem:$0x3FB6] =	sst s10  }
0x35: {  	s10 =	sld [smem:$0x3FB5];
	_ =	sdelay $0x3  }
0x36: {  	p1 =	seq.s32 s10, $0x1;
	s10 =	sld [smem:$0x3FB6];
	_ =	sdelay $0x3  }
0x37: {  	[smem:$0x3FB6] =	sst s10  }
0x38: {  	s10 =	sld [smem:$0x3FB7]  }
0x39: {  	_ = 	snop;
	(pc) =	sbr.ind lr, $3  }
0x3a: {  	_ = 	snop  }
0x3b: {  	_ = 	snop  }
0x3c: {  	p2 =	seq.s32 s10, $0x1;
	s10 =	sld [smem:$0x3FB6]  }
0x3d: {  	_ =	shalt  }
0x3e: {  	_ =	shalt  }
0x3f: {  	_ =	shalt  }
0x40: {  	_ =	shalt  }
0x41: {  	_ =	shalt  }
0x42: {  	_ =	shalt  }
0x43: {  	_ =	shalt  }
0x44: {  	_ =	shalt  }
0x45: {  	_ =	shalt  }
0x46: {  	_ =	shalt  }
0x47: {  	_ =	shalt  }
0x48: {  	_ =	shalt  }
0x49: {  	_ =	shalt  }
0x4a: {  	_ =	shalt  }
0x4b: {  	_ =	shalt  }
0x4c: {  	_ =	shalt  }
0x4d: {  	_ =	shalt  }
0x4e: {  	_ =	shalt  }
0x4f: {  	_ =	shalt  }
0x50: {  	_ =	shalt  }
0x51: {  	_ =	shalt  }
0x52: {  	_ =	shalt  }
0x53: {  	_ =	shalt  }
0x54: {  	_ =	shalt  }
0x55: {  	_ =	shalt  }
0x56: {  	_ =	shalt  }
0x57: {  	_ =	shalt  }
0x58: {  	_ =	shalt  }
0x59: {  	_ =	shalt  }
0x5a: {  	_ =	shalt  }
0x5b: {  	_ =	shalt  }
0x5c: {  	_ =	shalt  }
0x5d: {  	_ =	shalt  }
0x5e: {  	_ =	shalt  }
0x5f: {  	_ =	shalt  }
0x60: {  	_ =	shalt  }
0x61: {  	_ =	shalt  }
0x62: {  	_ =	shalt  }
0x63: {  	_ =	shalt  }
0x64: {  	_ =	shalt  }
0x65: {  	_ =	shalt  }
0x66: {  	_ =	shalt  }
0x67: {  	_ =	shalt  }
0x68: {  	_ =	shalt  }
0x69: {  	_ =	shalt  }
0x6a: {  	_ =	shalt  }
0x6b: {  	_ =	shalt  }
0x6c: {  	_ =	shalt  }
0x6d: {  	_ =	shalt  }
0x6e: {  	_ =	shalt  }
0x6f: {  	_ =	shalt  }
0x70: {  	_ =	shalt  }
0x71: {  	_ =	shalt  }
0x72: {  	_ =	shalt  }
0x73: {  	_ =	shalt  }
0x74: {  	_ =	shalt  }
0x75: {  	_ =	shalt  }
0x76: {  	_ =	shalt  }
0x77: {  	_ =	shalt  }
0x78: {  	_ =	shalt  }
0x79: {  	_ =	shalt  }
0x7a: {  	_ =	shalt  }
0x7b: {  	_ =	shalt  }
0x7c: {  	_ =	shalt  }
0x7d: {  	_ =	shalt  }
0x7e: {  	_ =	shalt  }
0x7f: {  	_ =	shalt  }
0x80: {  	_ =	shalt  }
0x81: {  	_ =	shalt  }
0x82: {  	_ =	shalt  }
0x83: {  	_ =	shalt  }
0x84: {  	_ =	shalt  }
0x85: {  	_ =	shalt  }
0x86: {  	_ =	shalt  }
0x87: {  	_ =	shalt  }
.Lfunc_end0:
.L_simem_size_0:
called_computation.1_lowered:
.L_overlay_start_0:
0x88: {  	s2 =	sld [smem:$0x3FD9]  }
0x89: {  	s3 =	sld [smem:$0x3FFE];
	_ =	sdelay $0x1  }
0x8a: {  	s1 =	srdreg.scid  }
0x8b: {  	s0 =	sand.u32 $0x1, s1  }
0x8c: {  	s17 =	sshll.u32 s0, $0xA;
	s2 =	sadd.s32 s3, s2  }
0x8d: {  	s2 =	sadd.s32 s2, s17  }
0x8e: {  	[smem:$0x3FC2] =	sst s2  }
0x8f: {  	_ = 	snop  }
0x90: {  	s2 =	sld [smem:$0x3FD0];
	(tm) =	ssettm $0x1  }
0x91: {  	s18 =	sld [smem:$0x3FFB];
	_ =	sdelay $0x3  }
0x92: {  	_ =	strace s18  }
0x93: {  	s3 =	sld [smem:$0x3FFC];
	_ =	sdelay $0x3  }
0x94: {  	_ =	strace s3  }
0x95: {  	s3 =	sld [smem:$0x3FFD];
	_ =	sdelay $0x3  }
0x96: {  	_ =	strace s3  }
0x97: {  	_ =	strace $0x8FFFFFFF  }
0x98: {  	s19 =	sld [smem:$0x3FDB];
	_ =	sdelay $0x1  }
0x99: {  	s4 =	simm.s32 $_scs_section_size  }
0x9a: {  	s5 =	simm.s32 $_size__tile_overlayer_lowered;
	s6 =	simm.s32 $_tile_overlayer_lowered  }
0x9b: {  	s22 =	simm.s32 $0x1BFF;
	s21 =	sshll.u32 s6, $0x1;
	s3 =	sadd.s32 s4, s19  }
0x9c: {  	s7 =	simm.s32 $0x0;
	s20 =	sshll.u32 s5, $0x1;
	s5 =	sadd.s32 s21, s3  }
0x9d: {  	[timem:s7], [sflag:s22] =	dma.local [hbm:s5], s20  }
0x9e: {  	_ =	swait.ge [sflag:s22], s20  }
0x9f: {  	s4 =	ssub.s32 $0x0, s20;
	[sflag:s22] =	ssyncset.done $0x0  }
0xa0: {  	[sflag:s22] =	ssyncadd.s32 s4;
	_ =	sdelay $0x1  }
0xa1: {  	s23 =	simm.s32 $0x1B8B  }
0xa2: {  	_ =	swait.ge [sflag:s23], $0x1  }
0xa3: {  	[sflag:s23] =	ssyncset.done $0x0  }
0xa4: {  	s25 =	simm.s32 $0x1B8E;
	s24 =	sld [smem:$0x3FFE];
	[sflag:s23] =	ssyncadd.s32 $0xFFFFFFFF  }
0xa5: {  	s26 =	simm.s32 $execute0_lowered;
	[smem:$0x3FD2] =	sst s25  }
0xa6: {  	s5 =	sshll.u32 s26, $0x1;
	_ =	strace $0x80000049;
	[dreg:$0x1] =	wrdreg $0xFFFFFFFF  }
0xa7: {  	s28 =	simm.s32 $_size_execute0_lowered;
	s3 =	sadd.s32 s3, s5;
	[dreg:$0x0] =	wrdreg $0x0  }
0xa8: {  	s5 =	sshll.u32 s28, $0x1;
	[dreg:$0x2] =	wrdreg s3  }
0xa9: {  	[dreg:$0x3] =	wrdreg s5  }
0xaa: {  	[dreg:$0x4] =	wrdreg $0xC0  }
0xab: {  	_ =	task [dreg:s7], $0x5FFFF  }
0xac: {  	[dreg:$0x1] =	wrdreg $0xFFFFFFFF  }
0xad: {  	[dreg:$0x0] =	wrdreg $0x60  }
0xae: {  	[dreg:$0x2] =	wrdreg s2  }
0xaf: {  	[dreg:$0x3] =	wrdreg s24  }
0xb0: {  	[dreg:$0x4] =	wrdreg $0xC3000  }
0xb1: {  	[dreg:$0x5] =	wrdreg $0x9  }
0xb2: {  	_ =	task.clear_ibuf [dreg:s7], $0x6FFFF;
	_ =	strace $0x90000049  }
0xb3: {  	s29 =	simm.s32 $0x9;
	_ =	strace $0x8000004B  }
0xb4: {  	_ =	swait.ge [sflag:s29], $0x1  }
0xb5: {  	[sflag:s29] =	ssyncadd.s32 $0xFFFFFFFF  }
0xb6: {  	_ =	strace $0x9000004B  }
0xb7: {  	_ =	sfence  }
0xb8: {  	s30 =	sld [smem:$0x0];
	_ =	sdelay $0x2  }
0xb9: {  	s31 =	sshll.u32 s1, $0xD;
	s1 =	sshrl.u32 s1, $0x2  }
0xba: {  	s3 =	sand.u32 $0x4000, s31;
	s1 =	sadd.s32 s1, s30  }
0xbb: {  	s0 =	sor.u32 s3, s0;
	s1 =	sshll.u32 s1, $0x11  }
0xbc: {  	s0 =	sor.u32 s1, s0  }
0xbd: {  	s0 =	sadd.s32 $0x8F2B, s0  }
0xbe: {  	[sflag:s0] =	ssyncadd.remote.s32 $0x1  }
0xbf: {  	_ =	sfence.sel $0xFFFF  }
0xc0: {  	[dreg:$0x0] =	wrdreg $0xFFFFFFFF;
	(pc) =	sbr.abs _section_cstart, $3  }
0xc1: {  	[dreg:$0x1] =	wrdreg $0xFFFFFFFF  }
0xc2: {  	_ =	task.clear_ibuf [dreg:s7], $0x2FFFF;
	_ =	strace $0x9FFFFFFF  }
0xc3: {  	(tm) =	ssettm $0x7FFFFFFF  }
tec
execute0_lowered:
.L_overlay_start_1:
0x0: {  	(tag) =	ssettag $0x1  }
0x1: {  	s1 =	rddreg [dreg:$0x0]  }
0x2: {  	s6 =	rddreg [dreg:$0x1]  }
0x3: {  	s2 =	rddreg [dreg:$0x2];
	s4 =	srdreg.scid  }
0x4: {  	s0 =	rddreg [dreg:$0x3];
	s7 =	sand.u32 $0x1, s4  }
0x5: {  	s3 =	simm.s32 $0x0;
	s4 =	stileid.u32;
	s8 =	smul.u32 $0x13C000, s7  }
0x6: {  	[smem:$0x7FF] =	sst s3;
	s9 =	smul.u32 $0x13C00, s4  }
0x7: {  	s11 =	sadd.s32 $0x5C400, s6;
	s10 =	sadd.s32 $0x2A00, s6;
	s13 =	smul.u32 $0x4F000, s4  }
0x8: {  	s5 =	sshll.u32 s7, $0x4;
	s26 =	ssub.s32 $0x2, s7;
	s7 =	smul.u32 $0x28800, s7  }
0x9: {  	_ =	strace $0x8000004A;
	s16 =	smul.u32 $0x2880, s4;
	s28 =	sshll.u32 s4, $0x6  }
0xa: {  	s12 =	sor.u32 s4, s5;
	s5 =	sadd.s32 $0x66600, s6;
	s14 =	sshrl.u32 s26, $0x1  }
0xb: {  	s8 =	sadd.s32 s9, s8;
	s25 =	smul.u32 $0x2880, s12;
	s15 =	sshrl.u32 s13, $0x2  }
0xc: {  	s12 =	ssub.s32 s26, s14;
	s14 =	sadd.s32 s16, s7;
	s7 =	sor.u32 $0x1C04, s28  }
0xd: {  	s8 =	sshrl.u32 s8, $0x3;
	s29 =	sshrl.u32 s14, $0x3;
	s17 =	sadd.s32 $0x780, s14  }
0xe: {  	s18 =	sadd.s32 $0x700, s14;
	s22 =	sadd.s32 $0x680, s14;
	s26 =	sadd.s32 $0x600, s14  }
0xf: {  	s13 =	sadd.s32 s8, s6;
	s6 =	sadd.s32 s15, s2;
	s9 =	sshrl.u32 s25, $0x3  }
0x10: {  	s30 =	sadd.s32 s29, s10;
	s15 =	sadd.s32 s29, s11;
	s31 =	sshrl.u32 s17, $0x3  }
0x11: {  	s20 =	sshrl.u32 s18, $0x3;
	s24 =	sshrl.u32 s22, $0x3;
	[dreg:$0x4] =	wrdreg s30  }
0x12: {  	s29 =	sshrl.u32 s26, $0x3;
	[dreg:$0x5] =	wrdreg s15;
	s17 =	sadd.s32 s31, s10  }
0x13: {  	s9 =	sadd.s32 $0x500, s9;
	s19 =	sadd.s32 s31, s11;
	[dreg:$0x6] =	wrdreg s17  }
0x14: {  	s21 =	sadd.s32 s20, s10;
	s23 =	sadd.s32 s20, s11;
	[dreg:$0x7] =	wrdreg s19  }
0x15: {  	s25 =	sadd.s32 s24, s10;
	s28 =	sadd.s32 s24, s11;
	[dreg:$0x8] =	wrdreg s21  }
0x16: {  	s30 =	sadd.s32 s29, s10;
	s31 =	sadd.s32 $0x580, s14;
	[dreg:$0x9] =	wrdreg s23  }
0x17: {  	s16 =	sadd.s32 s29, s11;
	s20 =	sadd.s32 $0x500, s14;
	[dreg:$0xa] =	wrdreg s25  }
0x18: {  	s24 =	sadd.s32 $0x480, s14;
	s29 =	sadd.s32 $0x400, s14;
	[dreg:$0xb] =	wrdreg s28  }
0x19: {  	s15 =	simm.s32 $0x300;
	[dreg:$0xc] =	wrdreg s30;
	s18 =	sshrl.u32 s31, $0x3  }
0x1a: {  	s8 =	sadd.s32 s11, s9;
	[dreg:$0xd] =	wrdreg s16;
	s19 =	sadd.s32 s18, s10  }
0x1b: {  	s22 =	sshrl.u32 s20, $0x3;
	s21 =	sadd.s32 s18, s11;
	[dreg:$0xe] =	wrdreg s19  }
0x1c: {  	s26 =	sshrl.u32 s24, $0x3;
	s23 =	sadd.s32 s22, s10;
	[dreg:$0xf] =	wrdreg s21  }
0x1d: {  	s31 =	sshrl.u32 s29, $0x3;
	s25 =	sadd.s32 s22, s11;
	[dreg:$0x10] =	wrdreg s23  }
0x1e: {  	s9 =	sadd.s32 s10, s9;
	s28 =	sadd.s32 s26, s10;
	[dreg:$0x11] =	wrdreg s25  }
0x1f: {  	s30 =	sadd.s32 s26, s11;
	s17 =	sadd.s32 s31, s10;
	[dreg:$0x12] =	wrdreg s28  }
0x20: {  	s18 =	sadd.s32 $0x380, s14;
	s22 =	sadd.s32 $0x300, s14;
	[dreg:$0x13] =	wrdreg s30  }
0x21: {  	s26 =	sadd.s32 $0x280, s14;
	[dreg:$0x14] =	wrdreg s17;
	s19 =	sadd.s32 s31, s11  }
0x22: {  	s20 =	sshrl.u32 s18, $0x3;
	s24 =	sshrl.u32 s22, $0x3;
	s29 =	sshrl.u32 s26, $0x3  }
0x23: {  	s31 =	sadd.s32 $0x200, s14;
	[dreg:$0x15] =	wrdreg s19;
	s21 =	sadd.s32 s20, s10  }
0x24: {  	s17 =	simm.s32 $0x4300;
	s23 =	sadd.s32 s20, s11;
	[dreg:$0x16] =	wrdreg s21  }
0x25: {  	s25 =	sadd.s32 s24, s10;
	s28 =	sadd.s32 s24, s11;
	[dreg:$0x17] =	wrdreg s23  }
0x26: {  	s30 =	sadd.s32 s29, s10;
	s16 =	sadd.s32 s29, s11;
	[dreg:$0x18] =	wrdreg s25  }
0x27: {  	s18 =	sshrl.u32 s31, $0x3;
	s20 =	sadd.s32 $0x180, s14;
	[dreg:$0x19] =	wrdreg s28  }
0x28: {  	s24 =	sadd.s32 $0x100, s14;
	s14 =	sadd.s32 $0x80, s14;
	[dreg:$0x1a] =	wrdreg s30  }
0x29: {  	[dreg:$0x1b] =	wrdreg s16;
	s19 =	sadd.s32 s18, s10;
	s21 =	sadd.s32 s18, s11  }
0x2a: {  	s22 =	sshrl.u32 s20, $0x3;
	s26 =	sshrl.u32 s24, $0x3;
	s14 =	sshrl.u32 s14, $0x3  }
0x2b: {  	s16 =	simm.s32 $0x200;
	s18 =	simm.s32 $0x100;
	[dreg:$0x1c] =	wrdreg s19  }
0x2c: {  	s20 =	simm.s32 $0x8300;
	s24 =	simm.s32 $0x0;
	[dreg:$0x1d] =	wrdreg s21  }
0x2d: {  	s23 =	sadd.s32 s22, s10;
	s25 =	sadd.s32 s22, s11;
	s28 =	sadd.s32 s26, s10  }
0x2e: {  	s29 =	sadd.s32 s26, s11;
	s30 =	sadd.s32 s14, s10;
	[dreg:$0x1e] =	wrdreg s23  }
0x2f: {  	s10 =	sadd.s32 $0x68E00, s13;
	s31 =	sadd.s32 s14, s11;
	[dreg:$0x1f] =	wrdreg s25  }
0x30: {  	s11 =	smax.u32 s12, $0x1;
	s12 =	simm.s32 $0x4;
	[smem:$0x7FA] =	sst s28  }
0x31: {  	s13 =	simm.s32 $0x180;
	s14 =	simm.s32 $0x80;
	[smem:$0x7FB] =	sst s29  }
0x32: {  	s19 =	simm.s32 $0x1;
	s21 =	simm.s32 $0x280;
	[smem:$0x7FC] =	sst s30  }
0x33: {  	s22 =	simm.s32 $0x3;
	[smem:$0x7FD] =	sst s31;
	s23 =	simm.s32 $0x2  }
.LBB2_1:
0x34: {  	s25 =	sshrl.u32 s6, $0x3  }
0x35: {  	[spmem:s25], [sflag:s7] =	dma.local [hbm:s5], $0x2780  }
0x36: {  	_ =	swait.ge [sflag:s12], $0x2780  }
0x37: {  	[sflag:s12] =	ssyncset.done $0x0  }
0x38: {  	[sflag:s12] =	ssyncadd.s32 $0xFFFFD880  }
0x39: {  	[bflag:$0x0] =	sbarrier.arrive $0xFFFF  }
0x3a: {  	s26 =	rddreg [dreg:$0x5]  }
0x3b: {  	s26 =	sadd.s32 $0x0, s26  }
0x3c: {  	[tilespmem:s3], [sflag:$0x4] =	stream.linear.gather [hbm4b:s26+s3], $0x80, $0x38;
	[tilespmem:$0x1FF00] =	vst v63  }
0x3d: {  	_ =	swait.ge [sflag:s12], $0x80  }
0x3e: {  	s31 =	rddreg [dreg:$0x4];
	[sflag:s12] =	ssyncset.done $0x0  }
0x3f: {  	[sflag:s12] =	ssyncadd.s32 $0xFFFFFF80;
	s26 =	sadd.s32 $0x0, s31  }
0x40: {  	[tilespmem:s13], [sflag:$0x4] =	stream.linear.gather [hbm4b:s26+s3], $0x80, $0x38;
	[tilespmem:$0x1FF00] =	vst v63  }
0x41: {  	_ =	swait.ge [sflag:s12], $0x80  }
0x42: {  	[sflag:s12] =	ssyncset.done $0x0;
	s29 =	sld [smem:$0x7FD]  }
0x43: {  	[sflag:s12] =	ssyncadd.s32 $0xFFFFFF80  }
0x44: {  	[tilespmem:s15], [sflag:$0x1] =	stream.indirect.gather [hbm4b:s1+s14], $0x80, s3, s14, $0xb8;
	[tilespmem:$0x1FF00] =	vst v63  }
0x45: {  	s26 =	sadd.s32 $0x0, s29  }
0x46: {  	[tilespmem:s14], [sflag:$0x4] =	stream.linear.gather [hbm4b:s26+s3], $0x80, $0x38;
	[tilespmem:$0x1FF00] =	vst v63  }
0x47: {  	_ =	swait.ge [sflag:s12], $0x80  }
0x48: {  	s31 =	sld [smem:$0x7FC];
	_ =	sdelay $0x1  }
0x49: {  	[sflag:s12] =	ssyncset.done $0x0  }
0x4a: {  	[sflag:s12] =	ssyncadd.s32 $0xFFFFFF80;
	s26 =	sadd.s32 $0x0, s31  }
0x4b: {  	[tilespmem:s16], [sflag:$0x4] =	stream.linear.gather [hbm4b:s26+s3], $0x80, $0x38;
	[tilespmem:$0x1FF00] =	vst v63  }
0x4c: {  	_ =	swait.ge [sflag:s12], $0x80  }
0x4d: {  	[sflag:s12] =	ssyncset.done $0x0;
	s29 =	sld [smem:$0x7FB]  }
0x4e: {  	[sflag:s12] =	ssyncadd.s32 $0xFFFFFF80  }
0x4f: {  	[tilespmem:s17], [sflag:$0x2] =	stream.indirect.gather [hbm4b:s1+s14], $0x80, s14, s14, $0xb8;
	[tilespmem:$0x1FF00] =	vst v63  }
0x50: {  	s26 =	sadd.s32 $0x0, s29  }
0x51: {  	[tilespmem:s18], [sflag:$0x4] =	stream.linear.gather [hbm4b:s26+s3], $0x80, $0x38;
	[tilespmem:$0x1FF00] =	vst v63  }
0x52: {  	_ =	swait.ge [sflag:s12], $0x80  }
0x53: {  	[sflag:s12] =	ssyncset.done $0x0  }
0x54: {  	[sflag:s12] =	ssyncadd.s32 $0xFFFFFF80  }
0x55: {  	_ =	swait.ge [sflag:s19], $0x4000  }
0x56: {  	[sflag:s19] =	ssyncset.done $0x0  }
0x57: {  	[sflag:s19] =	ssyncadd.s32 $0xFFFFC000  }
0x58: {  	[spmem:s2] =	stream.indirect.scatter.add.f32 [tilespmem:s15], [sflag:$0x3], $0x80, s13, s14, $0xb8;
	[tilespmem:$0x1FF00] =	vst v63  }
0x59: {  	s31 =	rddreg [dreg:$0x1f]  }
0x5a: {  	[tilespmem:s20], [sflag:$0x1] =	stream.indirect.gather [hbm4b:s1+s14], $0x80, s18, s14, $0xb8;
	[tilespmem:$0x1FF00] =	vst v63  }
0x5b: {  	s26 =	sadd.s32 $0x0, s31  }
0x5c: {  	[tilespmem:s3], [sflag:$0x4] =	stream.linear.gather [hbm4b:s26+s3], $0x80, $0x38;
	[tilespmem:$0x1FF00] =	vst v63  }
0x5d: {  	_ =	swait.ge [sflag:s12], $0x80  }
0x5e: {  	s29 =	sld [smem:$0x7FA];
	_ =	sdelay $0x1  }
0x5f: {  	[sflag:s12] =	ssyncset.done $0x0  }
0x60: {  	[sflag:s12] =	ssyncadd.s32 $0xFFFFFF80;
	s26 =	sadd.s32 $0x0, s29  }
0x61: {  	[tilespmem:s21], [sflag:$0x4] =	stream.linear.gather [hbm4b:s26+s3], $0x80, $0x38;
	[tilespmem:$0x1FF00] =	vst v63  }
0x62: {  	_ =	swait.ge [sflag:s12], $0x80  }
0x63: {  	[sflag:s12] =	ssyncset.done $0x0  }
0x64: {  	[sflag:s12] =	ssyncadd.s32 $0xFFFFFF80  }
0x65: {  	_ =	swait.ge [sflag:s22], $0x4000  }
0x66: {  	[sflag:s22] =	ssyncset.done $0x0  }
0x67: {  	[sflag:s22] =	ssyncadd.s32 $0xFFFFC000  }
0x68: {  	_ =	swait.ge [sflag:s23], $0x4000  }
0x69: {  	[sflag:s23] =	ssyncset.done $0x0  }
0x6a: {  	[sflag:s23] =	ssyncadd.s32 $0xFFFFC000  }
0x6b: {  	[spmem:s2] =	stream.indirect.scatter.add.f32 [tilespmem:s17], [sflag:$0x3], $0x80, s16, s14, $0xb8;
	[tilespmem:$0x1FF00] =	vst v63  }
0x6c: {  	s31 =	rddreg [dreg:$0x1d]  }
0x6d: {  	[tilespmem:s15], [sflag:$0x2] =	stream.indirect.gather [hbm4b:s1+s14], $0x80, s3, s14, $0xb8;
	[tilespmem:$0x1FF00] =	vst v63  }
0x6e: {  	s26 =	sadd.s32 $0x0, s31  }
0x6f: {  	[tilespmem:s14], [sflag:$0x4] =	stream.linear.gather [hbm4b:s26+s3], $0x80, $0x38;
	[tilespmem:$0x1FF00] =	vst v63  }
0x70: {  	_ =	swait.ge [sflag:s12], $0x80  }
0x71: {  	s29 =	rddreg [dreg:$0x1e];
	[sflag:s12] =	ssyncset.done $0x0  }
0x72: {  	[sflag:s12] =	ssyncadd.s32 $0xFFFFFF80;
	s26 =	sadd.s32 $0x0, s29  }
0x73: {  	[tilespmem:s13], [sflag:$0x4] =	stream.linear.gather [hbm4b:s26+s3], $0x80, $0x38;
	[tilespmem:$0x1FF00] =	vst v63  }
0x74: {  	_ =	swait.ge [sflag:s12], $0x80  }
0x75: {  	[sflag:s12] =	ssyncset.done $0x0  }
0x76: {  	[sflag:s12] =	ssyncadd.s32 $0xFFFFFF80  }
0x77: {  	_ =	swait.ge [sflag:s22], $0x4000  }
0x78: {  	[sflag:s22] =	ssyncset.done $0x0  }
0x79: {  	[sflag:s22] =	ssyncadd.s32 $0xFFFFC000  }
0x7a: {  	_ =	swait.ge [sflag:s19], $0x4000  }
0x7b: {  	[sflag:s19] =	ssyncset.done $0x0  }
0x7c: {  	[sflag:s19] =	ssyncadd.s32 $0xFFFFC000  }
0x7d: {  	[spmem:s2] =	stream.indirect.scatter.add.f32 [tilespmem:s20], [sflag:$0x3], $0x80, s21, s14, $0xb8;
	[tilespmem:$0x1FF00] =	vst v63  }
0x7e: {  	s31 =	rddreg [dreg:$0x1b]  }
0x7f: {  	[tilespmem:s17], [sflag:$0x1] =	stream.indirect.gather [hbm4b:s1+s14], $0x80, s14, s14, $0xb8;
	[tilespmem:$0x1FF00] =	vst v63  }
0x80: {  	s26 =	sadd.s32 $0x0, s31  }
0x81: {  	[tilespmem:s18], [sflag:$0x4] =	stream.linear.gather [hbm4b:s26+s3], $0x80, $0x38;
	[tilespmem:$0x1FF00] =	vst v63  }
0x82: {  	_ =	swait.ge [sflag:s12], $0x80  }
0x83: {  	s29 =	rddreg [dreg:$0x1c];
	[sflag:s12] =	ssyncset.done $0x0  }
0x84: {  	[sflag:s12] =	ssyncadd.s32 $0xFFFFFF80;
	s26 =	sadd.s32 $0x0, s29  }
0x85: {  	[tilespmem:s16], [sflag:$0x4] =	stream.linear.gather [hbm4b:s26+s3], $0x80, $0x38;
	[tilespmem:$0x1FF00] =	vst v63  }
0x86: {  	_ =	swait.ge [sflag:s12], $0x80  }
0x87: {  	[sflag:s12] =	ssyncset.done $0x0  }
0x88: {  	[sflag:s12] =	ssyncadd.s32 $0xFFFFFF80  }
0x89: {  	_ =	swait.ge [sflag:s22], $0x4000  }
0x8a: {  	[sflag:s22] =	ssyncset.done $0x0  }
0x8b: {  	[sflag:s22] =	ssyncadd.s32 $0xFFFFC000  }
0x8c: {  	_ =	swait.ge [sflag:s23], $0x4000  }
0x8d: {  	[sflag:s23] =	ssyncset.done $0x0  }
0x8e: {  	[sflag:s23] =	ssyncadd.s32 $0xFFFFC000  }
0x8f: {  	[spmem:s2] =	stream.indirect.scatter.add.f32 [tilespmem:s15], [sflag:$0x3], $0x80, s13, s14, $0xb8;
	[tilespmem:$0x1FF00] =	vst v63  }
0x90: {  	s31 =	rddreg [dreg:$0x19]  }
0x91: {  	[tilespmem:s20], [sflag:$0x2] =	stream.indirect.gather [hbm4b:s1+s14], $0x80, s18, s14, $0xb8;
	[tilespmem:$0x1FF00] =	vst v63  }
0x92: {  	s26 =	sadd.s32 $0x0, s31  }
0x93: {  	[tilespmem:s3], [sflag:$0x4] =	stream.linear.gather [hbm4b:s26+s3], $0x80, $0x38;
	[tilespmem:$0x1FF00] =	vst v63  }
0x94: {  	_ =	swait.ge [sflag:s12], $0x80  }
0x95: {  	s29 =	rddreg [dreg:$0x1a];
	[sflag:s12] =	ssyncset.done $0x0  }
0x96: {  	[sflag:s12] =	ssyncadd.s32 $0xFFFFFF80;
	s26 =	sadd.s32 $0x0, s29  }
0x97: {  	[tilespmem:s21], [sflag:$0x4] =	stream.linear.gather [hbm4b:s26+s3], $0x80, $0x38;
	[tilespmem:$0x1FF00] =	vst v63  }
0x98: {  	_ =	swait.ge [sflag:s12], $0x80  }
0x99: {  	[sflag:s12] =	ssyncset.done $0x0  }
0x9a: {  	[sflag:s12] =	ssyncadd.s32 $0xFFFFFF80  }
0x9b: {  	_ =	swait.ge [sflag:s22], $0x4000  }
0x9c: {  	[sflag:s22] =	ssyncset.done $0x0  }
0x9d: {  	[sflag:s22] =	ssyncadd.s32 $0xFFFFC000  }
0x9e: {  	_ =	swait.ge [sflag:s19], $0x4000  }
0x9f: {  	[sflag:s19] =	ssyncset.done $0x0  }
0xa0: {  	[sflag:s19] =	ssyncadd.s32 $0xFFFFC000  }
0xa1: {  	[spmem:s2] =	stream.indirect.scatter.add.f32 [tilespmem:s17], [sflag:$0x3], $0x80, s16, s14, $0xb8;
	[tilespmem:$0x1FF00] =	vst v63  }
0xa2: {  	s31 =	rddreg [dreg:$0x17]  }
0xa3: {  	[tilespmem:s15], [sflag:$0x1] =	stream.indirect.gather [hbm4b:s1+s14], $0x80, s3, s14, $0xb8;
	[tilespmem:$0x1FF00] =	vst v63  }
0xa4: {  	s26 =	sadd.s32 $0x0, s31  }
0xa5: {  	[tilespmem:s14], [sflag:$0x4] =	stream.linear.gather [hbm4b:s26+s3], $0x80, $0x38;
	[tilespmem:$0x1FF00] =	vst v63  }
0xa6: {  	_ =	swait.ge [sflag:s12], $0x80  }
0xa7: {  	s29 =	rddreg [dreg:$0x18];
	[sflag:s12] =	ssyncset.done $0x0  }
0xa8: {  	[sflag:s12] =	ssyncadd.s32 $0xFFFFFF80;
	s26 =	sadd.s32 $0x0, s29  }
0xa9: {  	[tilespmem:s13], [sflag:$0x4] =	stream.linear.gather [hbm4b:s26+s3], $0x80, $0x38;
	[tilespmem:$0x1FF00] =	vst v63  }
0xaa: {  	_ =	swait.ge [sflag:s12], $0x80  }
0xab: {  	[sflag:s12] =	ssyncset.done $0x0  }
0xac: {  	[sflag:s12] =	ssyncadd.s32 $0xFFFFFF80  }
0xad: {  	_ =	swait.ge [sflag:s22], $0x4000  }
0xae: {  	[sflag:s22] =	ssyncset.done $0x0  }
0xaf: {  	[sflag:s22] =	ssyncadd.s32 $0xFFFFC000  }
0xb0: {  	_ =	swait.ge [sflag:s23], $0x4000  }
0xb1: {  	[sflag:s23] =	ssyncset.done $0x0  }
0xb2: {  	[sflag:s23] =	ssyncadd.s32 $0xFFFFC000  }
0xb3: {  	[spmem:s2] =	stream.indirect.scatter.add.f32 [tilespmem:s20], [sflag:$0x3], $0x80, s21, s14, $0xb8;
	[tilespmem:$0x1FF00] =	vst v63  }
0xb4: {  	s31 =	rddreg [dreg:$0x15]  }
0xb5: {  	[tilespmem:s17], [sflag:$0x2] =	stream.indirect.gather [hbm4b:s1+s14], $0x80, s14, s14, $0xb8;
	[tilespmem:$0x1FF00] =	vst v63  }
0xb6: {  	s26 =	sadd.s32 $0x0, s31  }
0xb7: {  	[tilespmem:s18], [sflag:$0x4] =	stream.linear.gather [hbm4b:s26+s3], $0x80, $0x38;
	[tilespmem:$0x1FF00] =	vst v63  }
0xb8: {  	_ =	swait.ge [sflag:s12], $0x80  }
0xb9: {  	s29 =	rddreg [dreg:$0x16];
	[sflag:s12] =	ssyncset.done $0x0  }
0xba: {  	[sflag:s12] =	ssyncadd.s32 $0xFFFFFF80;
	s26 =	sadd.s32 $0x0, s29  }
0xbb: {  	[tilespmem:s16], [sflag:$0x4] =	stream.linear.gather [hbm4b:s26+s3], $0x80, $0x38;
	[tilespmem:$0x1FF00] =	vst v63  }
0xbc: {  	_ =	swait.ge [sflag:s12], $0x80  }
0xbd: {  	[sflag:s12] =	ssyncset.done $0x0  }
0xbe: {  	[sflag:s12] =	ssyncadd.s32 $0xFFFFFF80  }
0xbf: {  	_ =	swait.ge [sflag:s22], $0x4000  }
0xc0: {  	[sflag:s22] =	ssyncset.done $0x0  }
0xc1: {  	[sflag:s22] =	ssyncadd.s32 $0xFFFFC000  }
0xc2: {  	_ =	swait.ge [sflag:s19], $0x4000  }
0xc3: {  	[sflag:s19] =	ssyncset.done $0x0  }
0xc4: {  	[sflag:s19] =	ssyncadd.s32 $0xFFFFC000  }
0xc5: {  	[spmem:s2] =	stream.indirect.scatter.add.f32 [tilespmem:s15], [sflag:$0x3], $0x80, s13, s14, $0xb8;
	[tilespmem:$0x1FF00] =	vst v63  }
0xc6: {  	s31 =	rddreg [dreg:$0x13]  }
0xc7: {  	[tilespmem:s20], [sflag:$0x1] =	stream.indirect.gather [hbm4b:s1+s14], $0x80, s18, s14, $0xb8;
	[tilespmem:$0x1FF00] =	vst v63  }
0xc8: {  	s26 =	sadd.s32 $0x0, s31  }
0xc9: {  	[tilespmem:s3], [sflag:$0x4] =	stream.linear.gather [hbm4b:s26+s3], $0x80, $0x38;
	[tilespmem:$0x1FF00] =	vst v63  }
0xca: {  	_ =	swait.ge [sflag:s12], $0x80  }
0xcb: {  	s29 =	rddreg [dreg:$0x14];
	[sflag:s12] =	ssyncset.done $0x0  }
0xcc: {  	[sflag:s12] =	ssyncadd.s32 $0xFFFFFF80;
	s26 =	sadd.s32 $0x0, s29  }
0xcd: {  	[tilespmem:s21], [sflag:$0x4] =	stream.linear.gather [hbm4b:s26+s3], $0x80, $0x38;
	[tilespmem:$0x1FF00] =	vst v63  }
0xce: {  	_ =	swait.ge [sflag:s12], $0x80  }
0xcf: {  	[sflag:s12] =	ssyncset.done $0x0  }
0xd0: {  	[sflag:s12] =	ssyncadd.s32 $0xFFFFFF80  }
0xd1: {  	_ =	swait.ge [sflag:s22], $0x4000  }
0xd2: {  	[sflag:s22] =	ssyncset.done $0x0  }
0xd3: {  	[sflag:s22] =	ssyncadd.s32 $0xFFFFC000  }
0xd4: {  	_ =	swait.ge [sflag:s23], $0x4000  }
0xd5: {  	[sflag:s23] =	ssyncset.done $0x0  }
0xd6: {  	[sflag:s23] =	ssyncadd.s32 $0xFFFFC000  }
0xd7: {  	[spmem:s2] =	stream.indirect.scatter.add.f32 [tilespmem:s17], [sflag:$0x3], $0x80, s16, s14, $0xb8;
	[tilespmem:$0x1FF00] =	vst v63  }
0xd8: {  	s31 =	rddreg [dreg:$0x11]  }
0xd9: {  	[tilespmem:s15], [sflag:$0x2] =	stream.indirect.gather [hbm4b:s1+s14], $0x80, s3, s14, $0xb8;
	[tilespmem:$0x1FF00] =	vst v63  }
0xda: {  	s26 =	sadd.s32 $0x0, s31  }
0xdb: {  	[tilespmem:s14], [sflag:$0x4] =	stream.linear.gather [hbm4b:s26+s3], $0x80, $0x38;
	[tilespmem:$0x1FF00] =	vst v63  }
0xdc: {  	_ =	swait.ge [sflag:s12], $0x80  }
0xdd: {  	s29 =	rddreg [dreg:$0x12];
	[sflag:s12] =	ssyncset.done $0x0  }
0xde: {  	[sflag:s12] =	ssyncadd.s32 $0xFFFFFF80;
	s26 =	sadd.s32 $0x0, s29  }
0xdf: {  	[tilespmem:s13], [sflag:$0x4] =	stream.linear.gather [hbm4b:s26+s3], $0x80, $0x38;
	[tilespmem:$0x1FF00] =	vst v63  }
0xe0: {  	_ =	swait.ge [sflag:s12], $0x80  }
0xe1: {  	[sflag:s12] =	ssyncset.done $0x0  }
0xe2: {  	[sflag:s12] =	ssyncadd.s32 $0xFFFFFF80  }
0xe3: {  	_ =	swait.ge [sflag:s22], $0x4000  }
0xe4: {  	[sflag:s22] =	ssyncset.done $0x0  }
0xe5: {  	[sflag:s22] =	ssyncadd.s32 $0xFFFFC000  }
0xe6: {  	_ =	swait.ge [sflag:s19], $0x4000  }
0xe7: {  	[sflag:s19] =	ssyncset.done $0x0  }
0xe8: {  	[sflag:s19] =	ssyncadd.s32 $0xFFFFC000  }
0xe9: {  	[spmem:s2] =	stream.indirect.scatter.add.f32 [tilespmem:s20], [sflag:$0x3], $0x80, s21, s14, $0xb8;
	[tilespmem:$0x1FF00] =	vst v63  }
0xea: {  	s31 =	rddreg [dreg:$0xf]  }
0xeb: {  	[tilespmem:s17], [sflag:$0x1] =	stream.indirect.gather [hbm4b:s1+s14], $0x80, s14, s14, $0xb8;
	[tilespmem:$0x1FF00] =	vst v63  }
0xec: {  	s26 =	sadd.s32 $0x0, s31  }
0xed: {  	[tilespmem:s18], [sflag:$0x4] =	stream.linear.gather [hbm4b:s26+s3], $0x80, $0x38;
	[tilespmem:$0x1FF00] =	vst v63  }
0xee: {  	_ =	swait.ge [sflag:s12], $0x80  }
0xef: {  	s29 =	rddreg [dreg:$0x10];
	[sflag:s12] =	ssyncset.done $0x0  }
0xf0: {  	[sflag:s12] =	ssyncadd.s32 $0xFFFFFF80;
	s26 =	sadd.s32 $0x0, s29  }
0xf1: {  	[tilespmem:s16], [sflag:$0x4] =	stream.linear.gather [hbm4b:s26+s3], $0x80, $0x38;
	[tilespmem:$0x1FF00] =	vst v63  }
0xf2: {  	_ =	swait.ge [sflag:s12], $0x80  }
0xf3: {  	[sflag:s12] =	ssyncset.done $0x0  }
0xf4: {  	[sflag:s12] =	ssyncadd.s32 $0xFFFFFF80  }
0xf5: {  	_ =	swait.ge [sflag:s22], $0x4000  }
0xf6: {  	[sflag:s22] =	ssyncset.done $0x0  }
0xf7: {  	[sflag:s22] =	ssyncadd.s32 $0xFFFFC000  }
0xf8: {  	_ =	swait.ge [sflag:s23], $0x4000  }
0xf9: {  	[sflag:s23] =	ssyncset.done $0x0  }
0xfa: {  	[sflag:s23] =	ssyncadd.s32 $0xFFFFC000  }
0xfb: {  	[spmem:s2] =	stream.indirect.scatter.add.f32 [tilespmem:s15], [sflag:$0x3], $0x80, s13, s14, $0xb8;
	[tilespmem:$0x1FF00] =	vst v63  }
0xfc: {  	s31 =	rddreg [dreg:$0xd]  }
0xfd: {  	[tilespmem:s20], [sflag:$0x2] =	stream.indirect.gather [hbm4b:s1+s14], $0x80, s18, s14, $0xb8;
	[tilespmem:$0x1FF00] =	vst v63  }
0xfe: {  	s26 =	sadd.s32 $0x0, s31  }
0xff: {  	[tilespmem:s3], [sflag:$0x4] =	stream.linear.gather [hbm4b:s26+s3], $0x80, $0x38;
	[tilespmem:$0x1FF00] =	vst v63  }
0x100: {  	_ =	swait.ge [sflag:s12], $0x80  }
0x101: {  	s29 =	rddreg [dreg:$0xe];
	[sflag:s12] =	ssyncset.done $0x0  }
0x102: {  	[sflag:s12] =	ssyncadd.s32 $0xFFFFFF80;
	s26 =	sadd.s32 $0x0, s29  }
0x103: {  	[tilespmem:s21], [sflag:$0x4] =	stream.linear.gather [hbm4b:s26+s3], $0x80, $0x38;
	[tilespmem:$0x1FF00] =	vst v63  }
0x104: {  	_ =	swait.ge [sflag:s12], $0x80  }
0x105: {  	[sflag:s12] =	ssyncset.done $0x0  }
0x106: {  	[sflag:s12] =	ssyncadd.s32 $0xFFFFFF80  }
0x107: {  	_ =	swait.ge [sflag:s22], $0x4000  }
0x108: {  	[sflag:s22] =	ssyncset.done $0x0  }
0x109: {  	[sflag:s22] =	ssyncadd.s32 $0xFFFFC000  }
0x10a: {  	_ =	swait.ge [sflag:s19], $0x4000  }
0x10b: {  	[sflag:s19] =	ssyncset.done $0x0  }
0x10c: {  	[sflag:s19] =	ssyncadd.s32 $0xFFFFC000  }
0x10d: {  	[spmem:s2] =	stream.indirect.scatter.add.f32 [tilespmem:s17], [sflag:$0x3], $0x80, s16, s14, $0xb8;
	[tilespmem:$0x1FF00] =	vst v63  }
0x10e: {  	s31 =	rddreg [dreg:$0xb]  }
0x10f: {  	[tilespmem:s15], [sflag:$0x1] =	stream.indirect.gather [hbm4b:s1+s14], $0x80, s3, s14, $0xb8;
	[tilespmem:$0x1FF00] =	vst v63  }
0x110: {  	s26 =	sadd.s32 $0x0, s31  }
0x111: {  	[tilespmem:s14], [sflag:$0x4] =	stream.linear.gather [hbm4b:s26+s3], $0x80, $0x38;
	[tilespmem:$0x1FF00] =	vst v63  }
0x112: {  	_ =	swait.ge [sflag:s12], $0x80  }
0x113: {  	s29 =	rddreg [dreg:$0xc];
	[sflag:s12] =	ssyncset.done $0x0  }
0x114: {  	[sflag:s12] =	ssyncadd.s32 $0xFFFFFF80;
	s26 =	sadd.s32 $0x0, s29  }
0x115: {  	[tilespmem:s13], [sflag:$0x4] =	stream.linear.gather [hbm4b:s26+s3], $0x80, $0x38;
	[tilespmem:$0x1FF00] =	vst v63  }
0x116: {  	_ =	swait.ge [sflag:s12], $0x80  }
0x117: {  	[sflag:s12] =	ssyncset.done $0x0  }
0x118: {  	[sflag:s12] =	ssyncadd.s32 $0xFFFFFF80  }
0x119: {  	_ =	swait.ge [sflag:s22], $0x4000  }
0x11a: {  	[sflag:s22] =	ssyncset.done $0x0  }
0x11b: {  	[sflag:s22] =	ssyncadd.s32 $0xFFFFC000  }
0x11c: {  	_ =	swait.ge [sflag:s23], $0x4000  }
0x11d: {  	[sflag:s23] =	ssyncset.done $0x0  }
0x11e: {  	[sflag:s23] =	ssyncadd.s32 $0xFFFFC000  }
0x11f: {  	[spmem:s2] =	stream.indirect.scatter.add.f32 [tilespmem:s20], [sflag:$0x3], $0x80, s21, s14, $0xb8;
	[tilespmem:$0x1FF00] =	vst v63  }
0x120: {  	s31 =	rddreg [dreg:$0x9]  }
0x121: {  	[tilespmem:s17], [sflag:$0x2] =	stream.indirect.gather [hbm4b:s1+s14], $0x80, s14, s14, $0xb8;
	[tilespmem:$0x1FF00] =	vst v63  }
0x122: {  	s26 =	sadd.s32 $0x0, s31  }
0x123: {  	[tilespmem:s18], [sflag:$0x4] =	stream.linear.gather [hbm4b:s26+s3], $0x80, $0x38;
	[tilespmem:$0x1FF00] =	vst v63  }
0x124: {  	_ =	swait.ge [sflag:s12], $0x80  }
0x125: {  	s29 =	rddreg [dreg:$0xa];
	[sflag:s12] =	ssyncset.done $0x0  }
0x126: {  	[sflag:s12] =	ssyncadd.s32 $0xFFFFFF80;
	s26 =	sadd.s32 $0x0, s29  }
0x127: {  	[tilespmem:s16], [sflag:$0x4] =	stream.linear.gather [hbm4b:s26+s3], $0x80, $0x38;
	[tilespmem:$0x1FF00] =	vst v63  }
0x128: {  	_ =	swait.ge [sflag:s12], $0x80  }
0x129: {  	[sflag:s12] =	ssyncset.done $0x0  }
0x12a: {  	[sflag:s12] =	ssyncadd.s32 $0xFFFFFF80  }
0x12b: {  	_ =	swait.ge [sflag:s22], $0x4000  }
0x12c: {  	[sflag:s22] =	ssyncset.done $0x0  }
0x12d: {  	[sflag:s22] =	ssyncadd.s32 $0xFFFFC000  }
0x12e: {  	_ =	swait.ge [sflag:s19], $0x4000  }
0x12f: {  	[sflag:s19] =	ssyncset.done $0x0  }
0x130: {  	[sflag:s19] =	ssyncadd.s32 $0xFFFFC000  }
0x131: {  	[spmem:s2] =	stream.indirect.scatter.add.f32 [tilespmem:s15], [sflag:$0x3], $0x80, s13, s14, $0xb8;
	[tilespmem:$0x1FF00] =	vst v63  }
0x132: {  	s31 =	rddreg [dreg:$0x7]  }
0x133: {  	[tilespmem:s20], [sflag:$0x1] =	stream.indirect.gather [hbm4b:s1+s14], $0x80, s18, s14, $0xb8;
	[tilespmem:$0x1FF00] =	vst v63  }
0x134: {  	s26 =	sadd.s32 $0x0, s31  }
0x135: {  	[tilespmem:s3], [sflag:$0x4] =	stream.linear.gather [hbm4b:s26+s3], $0x80, $0x38;
	[tilespmem:$0x1FF00] =	vst v63  }
0x136: {  	_ =	swait.ge [sflag:s12], $0x80  }
0x137: {  	s29 =	rddreg [dreg:$0x8];
	[sflag:s12] =	ssyncset.done $0x0  }
0x138: {  	[sflag:s12] =	ssyncadd.s32 $0xFFFFFF80;
	s26 =	sadd.s32 $0x0, s29  }
0x139: {  	[tilespmem:s21], [sflag:$0x4] =	stream.linear.gather [hbm4b:s26+s3], $0x80, $0x38;
	[tilespmem:$0x1FF00] =	vst v63  }
0x13a: {  	_ =	swait.ge [sflag:s12], $0x80  }
0x13b: {  	[sflag:s12] =	ssyncset.done $0x0  }
0x13c: {  	[sflag:s12] =	ssyncadd.s32 $0xFFFFFF80  }
0x13d: {  	_ =	swait.ge [sflag:s22], $0x4000  }
0x13e: {  	[sflag:s22] =	ssyncset.done $0x0  }
0x13f: {  	[sflag:s22] =	ssyncadd.s32 $0xFFFFC000  }
0x140: {  	_ =	swait.ge [sflag:s23], $0x4000  }
0x141: {  	[sflag:s23] =	ssyncset.done $0x0  }
0x142: {  	[sflag:s23] =	ssyncadd.s32 $0xFFFFC000  }
0x143: {  	[spmem:s2] =	stream.indirect.scatter.add.f32 [tilespmem:s17], [sflag:$0x3], $0x80, s16, s14, $0xb8;
	[tilespmem:$0x1FF00] =	vst v63  }
0x144: {  	s31 =	rddreg [dreg:$0x6]  }
0x145: {  	[tilespmem:s15], [sflag:$0x2] =	stream.indirect.gather [hbm4b:s1+s14], $0x80, s3, s14, $0xb8;
	[tilespmem:$0x1FF00] =	vst v63  }
0x146: {  	s26 =	sadd.s32 $0x0, s31  }
0x147: {  	[tilespmem:s13], [sflag:$0x4] =	stream.linear.gather [hbm4b:s26+s3], $0x80, $0x38;
	[tilespmem:$0x1FF00] =	vst v63  }
0x148: {  	_ =	swait.ge [sflag:s12], $0x80  }
0x149: {  	[sflag:s12] =	ssyncset.done $0x0  }
0x14a: {  	[sflag:s12] =	ssyncadd.s32 $0xFFFFFF80  }
0x14b: {  	_ =	swait.ge [sflag:s22], $0x4000  }
0x14c: {  	[sflag:s22] =	ssyncset.done $0x0  }
0x14d: {  	[sflag:s22] =	ssyncadd.s32 $0xFFFFC000  }
0x14e: {  	_ =	swait.ge [sflag:s19], $0x4000  }
0x14f: {  	[sflag:s19] =	ssyncset.done $0x0  }
0x150: {  	[sflag:s19] =	ssyncadd.s32 $0xFFFFC000  }
0x151: {  	[spmem:s2] =	stream.indirect.scatter.add.f32 [tilespmem:s20], [sflag:$0x3], $0x80, s21, s14, $0xb8;
	[tilespmem:$0x1FF00] =	vst v63  }
0x152: {  	_ =	swait.ge [sflag:s22], $0x4000  }
0x153: {  	[sflag:s22] =	ssyncset.done $0x0  }
0x154: {  	[sflag:s22] =	ssyncadd.s32 $0xFFFFC000  }
0x155: {  	_ =	swait.ge [sflag:s23], $0x4000  }
0x156: {  	[sflag:s23] =	ssyncset.done $0x0  }
0x157: {  	[sflag:s23] =	ssyncadd.s32 $0xFFFFC000  }
0x158: {  	[spmem:s2] =	stream.indirect.scatter.add.f32 [tilespmem:s15], [sflag:$0x4], $0x80, s13, s14, $0xb8;
	[tilespmem:$0x1FF00] =	vst v63  }
0x159: {  	s28 =	simm.s32 $0x200;
	_ =	swait.ge [sflag:s12], $0x4000  }
0x15a: {  	s26 =	simm.s32 $0x100;
	s30 =	rddreg [dreg:$0x5];
	[sflag:s12] =	ssyncset.done $0x0  }
.LBB2_2:
0x15b: {  	[sflag:s12] =	ssyncadd.s32 $0xFFFFC000;
	s30 =	sadd.s32 s26, s30  }
0x15c: {  	[tilespmem:s3], [sflag:$0x4] =	stream.linear.gather [hbm4b:s30+s3], $0x80, $0x38;
	[tilespmem:$0x1FF00] =	vst v63  }
0x15d: {  	_ =	swait.ge [sflag:s12], $0x80  }
0x15e: {  	s30 =	rddreg [dreg:$0x4];
	[sflag:s12] =	ssyncset.done $0x0  }
0x15f: {  	[sflag:s12] =	ssyncadd.s32 $0xFFFFFF80;
	s30 =	sadd.s32 s26, s30  }
0x160: {  	[tilespmem:s13], [sflag:$0x4] =	stream.linear.gather [hbm4b:s30+s3], $0x80, $0x38;
	[tilespmem:$0x1FF00] =	vst v63  }
0x161: {  	_ =	swait.ge [sflag:s12], $0x80  }
0x162: {  	[sflag:s12] =	ssyncset.done $0x0;
	s30 =	sld [smem:$0x7FD]  }
0x163: {  	[sflag:s12] =	ssyncadd.s32 $0xFFFFFF80  }
0x164: {  	[tilespmem:s15], [sflag:$0x1] =	stream.indirect.gather [hbm4b:s1+s14], $0x80, s3, s14, $0xb8;
	[tilespmem:$0x1FF00] =	vst v63  }
0x165: {  	s30 =	sadd.s32 s26, s30  }
0x166: {  	[tilespmem:s14], [sflag:$0x4] =	stream.linear.gather [hbm4b:s30+s3], $0x80, $0x38;
	[tilespmem:$0x1FF00] =	vst v63  }
0x167: {  	_ =	swait.ge [sflag:s12], $0x80  }
0x168: {  	s30 =	sld [smem:$0x7FC];
	_ =	sdelay $0x1  }
0x169: {  	[sflag:s12] =	ssyncset.done $0x0  }
0x16a: {  	[sflag:s12] =	ssyncadd.s32 $0xFFFFFF80;
	s30 =	sadd.s32 s26, s30  }
0x16b: {  	[tilespmem:s16], [sflag:$0x4] =	stream.linear.gather [hbm4b:s30+s3], $0x80, $0x38;
	[tilespmem:$0x1FF00] =	vst v63  }
0x16c: {  	_ =	swait.ge [sflag:s12], $0x80  }
0x16d: {  	[sflag:s12] =	ssyncset.done $0x0;
	s30 =	sld [smem:$0x7FB]  }
0x16e: {  	[sflag:s12] =	ssyncadd.s32 $0xFFFFFF80  }
0x16f: {  	[tilespmem:s17], [sflag:$0x2] =	stream.indirect.gather [hbm4b:s1+s14], $0x80, s14, s14, $0xb8;
	[tilespmem:$0x1FF00] =	vst v63  }
0x170: {  	s30 =	sadd.s32 s26, s30  }
0x171: {  	[tilespmem:s18], [sflag:$0x4] =	stream.linear.gather [hbm4b:s30+s3], $0x80, $0x38;
	[tilespmem:$0x1FF00] =	vst v63  }
0x172: {  	_ =	swait.ge [sflag:s12], $0x80  }
0x173: {  	[sflag:s12] =	ssyncset.done $0x0  }
0x174: {  	[sflag:s12] =	ssyncadd.s32 $0xFFFFFF80  }
0x175: {  	_ =	swait.ge [sflag:s19], $0x4000  }
0x176: {  	[sflag:s19] =	ssyncset.done $0x0  }
0x177: {  	[sflag:s19] =	ssyncadd.s32 $0xFFFFC000  }
0x178: {  	[spmem:s2] =	stream.indirect.scatter.add.f32 [tilespmem:s15], [sflag:$0x3], $0x80, s13, s14, $0xb8;
	[tilespmem:$0x1FF00] =	vst v63  }
0x179: {  	s30 =	rddreg [dreg:$0x1f]  }
0x17a: {  	[tilespmem:s20], [sflag:$0x1] =	stream.indirect.gather [hbm4b:s1+s14], $0x80, s18, s14, $0xb8;
	[tilespmem:$0x1FF00] =	vst v63  }
0x17b: {  	s30 =	sadd.s32 s26, s30  }
0x17c: {  	[tilespmem:s3], [sflag:$0x4] =	stream.linear.gather [hbm4b:s30+s3], $0x80, $0x38;
	[tilespmem:$0x1FF00] =	vst v63  }
0x17d: {  	_ =	swait.ge [sflag:s12], $0x80  }
0x17e: {  	s30 =	sld [smem:$0x7FA];
	_ =	sdelay $0x1  }
0x17f: {  	[sflag:s12] =	ssyncset.done $0x0  }
0x180: {  	[sflag:s12] =	ssyncadd.s32 $0xFFFFFF80;
	s30 =	sadd.s32 s26, s30  }
0x181: {  	[tilespmem:s21], [sflag:$0x4] =	stream.linear.gather [hbm4b:s30+s3], $0x80, $0x38;
	[tilespmem:$0x1FF00] =	vst v63  }
0x182: {  	_ =	swait.ge [sflag:s12], $0x80  }
0x183: {  	[sflag:s12] =	ssyncset.done $0x0  }
0x184: {  	[sflag:s12] =	ssyncadd.s32 $0xFFFFFF80  }
0x185: {  	_ =	swait.ge [sflag:s22], $0x4000  }
0x186: {  	[sflag:s22] =	ssyncset.done $0x0  }
0x187: {  	[sflag:s22] =	ssyncadd.s32 $0xFFFFC000  }
0x188: {  	_ =	swait.ge [sflag:s23], $0x4000  }
0x189: {  	[sflag:s23] =	ssyncset.done $0x0  }
0x18a: {  	[sflag:s23] =	ssyncadd.s32 $0xFFFFC000  }
0x18b: {  	[spmem:s2] =	stream.indirect.scatter.add.f32 [tilespmem:s17], [sflag:$0x3], $0x80, s16, s14, $0xb8;
	[tilespmem:$0x1FF00] =	vst v63  }
0x18c: {  	s30 =	rddreg [dreg:$0x1d]  }
0x18d: {  	[tilespmem:s15], [sflag:$0x2] =	stream.indirect.gather [hbm4b:s1+s14], $0x80, s3, s14, $0xb8;
	[tilespmem:$0x1FF00] =	vst v63  }
0x18e: {  	s30 =	sadd.s32 s26, s30  }
0x18f: {  	[tilespmem:s14], [sflag:$0x4] =	stream.linear.gather [hbm4b:s30+s3], $0x80, $0x38;
	[tilespmem:$0x1FF00] =	vst v63  }
0x190: {  	_ =	swait.ge [sflag:s12], $0x80  }
0x191: {  	s30 =	rddreg [dreg:$0x1e];
	[sflag:s12] =	ssyncset.done $0x0  }
0x192: {  	[sflag:s12] =	ssyncadd.s32 $0xFFFFFF80;
	s30 =	sadd.s32 s26, s30  }
0x193: {  	[tilespmem:s13], [sflag:$0x4] =	stream.linear.gather [hbm4b:s30+s3], $0x80, $0x38;
	[tilespmem:$0x1FF00] =	vst v63  }
0x194: {  	_ =	swait.ge [sflag:s12], $0x80  }
0x195: {  	[sflag:s12] =	ssyncset.done $0x0  }
0x196: {  	[sflag:s12] =	ssyncadd.s32 $0xFFFFFF80  }
0x197: {  	_ =	swait.ge [sflag:s22], $0x4000  }
0x198: {  	[sflag:s22] =	ssyncset.done $0x0  }
0x199: {  	[sflag:s22] =	ssyncadd.s32 $0xFFFFC000  }
0x19a: {  	_ =	swait.ge [sflag:s19], $0x4000  }
0x19b: {  	[sflag:s19] =	ssyncset.done $0x0  }
0x19c: {  	[sflag:s19] =	ssyncadd.s32 $0xFFFFC000  }
0x19d: {  	[spmem:s2] =	stream.indirect.scatter.add.f32 [tilespmem:s20], [sflag:$0x3], $0x80, s21, s14, $0xb8;
	[tilespmem:$0x1FF00] =	vst v63  }
0x19e: {  	s30 =	rddreg [dreg:$0x1b]  }
0x19f: {  	[tilespmem:s17], [sflag:$0x1] =	stream.indirect.gather [hbm4b:s1+s14], $0x80, s14, s14, $0xb8;
	[tilespmem:$0x1FF00] =	vst v63  }
0x1a0: {  	s30 =	sadd.s32 s26, s30  }
0x1a1: {  	[tilespmem:s18], [sflag:$0x4] =	stream.linear.gather [hbm4b:s30+s3], $0x80, $0x38;
	[tilespmem:$0x1FF00] =	vst v63  }
0x1a2: {  	_ =	swait.ge [sflag:s12], $0x80  }
0x1a3: {  	s30 =	rddreg [dreg:$0x1c];
	[sflag:s12] =	ssyncset.done $0x0  }
0x1a4: {  	[sflag:s12] =	ssyncadd.s32 $0xFFFFFF80;
	s30 =	sadd.s32 s26, s30  }
0x1a5: {  	[tilespmem:s16], [sflag:$0x4] =	stream.linear.gather [hbm4b:s30+s3], $0x80, $0x38;
	[tilespmem:$0x1FF00] =	vst v63  }
0x1a6: {  	_ =	swait.ge [sflag:s12], $0x80  }
0x1a7: {  	[sflag:s12] =	ssyncset.done $0x0  }
0x1a8: {  	[sflag:s12] =	ssyncadd.s32 $0xFFFFFF80  }
0x1a9: {  	_ =	swait.ge [sflag:s22], $0x4000  }
0x1aa: {  	[sflag:s22] =	ssyncset.done $0x0  }
0x1ab: {  	[sflag:s22] =	ssyncadd.s32 $0xFFFFC000  }
0x1ac: {  	_ =	swait.ge [sflag:s23], $0x4000  }
0x1ad: {  	[sflag:s23] =	ssyncset.done $0x0  }
0x1ae: {  	[sflag:s23] =	ssyncadd.s32 $0xFFFFC000  }
0x1af: {  	[spmem:s2] =	stream.indirect.scatter.add.f32 [tilespmem:s15], [sflag:$0x3], $0x80, s13, s14, $0xb8;
	[tilespmem:$0x1FF00] =	vst v63  }
0x1b0: {  	s30 =	rddreg [dreg:$0x19]  }
0x1b1: {  	[tilespmem:s20], [sflag:$0x2] =	stream.indirect.gather [hbm4b:s1+s14], $0x80, s18, s14, $0xb8;
	[tilespmem:$0x1FF00] =	vst v63  }
0x1b2: {  	s30 =	sadd.s32 s26, s30  }
0x1b3: {  	[tilespmem:s3], [sflag:$0x4] =	stream.linear.gather [hbm4b:s30+s3], $0x80, $0x38;
	[tilespmem:$0x1FF00] =	vst v63  }
0x1b4: {  	_ =	swait.ge [sflag:s12], $0x80  }
0x1b5: {  	s30 =	rddreg [dreg:$0x1a];
	[sflag:s12] =	ssyncset.done $0x0  }
0x1b6: {  	[sflag:s12] =	ssyncadd.s32 $0xFFFFFF80;
	s30 =	sadd.s32 s26, s30  }
0x1b7: {  	[tilespmem:s21], [sflag:$0x4] =	stream.linear.gather [hbm4b:s30+s3], $0x80, $0x38;
	[tilespmem:$0x1FF00] =	vst v63  }
0x1b8: {  	_ =	swait.ge [sflag:s12], $0x80  }
0x1b9: {  	[sflag:s12] =	ssyncset.done $0x0  }
0x1ba: {  	[sflag:s12] =	ssyncadd.s32 $0xFFFFFF80  }
0x1bb: {  	_ =	swait.ge [sflag:s22], $0x4000  }
0x1bc: {  	[sflag:s22] =	ssyncset.done $0x0  }
0x1bd: {  	[sflag:s22] =	ssyncadd.s32 $0xFFFFC000  }
0x1be: {  	_ =	swait.ge [sflag:s19], $0x4000  }
0x1bf: {  	[sflag:s19] =	ssyncset.done $0x0  }
0x1c0: {  	[sflag:s19] =	ssyncadd.s32 $0xFFFFC000  }
0x1c1: {  	[spmem:s2] =	stream.indirect.scatter.add.f32 [tilespmem:s17], [sflag:$0x3], $0x80, s16, s14, $0xb8;
	[tilespmem:$0x1FF00] =	vst v63  }
0x1c2: {  	s30 =	rddreg [dreg:$0x17]  }
0x1c3: {  	[tilespmem:s15], [sflag:$0x1] =	stream.indirect.gather [hbm4b:s1+s14], $0x80, s3, s14, $0xb8;
	[tilespmem:$0x1FF00] =	vst v63  }
0x1c4: {  	s30 =	sadd.s32 s26, s30  }
0x1c5: {  	[tilespmem:s14], [sflag:$0x4] =	stream.linear.gather [hbm4b:s30+s3], $0x80, $0x38;
	[tilespmem:$0x1FF00] =	vst v63  }
0x1c6: {  	_ =	swait.ge [sflag:s12], $0x80  }
0x1c7: {  	s30 =	rddreg [dreg:$0x18];
	[sflag:s12] =	ssyncset.done $0x0  }
0x1c8: {  	[sflag:s12] =	ssyncadd.s32 $0xFFFFFF80;
	s30 =	sadd.s32 s26, s30  }
0x1c9: {  	[tilespmem:s13], [sflag:$0x4] =	stream.linear.gather [hbm4b:s30+s3], $0x80, $0x38;
	[tilespmem:$0x1FF00] =	vst v63  }
0x1ca: {  	_ =	swait.ge [sflag:s12], $0x80  }
0x1cb: {  	[sflag:s12] =	ssyncset.done $0x0  }
0x1cc: {  	[sflag:s12] =	ssyncadd.s32 $0xFFFFFF80  }
0x1cd: {  	_ =	swait.ge [sflag:s22], $0x4000  }
0x1ce: {  	[sflag:s22] =	ssyncset.done $0x0  }
0x1cf: {  	[sflag:s22] =	ssyncadd.s32 $0xFFFFC000  }
0x1d0: {  	_ =	swait.ge [sflag:s23], $0x4000  }
0x1d1: {  	[sflag:s23] =	ssyncset.done $0x0  }
0x1d2: {  	[sflag:s23] =	ssyncadd.s32 $0xFFFFC000  }
0x1d3: {  	[spmem:s2] =	stream.indirect.scatter.add.f32 [tilespmem:s20], [sflag:$0x3], $0x80, s21, s14, $0xb8;
	[tilespmem:$0x1FF00] =	vst v63  }
0x1d4: {  	s30 =	rddreg [dreg:$0x15]  }
0x1d5: {  	[tilespmem:s17], [sflag:$0x2] =	stream.indirect.gather [hbm4b:s1+s14], $0x80, s14, s14, $0xb8;
	[tilespmem:$0x1FF00] =	vst v63  }
0x1d6: {  	s30 =	sadd.s32 s26, s30  }
0x1d7: {  	[tilespmem:s18], [sflag:$0x4] =	stream.linear.gather [hbm4b:s30+s3], $0x80, $0x38;
	[tilespmem:$0x1FF00] =	vst v63  }
0x1d8: {  	_ =	swait.ge [sflag:s12], $0x80  }
0x1d9: {  	s30 =	rddreg [dreg:$0x16];
	[sflag:s12] =	ssyncset.done $0x0  }
0x1da: {  	[sflag:s12] =	ssyncadd.s32 $0xFFFFFF80;
	s30 =	sadd.s32 s26, s30  }
0x1db: {  	[tilespmem:s16], [sflag:$0x4] =	stream.linear.gather [hbm4b:s30+s3], $0x80, $0x38;
	[tilespmem:$0x1FF00] =	vst v63  }
0x1dc: {  	_ =	swait.ge [sflag:s12], $0x80  }
0x1dd: {  	[sflag:s12] =	ssyncset.done $0x0  }
0x1de: {  	[sflag:s12] =	ssyncadd.s32 $0xFFFFFF80  }
0x1df: {  	_ =	swait.ge [sflag:s22], $0x4000  }
0x1e0: {  	[sflag:s22] =	ssyncset.done $0x0  }
0x1e1: {  	[sflag:s22] =	ssyncadd.s32 $0xFFFFC000  }
0x1e2: {  	_ =	swait.ge [sflag:s19], $0x4000  }
0x1e3: {  	[sflag:s19] =	ssyncset.done $0x0  }
0x1e4: {  	[sflag:s19] =	ssyncadd.s32 $0xFFFFC000  }
0x1e5: {  	[spmem:s2] =	stream.indirect.scatter.add.f32 [tilespmem:s15], [sflag:$0x3], $0x80, s13, s14, $0xb8;
	[tilespmem:$0x1FF00] =	vst v63  }
0x1e6: {  	s30 =	rddreg [dreg:$0x13]  }
0x1e7: {  	[tilespmem:s20], [sflag:$0x1] =	stream.indirect.gather [hbm4b:s1+s14], $0x80, s18, s14, $0xb8;
	[tilespmem:$0x1FF00] =	vst v63  }
0x1e8: {  	s30 =	sadd.s32 s26, s30  }
0x1e9: {  	[tilespmem:s3], [sflag:$0x4] =	stream.linear.gather [hbm4b:s30+s3], $0x80, $0x38;
	[tilespmem:$0x1FF00] =	vst v63  }
0x1ea: {  	_ =	swait.ge [sflag:s12], $0x80  }
0x1eb: {  	s30 =	rddreg [dreg:$0x14];
	[sflag:s12] =	ssyncset.done $0x0  }
0x1ec: {  	[sflag:s12] =	ssyncadd.s32 $0xFFFFFF80;
	s30 =	sadd.s32 s26, s30  }
0x1ed: {  	[tilespmem:s21], [sflag:$0x4] =	stream.linear.gather [hbm4b:s30+s3], $0x80, $0x38;
	[tilespmem:$0x1FF00] =	vst v63  }
0x1ee: {  	_ =	swait.ge [sflag:s12], $0x80  }
0x1ef: {  	[sflag:s12] =	ssyncset.done $0x0  }
0x1f0: {  	[sflag:s12] =	ssyncadd.s32 $0xFFFFFF80  }
0x1f1: {  	_ =	swait.ge [sflag:s22], $0x4000  }
0x1f2: {  	[sflag:s22] =	ssyncset.done $0x0  }
0x1f3: {  	[sflag:s22] =	ssyncadd.s32 $0xFFFFC000  }
0x1f4: {  	_ =	swait.ge [sflag:s23], $0x4000  }
0x1f5: {  	[sflag:s23] =	ssyncset.done $0x0  }
0x1f6: {  	[sflag:s23] =	ssyncadd.s32 $0xFFFFC000  }
0x1f7: {  	[spmem:s2] =	stream.indirect.scatter.add.f32 [tilespmem:s17], [sflag:$0x3], $0x80, s16, s14, $0xb8;
	[tilespmem:$0x1FF00] =	vst v63  }
0x1f8: {  	s30 =	rddreg [dreg:$0x11]  }
0x1f9: {  	[tilespmem:s15], [sflag:$0x2] =	stream.indirect.gather [hbm4b:s1+s14], $0x80, s3, s14, $0xb8;
	[tilespmem:$0x1FF00] =	vst v63  }
0x1fa: {  	s30 =	sadd.s32 s26, s30  }
0x1fb: {  	[tilespmem:s14], [sflag:$0x4] =	stream.linear.gather [hbm4b:s30+s3], $0x80, $0x38;
	[tilespmem:$0x1FF00] =	vst v63  }
0x1fc: {  	_ =	swait.ge [sflag:s12], $0x80  }
0x1fd: {  	s30 =	rddreg [dreg:$0x12];
	[sflag:s12] =	ssyncset.done $0x0  }
0x1fe: {  	[sflag:s12] =	ssyncadd.s32 $0xFFFFFF80;
	s30 =	sadd.s32 s26, s30  }
0x1ff: {  	[tilespmem:s13], [sflag:$0x4] =	stream.linear.gather [hbm4b:s30+s3], $0x80, $0x38;
	[tilespmem:$0x1FF00] =	vst v63  }
0x200: {  	_ =	swait.ge [sflag:s12], $0x80  }
0x201: {  	[sflag:s12] =	ssyncset.done $0x0  }
0x202: {  	[sflag:s12] =	ssyncadd.s32 $0xFFFFFF80  }
0x203: {  	_ =	swait.ge [sflag:s22], $0x4000  }
0x204: {  	[sflag:s22] =	ssyncset.done $0x0  }
0x205: {  	[sflag:s22] =	ssyncadd.s32 $0xFFFFC000  }
0x206: {  	_ =	swait.ge [sflag:s19], $0x4000  }
0x207: {  	[sflag:s19] =	ssyncset.done $0x0  }
0x208: {  	[sflag:s19] =	ssyncadd.s32 $0xFFFFC000  }
0x209: {  	[spmem:s2] =	stream.indirect.scatter.add.f32 [tilespmem:s20], [sflag:$0x3], $0x80, s21, s14, $0xb8;
	[tilespmem:$0x1FF00] =	vst v63  }
0x20a: {  	s30 =	rddreg [dreg:$0xf]  }
0x20b: {  	[tilespmem:s17], [sflag:$0x1] =	stream.indirect.gather [hbm4b:s1+s14], $0x80, s14, s14, $0xb8;
	[tilespmem:$0x1FF00] =	vst v63  }
0x20c: {  	s30 =	sadd.s32 s26, s30  }
0x20d: {  	[tilespmem:s18], [sflag:$0x4] =	stream.linear.gather [hbm4b:s30+s3], $0x80, $0x38;
	[tilespmem:$0x1FF00] =	vst v63  }
0x20e: {  	_ =	swait.ge [sflag:s12], $0x80  }
0x20f: {  	s30 =	rddreg [dreg:$0x10];
	[sflag:s12] =	ssyncset.done $0x0  }
0x210: {  	[sflag:s12] =	ssyncadd.s32 $0xFFFFFF80;
	s30 =	sadd.s32 s26, s30  }
0x211: {  	[tilespmem:s16], [sflag:$0x4] =	stream.linear.gather [hbm4b:s30+s3], $0x80, $0x38;
	[tilespmem:$0x1FF00] =	vst v63  }
0x212: {  	_ =	swait.ge [sflag:s12], $0x80  }
0x213: {  	[sflag:s12] =	ssyncset.done $0x0  }
0x214: {  	[sflag:s12] =	ssyncadd.s32 $0xFFFFFF80  }
0x215: {  	_ =	swait.ge [sflag:s22], $0x4000  }
0x216: {  	[sflag:s22] =	ssyncset.done $0x0  }
0x217: {  	[sflag:s22] =	ssyncadd.s32 $0xFFFFC000  }
0x218: {  	_ =	swait.ge [sflag:s23], $0x4000  }
0x219: {  	[sflag:s23] =	ssyncset.done $0x0  }
0x21a: {  	[sflag:s23] =	ssyncadd.s32 $0xFFFFC000  }
0x21b: {  	[spmem:s2] =	stream.indirect.scatter.add.f32 [tilespmem:s15], [sflag:$0x3], $0x80, s13, s14, $0xb8;
	[tilespmem:$0x1FF00] =	vst v63  }
0x21c: {  	s30 =	rddreg [dreg:$0xd]  }
0x21d: {  	[tilespmem:s20], [sflag:$0x2] =	stream.indirect.gather [hbm4b:s1+s14], $0x80, s18, s14, $0xb8;
	[tilespmem:$0x1FF00] =	vst v63  }
0x21e: {  	s30 =	sadd.s32 s26, s30  }
0x21f: {  	[tilespmem:s3], [sflag:$0x4] =	stream.linear.gather [hbm4b:s30+s3], $0x80, $0x38;
	[tilespmem:$0x1FF00] =	vst v63  }
0x220: {  	_ =	swait.ge [sflag:s12], $0x80  }
0x221: {  	s30 =	rddreg [dreg:$0xe];
	[sflag:s12] =	ssyncset.done $0x0  }
0x222: {  	[sflag:s12] =	ssyncadd.s32 $0xFFFFFF80;
	s30 =	sadd.s32 s26, s30  }
0x223: {  	[tilespmem:s21], [sflag:$0x4] =	stream.linear.gather [hbm4b:s30+s3], $0x80, $0x38;
	[tilespmem:$0x1FF00] =	vst v63  }
0x224: {  	_ =	swait.ge [sflag:s12], $0x80  }
0x225: {  	[sflag:s12] =	ssyncset.done $0x0  }
0x226: {  	[sflag:s12] =	ssyncadd.s32 $0xFFFFFF80  }
0x227: {  	_ =	swait.ge [sflag:s22], $0x4000  }
0x228: {  	[sflag:s22] =	ssyncset.done $0x0  }
0x229: {  	[sflag:s22] =	ssyncadd.s32 $0xFFFFC000  }
0x22a: {  	_ =	swait.ge [sflag:s19], $0x4000  }
0x22b: {  	[sflag:s19] =	ssyncset.done $0x0  }
0x22c: {  	[sflag:s19] =	ssyncadd.s32 $0xFFFFC000  }
0x22d: {  	[spmem:s2] =	stream.indirect.scatter.add.f32 [tilespmem:s17], [sflag:$0x3], $0x80, s16, s14, $0xb8;
	[tilespmem:$0x1FF00] =	vst v63  }
0x22e: {  	s30 =	rddreg [dreg:$0xb]  }
0x22f: {  	[tilespmem:s15], [sflag:$0x1] =	stream.indirect.gather [hbm4b:s1+s14], $0x80, s3, s14, $0xb8;
	[tilespmem:$0x1FF00] =	vst v63  }
0x230: {  	s30 =	sadd.s32 s26, s30  }
0x231: {  	[tilespmem:s14], [sflag:$0x4] =	stream.linear.gather [hbm4b:s30+s3], $0x80, $0x38;
	[tilespmem:$0x1FF00] =	vst v63  }
0x232: {  	_ =	swait.ge [sflag:s12], $0x80  }
0x233: {  	s30 =	rddreg [dreg:$0xc];
	[sflag:s12] =	ssyncset.done $0x0  }
0x234: {  	[sflag:s12] =	ssyncadd.s32 $0xFFFFFF80;
	s30 =	sadd.s32 s26, s30  }
0x235: {  	[tilespmem:s13], [sflag:$0x4] =	stream.linear.gather [hbm4b:s30+s3], $0x80, $0x38;
	[tilespmem:$0x1FF00] =	vst v63  }
0x236: {  	_ =	swait.ge [sflag:s12], $0x80  }
0x237: {  	[sflag:s12] =	ssyncset.done $0x0  }
0x238: {  	[sflag:s12] =	ssyncadd.s32 $0xFFFFFF80  }
0x239: {  	_ =	swait.ge [sflag:s22], $0x4000  }
0x23a: {  	[sflag:s22] =	ssyncset.done $0x0  }
0x23b: {  	[sflag:s22] =	ssyncadd.s32 $0xFFFFC000  }
0x23c: {  	_ =	swait.ge [sflag:s23], $0x4000  }
0x23d: {  	[sflag:s23] =	ssyncset.done $0x0  }
0x23e: {  	[sflag:s23] =	ssyncadd.s32 $0xFFFFC000  }
0x23f: {  	[spmem:s2] =	stream.indirect.scatter.add.f32 [tilespmem:s20], [sflag:$0x3], $0x80, s21, s14, $0xb8;
	[tilespmem:$0x1FF00] =	vst v63  }
0x240: {  	s30 =	rddreg [dreg:$0x9]  }
0x241: {  	[tilespmem:s17], [sflag:$0x2] =	stream.indirect.gather [hbm4b:s1+s14], $0x80, s14, s14, $0xb8;
	[tilespmem:$0x1FF00] =	vst v63  }
0x242: {  	s30 =	sadd.s32 s26, s30  }
0x243: {  	[tilespmem:s18], [sflag:$0x4] =	stream.linear.gather [hbm4b:s30+s3], $0x80, $0x38;
	[tilespmem:$0x1FF00] =	vst v63  }
0x244: {  	_ =	swait.ge [sflag:s12], $0x80  }
0x245: {  	s30 =	rddreg [dreg:$0xa];
	[sflag:s12] =	ssyncset.done $0x0  }
0x246: {  	[sflag:s12] =	ssyncadd.s32 $0xFFFFFF80;
	s30 =	sadd.s32 s26, s30  }
0x247: {  	[tilespmem:s16], [sflag:$0x4] =	stream.linear.gather [hbm4b:s30+s3], $0x80, $0x38;
	[tilespmem:$0x1FF00] =	vst v63  }
0x248: {  	_ =	swait.ge [sflag:s12], $0x80  }
0x249: {  	[sflag:s12] =	ssyncset.done $0x0  }
0x24a: {  	[sflag:s12] =	ssyncadd.s32 $0xFFFFFF80  }
0x24b: {  	_ =	swait.ge [sflag:s22], $0x4000  }
0x24c: {  	[sflag:s22] =	ssyncset.done $0x0  }
0x24d: {  	[sflag:s22] =	ssyncadd.s32 $0xFFFFC000  }
0x24e: {  	_ =	swait.ge [sflag:s19], $0x4000  }
0x24f: {  	[sflag:s19] =	ssyncset.done $0x0  }
0x250: {  	[sflag:s19] =	ssyncadd.s32 $0xFFFFC000  }
0x251: {  	[spmem:s2] =	stream.indirect.scatter.add.f32 [tilespmem:s15], [sflag:$0x3], $0x80, s13, s14, $0xb8;
	[tilespmem:$0x1FF00] =	vst v63  }
0x252: {  	s30 =	rddreg [dreg:$0x7]  }
0x253: {  	[tilespmem:s20], [sflag:$0x1] =	stream.indirect.gather [hbm4b:s1+s14], $0x80, s18, s14, $0xb8;
	[tilespmem:$0x1FF00] =	vst v63  }
0x254: {  	s30 =	sadd.s32 s26, s30  }
0x255: {  	[tilespmem:s3], [sflag:$0x4] =	stream.linear.gather [hbm4b:s30+s3], $0x80, $0x38;
	[tilespmem:$0x1FF00] =	vst v63  }
0x256: {  	_ =	swait.ge [sflag:s12], $0x80  }
0x257: {  	s30 =	rddreg [dreg:$0x8];
	[sflag:s12] =	ssyncset.done $0x0  }
0x258: {  	[sflag:s12] =	ssyncadd.s32 $0xFFFFFF80;
	s30 =	sadd.s32 s26, s30  }
0x259: {  	[tilespmem:s21], [sflag:$0x4] =	stream.linear.gather [hbm4b:s30+s3], $0x80, $0x38;
	[tilespmem:$0x1FF00] =	vst v63  }
0x25a: {  	_ =	swait.ge [sflag:s12], $0x80  }
0x25b: {  	[sflag:s12] =	ssyncset.done $0x0  }
0x25c: {  	[sflag:s12] =	ssyncadd.s32 $0xFFFFFF80  }
0x25d: {  	_ =	swait.ge [sflag:s22], $0x4000  }
0x25e: {  	[sflag:s22] =	ssyncset.done $0x0  }
0x25f: {  	[sflag:s22] =	ssyncadd.s32 $0xFFFFC000  }
0x260: {  	_ =	swait.ge [sflag:s23], $0x4000  }
0x261: {  	[sflag:s23] =	ssyncset.done $0x0  }
0x262: {  	[sflag:s23] =	ssyncadd.s32 $0xFFFFC000  }
0x263: {  	[spmem:s2] =	stream.indirect.scatter.add.f32 [tilespmem:s17], [sflag:$0x3], $0x80, s16, s14, $0xb8;
	[tilespmem:$0x1FF00] =	vst v63  }
0x264: {  	s30 =	rddreg [dreg:$0x6]  }
0x265: {  	[tilespmem:s15], [sflag:$0x2] =	stream.indirect.gather [hbm4b:s1+s14], $0x80, s3, s14, $0xb8;
	[tilespmem:$0x1FF00] =	vst v63  }
0x266: {  	s30 =	sadd.s32 s26, s30  }
0x267: {  	[tilespmem:s13], [sflag:$0x4] =	stream.linear.gather [hbm4b:s30+s3], $0x80, $0x38;
	[tilespmem:$0x1FF00] =	vst v63  }
0x268: {  	_ =	swait.ge [sflag:s12], $0x80  }
0x269: {  	[sflag:s12] =	ssyncset.done $0x0  }
0x26a: {  	[sflag:s12] =	ssyncadd.s32 $0xFFFFFF80  }
0x26b: {  	_ =	swait.ge [sflag:s22], $0x4000  }
0x26c: {  	[sflag:s22] =	ssyncset.done $0x0  }
0x26d: {  	[sflag:s22] =	ssyncadd.s32 $0xFFFFC000  }
0x26e: {  	_ =	swait.ge [sflag:s19], $0x4000  }
0x26f: {  	[sflag:s19] =	ssyncset.done $0x0  }
0x270: {  	[sflag:s19] =	ssyncadd.s32 $0xFFFFC000  }
0x271: {  	[spmem:s2] =	stream.indirect.scatter.add.f32 [tilespmem:s20], [sflag:$0x3], $0x80, s21, s14, $0xb8;
	[tilespmem:$0x1FF00] =	vst v63  }
0x272: {  	_ =	swait.ge [sflag:s22], $0x4000  }
0x273: {  	[sflag:s22] =	ssyncset.done $0x0  }
0x274: {  	[sflag:s22] =	ssyncadd.s32 $0xFFFFC000  }
0x275: {  	p0 =	sne.s32 s28, $0x400;
	_ =	swait.ge [sflag:s23], $0x4000  }
.Ltmp0:
0x276: {  	[sflag:s23] =	ssyncset.done $0x0;
	(pc) =	sbr.rel @p0 .LBB2_2-.Ltmp0, $4  }
0x277: {  	[sflag:s23] =	ssyncadd.s32 $0xFFFFC000  }
0x278: {  	[spmem:s2] =	stream.indirect.scatter.add.f32 [tilespmem:s15], [sflag:$0x4], $0x80, s13, s14, $0xb8;
	[tilespmem:$0x1FF00] =	vst v63  }
0x279: {  	s29 =	smov.u32 s28;
	s28 =	sadd.s32 $0x100, s28;
	_ =	swait.ge [sflag:s12], $0x4000  }
0x27a: {  	s26 =	smov.u32 s29;
	s30 =	rddreg [dreg:$0x5];
	[sflag:s12] =	ssyncset.done $0x0  }
0x27b: {  	[sflag:s12] =	ssyncadd.s32 $0xFFFFC000;
	s28 =	sadd.s32 s26, s30  }
0x27c: {  	[tilespmem:s3], [sflag:$0x4] =	stream.linear.gather [hbm4b:s28+s3], $0x80, $0x38;
	[tilespmem:$0x1FF00] =	vst v63  }
0x27d: {  	_ =	swait.ge [sflag:s12], $0x80  }
0x27e: {  	s30 =	rddreg [dreg:$0x4];
	[sflag:s12] =	ssyncset.done $0x0  }
0x27f: {  	[sflag:s12] =	ssyncadd.s32 $0xFFFFFF80;
	s28 =	sadd.s32 s26, s30  }
0x280: {  	[tilespmem:s13], [sflag:$0x4] =	stream.linear.gather [hbm4b:s28+s3], $0x80, $0x38;
	[tilespmem:$0x1FF00] =	vst v63  }
0x281: {  	_ =	swait.ge [sflag:s12], $0x80  }
0x282: {  	[sflag:s12] =	ssyncset.done $0x0;
	s31 =	sld [smem:$0x7FD]  }
0x283: {  	[sflag:s12] =	ssyncadd.s32 $0xFFFFFF80  }
0x284: {  	[tilespmem:s15], [sflag:$0x1] =	stream.indirect.gather [hbm4b:s1+s14], $0x80, s3, s14, $0xb8;
	[tilespmem:$0x1FF00] =	vst v63  }
0x285: {  	s28 =	sadd.s32 s26, s31  }
0x286: {  	[tilespmem:s14], [sflag:$0x4] =	stream.linear.gather [hbm4b:s28+s3], $0x80, $0x38;
	[tilespmem:$0x1FF00] =	vst v63  }
0x287: {  	_ =	swait.ge [sflag:s12], $0x80  }
0x288: {  	s29 =	sld [smem:$0x7FC];
	_ =	sdelay $0x1  }
0x289: {  	[sflag:s12] =	ssyncset.done $0x0  }
0x28a: {  	[sflag:s12] =	ssyncadd.s32 $0xFFFFFF80;
	s28 =	sadd.s32 s26, s29  }
0x28b: {  	[tilespmem:s16], [sflag:$0x4] =	stream.linear.gather [hbm4b:s28+s3], $0x80, $0x38;
	[tilespmem:$0x1FF00] =	vst v63  }
0x28c: {  	_ =	swait.ge [sflag:s12], $0x80  }
0x28d: {  	[sflag:s12] =	ssyncset.done $0x0;
	s30 =	sld [smem:$0x7FB]  }
0x28e: {  	[sflag:s12] =	ssyncadd.s32 $0xFFFFFF80  }
0x28f: {  	[tilespmem:s17], [sflag:$0x2] =	stream.indirect.gather [hbm4b:s1+s14], $0x80, s14, s14, $0xb8;
	[tilespmem:$0x1FF00] =	vst v63  }
0x290: {  	s28 =	sadd.s32 s26, s30  }
0x291: {  	[tilespmem:s18], [sflag:$0x4] =	stream.linear.gather [hbm4b:s28+s3], $0x80, $0x38;
	[tilespmem:$0x1FF00] =	vst v63  }
0x292: {  	_ =	swait.ge [sflag:s12], $0x80  }
0x293: {  	[sflag:s12] =	ssyncset.done $0x0  }
0x294: {  	[sflag:s12] =	ssyncadd.s32 $0xFFFFFF80  }
0x295: {  	_ =	swait.ge [sflag:s19], $0x4000  }
0x296: {  	[sflag:s19] =	ssyncset.done $0x0  }
0x297: {  	[sflag:s19] =	ssyncadd.s32 $0xFFFFC000  }
0x298: {  	[spmem:s2] =	stream.indirect.scatter.add.f32 [tilespmem:s15], [sflag:$0x3], $0x80, s13, s14, $0xb8;
	[tilespmem:$0x1FF00] =	vst v63  }
0x299: {  	s31 =	rddreg [dreg:$0x1f]  }
0x29a: {  	[tilespmem:s20], [sflag:$0x1] =	stream.indirect.gather [hbm4b:s1+s14], $0x80, s18, s14, $0xb8;
	[tilespmem:$0x1FF00] =	vst v63  }
0x29b: {  	s28 =	sadd.s32 s26, s31  }
0x29c: {  	[tilespmem:s3], [sflag:$0x4] =	stream.linear.gather [hbm4b:s28+s3], $0x80, $0x38;
	[tilespmem:$0x1FF00] =	vst v63  }
0x29d: {  	_ =	swait.ge [sflag:s12], $0x80  }
0x29e: {  	s29 =	sld [smem:$0x7FA];
	_ =	sdelay $0x1  }
0x29f: {  	[sflag:s12] =	ssyncset.done $0x0  }
0x2a0: {  	[sflag:s12] =	ssyncadd.s32 $0xFFFFFF80;
	s28 =	sadd.s32 s26, s29  }
0x2a1: {  	[tilespmem:s21], [sflag:$0x4] =	stream.linear.gather [hbm4b:s28+s3], $0x80, $0x38;
	[tilespmem:$0x1FF00] =	vst v63  }
0x2a2: {  	_ =	swait.ge [sflag:s12], $0x80  }
0x2a3: {  	[sflag:s12] =	ssyncset.done $0x0  }
0x2a4: {  	[sflag:s12] =	ssyncadd.s32 $0xFFFFFF80  }
0x2a5: {  	_ =	swait.ge [sflag:s22], $0x4000  }
0x2a6: {  	[sflag:s22] =	ssyncset.done $0x0  }
0x2a7: {  	[sflag:s22] =	ssyncadd.s32 $0xFFFFC000  }
0x2a8: {  	_ =	swait.ge [sflag:s23], $0x4000  }
0x2a9: {  	[sflag:s23] =	ssyncset.done $0x0  }
0x2aa: {  	[sflag:s23] =	ssyncadd.s32 $0xFFFFC000  }
0x2ab: {  	[spmem:s2] =	stream.indirect.scatter.add.f32 [tilespmem:s17], [sflag:$0x3], $0x80, s16, s14, $0xb8;
	[tilespmem:$0x1FF00] =	vst v63  }
0x2ac: {  	s30 =	rddreg [dreg:$0x1d]  }
0x2ad: {  	[tilespmem:s15], [sflag:$0x2] =	stream.indirect.gather [hbm4b:s1+s14], $0x80, s3, s14, $0xb8;
	[tilespmem:$0x1FF00] =	vst v63  }
0x2ae: {  	s28 =	sadd.s32 s26, s30  }
0x2af: {  	[tilespmem:s14], [sflag:$0x4] =	stream.linear.gather [hbm4b:s28+s3], $0x80, $0x38;
	[tilespmem:$0x1FF00] =	vst v63  }
0x2b0: {  	_ =	swait.ge [sflag:s12], $0x80  }
0x2b1: {  	s31 =	rddreg [dreg:$0x1e];
	[sflag:s12] =	ssyncset.done $0x0  }
0x2b2: {  	[sflag:s12] =	ssyncadd.s32 $0xFFFFFF80;
	s28 =	sadd.s32 s26, s31  }
0x2b3: {  	[tilespmem:s13], [sflag:$0x4] =	stream.linear.gather [hbm4b:s28+s3], $0x80, $0x38;
	[tilespmem:$0x1FF00] =	vst v63  }
0x2b4: {  	_ =	swait.ge [sflag:s12], $0x80  }
0x2b5: {  	[sflag:s12] =	ssyncset.done $0x0  }
0x2b6: {  	[sflag:s12] =	ssyncadd.s32 $0xFFFFFF80  }
0x2b7: {  	_ =	swait.ge [sflag:s22], $0x4000  }
0x2b8: {  	[sflag:s22] =	ssyncset.done $0x0  }
0x2b9: {  	[sflag:s22] =	ssyncadd.s32 $0xFFFFC000  }
0x2ba: {  	_ =	swait.ge [sflag:s19], $0x4000  }
0x2bb: {  	[sflag:s19] =	ssyncset.done $0x0  }
0x2bc: {  	[sflag:s19] =	ssyncadd.s32 $0xFFFFC000  }
0x2bd: {  	[spmem:s2] =	stream.indirect.scatter.add.f32 [tilespmem:s20], [sflag:$0x3], $0x80, s21, s14, $0xb8;
	[tilespmem:$0x1FF00] =	vst v63  }
0x2be: {  	s29 =	rddreg [dreg:$0x1b]  }
0x2bf: {  	[tilespmem:s17], [sflag:$0x1] =	stream.indirect.gather [hbm4b:s1+s14], $0x80, s14, s14, $0xb8;
	[tilespmem:$0x1FF00] =	vst v63  }
0x2c0: {  	s28 =	sadd.s32 s26, s29  }
0x2c1: {  	[tilespmem:s18], [sflag:$0x4] =	stream.linear.gather [hbm4b:s28+s3], $0x80, $0x38;
	[tilespmem:$0x1FF00] =	vst v63  }
0x2c2: {  	_ =	swait.ge [sflag:s12], $0x80  }
0x2c3: {  	s30 =	rddreg [dreg:$0x1c];
	[sflag:s12] =	ssyncset.done $0x0  }
0x2c4: {  	[sflag:s12] =	ssyncadd.s32 $0xFFFFFF80;
	s28 =	sadd.s32 s26, s30  }
0x2c5: {  	[tilespmem:s16], [sflag:$0x4] =	stream.linear.gather [hbm4b:s28+s3], $0x80, $0x38;
	[tilespmem:$0x1FF00] =	vst v63  }
0x2c6: {  	_ =	swait.ge [sflag:s12], $0x80  }
0x2c7: {  	[sflag:s12] =	ssyncset.done $0x0  }
0x2c8: {  	[sflag:s12] =	ssyncadd.s32 $0xFFFFFF80  }
0x2c9: {  	_ =	swait.ge [sflag:s22], $0x4000  }
0x2ca: {  	[sflag:s22] =	ssyncset.done $0x0  }
0x2cb: {  	[sflag:s22] =	ssyncadd.s32 $0xFFFFC000  }
0x2cc: {  	_ =	swait.ge [sflag:s23], $0x4000  }
0x2cd: {  	[sflag:s23] =	ssyncset.done $0x0  }
0x2ce: {  	[sflag:s23] =	ssyncadd.s32 $0xFFFFC000  }
0x2cf: {  	[spmem:s2] =	stream.indirect.scatter.add.f32 [tilespmem:s15], [sflag:$0x3], $0x80, s13, s14, $0xb8;
	[tilespmem:$0x1FF00] =	vst v63  }
0x2d0: {  	s31 =	rddreg [dreg:$0x19]  }
0x2d1: {  	[tilespmem:s20], [sflag:$0x2] =	stream.indirect.gather [hbm4b:s1+s14], $0x80, s18, s14, $0xb8;
	[tilespmem:$0x1FF00] =	vst v63  }
0x2d2: {  	s28 =	sadd.s32 s26, s31  }
0x2d3: {  	[tilespmem:s3], [sflag:$0x4] =	stream.linear.gather [hbm4b:s28+s3], $0x80, $0x38;
	[tilespmem:$0x1FF00] =	vst v63  }
0x2d4: {  	_ =	swait.ge [sflag:s12], $0x80  }
0x2d5: {  	s29 =	rddreg [dreg:$0x1a];
	[sflag:s12] =	ssyncset.done $0x0  }
0x2d6: {  	[sflag:s12] =	ssyncadd.s32 $0xFFFFFF80;
	s28 =	sadd.s32 s26, s29  }
0x2d7: {  	[tilespmem:s21], [sflag:$0x4] =	stream.linear.gather [hbm4b:s28+s3], $0x80, $0x38;
	[tilespmem:$0x1FF00] =	vst v63  }
0x2d8: {  	_ =	swait.ge [sflag:s12], $0x80  }
0x2d9: {  	[sflag:s12] =	ssyncset.done $0x0  }
0x2da: {  	[sflag:s12] =	ssyncadd.s32 $0xFFFFFF80  }
0x2db: {  	_ =	swait.ge [sflag:s22], $0x4000  }
0x2dc: {  	[sflag:s22] =	ssyncset.done $0x0  }
0x2dd: {  	[sflag:s22] =	ssyncadd.s32 $0xFFFFC000  }
0x2de: {  	_ =	swait.ge [sflag:s19], $0x4000  }
0x2df: {  	[sflag:s19] =	ssyncset.done $0x0  }
0x2e0: {  	[sflag:s19] =	ssyncadd.s32 $0xFFFFC000  }
0x2e1: {  	[spmem:s2] =	stream.indirect.scatter.add.f32 [tilespmem:s17], [sflag:$0x3], $0x80, s16, s14, $0xb8;
	[tilespmem:$0x1FF00] =	vst v63  }
0x2e2: {  	s30 =	rddreg [dreg:$0x17]  }
0x2e3: {  	[tilespmem:s15], [sflag:$0x1] =	stream.indirect.gather [hbm4b:s1+s14], $0x80, s3, s14, $0xb8;
	[tilespmem:$0x1FF00] =	vst v63  }
0x2e4: {  	s28 =	sadd.s32 s26, s30  }
0x2e5: {  	[tilespmem:s14], [sflag:$0x4] =	stream.linear.gather [hbm4b:s28+s3], $0x80, $0x38;
	[tilespmem:$0x1FF00] =	vst v63  }
0x2e6: {  	_ =	swait.ge [sflag:s12], $0x80  }
0x2e7: {  	s31 =	rddreg [dreg:$0x18];
	[sflag:s12] =	ssyncset.done $0x0  }
0x2e8: {  	[sflag:s12] =	ssyncadd.s32 $0xFFFFFF80;
	s28 =	sadd.s32 s26, s31  }
0x2e9: {  	[tilespmem:s13], [sflag:$0x4] =	stream.linear.gather [hbm4b:s28+s3], $0x80, $0x38;
	[tilespmem:$0x1FF00] =	vst v63  }
0x2ea: {  	_ =	swait.ge [sflag:s12], $0x80  }
0x2eb: {  	[sflag:s12] =	ssyncset.done $0x0  }
0x2ec: {  	[sflag:s12] =	ssyncadd.s32 $0xFFFFFF80  }
0x2ed: {  	_ =	swait.ge [sflag:s22], $0x4000  }
0x2ee: {  	[sflag:s22] =	ssyncset.done $0x0  }
0x2ef: {  	[sflag:s22] =	ssyncadd.s32 $0xFFFFC000  }
0x2f0: {  	_ =	swait.ge [sflag:s23], $0x4000  }
0x2f1: {  	[sflag:s23] =	ssyncset.done $0x0  }
0x2f2: {  	[sflag:s23] =	ssyncadd.s32 $0xFFFFC000  }
0x2f3: {  	[spmem:s2] =	stream.indirect.scatter.add.f32 [tilespmem:s20], [sflag:$0x3], $0x80, s21, s14, $0xb8;
	[tilespmem:$0x1FF00] =	vst v63  }
0x2f4: {  	s29 =	rddreg [dreg:$0x15]  }
0x2f5: {  	[tilespmem:s17], [sflag:$0x2] =	stream.indirect.gather [hbm4b:s1+s14], $0x80, s14, s14, $0xb8;
	[tilespmem:$0x1FF00] =	vst v63  }
0x2f6: {  	s28 =	sadd.s32 s26, s29  }
0x2f7: {  	[tilespmem:s18], [sflag:$0x4] =	stream.linear.gather [hbm4b:s28+s3], $0x80, $0x38;
	[tilespmem:$0x1FF00] =	vst v63  }
0x2f8: {  	_ =	swait.ge [sflag:s12], $0x80  }
0x2f9: {  	s30 =	rddreg [dreg:$0x16];
	[sflag:s12] =	ssyncset.done $0x0  }
0x2fa: {  	[sflag:s12] =	ssyncadd.s32 $0xFFFFFF80;
	s28 =	sadd.s32 s26, s30  }
0x2fb: {  	[tilespmem:s16], [sflag:$0x4] =	stream.linear.gather [hbm4b:s28+s3], $0x80, $0x38;
	[tilespmem:$0x1FF00] =	vst v63  }
0x2fc: {  	_ =	swait.ge [sflag:s12], $0x80  }
0x2fd: {  	[sflag:s12] =	ssyncset.done $0x0  }
0x2fe: {  	[sflag:s12] =	ssyncadd.s32 $0xFFFFFF80  }
0x2ff: {  	_ =	swait.ge [sflag:s22], $0x4000  }
0x300: {  	[sflag:s22] =	ssyncset.done $0x0  }
0x301: {  	[sflag:s22] =	ssyncadd.s32 $0xFFFFC000  }
0x302: {  	_ =	swait.ge [sflag:s19], $0x4000  }
0x303: {  	[sflag:s19] =	ssyncset.done $0x0  }
0x304: {  	[sflag:s19] =	ssyncadd.s32 $0xFFFFC000  }
0x305: {  	[spmem:s2] =	stream.indirect.scatter.add.f32 [tilespmem:s15], [sflag:$0x3], $0x80, s13, s14, $0xb8;
	[tilespmem:$0x1FF00] =	vst v63  }
0x306: {  	s31 =	rddreg [dreg:$0x13]  }
0x307: {  	[tilespmem:s20], [sflag:$0x1] =	stream.indirect.gather [hbm4b:s1+s14], $0x80, s18, s14, $0xb8;
	[tilespmem:$0x1FF00] =	vst v63  }
0x308: {  	s28 =	sadd.s32 s26, s31  }
0x309: {  	[tilespmem:s3], [sflag:$0x4] =	stream.linear.gather [hbm4b:s28+s3], $0x80, $0x38;
	[tilespmem:$0x1FF00] =	vst v63  }
0x30a: {  	_ =	swait.ge [sflag:s12], $0x80  }
0x30b: {  	s29 =	rddreg [dreg:$0x14];
	[sflag:s12] =	ssyncset.done $0x0  }
0x30c: {  	[sflag:s12] =	ssyncadd.s32 $0xFFFFFF80;
	s28 =	sadd.s32 s26, s29  }
0x30d: {  	[tilespmem:s21], [sflag:$0x4] =	stream.linear.gather [hbm4b:s28+s3], $0x80, $0x38;
	[tilespmem:$0x1FF00] =	vst v63  }
0x30e: {  	_ =	swait.ge [sflag:s12], $0x80  }
0x30f: {  	[sflag:s12] =	ssyncset.done $0x0  }
0x310: {  	[sflag:s12] =	ssyncadd.s32 $0xFFFFFF80  }
0x311: {  	_ =	swait.ge [sflag:s22], $0x4000  }
0x312: {  	[sflag:s22] =	ssyncset.done $0x0  }
0x313: {  	[sflag:s22] =	ssyncadd.s32 $0xFFFFC000  }
0x314: {  	_ =	swait.ge [sflag:s23], $0x4000  }
0x315: {  	[sflag:s23] =	ssyncset.done $0x0  }
0x316: {  	[sflag:s23] =	ssyncadd.s32 $0xFFFFC000  }
0x317: {  	[spmem:s2] =	stream.indirect.scatter.add.f32 [tilespmem:s17], [sflag:$0x3], $0x80, s16, s14, $0xb8;
	[tilespmem:$0x1FF00] =	vst v63  }
0x318: {  	s30 =	rddreg [dreg:$0x11]  }
0x319: {  	[tilespmem:s15], [sflag:$0x2] =	stream.indirect.gather [hbm4b:s1+s14], $0x80, s3, s14, $0xb8;
	[tilespmem:$0x1FF00] =	vst v63  }
0x31a: {  	s28 =	sadd.s32 s26, s30  }
0x31b: {  	[tilespmem:s14], [sflag:$0x4] =	stream.linear.gather [hbm4b:s28+s3], $0x80, $0x38;
	[tilespmem:$0x1FF00] =	vst v63  }
0x31c: {  	_ =	swait.ge [sflag:s12], $0x80  }
0x31d: {  	s31 =	rddreg [dreg:$0x12];
	[sflag:s12] =	ssyncset.done $0x0  }
0x31e: {  	[sflag:s12] =	ssyncadd.s32 $0xFFFFFF80;
	s28 =	sadd.s32 s26, s31  }
0x31f: {  	[tilespmem:s13], [sflag:$0x4] =	stream.linear.gather [hbm4b:s28+s3], $0x80, $0x38;
	[tilespmem:$0x1FF00] =	vst v63  }
0x320: {  	_ =	swait.ge [sflag:s12], $0x80  }
0x321: {  	[sflag:s12] =	ssyncset.done $0x0  }
0x322: {  	[sflag:s12] =	ssyncadd.s32 $0xFFFFFF80  }
0x323: {  	_ =	swait.ge [sflag:s22], $0x4000  }
0x324: {  	[sflag:s22] =	ssyncset.done $0x0  }
0x325: {  	[sflag:s22] =	ssyncadd.s32 $0xFFFFC000  }
0x326: {  	_ =	swait.ge [sflag:s19], $0x4000  }
0x327: {  	[sflag:s19] =	ssyncset.done $0x0  }
0x328: {  	[sflag:s19] =	ssyncadd.s32 $0xFFFFC000  }
0x329: {  	[spmem:s2] =	stream.indirect.scatter.add.f32 [tilespmem:s20], [sflag:$0x3], $0x80, s21, s14, $0xb8;
	[tilespmem:$0x1FF00] =	vst v63  }
0x32a: {  	s29 =	rddreg [dreg:$0xf]  }
0x32b: {  	[tilespmem:s17], [sflag:$0x1] =	stream.indirect.gather [hbm4b:s1+s14], $0x80, s14, s14, $0xb8;
	[tilespmem:$0x1FF00] =	vst v63  }
0x32c: {  	s28 =	sadd.s32 s26, s29  }
0x32d: {  	[tilespmem:s18], [sflag:$0x4] =	stream.linear.gather [hbm4b:s28+s3], $0x80, $0x38;
	[tilespmem:$0x1FF00] =	vst v63  }
0x32e: {  	_ =	swait.ge [sflag:s12], $0x80  }
0x32f: {  	s30 =	rddreg [dreg:$0x10];
	[sflag:s12] =	ssyncset.done $0x0  }
0x330: {  	[sflag:s12] =	ssyncadd.s32 $0xFFFFFF80;
	s28 =	sadd.s32 s26, s30  }
0x331: {  	[tilespmem:s16], [sflag:$0x4] =	stream.linear.gather [hbm4b:s28+s3], $0x80, $0x38;
	[tilespmem:$0x1FF00] =	vst v63  }
0x332: {  	_ =	swait.ge [sflag:s12], $0x80  }
0x333: {  	[sflag:s12] =	ssyncset.done $0x0  }
0x334: {  	[sflag:s12] =	ssyncadd.s32 $0xFFFFFF80  }
0x335: {  	_ =	swait.ge [sflag:s22], $0x4000  }
0x336: {  	[sflag:s22] =	ssyncset.done $0x0  }
0x337: {  	[sflag:s22] =	ssyncadd.s32 $0xFFFFC000  }
0x338: {  	_ =	swait.ge [sflag:s23], $0x4000  }
0x339: {  	[sflag:s23] =	ssyncset.done $0x0  }
0x33a: {  	[sflag:s23] =	ssyncadd.s32 $0xFFFFC000  }
0x33b: {  	[spmem:s2] =	stream.indirect.scatter.add.f32 [tilespmem:s15], [sflag:$0x3], $0x80, s13, s14, $0xb8;
	[tilespmem:$0x1FF00] =	vst v63  }
0x33c: {  	s31 =	rddreg [dreg:$0xd]  }
0x33d: {  	[tilespmem:s20], [sflag:$0x2] =	stream.indirect.gather [hbm4b:s1+s14], $0x80, s18, s14, $0xb8;
	[tilespmem:$0x1FF00] =	vst v63  }
0x33e: {  	s28 =	sadd.s32 s26, s31  }
0x33f: {  	[tilespmem:s3], [sflag:$0x4] =	stream.linear.gather [hbm4b:s28+s3], $0x80, $0x38;
	[tilespmem:$0x1FF00] =	vst v63  }
0x340: {  	_ =	swait.ge [sflag:s12], $0x80  }
0x341: {  	s29 =	rddreg [dreg:$0xe];
	[sflag:s12] =	ssyncset.done $0x0  }
0x342: {  	[sflag:s12] =	ssyncadd.s32 $0xFFFFFF80;
	s28 =	sadd.s32 s26, s29  }
0x343: {  	[tilespmem:s21], [sflag:$0x4] =	stream.linear.gather [hbm4b:s28+s3], $0x80, $0x38;
	[tilespmem:$0x1FF00] =	vst v63  }
0x344: {  	_ =	swait.ge [sflag:s12], $0x80  }
0x345: {  	[sflag:s12] =	ssyncset.done $0x0  }
0x346: {  	[sflag:s12] =	ssyncadd.s32 $0xFFFFFF80  }
0x347: {  	_ =	swait.ge [sflag:s22], $0x4000  }
0x348: {  	[sflag:s22] =	ssyncset.done $0x0  }
0x349: {  	[sflag:s22] =	ssyncadd.s32 $0xFFFFC000  }
0x34a: {  	_ =	swait.ge [sflag:s19], $0x4000  }
0x34b: {  	[sflag:s19] =	ssyncset.done $0x0  }
0x34c: {  	[sflag:s19] =	ssyncadd.s32 $0xFFFFC000  }
0x34d: {  	[spmem:s2] =	stream.indirect.scatter.add.f32 [tilespmem:s17], [sflag:$0x3], $0x80, s16, s14, $0xb8;
	[tilespmem:$0x1FF00] =	vst v63  }
0x34e: {  	s30 =	rddreg [dreg:$0xb]  }
0x34f: {  	[tilespmem:s15], [sflag:$0x1] =	stream.indirect.gather [hbm4b:s1+s14], $0x80, s3, s14, $0xb8;
	[tilespmem:$0x1FF00] =	vst v63  }
0x350: {  	s28 =	sadd.s32 s26, s30  }
0x351: {  	[tilespmem:s14], [sflag:$0x4] =	stream.linear.gather [hbm4b:s28+s3], $0x80, $0x38;
	[tilespmem:$0x1FF00] =	vst v63  }
0x352: {  	_ =	swait.ge [sflag:s12], $0x80  }
0x353: {  	s31 =	rddreg [dreg:$0xc];
	[sflag:s12] =	ssyncset.done $0x0  }
0x354: {  	[sflag:s12] =	ssyncadd.s32 $0xFFFFFF80;
	s28 =	sadd.s32 s26, s31  }
0x355: {  	[tilespmem:s13], [sflag:$0x4] =	stream.linear.gather [hbm4b:s28+s3], $0x80, $0x38;
	[tilespmem:$0x1FF00] =	vst v63  }
0x356: {  	_ =	swait.ge [sflag:s12], $0x80  }
0x357: {  	[sflag:s12] =	ssyncset.done $0x0  }
0x358: {  	[sflag:s12] =	ssyncadd.s32 $0xFFFFFF80  }
0x359: {  	_ =	swait.ge [sflag:s22], $0x4000  }
0x35a: {  	[sflag:s22] =	ssyncset.done $0x0  }
0x35b: {  	[sflag:s22] =	ssyncadd.s32 $0xFFFFC000  }
0x35c: {  	_ =	swait.ge [sflag:s23], $0x4000  }
0x35d: {  	[sflag:s23] =	ssyncset.done $0x0  }
0x35e: {  	[sflag:s23] =	ssyncadd.s32 $0xFFFFC000  }
0x35f: {  	[spmem:s2] =	stream.indirect.scatter.add.f32 [tilespmem:s20], [sflag:$0x3], $0x80, s21, s14, $0xb8;
	[tilespmem:$0x1FF00] =	vst v63  }
0x360: {  	s29 =	rddreg [dreg:$0x9]  }
0x361: {  	[tilespmem:s17], [sflag:$0x2] =	stream.indirect.gather [hbm4b:s1+s14], $0x80, s14, s14, $0xb8;
	[tilespmem:$0x1FF00] =	vst v63  }
0x362: {  	s28 =	sadd.s32 s26, s29  }
0x363: {  	[tilespmem:s18], [sflag:$0x4] =	stream.linear.gather [hbm4b:s28+s3], $0x80, $0x38;
	[tilespmem:$0x1FF00] =	vst v63  }
0x364: {  	_ =	swait.ge [sflag:s12], $0x80  }
0x365: {  	s30 =	rddreg [dreg:$0xa];
	[sflag:s12] =	ssyncset.done $0x0  }
0x366: {  	[sflag:s12] =	ssyncadd.s32 $0xFFFFFF80;
	s28 =	sadd.s32 s26, s30  }
0x367: {  	[tilespmem:s16], [sflag:$0x4] =	stream.linear.gather [hbm4b:s28+s3], $0x80, $0x38;
	[tilespmem:$0x1FF00] =	vst v63  }
0x368: {  	_ =	swait.ge [sflag:s12], $0x80  }
0x369: {  	[sflag:s12] =	ssyncset.done $0x0  }
0x36a: {  	[sflag:s12] =	ssyncadd.s32 $0xFFFFFF80  }
0x36b: {  	_ =	swait.ge [sflag:s22], $0x4000  }
0x36c: {  	[sflag:s22] =	ssyncset.done $0x0  }
0x36d: {  	[sflag:s22] =	ssyncadd.s32 $0xFFFFC000  }
0x36e: {  	_ =	swait.ge [sflag:s19], $0x4000  }
0x36f: {  	[sflag:s19] =	ssyncset.done $0x0  }
0x370: {  	[sflag:s19] =	ssyncadd.s32 $0xFFFFC000  }
0x371: {  	[spmem:s2] =	stream.indirect.scatter.add.f32 [tilespmem:s15], [sflag:$0x3], $0x80, s13, s14, $0xb8;
	[tilespmem:$0x1FF00] =	vst v63  }
0x372: {  	s31 =	rddreg [dreg:$0x7]  }
0x373: {  	[tilespmem:s20], [sflag:$0x1] =	stream.indirect.gather [hbm4b:s1+s14], $0x80, s18, s14, $0xb8;
	[tilespmem:$0x1FF00] =	vst v63  }
0x374: {  	s28 =	sadd.s32 s26, s31  }
0x375: {  	[tilespmem:s3], [sflag:$0x4] =	stream.linear.gather [hbm4b:s28+s3], $0x80, $0x38;
	[tilespmem:$0x1FF00] =	vst v63  }
0x376: {  	_ =	swait.ge [sflag:s12], $0x80  }
0x377: {  	s29 =	rddreg [dreg:$0x8];
	[sflag:s12] =	ssyncset.done $0x0  }
0x378: {  	[sflag:s12] =	ssyncadd.s32 $0xFFFFFF80;
	s28 =	sadd.s32 s26, s29  }
0x379: {  	[tilespmem:s21], [sflag:$0x4] =	stream.linear.gather [hbm4b:s28+s3], $0x80, $0x38;
	[tilespmem:$0x1FF00] =	vst v63  }
0x37a: {  	_ =	swait.ge [sflag:s12], $0x80  }
0x37b: {  	[sflag:s12] =	ssyncset.done $0x0  }
0x37c: {  	[sflag:s12] =	ssyncadd.s32 $0xFFFFFF80  }
0x37d: {  	_ =	swait.ge [sflag:s22], $0x4000  }
0x37e: {  	[sflag:s22] =	ssyncset.done $0x0  }
0x37f: {  	[sflag:s22] =	ssyncadd.s32 $0xFFFFC000  }
0x380: {  	_ =	swait.ge [sflag:s23], $0x4000  }
0x381: {  	[sflag:s23] =	ssyncset.done $0x0  }
0x382: {  	[sflag:s23] =	ssyncadd.s32 $0xFFFFC000  }
0x383: {  	[spmem:s2] =	stream.indirect.scatter.add.f32 [tilespmem:s17], [sflag:$0x3], $0x80, s16, s14, $0xb8;
	[tilespmem:$0x1FF00] =	vst v63  }
0x384: {  	s30 =	rddreg [dreg:$0x6]  }
0x385: {  	[tilespmem:s15], [sflag:$0x2] =	stream.indirect.gather [hbm4b:s1+s14], $0x80, s3, s14, $0xb8;
	[tilespmem:$0x1FF00] =	vst v63  }
0x386: {  	s31 =	sadd.s32 s26, s30  }
0x387: {  	[tilespmem:s13], [sflag:$0x4] =	stream.linear.gather [hbm4b:s31+s3], $0x80, $0x38;
	[tilespmem:$0x1FF00] =	vst v63  }
0x388: {  	_ =	swait.ge [sflag:s12], $0x80  }
0x389: {  	[sflag:s12] =	ssyncset.done $0x0  }
0x38a: {  	[sflag:s12] =	ssyncadd.s32 $0xFFFFFF80  }
0x38b: {  	_ =	swait.ge [sflag:s22], $0x4000  }
0x38c: {  	[sflag:s22] =	ssyncset.done $0x0  }
0x38d: {  	[sflag:s22] =	ssyncadd.s32 $0xFFFFC000  }
0x38e: {  	_ =	swait.ge [sflag:s19], $0x4000  }
0x38f: {  	[sflag:s19] =	ssyncset.done $0x0  }
0x390: {  	[sflag:s19] =	ssyncadd.s32 $0xFFFFC000  }
0x391: {  	[spmem:s2] =	stream.indirect.scatter.add.f32 [tilespmem:s20], [sflag:$0x3], $0x80, s21, s14, $0xb8;
	[tilespmem:$0x1FF00] =	vst v63  }
0x392: {  	_ =	swait.ge [sflag:s22], $0x4000  }
0x393: {  	[sflag:s22] =	ssyncset.done $0x0  }
0x394: {  	[sflag:s22] =	ssyncadd.s32 $0xFFFFC000  }
0x395: {  	_ =	swait.ge [sflag:s23], $0x4000  }
0x396: {  	[sflag:s23] =	ssyncset.done $0x0  }
0x397: {  	[sflag:s23] =	ssyncadd.s32 $0xFFFFC000  }
0x398: {  	[spmem:s2] =	stream.indirect.scatter.add.f32 [tilespmem:s15], [sflag:$0x4], $0x80, s13, s14, $0xb8;
	[tilespmem:$0x1FF00] =	vst v63  }
0x399: {  	_ =	swait.ge [sflag:s12], $0x4000  }
0x39a: {  	[sflag:s12] =	ssyncset.done $0x0  }
0x39b: {  	[sflag:s12] =	ssyncadd.s32 $0xFFFFC000  }
0x39c: {  	[tilespmem:s3], [sflag:$0x4] =	stream.linear.gather [hbm4b:s8+s3], $0x80, $0x38;
	[tilespmem:$0x1FF00] =	vst v63  }
0x39d: {  	_ =	swait.ge [sflag:s12], $0x80  }
0x39e: {  	[sflag:s12] =	ssyncset.done $0x0  }
0x39f: {  	[sflag:s12] =	ssyncadd.s32 $0xFFFFFF80  }
0x3a0: {  	[tilespmem:s15], [sflag:$0x1] =	stream.indirect.gather [hbm4b:s1+s14], $0x80, s3, s14, $0xb8;
	[tilespmem:$0x1FF00] =	vst v63  }
0x3a1: {  	_ = 	snop  }
0x3a2: {  	[tilespmem:s13], [sflag:$0x4] =	stream.linear.gather [hbm4b:s9+s3], $0x80, $0x38;
	[tilespmem:$0x1FF00] =	vst v63  }
0x3a3: {  	_ =	swait.ge [sflag:s12], $0x80  }
0x3a4: {  	[sflag:s12] =	ssyncset.done $0x0  }
0x3a5: {  	[sflag:s12] =	ssyncadd.s32 $0xFFFFFF80  }
0x3a6: {  	_ =	swait.ge [sflag:s19], $0x4000  }
0x3a7: {  	[sflag:s19] =	ssyncset.done $0x0  }
0x3a8: {  	[sflag:s19] =	ssyncadd.s32 $0xFFFFC000  }
0x3a9: {  	[spmem:s2] =	stream.indirect.scatter.add.f32 [tilespmem:s15], [sflag:$0x4], $0x80, s13, s14, $0xb8;
	[tilespmem:$0x1FF00] =	vst v63  }
0x3aa: {  	_ =	swait.ge [sflag:s12], $0x4000  }
0x3ab: {  	s24 =	sadd.s32 $0x1, s24;
	[sflag:s12] =	ssyncset.done $0x0  }
0x3ac: {  	p0 =	sne.s32 s24, s11;
	[sflag:s12] =	ssyncadd.s32 $0xFFFFC000  }
.Ltmp1:
0x3ad: {  	[bflag:$0x0] =	sbarrier.arrive $0xFFFF;
	(pc) =	sbr.rel @p0 .LBB2_1-.Ltmp1, $4  }
0x3ae: {  	[hbm:s10], [sflag:s7] =	dma.local [spmem:s25], $0x2780  }
0x3af: {  	_ =	swait.ge [sflag:s12], $0x2780  }
0x3b0: {  	[sflag:s12] =	ssyncset.done $0x0  }
0x3b1: {  	[sflag:s12] =	ssyncadd.s32 $0xFFFFD880  }
0x3b2: {  	_ =	sfence.sel $0x180000  }
0x3b3: {  	[bflag:$0x0] =	sbarrier.arrive $0xFFFF  }
0x3b4: {  	p0 =	sne.s32 s4, $0x0;
	_ =	strace $0x9000004A  }
0x3b5: {  	s0 =	sadd.s32 @!p0 $0x100000, s0;
	[bflag:$0x2] =	sbarrier.arrive $0xFFFF  }
0x3b6: {  	[sflag:s0] =	ssyncadd.tile.s32 @!p0 $0x1;
	_ =	shalt  }
.Lfunc_end2:
_tile_overlayer_lowered:
.L_overlay_start_2:
0x3b7: {  	(tag) =	ssettag $0x2  }
0x3b8: {  	s0 =	rddreg [dreg:$0x0];
	s2 =	stileid.u32  }
0x3b9: {  	s1 =	rddreg [dreg:$0x1];
	p0 =	sne.s32 s2, $0x0  }
0x3ba: {  	s3 =	rddreg [dreg:$0x2];
	[bflag:$0x3] =	sbarrier.arrive $0xFFFF;
	s2 =	simm.s32 @!p0 $0x1C04  }
0x3bb: {  	[timem:s3], [sflag:s2] =	dma.local @!p0 [hbm:s0], s1  }
0x3bc: {  	s0 =	simm.s32 @!p0 $0x4  }
0x3bd: {  	_ =	swait.ge @!p0 [sflag:s0], s1  }
0x3be: {  	s1 =	ssub.s32 @!p0 $0x0, s1;
	[sflag:s0] =	ssyncset.done @!p0 $0x0  }
0x3bf: {  	[sflag:s0] =	ssyncadd.s32 @!p0 s1  }
0x3c0: {  	[bflag:$0x3] =	sbarrier.arrive $0xFFFF  }
0x3c1: {  	_ =	shalt  }

// kernel: kernel.14.cloned.1.call-start
scs
__scs_entry_jumppad:
0x0: {  	(pc) =	sbr.rel $0x88, $3  }
0x1: {  	(tag) =	ssettag $0x0;
	lr =	simm.s32 $0x1  }
0x2: {  	[smem:$0x3F9B] =	sst lr;
	_ =	strace $0xD0000000  }
0x3: {  	_ = 	snop  }
0x4: {  	_ = 	snop  }
0x5: {  	_ = 	snop  }
0x6: {  	_ = 	snop  }
0x7: {  	_ = 	snop  }
__scs_overlays_trampoline_lowered:
0x8: {  	[smem:$0x3FAA] =	sst s0  }
0x9: {  	[smem:$0x3FAB] =	sst s1  }
0xa: {  	[smem:$0x3FAC] =	sst s2  }
0xb: {  	[smem:$0x3FAD] =	sst s3  }
0xc: {  	[smem:$0x3FAE] =	sst s4  }
0xd: {  	[smem:$0x3FAF] =	sst s5  }
0xe: {  	[smem:$0x3FB0] =	sst s6  }
0xf: {  	[smem:$0x3FB1] =	sst s7  }
0x10: {  	[smem:$0x3FB2] =	sst s8  }
0x11: {  	[smem:$0x3FB3] =	sst s9;
	s0 =	simm.s32 @!p0 $0x0  }
0x12: {  	s1 =	sld [smem:$0x3F99];
	s0 =	simm.s32 @p0 $0x1  }
0x13: {  	[smem:$0x3FB4] =	sst s0;
	s0 =	simm.s32 @!p1 $0x0  }
0x14: {  	s2 =	sld [smem:$0x3F98];
	s0 =	simm.s32 @p1 $0x1  }
0x15: {  	[smem:$0x3FB5] =	sst s0;
	s0 =	simm.s32 @!p2 $0x0  }
0x16: {  	s3 =	sld [smem:$0x3FDB];
	s0 =	simm.s32 @p2 $0x1  }
0x17: {  	s4 =	simm.s32 $0x1BF5;
	[smem:$0x3FB7] =	sst s0  }
0x18: {  	s0 =	sld [smem:$0x3F9A];
	_ =	swait.ge [sflag:s4], $0x0  }
0x19: {  	s7 =	sld [smem:$0x3F9B]  }
0x1a: {  	s8 =	sadd.s32 $0xFFFFE003, lr  }
0x1b: {  	s9 =	sadd.s32 $0xFFFFFEF7, lr;
	s5 =	simm.s32 $0xFFFFFFFF;
	p2 =	slt.u32 s8, $0xFFFFF086  }
0x1c: {  	p1 =	slt.u32 s9, $0xF7A;
	s5 =	simm.s32 @!p2 $0x0  }
0x1d: {  	s5 =	simm.s32 @p1 $0x1;
	p0 =	seq.s32 s7, s2  }
0x1e: {  	s7 =	smul.u32 @!p0 $0xF7A, s2;
	p2 =	seq.s32 @!p0 s5, $0x0  }
0x1f: {  	s9 =	smul.u32 $0xF7A, s1;
	s8 =	simm.s32 @!p0 $0x1BF5;
	p2 =	por !p2, p0  }
0x20: {  	[sflag:s8] =	ssyncset.s32 @!p0 $0xFFFFF086;
	s6 =	sadd.s32 @!p0 s3, s7;
	s7 =	simm.s32 @!p0 $0x108  }
0x21: {  	s3 =	sadd.s32 s3, s9;
	s6 =	sadd.s32 @!p0 $0x88, s6;
	s7 =	simm.s32 @p2 $0x1082  }
0x22: {  	[simem:s7], [sflag:s8] =	dma.local @!p0 [hbm:s6], $0xF7A  }
0x23: {  	s9 =	sor.u32 $0xD0000000, s2;
	s6 =	simm.s32 $0x108;
	_ =	swait.ge @!p0 [sflag:s8], $0x0  }
0x24: {  	s3 =	sadd.s32 $0x88, s3;
	s6 =	simm.s32 @!p1 $0x1082;
	[sflag:s4] =	ssyncset.s32 $0xFFFFF086  }
0x25: {  	[simem:s6], [sflag:s4] =	dma.local [hbm:s3], $0xF7A  }
0x26: {  	[smem:$0x3F9B] =	sst s1;
	(tag) =	ssettag s2;
	_ =	strace s9  }
0x27: {  	s1 =	sld [smem:$0x3FAB]  }
0x28: {  	s2 =	sld [smem:$0x3FAC]  }
0x29: {  	s4 =	sld [smem:$0x3FAE]  }
0x2a: {  	p0 =	seq.s32 s5, $0x0;
	s5 =	sld [smem:$0x3FAF]  }
0x2b: {  	s6 =	sld [smem:$0x3FB0]  }
0x2c: {  	s7 =	sld [smem:$0x3FB1]  }
0x2d: {  	s3 =	simm.s32 $0x108;
	s8 =	sld [smem:$0x3FB2]  }
0x2e: {  	s3 =	simm.s32 @!p0 $0x1082;
	s9 =	sld [smem:$0x3FB3]  }
0x2f: {  	lr =	sadd.s32 s0, s3;
	s0 =	sld [smem:$0x3FAA]  }
0x30: {  	s3 =	sld [smem:$0x3FAD]  }
0x31: {  	[smem:$0x3FB6] =	sst s10  }
0x32: {  	s10 =	sld [smem:$0x3FB4];
	_ =	sdelay $0x3  }
0x33: {  	p0 =	seq.s32 s10, $0x1;
	s10 =	sld [smem:$0x3FB6];
	_ =	sdelay $0x3  }
0x34: {  	[smem:$0x3FB6] =	sst s10  }
0x35: {  	s10 =	sld [smem:$0x3FB5];
	_ =	sdelay $0x3  }
0x36: {  	p1 =	seq.s32 s10, $0x1;
	s10 =	sld [smem:$0x3FB6];
	_ =	sdelay $0x3  }
0x37: {  	[smem:$0x3FB6] =	sst s10  }
0x38: {  	s10 =	sld [smem:$0x3FB7]  }
0x39: {  	_ = 	snop;
	(pc) =	sbr.ind lr, $3  }
0x3a: {  	_ = 	snop  }
0x3b: {  	_ = 	snop  }
0x3c: {  	p2 =	seq.s32 s10, $0x1;
	s10 =	sld [smem:$0x3FB6]  }
0x3d: {  	_ =	shalt  }
0x3e: {  	_ =	shalt  }
0x3f: {  	_ =	shalt  }
0x40: {  	_ =	shalt  }
0x41: {  	_ =	shalt  }
0x42: {  	_ =	shalt  }
0x43: {  	_ =	shalt  }
0x44: {  	_ =	shalt  }
0x45: {  	_ =	shalt  }
0x46: {  	_ =	shalt  }
0x47: {  	_ =	shalt  }
0x48: {  	_ =	shalt  }
0x49: {  	_ =	shalt  }
0x4a: {  	_ =	shalt  }
0x4b: {  	_ =	shalt  }
0x4c: {  	_ =	shalt  }
0x4d: {  	_ =	shalt  }
0x4e: {  	_ =	shalt  }
0x4f: {  	_ =	shalt  }
0x50: {  	_ =	shalt  }
0x51: {  	_ =	shalt  }
0x52: {  	_ =	shalt  }
0x53: {  	_ =	shalt  }
0x54: {  	_ =	shalt  }
0x55: {  	_ =	shalt  }
0x56: {  	_ =	shalt  }
0x57: {  	_ =	shalt  }
0x58: {  	_ =	shalt  }
0x59: {  	_ =	shalt  }
0x5a: {  	_ =	shalt  }
0x5b: {  	_ =	shalt  }
0x5c: {  	_ =	shalt  }
0x5d: {  	_ =	shalt  }
0x5e: {  	_ =	shalt  }
0x5f: {  	_ =	shalt  }
0x60: {  	_ =	shalt  }
0x61: {  	_ =	shalt  }
0x62: {  	_ =	shalt  }
0x63: {  	_ =	shalt  }
0x64: {  	_ =	shalt  }
0x65: {  	_ =	shalt  }
0x66: {  	_ =	shalt  }
0x67: {  	_ =	shalt  }
0x68: {  	_ =	shalt  }
0x69: {  	_ =	shalt  }
0x6a: {  	_ =	shalt  }
0x6b: {  	_ =	shalt  }
0x6c: {  	_ =	shalt  }
0x6d: {  	_ =	shalt  }
0x6e: {  	_ =	shalt  }
0x6f: {  	_ =	shalt  }
0x70: {  	_ =	shalt  }
0x71: {  	_ =	shalt  }
0x72: {  	_ =	shalt  }
0x73: {  	_ =	shalt  }
0x74: {  	_ =	shalt  }
0x75: {  	_ =	shalt  }
0x76: {  	_ =	shalt  }
0x77: {  	_ =	shalt  }
0x78: {  	_ =	shalt  }
0x79: {  	_ =	shalt  }
0x7a: {  	_ =	shalt  }
0x7b: {  	_ =	shalt  }
0x7c: {  	_ =	shalt  }
0x7d: {  	_ =	shalt  }
0x7e: {  	_ =	shalt  }
0x7f: {  	_ =	shalt  }
0x80: {  	_ =	shalt  }
0x81: {  	_ =	shalt  }
0x82: {  	_ =	shalt  }
0x83: {  	_ =	shalt  }
0x84: {  	_ =	shalt  }
0x85: {  	_ =	shalt  }
0x86: {  	_ =	shalt  }
0x87: {  	_ =	shalt  }
.Lfunc_end0:
.L_simem_size_0:
called_computation.2_lowered:
.L_overlay_start_0:
0x88: {  	s2 =	sld [smem:$0x3FD9]  }
0x89: {  	s3 =	sld [smem:$0x3FFE];
	_ =	sdelay $0x1  }
0x8a: {  	s1 =	srdreg.scid  }
0x8b: {  	s0 =	sand.u32 $0x1, s1  }
0x8c: {  	s17 =	sshll.u32 s0, $0xA;
	s2 =	sadd.s32 s3, s2  }
0x8d: {  	s2 =	sadd.s32 s2, s17  }
0x8e: {  	[smem:$0x3FC2] =	sst s2  }
0x8f: {  	_ = 	snop  }
0x90: {  	s2 =	sld [smem:$0x3FD0];
	(tm) =	ssettm $0x1  }
0x91: {  	s18 =	sld [smem:$0x3FFB];
	_ =	sdelay $0x3  }
0x92: {  	_ =	strace s18  }
0x93: {  	s3 =	sld [smem:$0x3FFC];
	_ =	sdelay $0x3  }
0x94: {  	_ =	strace s3  }
0x95: {  	s3 =	sld [smem:$0x3FFD];
	_ =	sdelay $0x3  }
0x96: {  	_ =	strace s3  }
0x97: {  	_ =	strace $0x8FFFFFFF  }
0x98: {  	s19 =	sld [smem:$0x3FDB];
	_ =	sdelay $0x1  }
0x99: {  	s4 =	simm.s32 $_scs_section_size  }
0x9a: {  	s5 =	simm.s32 $_size__tile_overlayer_lowered;
	s6 =	simm.s32 $_tile_overlayer_lowered  }
0x9b: {  	s22 =	simm.s32 $0x1BFF;
	s21 =	sshll.u32 s6, $0x1;
	s3 =	sadd.s32 s4, s19  }
0x9c: {  	s7 =	simm.s32 $0x0;
	s20 =	sshll.u32 s5, $0x1;
	s5 =	sadd.s32 s21, s3  }
0x9d: {  	[timem:s7], [sflag:s22] =	dma.local [hbm:s5], s20  }
0x9e: {  	_ =	swait.ge [sflag:s22], s20  }
0x9f: {  	s4 =	ssub.s32 $0x0, s20;
	[sflag:s22] =	ssyncset.done $0x0  }
0xa0: {  	[sflag:s22] =	ssyncadd.s32 s4;
	_ =	sdelay $0x1  }
0xa1: {  	s23 =	simm.s32 $0x1B8B  }
0xa2: {  	_ =	swait.ge [sflag:s23], $0x1  }
0xa3: {  	[sflag:s23] =	ssyncset.done $0x0  }
0xa4: {  	s25 =	simm.s32 $0x1B8E;
	s24 =	sld [smem:$0x3FFE];
	[sflag:s23] =	ssyncadd.s32 $0xFFFFFFFF  }
0xa5: {  	s26 =	simm.s32 $execute0_lowered;
	[smem:$0x3FD2] =	sst s25  }
0xa6: {  	s5 =	sshll.u32 s26, $0x1;
	_ =	strace $0x8000004C;
	[dreg:$0x1] =	wrdreg $0xFFFFFFFF  }
0xa7: {  	s28 =	simm.s32 $_size_execute0_lowered;
	s3 =	sadd.s32 s3, s5;
	[dreg:$0x0] =	wrdreg $0x0  }
0xa8: {  	s5 =	sshll.u32 s28, $0x1;
	[dreg:$0x2] =	wrdreg s3  }
0xa9: {  	[dreg:$0x3] =	wrdreg s5  }
0xaa: {  	[dreg:$0x4] =	wrdreg $0xC0  }
0xab: {  	_ =	task [dreg:s7], $0x5FFFF  }
0xac: {  	[dreg:$0x1] =	wrdreg $0xFFFFFFFF  }
0xad: {  	[dreg:$0x0] =	wrdreg $0x60  }
0xae: {  	[dreg:$0x2] =	wrdreg s2  }
0xaf: {  	[dreg:$0x3] =	wrdreg s24  }
0xb0: {  	[dreg:$0x4] =	wrdreg $0xC3000  }
0xb1: {  	[dreg:$0x5] =	wrdreg $0x9  }
0xb2: {  	_ =	task.clear_ibuf [dreg:s7], $0x6FFFF;
	_ =	strace $0x9000004C  }
0xb3: {  	s29 =	simm.s32 $0x9;
	_ =	strace $0x8000004E  }
0xb4: {  	_ =	swait.ge [sflag:s29], $0x1  }
0xb5: {  	[sflag:s29] =	ssyncadd.s32 $0xFFFFFFFF  }
0xb6: {  	_ =	strace $0x9000004E  }
0xb7: {  	_ =	sfence  }
0xb8: {  	s30 =	sld [smem:$0x0];
	_ =	sdelay $0x2  }
0xb9: {  	s31 =	sshll.u32 s1, $0xD;
	s1 =	sshrl.u32 s1, $0x2  }
0xba: {  	s3 =	sand.u32 $0x4000, s31;
	s1 =	sadd.s32 s1, s30  }
0xbb: {  	s0 =	sor.u32 s3, s0;
	s1 =	sshll.u32 s1, $0x11  }
0xbc: {  	s0 =	sor.u32 s1, s0  }
0xbd: {  	s0 =	sadd.s32 $0x8F2B, s0  }
0xbe: {  	[sflag:s0] =	ssyncadd.remote.s32 $0x1  }
0xbf: {  	_ =	sfence.sel $0xFFFF  }
0xc0: {  	[dreg:$0x0] =	wrdreg $0xFFFFFFFF;
	(pc) =	sbr.abs _section_cstart, $3  }
0xc1: {  	[dreg:$0x1] =	wrdreg $0xFFFFFFFF  }
0xc2: {  	_ =	task.clear_ibuf [dreg:s7], $0x2FFFF;
	_ =	strace $0x9FFFFFFF  }
0xc3: {  	(tm) =	ssettm $0x7FFFFFFF  }
tec
execute0_lowered:
.L_overlay_start_1:
0x0: {  	(tag) =	ssettag $0x1  }
0x1: {  	s1 =	rddreg [dreg:$0x0]  }
0x2: {  	s6 =	rddreg [dreg:$0x1]  }
0x3: {  	s2 =	rddreg [dreg:$0x2];
	s4 =	srdreg.scid  }
0x4: {  	s0 =	rddreg [dreg:$0x3];
	s7 =	sand.u32 $0x1, s4  }
0x5: {  	s3 =	simm.s32 $0x0;
	s4 =	stileid.u32;
	s8 =	smul.u32 $0x13C000, s7  }
0x6: {  	[smem:$0x7FF] =	sst s3;
	s9 =	smul.u32 $0x13C00, s4  }
0x7: {  	s11 =	sadd.s32 $0x5C400, s6;
	s10 =	sadd.s32 $0x2A00, s6;
	s13 =	smul.u32 $0x4F000, s4  }
0x8: {  	s5 =	sshll.u32 s7, $0x4;
	s26 =	ssub.s32 $0x2, s7;
	s7 =	smul.u32 $0x28800, s7  }
0x9: {  	_ =	strace $0x8000004D;
	s16 =	smul.u32 $0x2880, s4;
	s28 =	sshll.u32 s4, $0x6  }
0xa: {  	s12 =	sor.u32 s4, s5;
	s5 =	sadd.s32 $0x66600, s6;
	s14 =	sshrl.u32 s26, $0x1  }
0xb: {  	s8 =	sadd.s32 s9, s8;
	s25 =	smul.u32 $0x2880, s12;
	s15 =	sshrl.u32 s13, $0x2  }
0xc: {  	s12 =	ssub.s32 s26, s14;
	s14 =	sadd.s32 s16, s7;
	s7 =	sor.u32 $0x1C04, s28  }
0xd: {  	s8 =	sshrl.u32 s8, $0x3;
	s29 =	sshrl.u32 s14, $0x3;
	s17 =	sadd.s32 $0x780, s14  }
0xe: {  	s18 =	sadd.s32 $0x700, s14;
	s22 =	sadd.s32 $0x680, s14;
	s26 =	sadd.s32 $0x600, s14  }
0xf: {  	s13 =	sadd.s32 s8, s6;
	s6 =	sadd.s32 s15, s2;
	s9 =	sshrl.u32 s25, $0x3  }
0x10: {  	s30 =	sadd.s32 s29, s10;
	s15 =	sadd.s32 s29, s11;
	s31 =	sshrl.u32 s17, $0x3  }
0x11: {  	s20 =	sshrl.u32 s18, $0x3;
	s24 =	sshrl.u32 s22, $0x3;
	[dreg:$0x4] =	wrdreg s30  }
0x12: {  	s29 =	sshrl.u32 s26, $0x3;
	[dreg:$0x5] =	wrdreg s15;
	s17 =	sadd.s32 s31, s10  }
0x13: {  	s9 =	sadd.s32 $0x500, s9;
	s19 =	sadd.s32 s31, s11;
	[dreg:$0x6] =	wrdreg s17  }
0x14: {  	s21 =	sadd.s32 s20, s10;
	s23 =	sadd.s32 s20, s11;
	[dreg:$0x7] =	wrdreg s19  }
0x15: {  	s25 =	sadd.s32 s24, s10;
	s28 =	sadd.s32 s24, s11;
	[dreg:$0x8] =	wrdreg s21  }
0x16: {  	s30 =	sadd.s32 s29, s10;
	s31 =	sadd.s32 $0x580, s14;
	[dreg:$0x9] =	wrdreg s23  }
0x17: {  	s16 =	sadd.s32 s29, s11;
	s20 =	sadd.s32 $0x500, s14;
	[dreg:$0xa] =	wrdreg s25  }
0x18: {  	s24 =	sadd.s32 $0x480, s14;
	s29 =	sadd.s32 $0x400, s14;
	[dreg:$0xb] =	wrdreg s28  }
0x19: {  	s15 =	simm.s32 $0x300;
	[dreg:$0xc] =	wrdreg s30;
	s18 =	sshrl.u32 s31, $0x3  }
0x1a: {  	s8 =	sadd.s32 s11, s9;
	[dreg:$0xd] =	wrdreg s16;
	s19 =	sadd.s32 s18, s10  }
0x1b: {  	s22 =	sshrl.u32 s20, $0x3;
	s21 =	sadd.s32 s18, s11;
	[dreg:$0xe] =	wrdreg s19  }
0x1c: {  	s26 =	sshrl.u32 s24, $0x3;
	s23 =	sadd.s32 s22, s10;
	[dreg:$0xf] =	wrdreg s21  }
0x1d: {  	s31 =	sshrl.u32 s29, $0x3;
	s25 =	sadd.s32 s22, s11;
	[dreg:$0x10] =	wrdreg s23  }
0x1e: {  	s9 =	sadd.s32 s10, s9;
	s28 =	sadd.s32 s26, s10;
	[dreg:$0x11] =	wrdreg s25  }
0x1f: {  	s30 =	sadd.s32 s26, s11;
	s17 =	sadd.s32 s31, s10;
	[dreg:$0x12] =	wrdreg s28  }
0x20: {  	s18 =	sadd.s32 $0x380, s14;
	s22 =	sadd.s32 $0x300, s14;
	[dreg:$0x13] =	wrdreg s30  }
0x21: {  	s26 =	sadd.s32 $0x280, s14;
	[dreg:$0x14] =	wrdreg s17;
	s19 =	sadd.s32 s31, s11  }
0x22: {  	s20 =	sshrl.u32 s18, $0x3;
	s24 =	sshrl.u32 s22, $0x3;
	s29 =	sshrl.u32 s26, $0x3  }
0x23: {  	s31 =	sadd.s32 $0x200, s14;
	[dreg:$0x15] =	wrdreg s19;
	s21 =	sadd.s32 s20, s10  }
0x24: {  	s17 =	simm.s32 $0x4300;
	s23 =	sadd.s32 s20, s11;
	[dreg:$0x16] =	wrdreg s21  }
0x25: {  	s25 =	sadd.s32 s24, s10;
	s28 =	sadd.s32 s24, s11;
	[dreg:$0x17] =	wrdreg s23  }
0x26: {  	s30 =	sadd.s32 s29, s10;
	s16 =	sadd.s32 s29, s11;
	[dreg:$0x18] =	wrdreg s25  }
0x27: {  	s18 =	sshrl.u32 s31, $0x3;
	s20 =	sadd.s32 $0x180, s14;
	[dreg:$0x19] =	wrdreg s28  }
0x28: {  	s24 =	sadd.s32 $0x100, s14;
	s14 =	sadd.s32 $0x80, s14;
	[dreg:$0x1a] =	wrdreg s30  }
0x29: {  	[dreg:$0x1b] =	wrdreg s16;
	s19 =	sadd.s32 s18, s10;
	s21 =	sadd.s32 s18, s11  }
0x2a: {  	s22 =	sshrl.u32 s20, $0x3;
	s26 =	sshrl.u32 s24, $0x3;
	s14 =	sshrl.u32 s14, $0x3  }
0x2b: {  	s16 =	simm.s32 $0x200;
	s18 =	simm.s32 $0x100;
	[dreg:$0x1c] =	wrdreg s19  }
0x2c: {  	s20 =	simm.s32 $0x8300;
	s24 =	simm.s32 $0x0;
	[dreg:$0x1d] =	wrdreg s21  }
0x2d: {  	s23 =	sadd.s32 s22, s10;
	s25 =	sadd.s32 s22, s11;
	s28 =	sadd.s32 s26, s10  }
0x2e: {  	s29 =	sadd.s32 s26, s11;
	s30 =	sadd.s32 s14, s10;
	[dreg:$0x1e] =	wrdreg s23  }
0x2f: {  	s10 =	sadd.s32 $0x68E00, s13;
	s31 =	sadd.s32 s14, s11;
	[dreg:$0x1f] =	wrdreg s25  }
0x30: {  	s11 =	smax.u32 s12, $0x1;
	s12 =	simm.s32 $0x4;
	[smem:$0x7FA] =	sst s28  }
0x31: {  	s13 =	simm.s32 $0x180;
	s14 =	simm.s32 $0x80;
	[smem:$0x7FB] =	sst s29  }
0x32: {  	s19 =	simm.s32 $0x1;
	s21 =	simm.s32 $0x280;
	[smem:$0x7FC] =	sst s30  }
0x33: {  	s22 =	simm.s32 $0x3;
	[smem:$0x7FD] =	sst s31;
	s23 =	simm.s32 $0x2  }
.LBB2_1:
0x34: {  	s25 =	sshrl.u32 s6, $0x3  }
0x35: {  	[spmem:s25], [sflag:s7] =	dma.local [hbm:s5], $0x2780  }
0x36: {  	_ =	swait.ge [sflag:s12], $0x2780  }
0x37: {  	[sflag:s12] =	ssyncset.done $0x0  }
0x38: {  	[sflag:s12] =	ssyncadd.s32 $0xFFFFD880  }
0x39: {  	[bflag:$0x0] =	sbarrier.arrive $0xFFFF  }
0x3a: {  	s26 =	rddreg [dreg:$0x5]  }
0x3b: {  	s26 =	sadd.s32 $0x0, s26  }
0x3c: {  	[tilespmem:s3], [sflag:$0x4] =	stream.linear.gather [hbm4b:s26+s3], $0x80, $0x38;
	[tilespmem:$0x1FF00] =	vst v63  }
0x3d: {  	_ =	swait.ge [sflag:s12], $0x80  }
0x3e: {  	s31 =	rddreg [dreg:$0x4];
	[sflag:s12] =	ssyncset.done $0x0  }
0x3f: {  	[sflag:s12] =	ssyncadd.s32 $0xFFFFFF80;
	s26 =	sadd.s32 $0x0, s31  }
0x40: {  	[tilespmem:s13], [sflag:$0x4] =	stream.linear.gather [hbm4b:s26+s3], $0x80, $0x38;
	[tilespmem:$0x1FF00] =	vst v63  }
0x41: {  	_ =	swait.ge [sflag:s12], $0x80  }
0x42: {  	[sflag:s12] =	ssyncset.done $0x0;
	s29 =	sld [smem:$0x7FD]  }
0x43: {  	[sflag:s12] =	ssyncadd.s32 $0xFFFFFF80  }
0x44: {  	[tilespmem:s15], [sflag:$0x1] =	stream.indirect.gather [hbm4b:s1+s14], $0x80, s3, s14, $0xb8;
	[tilespmem:$0x1FF00] =	vst v63  }
0x45: {  	s26 =	sadd.s32 $0x0, s29  }
0x46: {  	[tilespmem:s14], [sflag:$0x4] =	stream.linear.gather [hbm4b:s26+s3], $0x80, $0x38;
	[tilespmem:$0x1FF00] =	vst v63  }
0x47: {  	_ =	swait.ge [sflag:s12], $0x80  }
0x48: {  	s31 =	sld [smem:$0x7FC];
	_ =	sdelay $0x1  }
0x49: {  	[sflag:s12] =	ssyncset.done $0x0  }
0x4a: {  	[sflag:s12] =	ssyncadd.s32 $0xFFFFFF80;
	s26 =	sadd.s32 $0x0, s31  }
0x4b: {  	[tilespmem:s16], [sflag:$0x4] =	stream.linear.gather [hbm4b:s26+s3], $0x80, $0x38;
	[tilespmem:$0x1FF00] =	vst v63  }
0x4c: {  	_ =	swait.ge [sflag:s12], $0x80  }
0x4d: {  	[sflag:s12] =	ssyncset.done $0x0;
	s29 =	sld [smem:$0x7FB]  }
0x4e: {  	[sflag:s12] =	ssyncadd.s32 $0xFFFFFF80  }
0x4f: {  	[tilespmem:s17], [sflag:$0x2] =	stream.indirect.gather [hbm4b:s1+s14], $0x80, s14, s14, $0xb8;
	[tilespmem:$0x1FF00] =	vst v63  }
0x50: {  	s26 =	sadd.s32 $0x0, s29  }
0x51: {  	[tilespmem:s18], [sflag:$0x4] =	stream.linear.gather [hbm4b:s26+s3], $0x80, $0x38;
	[tilespmem:$0x1FF00] =	vst v63  }
0x52: {  	_ =	swait.ge [sflag:s12], $0x80  }
0x53: {  	[sflag:s12] =	ssyncset.done $0x0  }
0x54: {  	[sflag:s12] =	ssyncadd.s32 $0xFFFFFF80  }
0x55: {  	_ =	swait.ge [sflag:s19], $0x4000  }
0x56: {  	[sflag:s19] =	ssyncset.done $0x0  }
0x57: {  	[sflag:s19] =	ssyncadd.s32 $0xFFFFC000  }
0x58: {  	[spmem:s2] =	stream.indirect.scatter.add.f32 [tilespmem:s15], [sflag:$0x3], $0x80, s13, s14, $0xb8;
	[tilespmem:$0x1FF00] =	vst v63  }
0x59: {  	s31 =	rddreg [dreg:$0x1f]  }
0x5a: {  	[tilespmem:s20], [sflag:$0x1] =	stream.indirect.gather [hbm4b:s1+s14], $0x80, s18, s14, $0xb8;
	[tilespmem:$0x1FF00] =	vst v63  }
0x5b: {  	s26 =	sadd.s32 $0x0, s31  }
0x5c: {  	[tilespmem:s3], [sflag:$0x4] =	stream.linear.gather [hbm4b:s26+s3], $0x80, $0x38;
	[tilespmem:$0x1FF00] =	vst v63  }
0x5d: {  	_ =	swait.ge [sflag:s12], $0x80  }
0x5e: {  	s29 =	sld [smem:$0x7FA];
	_ =	sdelay $0x1  }
0x5f: {  	[sflag:s12] =	ssyncset.done $0x0  }
0x60: {  	[sflag:s12] =	ssyncadd.s32 $0xFFFFFF80;
	s26 =	sadd.s32 $0x0, s29  }
0x61: {  	[tilespmem:s21], [sflag:$0x4] =	stream.linear.gather [hbm4b:s26+s3], $0x80, $0x38;
	[tilespmem:$0x1FF00] =	vst v63  }
0x62: {  	_ =	swait.ge [sflag:s12], $0x80  }
0x63: {  	[sflag:s12] =	ssyncset.done $0x0  }
0x64: {  	[sflag:s12] =	ssyncadd.s32 $0xFFFFFF80  }
0x65: {  	_ =	swait.ge [sflag:s22], $0x4000  }
0x66: {  	[sflag:s22] =	ssyncset.done $0x0  }
0x67: {  	[sflag:s22] =	ssyncadd.s32 $0xFFFFC000  }
0x68: {  	_ =	swait.ge [sflag:s23], $0x4000  }
0x69: {  	[sflag:s23] =	ssyncset.done $0x0  }
0x6a: {  	[sflag:s23] =	ssyncadd.s32 $0xFFFFC000  }
0x6b: {  	[spmem:s2] =	stream.indirect.scatter.add.f32 [tilespmem:s17], [sflag:$0x3], $0x80, s16, s14, $0xb8;
	[tilespmem:$0x1FF00] =	vst v63  }
0x6c: {  	s31 =	rddreg [dreg:$0x1d]  }
0x6d: {  	[tilespmem:s15], [sflag:$0x2] =	stream.indirect.gather [hbm4b:s1+s14], $0x80, s3, s14, $0xb8;
	[tilespmem:$0x1FF00] =	vst v63  }
0x6e: {  	s26 =	sadd.s32 $0x0, s31  }
0x6f: {  	[tilespmem:s14], [sflag:$0x4] =	stream.linear.gather [hbm4b:s26+s3], $0x80, $0x38;
	[tilespmem:$0x1FF00] =	vst v63  }
0x70: {  	_ =	swait.ge [sflag:s12], $0x80  }
0x71: {  	s29 =	rddreg [dreg:$0x1e];
	[sflag:s12] =	ssyncset.done $0x0  }
0x72: {  	[sflag:s12] =	ssyncadd.s32 $0xFFFFFF80;
	s26 =	sadd.s32 $0x0, s29  }
0x73: {  	[tilespmem:s13], [sflag:$0x4] =	stream.linear.gather [hbm4b:s26+s3], $0x80, $0x38;
	[tilespmem:$0x1FF00] =	vst v63  }
0x74: {  	_ =	swait.ge [sflag:s12], $0x80  }
0x75: {  	[sflag:s12] =	ssyncset.done $0x0  }
0x76: {  	[sflag:s12] =	ssyncadd.s32 $0xFFFFFF80  }
0x77: {  	_ =	swait.ge [sflag:s22], $0x4000  }
0x78: {  	[sflag:s22] =	ssyncset.done $0x0  }
0x79: {  	[sflag:s22] =	ssyncadd.s32 $0xFFFFC000  }
0x7a: {  	_ =	swait.ge [sflag:s19], $0x4000  }
0x7b: {  	[sflag:s19] =	ssyncset.done $0x0  }
0x7c: {  	[sflag:s19] =	ssyncadd.s32 $0xFFFFC000  }
0x7d: {  	[spmem:s2] =	stream.indirect.scatter.add.f32 [tilespmem:s20], [sflag:$0x3], $0x80, s21, s14, $0xb8;
	[tilespmem:$0x1FF00] =	vst v63  }
0x7e: {  	s31 =	rddreg [dreg:$0x1b]  }
0x7f: {  	[tilespmem:s17], [sflag:$0x1] =	stream.indirect.gather [hbm4b:s1+s14], $0x80, s14, s14, $0xb8;
	[tilespmem:$0x1FF00] =	vst v63  }
0x80: {  	s26 =	sadd.s32 $0x0, s31  }
0x81: {  	[tilespmem:s18], [sflag:$0x4] =	stream.linear.gather [hbm4b:s26+s3], $0x80, $0x38;
	[tilespmem:$0x1FF00] =	vst v63  }
0x82: {  	_ =	swait.ge [sflag:s12], $0x80  }
0x83: {  	s29 =	rddreg [dreg:$0x1c];
	[sflag:s12] =	ssyncset.done $0x0  }
0x84: {  	[sflag:s12] =	ssyncadd.s32 $0xFFFFFF80;
	s26 =	sadd.s32 $0x0, s29  }
0x85: {  	[tilespmem:s16], [sflag:$0x4] =	stream.linear.gather [hbm4b:s26+s3], $0x80, $0x38;
	[tilespmem:$0x1FF00] =	vst v63  }
0x86: {  	_ =	swait.ge [sflag:s12], $0x80  }
0x87: {  	[sflag:s12] =	ssyncset.done $0x0  }
0x88: {  	[sflag:s12] =	ssyncadd.s32 $0xFFFFFF80  }
0x89: {  	_ =	swait.ge [sflag:s22], $0x4000  }
0x8a: {  	[sflag:s22] =	ssyncset.done $0x0  }
0x8b: {  	[sflag:s22] =	ssyncadd.s32 $0xFFFFC000  }
0x8c: {  	_ =	swait.ge [sflag:s23], $0x4000  }
0x8d: {  	[sflag:s23] =	ssyncset.done $0x0  }
0x8e: {  	[sflag:s23] =	ssyncadd.s32 $0xFFFFC000  }
0x8f: {  	[spmem:s2] =	stream.indirect.scatter.add.f32 [tilespmem:s15], [sflag:$0x3], $0x80, s13, s14, $0xb8;
	[tilespmem:$0x1FF00] =	vst v63  }
0x90: {  	s31 =	rddreg [dreg:$0x19]  }
0x91: {  	[tilespmem:s20], [sflag:$0x2] =	stream.indirect.gather [hbm4b:s1+s14], $0x80, s18, s14, $0xb8;
	[tilespmem:$0x1FF00] =	vst v63  }
0x92: {  	s26 =	sadd.s32 $0x0, s31  }
0x93: {  	[tilespmem:s3], [sflag:$0x4] =	stream.linear.gather [hbm4b:s26+s3], $0x80, $0x38;
	[tilespmem:$0x1FF00] =	vst v63  }
0x94: {  	_ =	swait.ge [sflag:s12], $0x80  }
0x95: {  	s29 =	rddreg [dreg:$0x1a];
	[sflag:s12] =	ssyncset.done $0x0  }
0x96: {  	[sflag:s12] =	ssyncadd.s32 $0xFFFFFF80;
	s26 =	sadd.s32 $0x0, s29  }
0x97: {  	[tilespmem:s21], [sflag:$0x4] =	stream.linear.gather [hbm4b:s26+s3], $0x80, $0x38;
	[tilespmem:$0x1FF00] =	vst v63  }
0x98: {  	_ =	swait.ge [sflag:s12], $0x80  }
0x99: {  	[sflag:s12] =	ssyncset.done $0x0  }
0x9a: {  	[sflag:s12] =	ssyncadd.s32 $0xFFFFFF80  }
0x9b: {  	_ =	swait.ge [sflag:s22], $0x4000  }
0x9c: {  	[sflag:s22] =	ssyncset.done $0x0  }
0x9d: {  	[sflag:s22] =	ssyncadd.s32 $0xFFFFC000  }
0x9e: {  	_ =	swait.ge [sflag:s19], $0x4000  }
0x9f: {  	[sflag:s19] =	ssyncset.done $0x0  }
0xa0: {  	[sflag:s19] =	ssyncadd.s32 $0xFFFFC000  }
0xa1: {  	[spmem:s2] =	stream.indirect.scatter.add.f32 [tilespmem:s17], [sflag:$0x3], $0x80, s16, s14, $0xb8;
	[tilespmem:$0x1FF00] =	vst v63  }
0xa2: {  	s31 =	rddreg [dreg:$0x17]  }
0xa3: {  	[tilespmem:s15], [sflag:$0x1] =	stream.indirect.gather [hbm4b:s1+s14], $0x80, s3, s14, $0xb8;
	[tilespmem:$0x1FF00] =	vst v63  }
0xa4: {  	s26 =	sadd.s32 $0x0, s31  }
0xa5: {  	[tilespmem:s14], [sflag:$0x4] =	stream.linear.gather [hbm4b:s26+s3], $0x80, $0x38;
	[tilespmem:$0x1FF00] =	vst v63  }
0xa6: {  	_ =	swait.ge [sflag:s12], $0x80  }
0xa7: {  	s29 =	rddreg [dreg:$0x18];
	[sflag:s12] =	ssyncset.done $0x0  }
0xa8: {  	[sflag:s12] =	ssyncadd.s32 $0xFFFFFF80;
	s26 =	sadd.s32 $0x0, s29  }
0xa9: {  	[tilespmem:s13], [sflag:$0x4] =	stream.linear.gather [hbm4b:s26+s3], $0x80, $0x38;
	[tilespmem:$0x1FF00] =	vst v63  }
0xaa: {  	_ =	swait.ge [sflag:s12], $0x80  }
0xab: {  	[sflag:s12] =	ssyncset.done $0x0  }
0xac: {  	[sflag:s12] =	ssyncadd.s32 $0xFFFFFF80  }
0xad: {  	_ =	swait.ge [sflag:s22], $0x4000  }
0xae: {  	[sflag:s22] =	ssyncset.done $0x0  }
0xaf: {  	[sflag:s22] =	ssyncadd.s32 $0xFFFFC000  }
0xb0: {  	_ =	swait.ge [sflag:s23], $0x4000  }
0xb1: {  	[sflag:s23] =	ssyncset.done $0x0  }
0xb2: {  	[sflag:s23] =	ssyncadd.s32 $0xFFFFC000  }
0xb3: {  	[spmem:s2] =	stream.indirect.scatter.add.f32 [tilespmem:s20], [sflag:$0x3], $0x80, s21, s14, $0xb8;
	[tilespmem:$0x1FF00] =	vst v63  }
0xb4: {  	s31 =	rddreg [dreg:$0x15]  }
0xb5: {  	[tilespmem:s17], [sflag:$0x2] =	stream.indirect.gather [hbm4b:s1+s14], $0x80, s14, s14, $0xb8;
	[tilespmem:$0x1FF00] =	vst v63  }
0xb6: {  	s26 =	sadd.s32 $0x0, s31  }
0xb7: {  	[tilespmem:s18], [sflag:$0x4] =	stream.linear.gather [hbm4b:s26+s3], $0x80, $0x38;
	[tilespmem:$0x1FF00] =	vst v63  }
0xb8: {  	_ =	swait.ge [sflag:s12], $0x80  }
0xb9: {  	s29 =	rddreg [dreg:$0x16];
	[sflag:s12] =	ssyncset.done $0x0  }
0xba: {  	[sflag:s12] =	ssyncadd.s32 $0xFFFFFF80;
	s26 =	sadd.s32 $0x0, s29  }
0xbb: {  	[tilespmem:s16], [sflag:$0x4] =	stream.linear.gather [hbm4b:s26+s3], $0x80, $0x38;
	[tilespmem:$0x1FF00] =	vst v63  }
0xbc: {  	_ =	swait.ge [sflag:s12], $0x80  }
0xbd: {  	[sflag:s12] =	ssyncset.done $0x0  }
0xbe: {  	[sflag:s12] =	ssyncadd.s32 $0xFFFFFF80  }
0xbf: {  	_ =	swait.ge [sflag:s22], $0x4000  }
0xc0: {  	[sflag:s22] =	ssyncset.done $0x0  }
0xc1: {  	[sflag:s22] =	ssyncadd.s32 $0xFFFFC000  }
0xc2: {  	_ =	swait.ge [sflag:s19], $0x4000  }
0xc3: {  	[sflag:s19] =	ssyncset.done $0x0  }
0xc4: {  	[sflag:s19] =	ssyncadd.s32 $0xFFFFC000  }
0xc5: {  	[spmem:s2] =	stream.indirect.scatter.add.f32 [tilespmem:s15], [sflag:$0x3], $0x80, s13, s14, $0xb8;
	[tilespmem:$0x1FF00] =	vst v63  }
0xc6: {  	s31 =	rddreg [dreg:$0x13]  }
0xc7: {  	[tilespmem:s20], [sflag:$0x1] =	stream.indirect.gather [hbm4b:s1+s14], $0x80, s18, s14, $0xb8;
	[tilespmem:$0x1FF00] =	vst v63  }
0xc8: {  	s26 =	sadd.s32 $0x0, s31  }
0xc9: {  	[tilespmem:s3], [sflag:$0x4] =	stream.linear.gather [hbm4b:s26+s3], $0x80, $0x38;
	[tilespmem:$0x1FF00] =	vst v63  }
0xca: {  	_ =	swait.ge [sflag:s12], $0x80  }
0xcb: {  	s29 =	rddreg [dreg:$0x14];
	[sflag:s12] =	ssyncset.done $0x0  }
0xcc: {  	[sflag:s12] =	ssyncadd.s32 $0xFFFFFF80;
	s26 =	sadd.s32 $0x0, s29  }
0xcd: {  	[tilespmem:s21], [sflag:$0x4] =	stream.linear.gather [hbm4b:s26+s3], $0x80, $0x38;
	[tilespmem:$0x1FF00] =	vst v63  }
0xce: {  	_ =	swait.ge [sflag:s12], $0x80  }
0xcf: {  	[sflag:s12] =	ssyncset.done $0x0  }
0xd0: {  	[sflag:s12] =	ssyncadd.s32 $0xFFFFFF80  }
0xd1: {  	_ =	swait.ge [sflag:s22], $0x4000  }
0xd2: {  	[sflag:s22] =	ssyncset.done $0x0  }
0xd3: {  	[sflag:s22] =	ssyncadd.s32 $0xFFFFC000  }
0xd4: {  	_ =	swait.ge [sflag:s23], $0x4000  }
0xd5: {  	[sflag:s23] =	ssyncset.done $0x0  }
0xd6: {  	[sflag:s23] =	ssyncadd.s32 $0xFFFFC000  }
0xd7: {  	[spmem:s2] =	stream.indirect.scatter.add.f32 [tilespmem:s17], [sflag:$0x3], $0x80, s16, s14, $0xb8;
	[tilespmem:$0x1FF00] =	vst v63  }
0xd8: {  	s31 =	rddreg [dreg:$0x11]  }
0xd9: {  	[tilespmem:s15], [sflag:$0x2] =	stream.indirect.gather [hbm4b:s1+s14], $0x80, s3, s14, $0xb8;
	[tilespmem:$0x1FF00] =	vst v63  }
0xda: {  	s26 =	sadd.s32 $0x0, s31  }
0xdb: {  	[tilespmem:s14], [sflag:$0x4] =	stream.linear.gather [hbm4b:s26+s3], $0x80, $0x38;
	[tilespmem:$0x1FF00] =	vst v63  }
0xdc: {  	_ =	swait.ge [sflag:s12], $0x80  }
0xdd: {  	s29 =	rddreg [dreg:$0x12];
	[sflag:s12] =	ssyncset.done $0x0  }
0xde: {  	[sflag:s12] =	ssyncadd.s32 $0xFFFFFF80;
	s26 =	sadd.s32 $0x0, s29  }
0xdf: {  	[tilespmem:s13], [sflag:$0x4] =	stream.linear.gather [hbm4b:s26+s3], $0x80, $0x38;
	[tilespmem:$0x1FF00] =	vst v63  }
0xe0: {  	_ =	swait.ge [sflag:s12], $0x80  }
0xe1: {  	[sflag:s12] =	ssyncset.done $0x0  }
0xe2: {  	[sflag:s12] =	ssyncadd.s32 $0xFFFFFF80  }
0xe3: {  	_ =	swait.ge [sflag:s22], $0x4000  }
0xe4: {  	[sflag:s22] =	ssyncset.done $0x0  }
0xe5: {  	[sflag:s22] =	ssyncadd.s32 $0xFFFFC000  }
0xe6: {  	_ =	swait.ge [sflag:s19], $0x4000  }
0xe7: {  	[sflag:s19] =	ssyncset.done $0x0  }
0xe8: {  	[sflag:s19] =	ssyncadd.s32 $0xFFFFC000  }
0xe9: {  	[spmem:s2] =	stream.indirect.scatter.add.f32 [tilespmem:s20], [sflag:$0x3], $0x80, s21, s14, $0xb8;
	[tilespmem:$0x1FF00] =	vst v63  }
0xea: {  	s31 =	rddreg [dreg:$0xf]  }
0xeb: {  	[tilespmem:s17], [sflag:$0x1] =	stream.indirect.gather [hbm4b:s1+s14], $0x80, s14, s14, $0xb8;
	[tilespmem:$0x1FF00] =	vst v63  }
0xec: {  	s26 =	sadd.s32 $0x0, s31  }
0xed: {  	[tilespmem:s18], [sflag:$0x4] =	stream.linear.gather [hbm4b:s26+s3], $0x80, $0x38;
	[tilespmem:$0x1FF00] =	vst v63  }
0xee: {  	_ =	swait.ge [sflag:s12], $0x80  }
0xef: {  	s29 =	rddreg [dreg:$0x10];
	[sflag:s12] =	ssyncset.done $0x0  }
0xf0: {  	[sflag:s12] =	ssyncadd.s32 $0xFFFFFF80;
	s26 =	sadd.s32 $0x0, s29  }
0xf1: {  	[tilespmem:s16], [sflag:$0x4] =	stream.linear.gather [hbm4b:s26+s3], $0x80, $0x38;
	[tilespmem:$0x1FF00] =	vst v63  }
0xf2: {  	_ =	swait.ge [sflag:s12], $0x80  }
0xf3: {  	[sflag:s12] =	ssyncset.done $0x0  }
0xf4: {  	[sflag:s12] =	ssyncadd.s32 $0xFFFFFF80  }
0xf5: {  	_ =	swait.ge [sflag:s22], $0x4000  }
0xf6: {  	[sflag:s22] =	ssyncset.done $0x0  }
0xf7: {  	[sflag:s22] =	ssyncadd.s32 $0xFFFFC000  }
0xf8: {  	_ =	swait.ge [sflag:s23], $0x4000  }
0xf9: {  	[sflag:s23] =	ssyncset.done $0x0  }
0xfa: {  	[sflag:s23] =	ssyncadd.s32 $0xFFFFC000  }
0xfb: {  	[spmem:s2] =	stream.indirect.scatter.add.f32 [tilespmem:s15], [sflag:$0x3], $0x80, s13, s14, $0xb8;
	[tilespmem:$0x1FF00] =	vst v63  }
0xfc: {  	s31 =	rddreg [dreg:$0xd]  }
0xfd: {  	[tilespmem:s20], [sflag:$0x2] =	stream.indirect.gather [hbm4b:s1+s14], $0x80, s18, s14, $0xb8;
	[tilespmem:$0x1FF00] =	vst v63  }
0xfe: {  	s26 =	sadd.s32 $0x0, s31  }
0xff: {  	[tilespmem:s3], [sflag:$0x4] =	stream.linear.gather [hbm4b:s26+s3], $0x80, $0x38;
	[tilespmem:$0x1FF00] =	vst v63  }
0x100: {  	_ =	swait.ge [sflag:s12], $0x80  }
0x101: {  	s29 =	rddreg [dreg:$0xe];
	[sflag:s12] =	ssyncset.done $0x0  }
0x102: {  	[sflag:s12] =	ssyncadd.s32 $0xFFFFFF80;
	s26 =	sadd.s32 $0x0, s29  }
0x103: {  	[tilespmem:s21], [sflag:$0x4] =	stream.linear.gather [hbm4b:s26+s3], $0x80, $0x38;
	[tilespmem:$0x1FF00] =	vst v63  }
0x104: {  	_ =	swait.ge [sflag:s12], $0x80  }
0x105: {  	[sflag:s12] =	ssyncset.done $0x0  }
0x106: {  	[sflag:s12] =	ssyncadd.s32 $0xFFFFFF80  }
0x107: {  	_ =	swait.ge [sflag:s22], $0x4000  }
0x108: {  	[sflag:s22] =	ssyncset.done $0x0  }
0x109: {  	[sflag:s22] =	ssyncadd.s32 $0xFFFFC000  }
0x10a: {  	_ =	swait.ge [sflag:s19], $0x4000  }
0x10b: {  	[sflag:s19] =	ssyncset.done $0x0  }
0x10c: {  	[sflag:s19] =	ssyncadd.s32 $0xFFFFC000  }
0x10d: {  	[spmem:s2] =	stream.indirect.scatter.add.f32 [tilespmem:s17], [sflag:$0x3], $0x80, s16, s14, $0xb8;
	[tilespmem:$0x1FF00] =	vst v63  }
0x10e: {  	s31 =	rddreg [dreg:$0xb]  }
0x10f: {  	[tilespmem:s15], [sflag:$0x1] =	stream.indirect.gather [hbm4b:s1+s14], $0x80, s3, s14, $0xb8;
	[tilespmem:$0x1FF00] =	vst v63  }
0x110: {  	s26 =	sadd.s32 $0x0, s31  }
0x111: {  	[tilespmem:s14], [sflag:$0x4] =	stream.linear.gather [hbm4b:s26+s3], $0x80, $0x38;
	[tilespmem:$0x1FF00] =	vst v63  }
0x112: {  	_ =	swait.ge [sflag:s12], $0x80  }
0x113: {  	s29 =	rddreg [dreg:$0xc];
	[sflag:s12] =	ssyncset.done $0x0  }
0x114: {  	[sflag:s12] =	ssyncadd.s32 $0xFFFFFF80;
	s26 =	sadd.s32 $0x0, s29  }
0x115: {  	[tilespmem:s13], [sflag:$0x4] =	stream.linear.gather [hbm4b:s26+s3], $0x80, $0x38;
	[tilespmem:$0x1FF00] =	vst v63  }
0x116: {  	_ =	swait.ge [sflag:s12], $0x80  }
0x117: {  	[sflag:s12] =	ssyncset.done $0x0  }
0x118: {  	[sflag:s12] =	ssyncadd.s32 $0xFFFFFF80  }
0x119: {  	_ =	swait.ge [sflag:s22], $0x4000  }
0x11a: {  	[sflag:s22] =	ssyncset.done $0x0  }
0x11b: {  	[sflag:s22] =	ssyncadd.s32 $0xFFFFC000  }
0x11c: {  	_ =	swait.ge [sflag:s23], $0x4000  }
0x11d: {  	[sflag:s23] =	ssyncset.done $0x0  }
0x11e: {  	[sflag:s23] =	ssyncadd.s32 $0xFFFFC000  }
0x11f: {  	[spmem:s2] =	stream.indirect.scatter.add.f32 [tilespmem:s20], [sflag:$0x3], $0x80, s21, s14, $0xb8;
	[tilespmem:$0x1FF00] =	vst v63  }
0x120: {  	s31 =	rddreg [dreg:$0x9]  }
0x121: {  	[tilespmem:s17], [sflag:$0x2] =	stream.indirect.gather [hbm4b:s1+s14], $0x80, s14, s14, $0xb8;
	[tilespmem:$0x1FF00] =	vst v63  }
0x122: {  	s26 =	sadd.s32 $0x0, s31  }
0x123: {  	[tilespmem:s18], [sflag:$0x4] =	stream.linear.gather [hbm4b:s26+s3], $0x80, $0x38;
	[tilespmem:$0x1FF00] =	vst v63  }
0x124: {  	_ =	swait.ge [sflag:s12], $0x80  }
0x125: {  	s29 =	rddreg [dreg:$0xa];
	[sflag:s12] =	ssyncset.done $0x0  }
0x126: {  	[sflag:s12] =	ssyncadd.s32 $0xFFFFFF80;
	s26 =	sadd.s32 $0x0, s29  }
0x127: {  	[tilespmem:s16], [sflag:$0x4] =	stream.linear.gather [hbm4b:s26+s3], $0x80, $0x38;
	[tilespmem:$0x1FF00] =	vst v63  }
0x128: {  	_ =	swait.ge [sflag:s12], $0x80  }
0x129: {  	[sflag:s12] =	ssyncset.done $0x0  }
0x12a: {  	[sflag:s12] =	ssyncadd.s32 $0xFFFFFF80  }
0x12b: {  	_ =	swait.ge [sflag:s22], $0x4000  }
0x12c: {  	[sflag:s22] =	ssyncset.done $0x0  }
0x12d: {  	[sflag:s22] =	ssyncadd.s32 $0xFFFFC000  }
0x12e: {  	_ =	swait.ge [sflag:s19], $0x4000  }
0x12f: {  	[sflag:s19] =	ssyncset.done $0x0  }
0x130: {  	[sflag:s19] =	ssyncadd.s32 $0xFFFFC000  }
0x131: {  	[spmem:s2] =	stream.indirect.scatter.add.f32 [tilespmem:s15], [sflag:$0x3], $0x80, s13, s14, $0xb8;
	[tilespmem:$0x1FF00] =	vst v63  }
0x132: {  	s31 =	rddreg [dreg:$0x7]  }
0x133: {  	[tilespmem:s20], [sflag:$0x1] =	stream.indirect.gather [hbm4b:s1+s14], $0x80, s18, s14, $0xb8;
	[tilespmem:$0x1FF00] =	vst v63  }
0x134: {  	s26 =	sadd.s32 $0x0, s31  }
0x135: {  	[tilespmem:s3], [sflag:$0x4] =	stream.linear.gather [hbm4b:s26+s3], $0x80, $0x38;
	[tilespmem:$0x1FF00] =	vst v63  }
0x136: {  	_ =	swait.ge [sflag:s12], $0x80  }
0x137: {  	s29 =	rddreg [dreg:$0x8];
	[sflag:s12] =	ssyncset.done $0x0  }
0x138: {  	[sflag:s12] =	ssyncadd.s32 $0xFFFFFF80;
	s26 =	sadd.s32 $0x0, s29  }
0x139: {  	[tilespmem:s21], [sflag:$0x4] =	stream.linear.gather [hbm4b:s26+s3], $0x80, $0x38;
	[tilespmem:$0x1FF00] =	vst v63  }
0x13a: {  	_ =	swait.ge [sflag:s12], $0x80  }
0x13b: {  	[sflag:s12] =	ssyncset.done $0x0  }
0x13c: {  	[sflag:s12] =	ssyncadd.s32 $0xFFFFFF80  }
0x13d: {  	_ =	swait.ge [sflag:s22], $0x4000  }
0x13e: {  	[sflag:s22] =	ssyncset.done $0x0  }
0x13f: {  	[sflag:s22] =	ssyncadd.s32 $0xFFFFC000  }
0x140: {  	_ =	swait.ge [sflag:s23], $0x4000  }
0x141: {  	[sflag:s23] =	ssyncset.done $0x0  }
0x142: {  	[sflag:s23] =	ssyncadd.s32 $0xFFFFC000  }
0x143: {  	[spmem:s2] =	stream.indirect.scatter.add.f32 [tilespmem:s17], [sflag:$0x3], $0x80, s16, s14, $0xb8;
	[tilespmem:$0x1FF00] =	vst v63  }
0x144: {  	s31 =	rddreg [dreg:$0x6]  }
0x145: {  	[tilespmem:s15], [sflag:$0x2] =	stream.indirect.gather [hbm4b:s1+s14], $0x80, s3, s14, $0xb8;
	[tilespmem:$0x1FF00] =	vst v63  }
0x146: {  	s26 =	sadd.s32 $0x0, s31  }
0x147: {  	[tilespmem:s13], [sflag:$0x4] =	stream.linear.gather [hbm4b:s26+s3], $0x80, $0x38;
	[tilespmem:$0x1FF00] =	vst v63  }
0x148: {  	_ =	swait.ge [sflag:s12], $0x80  }
0x149: {  	[sflag:s12] =	ssyncset.done $0x0  }
0x14a: {  	[sflag:s12] =	ssyncadd.s32 $0xFFFFFF80  }
0x14b: {  	_ =	swait.ge [sflag:s22], $0x4000  }
0x14c: {  	[sflag:s22] =	ssyncset.done $0x0  }
0x14d: {  	[sflag:s22] =	ssyncadd.s32 $0xFFFFC000  }
0x14e: {  	_ =	swait.ge [sflag:s19], $0x4000  }
0x14f: {  	[sflag:s19] =	ssyncset.done $0x0  }
0x150: {  	[sflag:s19] =	ssyncadd.s32 $0xFFFFC000  }
0x151: {  	[spmem:s2] =	stream.indirect.scatter.add.f32 [tilespmem:s20], [sflag:$0x3], $0x80, s21, s14, $0xb8;
	[tilespmem:$0x1FF00] =	vst v63  }
0x152: {  	_ =	swait.ge [sflag:s22], $0x4000  }
0x153: {  	[sflag:s22] =	ssyncset.done $0x0  }
0x154: {  	[sflag:s22] =	ssyncadd.s32 $0xFFFFC000  }
0x155: {  	_ =	swait.ge [sflag:s23], $0x4000  }
0x156: {  	[sflag:s23] =	ssyncset.done $0x0  }
0x157: {  	[sflag:s23] =	ssyncadd.s32 $0xFFFFC000  }
0x158: {  	[spmem:s2] =	stream.indirect.scatter.add.f32 [tilespmem:s15], [sflag:$0x4], $0x80, s13, s14, $0xb8;
	[tilespmem:$0x1FF00] =	vst v63  }
0x159: {  	s28 =	simm.s32 $0x200;
	_ =	swait.ge [sflag:s12], $0x4000  }
0x15a: {  	s26 =	simm.s32 $0x100;
	s30 =	rddreg [dreg:$0x5];
	[sflag:s12] =	ssyncset.done $0x0  }
.LBB2_2:
0x15b: {  	[sflag:s12] =	ssyncadd.s32 $0xFFFFC000;
	s30 =	sadd.s32 s26, s30  }
0x15c: {  	[tilespmem:s3], [sflag:$0x4] =	stream.linear.gather [hbm4b:s30+s3], $0x80, $0x38;
	[tilespmem:$0x1FF00] =	vst v63  }
0x15d: {  	_ =	swait.ge [sflag:s12], $0x80  }
0x15e: {  	s30 =	rddreg [dreg:$0x4];
	[sflag:s12] =	ssyncset.done $0x0  }
0x15f: {  	[sflag:s12] =	ssyncadd.s32 $0xFFFFFF80;
	s30 =	sadd.s32 s26, s30  }
0x160: {  	[tilespmem:s13], [sflag:$0x4] =	stream.linear.gather [hbm4b:s30+s3], $0x80, $0x38;
	[tilespmem:$0x1FF00] =	vst v63  }
0x161: {  	_ =	swait.ge [sflag:s12], $0x80  }
0x162: {  	[sflag:s12] =	ssyncset.done $0x0;
	s30 =	sld [smem:$0x7FD]  }
0x163: {  	[sflag:s12] =	ssyncadd.s32 $0xFFFFFF80  }
0x164: {  	[tilespmem:s15], [sflag:$0x1] =	stream.indirect.gather [hbm4b:s1+s14], $0x80, s3, s14, $0xb8;
	[tilespmem:$0x1FF00] =	vst v63  }
0x165: {  	s30 =	sadd.s32 s26, s30  }
0x166: {  	[tilespmem:s14], [sflag:$0x4] =	stream.linear.gather [hbm4b:s30+s3], $0x80, $0x38;
	[tilespmem:$0x1FF00] =	vst v63  }
0x167: {  	_ =	swait.ge [sflag:s12], $0x80  }
0x168: {  	s30 =	sld [smem:$0x7FC];
	_ =	sdelay $0x1  }
0x169: {  	[sflag:s12] =	ssyncset.done $0x0  }
0x16a: {  	[sflag:s12] =	ssyncadd.s32 $0xFFFFFF80;
	s30 =	sadd.s32 s26, s30  }
0x16b: {  	[tilespmem:s16], [sflag:$0x4] =	stream.linear.gather [hbm4b:s30+s3], $0x80, $0x38;
	[tilespmem:$0x1FF00] =	vst v63  }
0x16c: {  	_ =	swait.ge [sflag:s12], $0x80  }
0x16d: {  	[sflag:s12] =	ssyncset.done $0x0;
	s30 =	sld [smem:$0x7FB]  }
0x16e: {  	[sflag:s12] =	ssyncadd.s32 $0xFFFFFF80  }
0x16f: {  	[tilespmem:s17], [sflag:$0x2] =	stream.indirect.gather [hbm4b:s1+s14], $0x80, s14, s14, $0xb8;
	[tilespmem:$0x1FF00] =	vst v63  }
0x170: {  	s30 =	sadd.s32 s26, s30  }
0x171: {  	[tilespmem:s18], [sflag:$0x4] =	stream.linear.gather [hbm4b:s30+s3], $0x80, $0x38;
	[tilespmem:$0x1FF00] =	vst v63  }
0x172: {  	_ =	swait.ge [sflag:s12], $0x80  }
0x173: {  	[sflag:s12] =	ssyncset.done $0x0  }
0x174: {  	[sflag:s12] =	ssyncadd.s32 $0xFFFFFF80  }
0x175: {  	_ =	swait.ge [sflag:s19], $0x4000  }
0x176: {  	[sflag:s19] =	ssyncset.done $0x0  }
0x177: {  	[sflag:s19] =	ssyncadd.s32 $0xFFFFC000  }
0x178: {  	[spmem:s2] =	stream.indirect.scatter.add.f32 [tilespmem:s15], [sflag:$0x3], $0x80, s13, s14, $0xb8;
	[tilespmem:$0x1FF00] =	vst v63  }
0x179: {  	s30 =	rddreg [dreg:$0x1f]  }
0x17a: {  	[tilespmem:s20], [sflag:$0x1] =	stream.indirect.gather [hbm4b:s1+s14], $0x80, s18, s14, $0xb8;
	[tilespmem:$0x1FF00] =	vst v63  }
0x17b: {  	s30 =	sadd.s32 s26, s30  }
0x17c: {  	[tilespmem:s3], [sflag:$0x4] =	stream.linear.gather [hbm4b:s30+s3], $0x80, $0x38;
	[tilespmem:$0x1FF00] =	vst v63  }
0x17d: {  	_ =	swait.ge [sflag:s12], $0x80  }
0x17e: {  	s30 =	sld [smem:$0x7FA];
	_ =	sdelay $0x1  }
0x17f: {  	[sflag:s12] =	ssyncset.done $0x0  }
0x180: {  	[sflag:s12] =	ssyncadd.s32 $0xFFFFFF80;
	s30 =	sadd.s32 s26, s30  }
0x181: {  	[tilespmem:s21], [sflag:$0x4] =	stream.linear.gather [hbm4b:s30+s3], $0x80, $0x38;
	[tilespmem:$0x1FF00] =	vst v63  }
0x182: {  	_ =	swait.ge [sflag:s12], $0x80  }
0x183: {  	[sflag:s12] =	ssyncset.done $0x0  }
0x184: {  	[sflag:s12] =	ssyncadd.s32 $0xFFFFFF80  }
0x185: {  	_ =	swait.ge [sflag:s22], $0x4000  }
0x186: {  	[sflag:s22] =	ssyncset.done $0x0  }
0x187: {  	[sflag:s22] =	ssyncadd.s32 $0xFFFFC000  }
0x188: {  	_ =	swait.ge [sflag:s23], $0x4000  }
0x189: {  	[sflag:s23] =	ssyncset.done $0x0  }
0x18a: {  	[sflag:s23] =	ssyncadd.s32 $0xFFFFC000  }
0x18b: {  	[spmem:s2] =	stream.indirect.scatter.add.f32 [tilespmem:s17], [sflag:$0x3], $0x80, s16, s14, $0xb8;
	[tilespmem:$0x1FF00] =	vst v63  }
0x18c: {  	s30 =	rddreg [dreg:$0x1d]  }
0x18d: {  	[tilespmem:s15], [sflag:$0x2] =	stream.indirect.gather [hbm4b:s1+s14], $0x80, s3, s14, $0xb8;
	[tilespmem:$0x1FF00] =	vst v63  }
0x18e: {  	s30 =	sadd.s32 s26, s30  }
0x18f: {  	[tilespmem:s14], [sflag:$0x4] =	stream.linear.gather [hbm4b:s30+s3], $0x80, $0x38;
	[tilespmem:$0x1FF00] =	vst v63  }
0x190: {  	_ =	swait.ge [sflag:s12], $0x80  }
0x191: {  	s30 =	rddreg [dreg:$0x1e];
	[sflag:s12] =	ssyncset.done $0x0  }
0x192: {  	[sflag:s12] =	ssyncadd.s32 $0xFFFFFF80;
	s30 =	sadd.s32 s26, s30  }
0x193: {  	[tilespmem:s13], [sflag:$0x4] =	stream.linear.gather [hbm4b:s30+s3], $0x80, $0x38;
	[tilespmem:$0x1FF00] =	vst v63  }
0x194: {  	_ =	swait.ge [sflag:s12], $0x80  }
0x195: {  	[sflag:s12] =	ssyncset.done $0x0  }
0x196: {  	[sflag:s12] =	ssyncadd.s32 $0xFFFFFF80  }
0x197: {  	_ =	swait.ge [sflag:s22], $0x4000  }
0x198: {  	[sflag:s22] =	ssyncset.done $0x0  }
0x199: {  	[sflag:s22] =	ssyncadd.s32 $0xFFFFC000  }
0x19a: {  	_ =	swait.ge [sflag:s19], $0x4000  }
0x19b: {  	[sflag:s19] =	ssyncset.done $0x0  }
0x19c: {  	[sflag:s19] =	ssyncadd.s32 $0xFFFFC000  }
0x19d: {  	[spmem:s2] =	stream.indirect.scatter.add.f32 [tilespmem:s20], [sflag:$0x3], $0x80, s21, s14, $0xb8;
	[tilespmem:$0x1FF00] =	vst v63  }
0x19e: {  	s30 =	rddreg [dreg:$0x1b]  }
0x19f: {  	[tilespmem:s17], [sflag:$0x1] =	stream.indirect.gather [hbm4b:s1+s14], $0x80, s14, s14, $0xb8;
	[tilespmem:$0x1FF00] =	vst v63  }
0x1a0: {  	s30 =	sadd.s32 s26, s30  }
0x1a1: {  	[tilespmem:s18], [sflag:$0x4] =	stream.linear.gather [hbm4b:s30+s3], $0x80, $0x38;
	[tilespmem:$0x1FF00] =	vst v63  }
0x1a2: {  	_ =	swait.ge [sflag:s12], $0x80  }
0x1a3: {  	s30 =	rddreg [dreg:$0x1c];
	[sflag:s12] =	ssyncset.done $0x0  }
0x1a4: {  	[sflag:s12] =	ssyncadd.s32 $0xFFFFFF80;
	s30 =	sadd.s32 s26, s30  }
0x1a5: {  	[tilespmem:s16], [sflag:$0x4] =	stream.linear.gather [hbm4b:s30+s3], $0x80, $0x38;
	[tilespmem:$0x1FF00] =	vst v63  }
0x1a6: {  	_ =	swait.ge [sflag:s12], $0x80  }
0x1a7: {  	[sflag:s12] =	ssyncset.done $0x0  }
0x1a8: {  	[sflag:s12] =	ssyncadd.s32 $0xFFFFFF80  }
0x1a9: {  	_ =	swait.ge [sflag:s22], $0x4000  }
0x1aa: {  	[sflag:s22] =	ssyncset.done $0x0  }
0x1ab: {  	[sflag:s22] =	ssyncadd.s32 $0xFFFFC000  }
0x1ac: {  	_ =	swait.ge [sflag:s23], $0x4000  }
0x1ad: {  	[sflag:s23] =	ssyncset.done $0x0  }
0x1ae: {  	[sflag:s23] =	ssyncadd.s32 $0xFFFFC000  }
0x1af: {  	[spmem:s2] =	stream.indirect.scatter.add.f32 [tilespmem:s15], [sflag:$0x3], $0x80, s13, s14, $0xb8;
	[tilespmem:$0x1FF00] =	vst v63  }
0x1b0: {  	s30 =	rddreg [dreg:$0x19]  }
0x1b1: {  	[tilespmem:s20], [sflag:$0x2] =	stream.indirect.gather [hbm4b:s1+s14], $0x80, s18, s14, $0xb8;
	[tilespmem:$0x1FF00] =	vst v63  }
0x1b2: {  	s30 =	sadd.s32 s26, s30  }
0x1b3: {  	[tilespmem:s3], [sflag:$0x4] =	stream.linear.gather [hbm4b:s30+s3], $0x80, $0x38;
	[tilespmem:$0x1FF00] =	vst v63  }
0x1b4: {  	_ =	swait.ge [sflag:s12], $0x80  }
0x1b5: {  	s30 =	rddreg [dreg:$0x1a];
	[sflag:s12] =	ssyncset.done $0x0  }
0x1b6: {  	[sflag:s12] =	ssyncadd.s32 $0xFFFFFF80;
	s30 =	sadd.s32 s26, s30  }
0x1b7: {  	[tilespmem:s21], [sflag:$0x4] =	stream.linear.gather [hbm4b:s30+s3], $0x80, $0x38;
	[tilespmem:$0x1FF00] =	vst v63  }
0x1b8: {  	_ =	swait.ge [sflag:s12], $0x80  }
0x1b9: {  	[sflag:s12] =	ssyncset.done $0x0  }
0x1ba: {  	[sflag:s12] =	ssyncadd.s32 $0xFFFFFF80  }
0x1bb: {  	_ =	swait.ge [sflag:s22], $0x4000  }
0x1bc: {  	[sflag:s22] =	ssyncset.done $0x0  }
0x1bd: {  	[sflag:s22] =	ssyncadd.s32 $0xFFFFC000  }
0x1be: {  	_ =	swait.ge [sflag:s19], $0x4000  }
0x1bf: {  	[sflag:s19] =	ssyncset.done $0x0  }
0x1c0: {  	[sflag:s19] =	ssyncadd.s32 $0xFFFFC000  }
0x1c1: {  	[spmem:s2] =	stream.indirect.scatter.add.f32 [tilespmem:s17], [sflag:$0x3], $0x80, s16, s14, $0xb8;
	[tilespmem:$0x1FF00] =	vst v63  }
0x1c2: {  	s30 =	rddreg [dreg:$0x17]  }
0x1c3: {  	[tilespmem:s15], [sflag:$0x1] =	stream.indirect.gather [hbm4b:s1+s14], $0x80, s3, s14, $0xb8;
	[tilespmem:$0x1FF00] =	vst v63  }
0x1c4: {  	s30 =	sadd.s32 s26, s30  }
0x1c5: {  	[tilespmem:s14], [sflag:$0x4] =	stream.linear.gather [hbm4b:s30+s3], $0x80, $0x38;
	[tilespmem:$0x1FF00] =	vst v63  }
0x1c6: {  	_ =	swait.ge [sflag:s12], $0x80  }
0x1c7: {  	s30 =	rddreg [dreg:$0x18];
	[sflag:s12] =	ssyncset.done $0x0  }
0x1c8: {  	[sflag:s12] =	ssyncadd.s32 $0xFFFFFF80;
	s30 =	sadd.s32 s26, s30  }
0x1c9: {  	[tilespmem:s13], [sflag:$0x4] =	stream.linear.gather [hbm4b:s30+s3], $0x80, $0x38;
	[tilespmem:$0x1FF00] =	vst v63  }
0x1ca: {  	_ =	swait.ge [sflag:s12], $0x80  }
0x1cb: {  	[sflag:s12] =	ssyncset.done $0x0  }
0x1cc: {  	[sflag:s12] =	ssyncadd.s32 $0xFFFFFF80  }
0x1cd: {  	_ =	swait.ge [sflag:s22], $0x4000  }
0x1ce: {  	[sflag:s22] =	ssyncset.done $0x0  }
0x1cf: {  	[sflag:s22] =	ssyncadd.s32 $0xFFFFC000  }
0x1d0: {  	_ =	swait.ge [sflag:s23], $0x4000  }
0x1d1: {  	[sflag:s23] =	ssyncset.done $0x0  }
0x1d2: {  	[sflag:s23] =	ssyncadd.s32 $0xFFFFC000  }
0x1d3: {  	[spmem:s2] =	stream.indirect.scatter.add.f32 [tilespmem:s20], [sflag:$0x3], $0x80, s21, s14, $0xb8;
	[tilespmem:$0x1FF00] =	vst v63  }
0x1d4: {  	s30 =	rddreg [dreg:$0x15]  }
0x1d5: {  	[tilespmem:s17], [sflag:$0x2] =	stream.indirect.gather [hbm4b:s1+s14], $0x80, s14, s14, $0xb8;
	[tilespmem:$0x1FF00] =	vst v63  }
0x1d6: {  	s30 =	sadd.s32 s26, s30  }
0x1d7: {  	[tilespmem:s18], [sflag:$0x4] =	stream.linear.gather [hbm4b:s30+s3], $0x80, $0x38;
	[tilespmem:$0x1FF00] =	vst v63  }
0x1d8: {  	_ =	swait.ge [sflag:s12], $0x80  }
0x1d9: {  	s30 =	rddreg [dreg:$0x16];
	[sflag:s12] =	ssyncset.done $0x0  }
0x1da: {  	[sflag:s12] =	ssyncadd.s32 $0xFFFFFF80;
	s30 =	sadd.s32 s26, s30  }
0x1db: {  	[tilespmem:s16], [sflag:$0x4] =	stream.linear.gather [hbm4b:s30+s3], $0x80, $0x38;
	[tilespmem:$0x1FF00] =	vst v63  }
0x1dc: {  	_ =	swait.ge [sflag:s12], $0x80  }
0x1dd: {  	[sflag:s12] =	ssyncset.done $0x0  }
0x1de: {  	[sflag:s12] =	ssyncadd.s32 $0xFFFFFF80  }
0x1df: {  	_ =	swait.ge [sflag:s22], $0x4000  }
0x1e0: {  	[sflag:s22] =	ssyncset.done $0x0  }
0x1e1: {  	[sflag:s22] =	ssyncadd.s32 $0xFFFFC000  }
0x1e2: {  	_ =	swait.ge [sflag:s19], $0x4000  }
0x1e3: {  	[sflag:s19] =	ssyncset.done $0x0  }
0x1e4: {  	[sflag:s19] =	ssyncadd.s32 $0xFFFFC000  }
0x1e5: {  	[spmem:s2] =	stream.indirect.scatter.add.f32 [tilespmem:s15], [sflag:$0x3], $0x80, s13, s14, $0xb8;
	[tilespmem:$0x1FF00] =	vst v63  }
0x1e6: {  	s30 =	rddreg [dreg:$0x13]  }
0x1e7: {  	[tilespmem:s20], [sflag:$0x1] =	stream.indirect.gather [hbm4b:s1+s14], $0x80, s18, s14, $0xb8;
	[tilespmem:$0x1FF00] =	vst v63  }
0x1e8: {  	s30 =	sadd.s32 s26, s30  }
0x1e9: {  	[tilespmem:s3], [sflag:$0x4] =	stream.linear.gather [hbm4b:s30+s3], $0x80, $0x38;
	[tilespmem:$0x1FF00] =	vst v63  }
0x1ea: {  	_ =	swait.ge [sflag:s12], $0x80  }
0x1eb: {  	s30 =	rddreg [dreg:$0x14];
	[sflag:s12] =	ssyncset.done $0x0  }
0x1ec: {  	[sflag:s12] =	ssyncadd.s32 $0xFFFFFF80;
	s30 =	sadd.s32 s26, s30  }
0x1ed: {  	[tilespmem:s21], [sflag:$0x4] =	stream.linear.gather [hbm4b:s30+s3], $0x80, $0x38;
	[tilespmem:$0x1FF00] =	vst v63  }
0x1ee: {  	_ =	swait.ge [sflag:s12], $0x80  }
0x1ef: {  	[sflag:s12] =	ssyncset.done $0x0  }
0x1f0: {  	[sflag:s12] =	ssyncadd.s32 $0xFFFFFF80  }
0x1f1: {  	_ =	swait.ge [sflag:s22], $0x4000  }
0x1f2: {  	[sflag:s22] =	ssyncset.done $0x0  }
0x1f3: {  	[sflag:s22] =	ssyncadd.s32 $0xFFFFC000  }
0x1f4: {  	_ =	swait.ge [sflag:s23], $0x4000  }
0x1f5: {  	[sflag:s23] =	ssyncset.done $0x0  }
0x1f6: {  	[sflag:s23] =	ssyncadd.s32 $0xFFFFC000  }
0x1f7: {  	[spmem:s2] =	stream.indirect.scatter.add.f32 [tilespmem:s17], [sflag:$0x3], $0x80, s16, s14, $0xb8;
	[tilespmem:$0x1FF00] =	vst v63  }
0x1f8: {  	s30 =	rddreg [dreg:$0x11]  }
0x1f9: {  	[tilespmem:s15], [sflag:$0x2] =	stream.indirect.gather [hbm4b:s1+s14], $0x80, s3, s14, $0xb8;
	[tilespmem:$0x1FF00] =	vst v63  }
0x1fa: {  	s30 =	sadd.s32 s26, s30  }
0x1fb: {  	[tilespmem:s14], [sflag:$0x4] =	stream.linear.gather [hbm4b:s30+s3], $0x80, $0x38;
	[tilespmem:$0x1FF00] =	vst v63  }
0x1fc: {  	_ =	swait.ge [sflag:s12], $0x80  }
0x1fd: {  	s30 =	rddreg [dreg:$0x12];
	[sflag:s12] =	ssyncset.done $0x0  }
0x1fe: {  	[sflag:s12] =	ssyncadd.s32 $0xFFFFFF80;
	s30 =	sadd.s32 s26, s30  }
0x1ff: {  	[tilespmem:s13], [sflag:$0x4] =	stream.linear.gather [hbm4b:s30+s3], $0x80, $0x38;
	[tilespmem:$0x1FF00] =	vst v63  }
0x200: {  	_ =	swait.ge [sflag:s12], $0x80  }
0x201: {  	[sflag:s12] =	ssyncset.done $0x0  }
0x202: {  	[sflag:s12] =	ssyncadd.s32 $0xFFFFFF80  }
0x203: {  	_ =	swait.ge [sflag:s22], $0x4000  }
0x204: {  	[sflag:s22] =	ssyncset.done $0x0  }
0x205: {  	[sflag:s22] =	ssyncadd.s32 $0xFFFFC000  }
0x206: {  	_ =	swait.ge [sflag:s19], $0x4000  }
0x207: {  	[sflag:s19] =	ssyncset.done $0x0  }
0x208: {  	[sflag:s19] =	ssyncadd.s32 $0xFFFFC000  }
0x209: {  	[spmem:s2] =	stream.indirect.scatter.add.f32 [tilespmem:s20], [sflag:$0x3], $0x80, s21, s14, $0xb8;
	[tilespmem:$0x1FF00] =	vst v63  }
0x20a: {  	s30 =	rddreg [dreg:$0xf]  }
0x20b: {  	[tilespmem:s17], [sflag:$0x1] =	stream.indirect.gather [hbm4b:s1+s14], $0x80, s14, s14, $0xb8;
	[tilespmem:$0x1FF00] =	vst v63  }
0x20c: {  	s30 =	sadd.s32 s26, s30  }
0x20d: {  	[tilespmem:s18], [sflag:$0x4] =	stream.linear.gather [hbm4b:s30+s3], $0x80, $0x38;
	[tilespmem:$0x1FF00] =	vst v63  }
0x20e: {  	_ =	swait.ge [sflag:s12], $0x80  }
0x20f: {  	s30 =	rddreg [dreg:$0x10];
	[sflag:s12] =	ssyncset.done $0x0  }
0x210: {  	[sflag:s12] =	ssyncadd.s32 $0xFFFFFF80;
	s30 =	sadd.s32 s26, s30  }
0x211: {  	[tilespmem:s16], [sflag:$0x4] =	stream.linear.gather [hbm4b:s30+s3], $0x80, $0x38;
	[tilespmem:$0x1FF00] =	vst v63  }
0x212: {  	_ =	swait.ge [sflag:s12], $0x80  }
0x213: {  	[sflag:s12] =	ssyncset.done $0x0  }
0x214: {  	[sflag:s12] =	ssyncadd.s32 $0xFFFFFF80  }
0x215: {  	_ =	swait.ge [sflag:s22], $0x4000  }
0x216: {  	[sflag:s22] =	ssyncset.done $0x0  }
0x217: {  	[sflag:s22] =	ssyncadd.s32 $0xFFFFC000  }
0x218: {  	_ =	swait.ge [sflag:s23], $0x4000  }
0x219: {  	[sflag:s23] =	ssyncset.done $0x0  }
0x21a: {  	[sflag:s23] =	ssyncadd.s32 $0xFFFFC000  }
0x21b: {  	[spmem:s2] =	stream.indirect.scatter.add.f32 [tilespmem:s15], [sflag:$0x3], $0x80, s13, s14, $0xb8;
	[tilespmem:$0x1FF00] =	vst v63  }
0x21c: {  	s30 =	rddreg [dreg:$0xd]  }
0x21d: {  	[tilespmem:s20], [sflag:$0x2] =	stream.indirect.gather [hbm4b:s1+s14], $0x80, s18, s14, $0xb8;
	[tilespmem:$0x1FF00] =	vst v63  }
0x21e: {  	s30 =	sadd.s32 s26, s30  }
0x21f: {  	[tilespmem:s3], [sflag:$0x4] =	stream.linear.gather [hbm4b:s30+s3], $0x80, $0x38;
	[tilespmem:$0x1FF00] =	vst v63  }
0x220: {  	_ =	swait.ge [sflag:s12], $0x80  }
0x221: {  	s30 =	rddreg [dreg:$0xe];
	[sflag:s12] =	ssyncset.done $0x0  }
0x222: {  	[sflag:s12] =	ssyncadd.s32 $0xFFFFFF80;
	s30 =	sadd.s32 s26, s30  }
0x223: {  	[tilespmem:s21], [sflag:$0x4] =	stream.linear.gather [hbm4b:s30+s3], $0x80, $0x38;
	[tilespmem:$0x1FF00] =	vst v63  }
0x224: {  	_ =	swait.ge [sflag:s12], $0x80  }
0x225: {  	[sflag:s12] =	ssyncset.done $0x0  }
0x226: {  	[sflag:s12] =	ssyncadd.s32 $0xFFFFFF80  }
0x227: {  	_ =	swait.ge [sflag:s22], $0x4000  }
0x228: {  	[sflag:s22] =	ssyncset.done $0x0  }
0x229: {  	[sflag:s22] =	ssyncadd.s32 $0xFFFFC000  }
0x22a: {  	_ =	swait.ge [sflag:s19], $0x4000  }
0x22b: {  	[sflag:s19] =	ssyncset.done $0x0  }
0x22c: {  	[sflag:s19] =	ssyncadd.s32 $0xFFFFC000  }
0x22d: {  	[spmem:s2] =	stream.indirect.scatter.add.f32 [tilespmem:s17], [sflag:$0x3], $0x80, s16, s14, $0xb8;
	[tilespmem:$0x1FF00] =	vst v63  }
0x22e: {  	s30 =	rddreg [dreg:$0xb]  }
0x22f: {  	[tilespmem:s15], [sflag:$0x1] =	stream.indirect.gather [hbm4b:s1+s14], $0x80, s3, s14, $0xb8;
	[tilespmem:$0x1FF00] =	vst v63  }
0x230: {  	s30 =	sadd.s32 s26, s30  }
0x231: {  	[tilespmem:s14], [sflag:$0x4] =	stream.linear.gather [hbm4b:s30+s3], $0x80, $0x38;
	[tilespmem:$0x1FF00] =	vst v63  }
0x232: {  	_ =	swait.ge [sflag:s12], $0x80  }
0x233: {  	s30 =	rddreg [dreg:$0xc];
	[sflag:s12] =	ssyncset.done $0x0  }
0x234: {  	[sflag:s12] =	ssyncadd.s32 $0xFFFFFF80;
	s30 =	sadd.s32 s26, s30  }
0x235: {  	[tilespmem:s13], [sflag:$0x4] =	stream.linear.gather [hbm4b:s30+s3], $0x80, $0x38;
	[tilespmem:$0x1FF00] =	vst v63  }
0x236: {  	_ =	swait.ge [sflag:s12], $0x80  }
0x237: {  	[sflag:s12] =	ssyncset.done $0x0  }
0x238: {  	[sflag:s12] =	ssyncadd.s32 $0xFFFFFF80  }
0x239: {  	_ =	swait.ge [sflag:s22], $0x4000  }
0x23a: {  	[sflag:s22] =	ssyncset.done $0x0  }
0x23b: {  	[sflag:s22] =	ssyncadd.s32 $0xFFFFC000  }
0x23c: {  	_ =	swait.ge [sflag:s23], $0x4000  }
0x23d: {  	[sflag:s23] =	ssyncset.done $0x0  }
0x23e: {  	[sflag:s23] =	ssyncadd.s32 $0xFFFFC000  }
0x23f: {  	[spmem:s2] =	stream.indirect.scatter.add.f32 [tilespmem:s20], [sflag:$0x3], $0x80, s21, s14, $0xb8;
	[tilespmem:$0x1FF00] =	vst v63  }
0x240: {  	s30 =	rddreg [dreg:$0x9]  }
0x241: {  	[tilespmem:s17], [sflag:$0x2] =	stream.indirect.gather [hbm4b:s1+s14], $0x80, s14, s14, $0xb8;
	[tilespmem:$0x1FF00] =	vst v63  }
0x242: {  	s30 =	sadd.s32 s26, s30  }
0x243: {  	[tilespmem:s18], [sflag:$0x4] =	stream.linear.gather [hbm4b:s30+s3], $0x80, $0x38;
	[tilespmem:$0x1FF00] =	vst v63  }
0x244: {  	_ =	swait.ge [sflag:s12], $0x80  }
0x245: {  	s30 =	rddreg [dreg:$0xa];
	[sflag:s12] =	ssyncset.done $0x0  }
0x246: {  	[sflag:s12] =	ssyncadd.s32 $0xFFFFFF80;
	s30 =	sadd.s32 s26, s30  }
0x247: {  	[tilespmem:s16], [sflag:$0x4] =	stream.linear.gather [hbm4b:s30+s3], $0x80, $0x38;
	[tilespmem:$0x1FF00] =	vst v63  }
0x248: {  	_ =	swait.ge [sflag:s12], $0x80  }
0x249: {  	[sflag:s12] =	ssyncset.done $0x0  }
0x24a: {  	[sflag:s12] =	ssyncadd.s32 $0xFFFFFF80  }
0x24b: {  	_ =	swait.ge [sflag:s22], $0x4000  }
0x24c: {  	[sflag:s22] =	ssyncset.done $0x0  }
0x24d: {  	[sflag:s22] =	ssyncadd.s32 $0xFFFFC000  }
0x24e: {  	_ =	swait.ge [sflag:s19], $0x4000  }
0x24f: {  	[sflag:s19] =	ssyncset.done $0x0  }
0x250: {  	[sflag:s19] =	ssyncadd.s32 $0xFFFFC000  }
0x251: {  	[spmem:s2] =	stream.indirect.scatter.add.f32 [tilespmem:s15], [sflag:$0x3], $0x80, s13, s14, $0xb8;
	[tilespmem:$0x1FF00] =	vst v63  }
0x252: {  	s30 =	rddreg [dreg:$0x7]  }
0x253: {  	[tilespmem:s20], [sflag:$0x1] =	stream.indirect.gather [hbm4b:s1+s14], $0x80, s18, s14, $0xb8;
	[tilespmem:$0x1FF00] =	vst v63  }
0x254: {  	s30 =	sadd.s32 s26, s30  }
0x255: {  	[tilespmem:s3], [sflag:$0x4] =	stream.linear.gather [hbm4b:s30+s3], $0x80, $0x38;
	[tilespmem:$0x1FF00] =	vst v63  }
0x256: {  	_ =	swait.ge [sflag:s12], $0x80  }
0x257: {  	s30 =	rddreg [dreg:$0x8];
	[sflag:s12] =	ssyncset.done $0x0  }
0x258: {  	[sflag:s12] =	ssyncadd.s32 $0xFFFFFF80;
	s30 =	sadd.s32 s26, s30  }
0x259: {  	[tilespmem:s21], [sflag:$0x4] =	stream.linear.gather [hbm4b:s30+s3], $0x80, $0x38;
	[tilespmem:$0x1FF00] =	vst v63  }
0x25a: {  	_ =	swait.ge [sflag:s12], $0x80  }
0x25b: {  	[sflag:s12] =	ssyncset.done $0x0  }
0x25c: {  	[sflag:s12] =	ssyncadd.s32 $0xFFFFFF80  }
0x25d: {  	_ =	swait.ge [sflag:s22], $0x4000  }
0x25e: {  	[sflag:s22] =	ssyncset.done $0x0  }
0x25f: {  	[sflag:s22] =	ssyncadd.s32 $0xFFFFC000  }
0x260: {  	_ =	swait.ge [sflag:s23], $0x4000  }
0x261: {  	[sflag:s23] =	ssyncset.done $0x0  }
0x262: {  	[sflag:s23] =	ssyncadd.s32 $0xFFFFC000  }
0x263: {  	[spmem:s2] =	stream.indirect.scatter.add.f32 [tilespmem:s17], [sflag:$0x3], $0x80, s16, s14, $0xb8;
	[tilespmem:$0x1FF00] =	vst v63  }
0x264: {  	s30 =	rddreg [dreg:$0x6]  }
0x265: {  	[tilespmem:s15], [sflag:$0x2] =	stream.indirect.gather [hbm4b:s1+s14], $0x80, s3, s14, $0xb8;
	[tilespmem:$0x1FF00] =	vst v63  }
0x266: {  	s30 =	sadd.s32 s26, s30  }
0x267: {  	[tilespmem:s13], [sflag:$0x4] =	stream.linear.gather [hbm4b:s30+s3], $0x80, $0x38;
	[tilespmem:$0x1FF00] =	vst v63  }
0x268: {  	_ =	swait.ge [sflag:s12], $0x80  }
0x269: {  	[sflag:s12] =	ssyncset.done $0x0  }
0x26a: {  	[sflag:s12] =	ssyncadd.s32 $0xFFFFFF80  }
0x26b: {  	_ =	swait.ge [sflag:s22], $0x4000  }
0x26c: {  	[sflag:s22] =	ssyncset.done $0x0  }
0x26d: {  	[sflag:s22] =	ssyncadd.s32 $0xFFFFC000  }
0x26e: {  	_ =	swait.ge [sflag:s19], $0x4000  }
0x26f: {  	[sflag:s19] =	ssyncset.done $0x0  }
0x270: {  	[sflag:s19] =	ssyncadd.s32 $0xFFFFC000  }
0x271: {  	[spmem:s2] =	stream.indirect.scatter.add.f32 [tilespmem:s20], [sflag:$0x3], $0x80, s21, s14, $0xb8;
	[tilespmem:$0x1FF00] =	vst v63  }
0x272: {  	_ =	swait.ge [sflag:s22], $0x4000  }
0x273: {  	[sflag:s22] =	ssyncset.done $0x0  }
0x274: {  	[sflag:s22] =	ssyncadd.s32 $0xFFFFC000  }
0x275: {  	p0 =	sne.s32 s28, $0x400;
	_ =	swait.ge [sflag:s23], $0x4000  }
.Ltmp0:
0x276: {  	[sflag:s23] =	ssyncset.done $0x0;
	(pc) =	sbr.rel @p0 .LBB2_2-.Ltmp0, $4  }
0x277: {  	[sflag:s23] =	ssyncadd.s32 $0xFFFFC000  }
0x278: {  	[spmem:s2] =	stream.indirect.scatter.add.f32 [tilespmem:s15], [sflag:$0x4], $0x80, s13, s14, $0xb8;
	[tilespmem:$0x1FF00] =	vst v63  }
0x279: {  	s29 =	smov.u32 s28;
	s28 =	sadd.s32 $0x100, s28;
	_ =	swait.ge [sflag:s12], $0x4000  }
0x27a: {  	s26 =	smov.u32 s29;
	s30 =	rddreg [dreg:$0x5];
	[sflag:s12] =	ssyncset.done $0x0  }
0x27b: {  	[sflag:s12] =	ssyncadd.s32 $0xFFFFC000;
	s28 =	sadd.s32 s26, s30  }
0x27c: {  	[tilespmem:s3], [sflag:$0x4] =	stream.linear.gather [hbm4b:s28+s3], $0x80, $0x38;
	[tilespmem:$0x1FF00] =	vst v63  }
0x27d: {  	_ =	swait.ge [sflag:s12], $0x80  }
0x27e: {  	s30 =	rddreg [dreg:$0x4];
	[sflag:s12] =	ssyncset.done $0x0  }
0x27f: {  	[sflag:s12] =	ssyncadd.s32 $0xFFFFFF80;
	s28 =	sadd.s32 s26, s30  }
0x280: {  	[tilespmem:s13], [sflag:$0x4] =	stream.linear.gather [hbm4b:s28+s3], $0x80, $0x38;
	[tilespmem:$0x1FF00] =	vst v63  }
0x281: {  	_ =	swait.ge [sflag:s12], $0x80  }
0x282: {  	[sflag:s12] =	ssyncset.done $0x0;
	s31 =	sld [smem:$0x7FD]  }
0x283: {  	[sflag:s12] =	ssyncadd.s32 $0xFFFFFF80  }
0x284: {  	[tilespmem:s15], [sflag:$0x1] =	stream.indirect.gather [hbm4b:s1+s14], $0x80, s3, s14, $0xb8;
	[tilespmem:$0x1FF00] =	vst v63  }
0x285: {  	s28 =	sadd.s32 s26, s31  }
0x286: {  	[tilespmem:s14], [sflag:$0x4] =	stream.linear.gather [hbm4b:s28+s3], $0x80, $0x38;
	[tilespmem:$0x1FF00] =	vst v63  }
0x287: {  	_ =	swait.ge [sflag:s12], $0x80  }
0x288: {  	s29 =	sld [smem:$0x7FC];
	_ =	sdelay $0x1  }
0x289: {  	[sflag:s12] =	ssyncset.done $0x0  }
0x28a: {  	[sflag:s12] =	ssyncadd.s32 $0xFFFFFF80;
	s28 =	sadd.s32 s26, s29  }
0x28b: {  	[tilespmem:s16], [sflag:$0x4] =	stream.linear.gather [hbm4b:s28+s3], $0x80, $0x38;
	[tilespmem:$0x1FF00] =	vst v63  }
0x28c: {  	_ =	swait.ge [sflag:s12], $0x80  }
0x28d: {  	[sflag:s12] =	ssyncset.done $0x0;
	s30 =	sld [smem:$0x7FB]  }
0x28e: {  	[sflag:s12] =	ssyncadd.s32 $0xFFFFFF80  }
0x28f: {  	[tilespmem:s17], [sflag:$0x2] =	stream.indirect.gather [hbm4b:s1+s14], $0x80, s14, s14, $0xb8;
	[tilespmem:$0x1FF00] =	vst v63  }
0x290: {  	s28 =	sadd.s32 s26, s30  }
0x291: {  	[tilespmem:s18], [sflag:$0x4] =	stream.linear.gather [hbm4b:s28+s3], $0x80, $0x38;
	[tilespmem:$0x1FF00] =	vst v63  }
0x292: {  	_ =	swait.ge [sflag:s12], $0x80  }
0x293: {  	[sflag:s12] =	ssyncset.done $0x0  }
0x294: {  	[sflag:s12] =	ssyncadd.s32 $0xFFFFFF80  }
0x295: {  	_ =	swait.ge [sflag:s19], $0x4000  }
0x296: {  	[sflag:s19] =	ssyncset.done $0x0  }
0x297: {  	[sflag:s19] =	ssyncadd.s32 $0xFFFFC000  }
0x298: {  	[spmem:s2] =	stream.indirect.scatter.add.f32 [tilespmem:s15], [sflag:$0x3], $0x80, s13, s14, $0xb8;
	[tilespmem:$0x1FF00] =	vst v63  }
0x299: {  	s31 =	rddreg [dreg:$0x1f]  }
0x29a: {  	[tilespmem:s20], [sflag:$0x1] =	stream.indirect.gather [hbm4b:s1+s14], $0x80, s18, s14, $0xb8;
	[tilespmem:$0x1FF00] =	vst v63  }
0x29b: {  	s28 =	sadd.s32 s26, s31  }
0x29c: {  	[tilespmem:s3], [sflag:$0x4] =	stream.linear.gather [hbm4b:s28+s3], $0x80, $0x38;
	[tilespmem:$0x1FF00] =	vst v63  }
0x29d: {  	_ =	swait.ge [sflag:s12], $0x80  }
0x29e: {  	s29 =	sld [smem:$0x7FA];
	_ =	sdelay $0x1  }
0x29f: {  	[sflag:s12] =	ssyncset.done $0x0  }
0x2a0: {  	[sflag:s12] =	ssyncadd.s32 $0xFFFFFF80;
	s28 =	sadd.s32 s26, s29  }
0x2a1: {  	[tilespmem:s21], [sflag:$0x4] =	stream.linear.gather [hbm4b:s28+s3], $0x80, $0x38;
	[tilespmem:$0x1FF00] =	vst v63  }
0x2a2: {  	_ =	swait.ge [sflag:s12], $0x80  }
0x2a3: {  	[sflag:s12] =	ssyncset.done $0x0  }
0x2a4: {  	[sflag:s12] =	ssyncadd.s32 $0xFFFFFF80  }
0x2a5: {  	_ =	swait.ge [sflag:s22], $0x4000  }
0x2a6: {  	[sflag:s22] =	ssyncset.done $0x0  }
0x2a7: {  	[sflag:s22] =	ssyncadd.s32 $0xFFFFC000  }
0x2a8: {  	_ =	swait.ge [sflag:s23], $0x4000  }
0x2a9: {  	[sflag:s23] =	ssyncset.done $0x0  }
0x2aa: {  	[sflag:s23] =	ssyncadd.s32 $0xFFFFC000  }
0x2ab: {  	[spmem:s2] =	stream.indirect.scatter.add.f32 [tilespmem:s17], [sflag:$0x3], $0x80, s16, s14, $0xb8;
	[tilespmem:$0x1FF00] =	vst v63  }
0x2ac: {  	s30 =	rddreg [dreg:$0x1d]  }
0x2ad: {  	[tilespmem:s15], [sflag:$0x2] =	stream.indirect.gather [hbm4b:s1+s14], $0x80, s3, s14, $0xb8;
	[tilespmem:$0x1FF00] =	vst v63  }
0x2ae: {  	s28 =	sadd.s32 s26, s30  }
0x2af: {  	[tilespmem:s14], [sflag:$0x4] =	stream.linear.gather [hbm4b:s28+s3], $0x80, $0x38;
	[tilespmem:$0x1FF00] =	vst v63  }
0x2b0: {  	_ =	swait.ge [sflag:s12], $0x80  }
0x2b1: {  	s31 =	rddreg [dreg:$0x1e];
	[sflag:s12] =	ssyncset.done $0x0  }
0x2b2: {  	[sflag:s12] =	ssyncadd.s32 $0xFFFFFF80;
	s28 =	sadd.s32 s26, s31  }
0x2b3: {  	[tilespmem:s13], [sflag:$0x4] =	stream.linear.gather [hbm4b:s28+s3], $0x80, $0x38;
	[tilespmem:$0x1FF00] =	vst v63  }
0x2b4: {  	_ =	swait.ge [sflag:s12], $0x80  }
0x2b5: {  	[sflag:s12] =	ssyncset.done $0x0  }
0x2b6: {  	[sflag:s12] =	ssyncadd.s32 $0xFFFFFF80  }
0x2b7: {  	_ =	swait.ge [sflag:s22], $0x4000  }
0x2b8: {  	[sflag:s22] =	ssyncset.done $0x0  }
0x2b9: {  	[sflag:s22] =	ssyncadd.s32 $0xFFFFC000  }
0x2ba: {  	_ =	swait.ge [sflag:s19], $0x4000  }
0x2bb: {  	[sflag:s19] =	ssyncset.done $0x0  }
0x2bc: {  	[sflag:s19] =	ssyncadd.s32 $0xFFFFC000  }
0x2bd: {  	[spmem:s2] =	stream.indirect.scatter.add.f32 [tilespmem:s20], [sflag:$0x3], $0x80, s21, s14, $0xb8;
	[tilespmem:$0x1FF00] =	vst v63  }
0x2be: {  	s29 =	rddreg [dreg:$0x1b]  }
0x2bf: {  	[tilespmem:s17], [sflag:$0x1] =	stream.indirect.gather [hbm4b:s1+s14], $0x80, s14, s14, $0xb8;
	[tilespmem:$0x1FF00] =	vst v63  }
0x2c0: {  	s28 =	sadd.s32 s26, s29  }
0x2c1: {  	[tilespmem:s18], [sflag:$0x4] =	stream.linear.gather [hbm4b:s28+s3], $0x80, $0x38;
	[tilespmem:$0x1FF00] =	vst v63  }
0x2c2: {  	_ =	swait.ge [sflag:s12], $0x80  }
0x2c3: {  	s30 =	rddreg [dreg:$0x1c];
	[sflag:s12] =	ssyncset.done $0x0  }
0x2c4: {  	[sflag:s12] =	ssyncadd.s32 $0xFFFFFF80;
	s28 =	sadd.s32 s26, s30  }
0x2c5: {  	[tilespmem:s16], [sflag:$0x4] =	stream.linear.gather [hbm4b:s28+s3], $0x80, $0x38;
	[tilespmem:$0x1FF00] =	vst v63  }
0x2c6: {  	_ =	swait.ge [sflag:s12], $0x80  }
0x2c7: {  	[sflag:s12] =	ssyncset.done $0x0  }
0x2c8: {  	[sflag:s12] =	ssyncadd.s32 $0xFFFFFF80  }
0x2c9: {  	_ =	swait.ge [sflag:s22], $0x4000  }
0x2ca: {  	[sflag:s22] =	ssyncset.done $0x0  }
0x2cb: {  	[sflag:s22] =	ssyncadd.s32 $0xFFFFC000  }
0x2cc: {  	_ =	swait.ge [sflag:s23], $0x4000  }
0x2cd: {  	[sflag:s23] =	ssyncset.done $0x0  }
0x2ce: {  	[sflag:s23] =	ssyncadd.s32 $0xFFFFC000  }
0x2cf: {  	[spmem:s2] =	stream.indirect.scatter.add.f32 [tilespmem:s15], [sflag:$0x3], $0x80, s13, s14, $0xb8;
	[tilespmem:$0x1FF00] =	vst v63  }
0x2d0: {  	s31 =	rddreg [dreg:$0x19]  }
0x2d1: {  	[tilespmem:s20], [sflag:$0x2] =	stream.indirect.gather [hbm4b:s1+s14], $0x80, s18, s14, $0xb8;
	[tilespmem:$0x1FF00] =	vst v63  }
0x2d2: {  	s28 =	sadd.s32 s26, s31  }
0x2d3: {  	[tilespmem:s3], [sflag:$0x4] =	stream.linear.gather [hbm4b:s28+s3], $0x80, $0x38;
	[tilespmem:$0x1FF00] =	vst v63  }
0x2d4: {  	_ =	swait.ge [sflag:s12], $0x80  }
0x2d5: {  	s29 =	rddreg [dreg:$0x1a];
	[sflag:s12] =	ssyncset.done $0x0  }
0x2d6: {  	[sflag:s12] =	ssyncadd.s32 $0xFFFFFF80;
	s28 =	sadd.s32 s26, s29  }
0x2d7: {  	[tilespmem:s21], [sflag:$0x4] =	stream.linear.gather [hbm4b:s28+s3], $0x80, $0x38;
	[tilespmem:$0x1FF00] =	vst v63  }
0x2d8: {  	_ =	swait.ge [sflag:s12], $0x80  }
0x2d9: {  	[sflag:s12] =	ssyncset.done $0x0  }
0x2da: {  	[sflag:s12] =	ssyncadd.s32 $0xFFFFFF80  }
0x2db: {  	_ =	swait.ge [sflag:s22], $0x4000  }
0x2dc: {  	[sflag:s22] =	ssyncset.done $0x0  }
0x2dd: {  	[sflag:s22] =	ssyncadd.s32 $0xFFFFC000  }
0x2de: {  	_ =	swait.ge [sflag:s19], $0x4000  }
0x2df: {  	[sflag:s19] =	ssyncset.done $0x0  }
0x2e0: {  	[sflag:s19] =	ssyncadd.s32 $0xFFFFC000  }
0x2e1: {  	[spmem:s2] =	stream.indirect.scatter.add.f32 [tilespmem:s17], [sflag:$0x3], $0x80, s16, s14, $0xb8;
	[tilespmem:$0x1FF00] =	vst v63  }
0x2e2: {  	s30 =	rddreg [dreg:$0x17]  }
0x2e3: {  	[tilespmem:s15], [sflag:$0x1] =	stream.indirect.gather [hbm4b:s1+s14], $0x80, s3, s14, $0xb8;
	[tilespmem:$0x1FF00] =	vst v63  }
0x2e4: {  	s28 =	sadd.s32 s26, s30  }
0x2e5: {  	[tilespmem:s14], [sflag:$0x4] =	stream.linear.gather [hbm4b:s28+s3], $0x80, $0x38;
	[tilespmem:$0x1FF00] =	vst v63  }
0x2e6: {  	_ =	swait.ge [sflag:s12], $0x80  }
0x2e7: {  	s31 =	rddreg [dreg:$0x18];
	[sflag:s12] =	ssyncset.done $0x0  }
0x2e8: {  	[sflag:s12] =	ssyncadd.s32 $0xFFFFFF80;
	s28 =	sadd.s32 s26, s31  }
0x2e9: {  	[tilespmem:s13], [sflag:$0x4] =	stream.linear.gather [hbm4b:s28+s3], $0x80, $0x38;
	[tilespmem:$0x1FF00] =	vst v63  }
0x2ea: {  	_ =	swait.ge [sflag:s12], $0x80  }
0x2eb: {  	[sflag:s12] =	ssyncset.done $0x0  }
0x2ec: {  	[sflag:s12] =	ssyncadd.s32 $0xFFFFFF80  }
0x2ed: {  	_ =	swait.ge [sflag:s22], $0x4000  }
0x2ee: {  	[sflag:s22] =	ssyncset.done $0x0  }
0x2ef: {  	[sflag:s22] =	ssyncadd.s32 $0xFFFFC000  }
0x2f0: {  	_ =	swait.ge [sflag:s23], $0x4000  }
0x2f1: {  	[sflag:s23] =	ssyncset.done $0x0  }
0x2f2: {  	[sflag:s23] =	ssyncadd.s32 $0xFFFFC000  }
0x2f3: {  	[spmem:s2] =	stream.indirect.scatter.add.f32 [tilespmem:s20], [sflag:$0x3], $0x80, s21, s14, $0xb8;
	[tilespmem:$0x1FF00] =	vst v63  }
0x2f4: {  	s29 =	rddreg [dreg:$0x15]  }
0x2f5: {  	[tilespmem:s17], [sflag:$0x2] =	stream.indirect.gather [hbm4b:s1+s14], $0x80, s14, s14, $0xb8;
	[tilespmem:$0x1FF00] =	vst v63  }
0x2f6: {  	s28 =	sadd.s32 s26, s29  }
0x2f7: {  	[tilespmem:s18], [sflag:$0x4] =	stream.linear.gather [hbm4b:s28+s3], $0x80, $0x38;
	[tilespmem:$0x1FF00] =	vst v63  }
0x2f8: {  	_ =	swait.ge [sflag:s12], $0x80  }
0x2f9: {  	s30 =	rddreg [dreg:$0x16];
	[sflag:s12] =	ssyncset.done $0x0  }
0x2fa: {  	[sflag:s12] =	ssyncadd.s32 $0xFFFFFF80;
	s28 =	sadd.s32 s26, s30  }
0x2fb: {  	[tilespmem:s16], [sflag:$0x4] =	stream.linear.gather [hbm4b:s28+s3], $0x80, $0x38;
	[tilespmem:$0x1FF00] =	vst v63  }
0x2fc: {  	_ =	swait.ge [sflag:s12], $0x80  }
0x2fd: {  	[sflag:s12] =	ssyncset.done $0x0  }
0x2fe: {  	[sflag:s12] =	ssyncadd.s32 $0xFFFFFF80  }
0x2ff: {  	_ =	swait.ge [sflag:s22], $0x4000  }
0x300: {  	[sflag:s22] =	ssyncset.done $0x0  }
0x301: {  	[sflag:s22] =	ssyncadd.s32 $0xFFFFC000  }
0x302: {  	_ =	swait.ge [sflag:s19], $0x4000  }
0x303: {  	[sflag:s19] =	ssyncset.done $0x0  }
0x304: {  	[sflag:s19] =	ssyncadd.s32 $0xFFFFC000  }
0x305: {  	[spmem:s2] =	stream.indirect.scatter.add.f32 [tilespmem:s15], [sflag:$0x3], $0x80, s13, s14, $0xb8;
	[tilespmem:$0x1FF00] =	vst v63  }
0x306: {  	s31 =	rddreg [dreg:$0x13]  }
0x307: {  	[tilespmem:s20], [sflag:$0x1] =	stream.indirect.gather [hbm4b:s1+s14], $0x80, s18, s14, $0xb8;
	[tilespmem:$0x1FF00] =	vst v63  }
0x308: {  	s28 =	sadd.s32 s26, s31  }
0x309: {  	[tilespmem:s3], [sflag:$0x4] =	stream.linear.gather [hbm4b:s28+s3], $0x80, $0x38;
	[tilespmem:$0x1FF00] =	vst v63  }
0x30a: {  	_ =	swait.ge [sflag:s12], $0x80  }
0x30b: {  	s29 =	rddreg [dreg:$0x14];
	[sflag:s12] =	ssyncset.done $0x0  }
0x30c: {  	[sflag:s12] =	ssyncadd.s32 $0xFFFFFF80;
	s28 =	sadd.s32 s26, s29  }
0x30d: {  	[tilespmem:s21], [sflag:$0x4] =	stream.linear.gather [hbm4b:s28+s3], $0x80, $0x38;
	[tilespmem:$0x1FF00] =	vst v63  }
0x30e: {  	_ =	swait.ge [sflag:s12], $0x80  }
0x30f: {  	[sflag:s12] =	ssyncset.done $0x0  }
0x310: {  	[sflag:s12] =	ssyncadd.s32 $0xFFFFFF80  }
0x311: {  	_ =	swait.ge [sflag:s22], $0x4000  }
0x312: {  	[sflag:s22] =	ssyncset.done $0x0  }
0x313: {  	[sflag:s22] =	ssyncadd.s32 $0xFFFFC000  }
0x314: {  	_ =	swait.ge [sflag:s23], $0x4000  }
0x315: {  	[sflag:s23] =	ssyncset.done $0x0  }
0x316: {  	[sflag:s23] =	ssyncadd.s32 $0xFFFFC000  }
0x317: {  	[spmem:s2] =	stream.indirect.scatter.add.f32 [tilespmem:s17], [sflag:$0x3], $0x80, s16, s14, $0xb8;
	[tilespmem:$0x1FF00] =	vst v63  }
0x318: {  	s30 =	rddreg [dreg:$0x11]  }
0x319: {  	[tilespmem:s15], [sflag:$0x2] =	stream.indirect.gather [hbm4b:s1+s14], $0x80, s3, s14, $0xb8;
	[tilespmem:$0x1FF00] =	vst v63  }
0x31a: {  	s28 =	sadd.s32 s26, s30  }
0x31b: {  	[tilespmem:s14], [sflag:$0x4] =	stream.linear.gather [hbm4b:s28+s3], $0x80, $0x38;
	[tilespmem:$0x1FF00] =	vst v63  }
0x31c: {  	_ =	swait.ge [sflag:s12], $0x80  }
0x31d: {  	s31 =	rddreg [dreg:$0x12];
	[sflag:s12] =	ssyncset.done $0x0  }
0x31e: {  	[sflag:s12] =	ssyncadd.s32 $0xFFFFFF80;
	s28 =	sadd.s32 s26, s31  }
0x31f: {  	[tilespmem:s13], [sflag:$0x4] =	stream.linear.gather [hbm4b:s28+s3], $0x80, $0x38;
	[tilespmem:$0x1FF00] =	vst v63  }
0x320: {  	_ =	swait.ge [sflag:s12], $0x80  }
0x321: {  	[sflag:s12] =	ssyncset.done $0x0  }
0x322: {  	[sflag:s12] =	ssyncadd.s32 $0xFFFFFF80  }
0x323: {  	_ =	swait.ge [sflag:s22], $0x4000  }
0x324: {  	[sflag:s22] =	ssyncset.done $0x0  }
0x325: {  	[sflag:s22] =	ssyncadd.s32 $0xFFFFC000  }
0x326: {  	_ =	swait.ge [sflag:s19], $0x4000  }
0x327: {  	[sflag:s19] =	ssyncset.done $0x0  }
0x328: {  	[sflag:s19] =	ssyncadd.s32 $0xFFFFC000  }
0x329: {  	[spmem:s2] =	stream.indirect.scatter.add.f32 [tilespmem:s20], [sflag:$0x3], $0x80, s21, s14, $0xb8;
	[tilespmem:$0x1FF00] =	vst v63  }
0x32a: {  	s29 =	rddreg [dreg:$0xf]  }
0x32b: {  	[tilespmem:s17], [sflag:$0x1] =	stream.indirect.gather [hbm4b:s1+s14], $0x80, s14, s14, $0xb8;
	[tilespmem:$0x1FF00] =	vst v63  }
0x32c: {  	s28 =	sadd.s32 s26, s29  }
0x32d: {  	[tilespmem:s18], [sflag:$0x4] =	stream.linear.gather [hbm4b:s28+s3], $0x80, $0x38;
	[tilespmem:$0x1FF00] =	vst v63  }
0x32e: {  	_ =	swait.ge [sflag:s12], $0x80  }
0x32f: {  	s30 =	rddreg [dreg:$0x10];
	[sflag:s12] =	ssyncset.done $0x0  }
0x330: {  	[sflag:s12] =	ssyncadd.s32 $0xFFFFFF80;
	s28 =	sadd.s32 s26, s30  }
0x331: {  	[tilespmem:s16], [sflag:$0x4] =	stream.linear.gather [hbm4b:s28+s3], $0x80, $0x38;
	[tilespmem:$0x1FF00] =	vst v63  }
0x332: {  	_ =	swait.ge [sflag:s12], $0x80  }
0x333: {  	[sflag:s12] =	ssyncset.done $0x0  }
0x334: {  	[sflag:s12] =	ssyncadd.s32 $0xFFFFFF80  }
0x335: {  	_ =	swait.ge [sflag:s22], $0x4000  }
0x336: {  	[sflag:s22] =	ssyncset.done $0x0  }
0x337: {  	[sflag:s22] =	ssyncadd.s32 $0xFFFFC000  }
0x338: {  	_ =	swait.ge [sflag:s23], $0x4000  }
0x339: {  	[sflag:s23] =	ssyncset.done $0x0  }
0x33a: {  	[sflag:s23] =	ssyncadd.s32 $0xFFFFC000  }
0x33b: {  	[spmem:s2] =	stream.indirect.scatter.add.f32 [tilespmem:s15], [sflag:$0x3], $0x80, s13, s14, $0xb8;
	[tilespmem:$0x1FF00] =	vst v63  }
0x33c: {  	s31 =	rddreg [dreg:$0xd]  }
0x33d: {  	[tilespmem:s20], [sflag:$0x2] =	stream.indirect.gather [hbm4b:s1+s14], $0x80, s18, s14, $0xb8;
	[tilespmem:$0x1FF00] =	vst v63  }
0x33e: {  	s28 =	sadd.s32 s26, s31  }
0x33f: {  	[tilespmem:s3], [sflag:$0x4] =	stream.linear.gather [hbm4b:s28+s3], $0x80, $0x38;
	[tilespmem:$0x1FF00] =	vst v63  }
0x340: {  	_ =	swait.ge [sflag:s12], $0x80  }
0x341: {  	s29 =	rddreg [dreg:$0xe];
	[sflag:s12] =	ssyncset.done $0x0  }
0x342: {  	[sflag:s12] =	ssyncadd.s32 $0xFFFFFF80;
	s28 =	sadd.s32 s26, s29  }
0x343: {  	[tilespmem:s21], [sflag:$0x4] =	stream.linear.gather [hbm4b:s28+s3], $0x80, $0x38;
	[tilespmem:$0x1FF00] =	vst v63  }
0x344: {  	_ =	swait.ge [sflag:s12], $0x80  }
0x345: {  	[sflag:s12] =	ssyncset.done $0x0  }
0x346: {  	[sflag:s12] =	ssyncadd.s32 $0xFFFFFF80  }
0x347: {  	_ =	swait.ge [sflag:s22], $0x4000  }
0x348: {  	[sflag:s22] =	ssyncset.done $0x0  }
0x349: {  	[sflag:s22] =	ssyncadd.s32 $0xFFFFC000  }
0x34a: {  	_ =	swait.ge [sflag:s19], $0x4000  }
0x34b: {  	[sflag:s19] =	ssyncset.done $0x0  }
0x34c: {  	[sflag:s19] =	ssyncadd.s32 $0xFFFFC000  }
0x34d: {  	[spmem:s2] =	stream.indirect.scatter.add.f32 [tilespmem:s17], [sflag:$0x3], $0x80, s16, s14, $0xb8;
	[tilespmem:$0x1FF00] =	vst v63  }
0x34e: {  	s30 =	rddreg [dreg:$0xb]  }
0x34f: {  	[tilespmem:s15], [sflag:$0x1] =	stream.indirect.gather [hbm4b:s1+s14], $0x80, s3, s14, $0xb8;
	[tilespmem:$0x1FF00] =	vst v63  }
0x350: {  	s28 =	sadd.s32 s26, s30  }
0x351: {  	[tilespmem:s14], [sflag:$0x4] =	stream.linear.gather [hbm4b:s28+s3], $0x80, $0x38;
	[tilespmem:$0x1FF00] =	vst v63  }
0x352: {  	_ =	swait.ge [sflag:s12], $0x80  }
0x353: {  	s31 =	rddreg [dreg:$0xc];
	[sflag:s12] =	ssyncset.done $0x0  }
0x354: {  	[sflag:s12] =	ssyncadd.s32 $0xFFFFFF80;
	s28 =	sadd.s32 s26, s31  }
0x355: {  	[tilespmem:s13], [sflag:$0x4] =	stream.linear.gather [hbm4b:s28+s3], $0x80, $0x38;
	[tilespmem:$0x1FF00] =	vst v63  }
0x356: {  	_ =	swait.ge [sflag:s12], $0x80  }
0x357: {  	[sflag:s12] =	ssyncset.done $0x0  }
0x358: {  	[sflag:s12] =	ssyncadd.s32 $0xFFFFFF80  }
0x359: {  	_ =	swait.ge [sflag:s22], $0x4000  }
0x35a: {  	[sflag:s22] =	ssyncset.done $0x0  }
0x35b: {  	[sflag:s22] =	ssyncadd.s32 $0xFFFFC000  }
0x35c: {  	_ =	swait.ge [sflag:s23], $0x4000  }
0x35d: {  	[sflag:s23] =	ssyncset.done $0x0  }
0x35e: {  	[sflag:s23] =	ssyncadd.s32 $0xFFFFC000  }
0x35f: {  	[spmem:s2] =	stream.indirect.scatter.add.f32 [tilespmem:s20], [sflag:$0x3], $0x80, s21, s14, $0xb8;
	[tilespmem:$0x1FF00] =	vst v63  }
0x360: {  	s29 =	rddreg [dreg:$0x9]  }
0x361: {  	[tilespmem:s17], [sflag:$0x2] =	stream.indirect.gather [hbm4b:s1+s14], $0x80, s14, s14, $0xb8;
	[tilespmem:$0x1FF00] =	vst v63  }
0x362: {  	s28 =	sadd.s32 s26, s29  }
0x363: {  	[tilespmem:s18], [sflag:$0x4] =	stream.linear.gather [hbm4b:s28+s3], $0x80, $0x38;
	[tilespmem:$0x1FF00] =	vst v63  }
0x364: {  	_ =	swait.ge [sflag:s12], $0x80  }
0x365: {  	s30 =	rddreg [dreg:$0xa];
	[sflag:s12] =	ssyncset.done $0x0  }
0x366: {  	[sflag:s12] =	ssyncadd.s32 $0xFFFFFF80;
	s28 =	sadd.s32 s26, s30  }
0x367: {  	[tilespmem:s16], [sflag:$0x4] =	stream.linear.gather [hbm4b:s28+s3], $0x80, $0x38;
	[tilespmem:$0x1FF00] =	vst v63  }
0x368: {  	_ =	swait.ge [sflag:s12], $0x80  }
0x369: {  	[sflag:s12] =	ssyncset.done $0x0  }
0x36a: {  	[sflag:s12] =	ssyncadd.s32 $0xFFFFFF80  }
0x36b: {  	_ =	swait.ge [sflag:s22], $0x4000  }
0x36c: {  	[sflag:s22] =	ssyncset.done $0x0  }
0x36d: {  	[sflag:s22] =	ssyncadd.s32 $0xFFFFC000  }
0x36e: {  	_ =	swait.ge [sflag:s19], $0x4000  }
0x36f: {  	[sflag:s19] =	ssyncset.done $0x0  }
0x370: {  	[sflag:s19] =	ssyncadd.s32 $0xFFFFC000  }
0x371: {  	[spmem:s2] =	stream.indirect.scatter.add.f32 [tilespmem:s15], [sflag:$0x3], $0x80, s13, s14, $0xb8;
	[tilespmem:$0x1FF00] =	vst v63  }
0x372: {  	s31 =	rddreg [dreg:$0x7]  }
0x373: {  	[tilespmem:s20], [sflag:$0x1] =	stream.indirect.gather [hbm4b:s1+s14], $0x80, s18, s14, $0xb8;
	[tilespmem:$0x1FF00] =	vst v63  }
0x374: {  	s28 =	sadd.s32 s26, s31  }
0x375: {  	[tilespmem:s3], [sflag:$0x4] =	stream.linear.gather [hbm4b:s28+s3], $0x80, $0x38;
	[tilespmem:$0x1FF00] =	vst v63  }
0x376: {  	_ =	swait.ge [sflag:s12], $0x80  }
0x377: {  	s29 =	rddreg [dreg:$0x8];
	[sflag:s12] =	ssyncset.done $0x0  }
0x378: {  	[sflag:s12] =	ssyncadd.s32 $0xFFFFFF80;
	s28 =	sadd.s32 s26, s29  }
0x379: {  	[tilespmem:s21], [sflag:$0x4] =	stream.linear.gather [hbm4b:s28+s3], $0x80, $0x38;
	[tilespmem:$0x1FF00] =	vst v63  }
0x37a: {  	_ =	swait.ge [sflag:s12], $0x80  }
0x37b: {  	[sflag:s12] =	ssyncset.done $0x0  }
0x37c: {  	[sflag:s12] =	ssyncadd.s32 $0xFFFFFF80  }
0x37d: {  	_ =	swait.ge [sflag:s22], $0x4000  }
0x37e: {  	[sflag:s22] =	ssyncset.done $0x0  }
0x37f: {  	[sflag:s22] =	ssyncadd.s32 $0xFFFFC000  }
0x380: {  	_ =	swait.ge [sflag:s23], $0x4000  }
0x381: {  	[sflag:s23] =	ssyncset.done $0x0  }
0x382: {  	[sflag:s23] =	ssyncadd.s32 $0xFFFFC000  }
0x383: {  	[spmem:s2] =	stream.indirect.scatter.add.f32 [tilespmem:s17], [sflag:$0x3], $0x80, s16, s14, $0xb8;
	[tilespmem:$0x1FF00] =	vst v63  }
0x384: {  	s30 =	rddreg [dreg:$0x6]  }
0x385: {  	[tilespmem:s15], [sflag:$0x2] =	stream.indirect.gather [hbm4b:s1+s14], $0x80, s3, s14, $0xb8;
	[tilespmem:$0x1FF00] =	vst v63  }
0x386: {  	s31 =	sadd.s32 s26, s30  }
0x387: {  	[tilespmem:s13], [sflag:$0x4] =	stream.linear.gather [hbm4b:s31+s3], $0x80, $0x38;
	[tilespmem:$0x1FF00] =	vst v63  }
0x388: {  	_ =	swait.ge [sflag:s12], $0x80  }
0x389: {  	[sflag:s12] =	ssyncset.done $0x0  }
0x38a: {  	[sflag:s12] =	ssyncadd.s32 $0xFFFFFF80  }
0x38b: {  	_ =	swait.ge [sflag:s22], $0x4000  }
0x38c: {  	[sflag:s22] =	ssyncset.done $0x0  }
0x38d: {  	[sflag:s22] =	ssyncadd.s32 $0xFFFFC000  }
0x38e: {  	_ =	swait.ge [sflag:s19], $0x4000  }
0x38f: {  	[sflag:s19] =	ssyncset.done $0x0  }
0x390: {  	[sflag:s19] =	ssyncadd.s32 $0xFFFFC000  }
0x391: {  	[spmem:s2] =	stream.indirect.scatter.add.f32 [tilespmem:s20], [sflag:$0x3], $0x80, s21, s14, $0xb8;
	[tilespmem:$0x1FF00] =	vst v63  }
0x392: {  	_ =	swait.ge [sflag:s22], $0x4000  }
0x393: {  	[sflag:s22] =	ssyncset.done $0x0  }
0x394: {  	[sflag:s22] =	ssyncadd.s32 $0xFFFFC000  }
0x395: {  	_ =	swait.ge [sflag:s23], $0x4000  }
0x396: {  	[sflag:s23] =	ssyncset.done $0x0  }
0x397: {  	[sflag:s23] =	ssyncadd.s32 $0xFFFFC000  }
0x398: {  	[spmem:s2] =	stream.indirect.scatter.add.f32 [tilespmem:s15], [sflag:$0x4], $0x80, s13, s14, $0xb8;
	[tilespmem:$0x1FF00] =	vst v63  }
0x399: {  	_ =	swait.ge [sflag:s12], $0x4000  }
0x39a: {  	[sflag:s12] =	ssyncset.done $0x0  }
0x39b: {  	[sflag:s12] =	ssyncadd.s32 $0xFFFFC000  }
0x39c: {  	[tilespmem:s3], [sflag:$0x4] =	stream.linear.gather [hbm4b:s8+s3], $0x80, $0x38;
	[tilespmem:$0x1FF00] =	vst v63  }
0x39d: {  	_ =	swait.ge [sflag:s12], $0x80  }
0x39e: {  	[sflag:s12] =	ssyncset.done $0x0  }
0x39f: {  	[sflag:s12] =	ssyncadd.s32 $0xFFFFFF80  }
0x3a0: {  	[tilespmem:s15], [sflag:$0x1] =	stream.indirect.gather [hbm4b:s1+s14], $0x80, s3, s14, $0xb8;
	[tilespmem:$0x1FF00] =	vst v63  }
0x3a1: {  	_ = 	snop  }
0x3a2: {  	[tilespmem:s13], [sflag:$0x4] =	stream.linear.gather [hbm4b:s9+s3], $0x80, $0x38;
	[tilespmem:$0x1FF00] =	vst v63  }
0x3a3: {  	_ =	swait.ge [sflag:s12], $0x80  }
0x3a4: {  	[sflag:s12] =	ssyncset.done $0x0  }
0x3a5: {  	[sflag:s12] =	ssyncadd.s32 $0xFFFFFF80  }
0x3a6: {  	_ =	swait.ge [sflag:s19], $0x4000  }
0x3a7: {  	[sflag:s19] =	ssyncset.done $0x0  }
0x3a8: {  	[sflag:s19] =	ssyncadd.s32 $0xFFFFC000  }
0x3a9: {  	[spmem:s2] =	stream.indirect.scatter.add.f32 [tilespmem:s15], [sflag:$0x4], $0x80, s13, s14, $0xb8;
	[tilespmem:$0x1FF00] =	vst v63  }
0x3aa: {  	_ =	swait.ge [sflag:s12], $0x4000  }
0x3ab: {  	s24 =	sadd.s32 $0x1, s24;
	[sflag:s12] =	ssyncset.done $0x0  }
0x3ac: {  	p0 =	sne.s32 s24, s11;
	[sflag:s12] =	ssyncadd.s32 $0xFFFFC000  }
.Ltmp1:
0x3ad: {  	[bflag:$0x0] =	sbarrier.arrive $0xFFFF;
	(pc) =	sbr.rel @p0 .LBB2_1-.Ltmp1, $4  }
0x3ae: {  	[hbm:s10], [sflag:s7] =	dma.local [spmem:s25], $0x2780  }
0x3af: {  	_ =	swait.ge [sflag:s12], $0x2780  }
0x3b0: {  	[sflag:s12] =	ssyncset.done $0x0  }
0x3b1: {  	[sflag:s12] =	ssyncadd.s32 $0xFFFFD880  }
0x3b2: {  	_ =	sfence.sel $0x180000  }
0x3b3: {  	[bflag:$0x0] =	sbarrier.arrive $0xFFFF  }
0x3b4: {  	p0 =	sne.s32 s4, $0x0;
	_ =	strace $0x9000004D  }
0x3b5: {  	s0 =	sadd.s32 @!p0 $0x100000, s0;
	[bflag:$0x2] =	sbarrier.arrive $0xFFFF  }
0x3b6: {  	[sflag:s0] =	ssyncadd.tile.s32 @!p0 $0x1;
	_ =	shalt  }
.Lfunc_end2:
_tile_overlayer_lowered:
.L_overlay_start_2:
0x3b7: {  	(tag) =	ssettag $0x2  }
0x3b8: {  	s0 =	rddreg [dreg:$0x0];
	s2 =	stileid.u32  }
0x3b9: {  	s1 =	rddreg [dreg:$0x1];
	p0 =	sne.s32 s2, $0x0  }
0x3ba: {  	s3 =	rddreg [dreg:$0x2];
	[bflag:$0x3] =	sbarrier.arrive $0xFFFF;
	s2 =	simm.s32 @!p0 $0x1C04  }
0x3bb: {  	[timem:s3], [sflag:s2] =	dma.local @!p0 [hbm:s0], s1  }
0x3bc: {  	s0 =	simm.s32 @!p0 $0x4  }
0x3bd: {  	_ =	swait.ge @!p0 [sflag:s0], s1  }
0x3be: {  	s1 =	ssub.s32 @!p0 $0x0, s1;
	[sflag:s0] =	ssyncset.done @!p0 $0x0  }
0x3bf: {  	[sflag:s0] =	ssyncadd.s32 @!p0 s1  }
0x3c0: {  	[bflag:$0x3] =	sbarrier.arrive $0xFFFF  }
0x3c1: {  	_ =	shalt  }

// kernel: kernel.8.cloned.1.call-start
scs
__scs_entry_jumppad:
0x0: {  	(pc) =	sbr.rel $0x88, $3  }
0x1: {  	(tag) =	ssettag $0x0;
	lr =	simm.s32 $0x1  }
0x2: {  	[smem:$0x3F9B] =	sst lr;
	_ =	strace $0xD0000000  }
0x3: {  	_ = 	snop  }
0x4: {  	_ = 	snop  }
0x5: {  	_ = 	snop  }
0x6: {  	_ = 	snop  }
0x7: {  	_ = 	snop  }
__scs_overlays_trampoline_lowered:
0x8: {  	[smem:$0x3FAA] =	sst s0  }
0x9: {  	[smem:$0x3FAB] =	sst s1  }
0xa: {  	[smem:$0x3FAC] =	sst s2  }
0xb: {  	[smem:$0x3FAD] =	sst s3  }
0xc: {  	[smem:$0x3FAE] =	sst s4  }
0xd: {  	[smem:$0x3FAF] =	sst s5  }
0xe: {  	[smem:$0x3FB0] =	sst s6  }
0xf: {  	[smem:$0x3FB1] =	sst s7  }
0x10: {  	[smem:$0x3FB2] =	sst s8  }
0x11: {  	[smem:$0x3FB3] =	sst s9;
	s0 =	simm.s32 @!p0 $0x0  }
0x12: {  	s1 =	sld [smem:$0x3F99];
	s0 =	simm.s32 @p0 $0x1  }
0x13: {  	[smem:$0x3FB4] =	sst s0;
	s0 =	simm.s32 @!p1 $0x0  }
0x14: {  	s2 =	sld [smem:$0x3F98];
	s0 =	simm.s32 @p1 $0x1  }
0x15: {  	[smem:$0x3FB5] =	sst s0;
	s0 =	simm.s32 @!p2 $0x0  }
0x16: {  	s3 =	sld [smem:$0x3FDB];
	s0 =	simm.s32 @p2 $0x1  }
0x17: {  	s4 =	simm.s32 $0x1BF5;
	[smem:$0x3FB7] =	sst s0  }
0x18: {  	s0 =	sld [smem:$0x3F9A];
	_ =	swait.ge [sflag:s4], $0x0  }
0x19: {  	s7 =	sld [smem:$0x3F9B]  }
0x1a: {  	s8 =	sadd.s32 $0xFFFFE003, lr  }
0x1b: {  	s9 =	sadd.s32 $0xFFFFFEF7, lr;
	s5 =	simm.s32 $0xFFFFFFFF;
	p2 =	slt.u32 s8, $0xFFFFF086  }
0x1c: {  	p1 =	slt.u32 s9, $0xF7A;
	s5 =	simm.s32 @!p2 $0x0  }
0x1d: {  	s5 =	simm.s32 @p1 $0x1;
	p0 =	seq.s32 s7, s2  }
0x1e: {  	s7 =	smul.u32 @!p0 $0xF7A, s2;
	p2 =	seq.s32 @!p0 s5, $0x0  }
0x1f: {  	s9 =	smul.u32 $0xF7A, s1;
	s8 =	simm.s32 @!p0 $0x1BF5;
	p2 =	por !p2, p0  }
0x20: {  	[sflag:s8] =	ssyncset.s32 @!p0 $0xFFFFF086;
	s6 =	sadd.s32 @!p0 s3, s7;
	s7 =	simm.s32 @!p0 $0x108  }
0x21: {  	s3 =	sadd.s32 s3, s9;
	s6 =	sadd.s32 @!p0 $0x88, s6;
	s7 =	simm.s32 @p2 $0x1082  }
0x22: {  	[simem:s7], [sflag:s8] =	dma.local @!p0 [hbm:s6], $0xF7A  }
0x23: {  	s9 =	sor.u32 $0xD0000000, s2;
	s6 =	simm.s32 $0x108;
	_ =	swait.ge @!p0 [sflag:s8], $0x0  }
0x24: {  	s3 =	sadd.s32 $0x88, s3;
	s6 =	simm.s32 @!p1 $0x1082;
	[sflag:s4] =	ssyncset.s32 $0xFFFFF086  }
0x25: {  	[simem:s6], [sflag:s4] =	dma.local [hbm:s3], $0xF7A  }
0x26: {  	[smem:$0x3F9B] =	sst s1;
	(tag) =	ssettag s2;
	_ =	strace s9  }
0x27: {  	s1 =	sld [smem:$0x3FAB]  }
0x28: {  	s2 =	sld [smem:$0x3FAC]  }
0x29: {  	s4 =	sld [smem:$0x3FAE]  }
0x2a: {  	p0 =	seq.s32 s5, $0x0;
	s5 =	sld [smem:$0x3FAF]  }
0x2b: {  	s6 =	sld [smem:$0x3FB0]  }
0x2c: {  	s7 =	sld [smem:$0x3FB1]  }
0x2d: {  	s3 =	simm.s32 $0x108;
	s8 =	sld [smem:$0x3FB2]  }
0x2e: {  	s3 =	simm.s32 @!p0 $0x1082;
	s9 =	sld [smem:$0x3FB3]  }
0x2f: {  	lr =	sadd.s32 s0, s3;
	s0 =	sld [smem:$0x3FAA]  }
0x30: {  	s3 =	sld [smem:$0x3FAD]  }
0x31: {  	[smem:$0x3FB6] =	sst s10  }
0x32: {  	s10 =	sld [smem:$0x3FB4];
	_ =	sdelay $0x3  }
0x33: {  	p0 =	seq.s32 s10, $0x1;
	s10 =	sld [smem:$0x3FB6];
	_ =	sdelay $0x3  }
0x34: {  	[smem:$0x3FB6] =	sst s10  }
0x35: {  	s10 =	sld [smem:$0x3FB5];
	_ =	sdelay $0x3  }
0x36: {  	p1 =	seq.s32 s10, $0x1;
	s10 =	sld [smem:$0x3FB6];
	_ =	sdelay $0x3  }
0x37: {  	[smem:$0x3FB6] =	sst s10  }
0x38: {  	s10 =	sld [smem:$0x3FB7]  }
0x39: {  	_ = 	snop;
	(pc) =	sbr.ind lr, $3  }
0x3a: {  	_ = 	snop  }
0x3b: {  	_ = 	snop  }
0x3c: {  	p2 =	seq.s32 s10, $0x1;
	s10 =	sld [smem:$0x3FB6]  }
0x3d: {  	_ =	shalt  }
0x3e: {  	_ =	shalt  }
0x3f: {  	_ =	shalt  }
0x40: {  	_ =	shalt  }
0x41: {  	_ =	shalt  }
0x42: {  	_ =	shalt  }
0x43: {  	_ =	shalt  }
0x44: {  	_ =	shalt  }
0x45: {  	_ =	shalt  }
0x46: {  	_ =	shalt  }
0x47: {  	_ =	shalt  }
0x48: {  	_ =	shalt  }
0x49: {  	_ =	shalt  }
0x4a: {  	_ =	shalt  }
0x4b: {  	_ =	shalt  }
0x4c: {  	_ =	shalt  }
0x4d: {  	_ =	shalt  }
0x4e: {  	_ =	shalt  }
0x4f: {  	_ =	shalt  }
0x50: {  	_ =	shalt  }
0x51: {  	_ =	shalt  }
0x52: {  	_ =	shalt  }
0x53: {  	_ =	shalt  }
0x54: {  	_ =	shalt  }
0x55: {  	_ =	shalt  }
0x56: {  	_ =	shalt  }
0x57: {  	_ =	shalt  }
0x58: {  	_ =	shalt  }
0x59: {  	_ =	shalt  }
0x5a: {  	_ =	shalt  }
0x5b: {  	_ =	shalt  }
0x5c: {  	_ =	shalt  }
0x5d: {  	_ =	shalt  }
0x5e: {  	_ =	shalt  }
0x5f: {  	_ =	shalt  }
0x60: {  	_ =	shalt  }
0x61: {  	_ =	shalt  }
0x62: {  	_ =	shalt  }
0x63: {  	_ =	shalt  }
0x64: {  	_ =	shalt  }
0x65: {  	_ =	shalt  }
0x66: {  	_ =	shalt  }
0x67: {  	_ =	shalt  }
0x68: {  	_ =	shalt  }
0x69: {  	_ =	shalt  }
0x6a: {  	_ =	shalt  }
0x6b: {  	_ =	shalt  }
0x6c: {  	_ =	shalt  }
0x6d: {  	_ =	shalt  }
0x6e: {  	_ =	shalt  }
0x6f: {  	_ =	shalt  }
0x70: {  	_ =	shalt  }
0x71: {  	_ =	shalt  }
0x72: {  	_ =	shalt  }
0x73: {  	_ =	shalt  }
0x74: {  	_ =	shalt  }
0x75: {  	_ =	shalt  }
0x76: {  	_ =	shalt  }
0x77: {  	_ =	shalt  }
0x78: {  	_ =	shalt  }
0x79: {  	_ =	shalt  }
0x7a: {  	_ =	shalt  }
0x7b: {  	_ =	shalt  }
0x7c: {  	_ =	shalt  }
0x7d: {  	_ =	shalt  }
0x7e: {  	_ =	shalt  }
0x7f: {  	_ =	shalt  }
0x80: {  	_ =	shalt  }
0x81: {  	_ =	shalt  }
0x82: {  	_ =	shalt  }
0x83: {  	_ =	shalt  }
0x84: {  	_ =	shalt  }
0x85: {  	_ =	shalt  }
0x86: {  	_ =	shalt  }
0x87: {  	_ =	shalt  }
.Lfunc_end0:
.L_simem_size_0:
called_computation_lowered:
.L_overlay_start_0:
0x88: {  	s2 =	sld [smem:$0x3FD9]  }
0x89: {  	s3 =	sld [smem:$0x3FFE];
	_ =	sdelay $0x1  }
0x8a: {  	s1 =	srdreg.scid  }
0x8b: {  	s0 =	sand.u32 $0x1, s1  }
0x8c: {  	s17 =	sshll.u32 s0, $0xA;
	s2 =	sadd.s32 s3, s2  }
0x8d: {  	s2 =	sadd.s32 s2, s17  }
0x8e: {  	[smem:$0x3FC2] =	sst s2  }
0x8f: {  	_ = 	snop  }
0x90: {  	s2 =	sld [smem:$0x3FD0];
	(tm) =	ssettm $0x1  }
0x91: {  	s18 =	sld [smem:$0x3FFB];
	_ =	sdelay $0x3  }
0x92: {  	_ =	strace s18  }
0x93: {  	s3 =	sld [smem:$0x3FFC];
	_ =	sdelay $0x3  }
0x94: {  	_ =	strace s3  }
0x95: {  	s3 =	sld [smem:$0x3FFD];
	_ =	sdelay $0x3  }
0x96: {  	_ =	strace s3  }
0x97: {  	_ =	strace $0x8FFFFFFF  }
0x98: {  	s19 =	sld [smem:$0x3FDB];
	_ =	sdelay $0x1  }
0x99: {  	s4 =	simm.s32 $_scs_section_size  }
0x9a: {  	s5 =	simm.s32 $_size__tile_overlayer_lowered;
	s6 =	simm.s32 $_tile_overlayer_lowered  }
0x9b: {  	s22 =	simm.s32 $0x1BFF;
	s21 =	sshll.u32 s6, $0x1;
	s3 =	sadd.s32 s4, s19  }
0x9c: {  	s7 =	simm.s32 $0x0;
	s20 =	sshll.u32 s5, $0x1;
	s5 =	sadd.s32 s21, s3  }
0x9d: {  	[timem:s7], [sflag:s22] =	dma.local [hbm:s5], s20  }
0x9e: {  	_ =	swait.ge [sflag:s22], s20  }
0x9f: {  	s4 =	ssub.s32 $0x0, s20;
	[sflag:s22] =	ssyncset.done $0x0  }
0xa0: {  	[sflag:s22] =	ssyncadd.s32 s4;
	_ =	sdelay $0x1  }
0xa1: {  	s23 =	simm.s32 $0x1B8B  }
0xa2: {  	_ =	swait.ge [sflag:s23], $0x1  }
0xa3: {  	[sflag:s23] =	ssyncset.done $0x0  }
0xa4: {  	s25 =	simm.s32 $0x1B8E;
	s24 =	sld [smem:$0x3FFE];
	[sflag:s23] =	ssyncadd.s32 $0xFFFFFFFF  }
0xa5: {  	s26 =	simm.s32 $execute0_lowered;
	[smem:$0x3FD2] =	sst s25  }
0xa6: {  	s5 =	sshll.u32 s26, $0x1;
	_ =	strace $0x80000046;
	[dreg:$0x1] =	wrdreg $0xFFFFFFFF  }
0xa7: {  	s28 =	simm.s32 $_size_execute0_lowered;
	s3 =	sadd.s32 s3, s5;
	[dreg:$0x0] =	wrdreg $0x0  }
0xa8: {  	s5 =	sshll.u32 s28, $0x1;
	[dreg:$0x2] =	wrdreg s3  }
0xa9: {  	[dreg:$0x3] =	wrdreg s5  }
0xaa: {  	[dreg:$0x4] =	wrdreg $0xC0  }
0xab: {  	_ =	task [dreg:s7], $0x5FFFF  }
0xac: {  	[dreg:$0x1] =	wrdreg $0xFFFFFFFF  }
0xad: {  	[dreg:$0x0] =	wrdreg $0x60  }
0xae: {  	[dreg:$0x2] =	wrdreg s24  }
0xaf: {  	[dreg:$0x3] =	wrdreg s2  }
0xb0: {  	[dreg:$0x4] =	wrdreg $0x41000  }
0xb1: {  	[dreg:$0x5] =	wrdreg $0x9  }
0xb2: {  	_ =	task.clear_ibuf [dreg:s7], $0x6FFFF;
	_ =	strace $0x90000046  }
0xb3: {  	s29 =	simm.s32 $0x9;
	_ =	strace $0x80000048  }
0xb4: {  	_ =	swait.ge [sflag:s29], $0x1  }
0xb5: {  	[sflag:s29] =	ssyncadd.s32 $0xFFFFFFFF  }
0xb6: {  	_ =	strace $0x90000048  }
0xb7: {  	_ =	sfence  }
0xb8: {  	s30 =	sld [smem:$0x0];
	_ =	sdelay $0x2  }
0xb9: {  	s31 =	sshll.u32 s1, $0xD;
	s1 =	sshrl.u32 s1, $0x2  }
0xba: {  	s3 =	sand.u32 $0x4000, s31;
	s1 =	sadd.s32 s1, s30  }
0xbb: {  	s0 =	sor.u32 s3, s0;
	s1 =	sshll.u32 s1, $0x11  }
0xbc: {  	s0 =	sor.u32 s1, s0  }
0xbd: {  	s0 =	sadd.s32 $0x8F2B, s0  }
0xbe: {  	[sflag:s0] =	ssyncadd.remote.s32 $0x1  }
0xbf: {  	_ =	sfence.sel $0xFFFF  }
0xc0: {  	[dreg:$0x0] =	wrdreg $0xFFFFFFFF;
	(pc) =	sbr.abs _section_cstart, $3  }
0xc1: {  	[dreg:$0x1] =	wrdreg $0xFFFFFFFF  }
0xc2: {  	_ =	task.clear_ibuf [dreg:s7], $0x2FFFF;
	_ =	strace $0x9FFFFFFF  }
0xc3: {  	(tm) =	ssettm $0x7FFFFFFF  }
tec
execute0_lowered:
.L_overlay_start_1:
0x0: {  	(tag) =	ssettag $0x1  }
0x1: {  	s6 =	rddreg [dreg:$0x0]  }
0x2: {  	s1 =	rddreg [dreg:$0x1]  }
0x3: {  	s2 =	rddreg [dreg:$0x2];
	s3 =	srdreg.scid  }
0x4: {  	s0 =	rddreg [dreg:$0x3];
	s7 =	sand.u32 $0x1, s3  }
0x5: {  	s4 =	simm.s32 $0x0;
	s3 =	stileid.u32;
	s5 =	smul.u32 $0x13C000, s7  }
0x6: {  	[smem:$0x7FF] =	sst s4;
	s8 =	smul.u32 $0x13C00, s3  }
0x7: {  	s19 =	sadd.s32 $0x2A00, s6;
	_ =	strace $0x80000047;
	s10 =	smul.u32 $0x4F000, s3  }
0x8: {  	s9 =	sshll.u32 s7, $0x4;
	s30 =	ssub.s32 $0x2, s7;
	s11 =	smul.u32 $0x28800, s7  }
0x9: {  	s12 =	smul.u32 $0x2880, s3;
	s9 =	sor.u32 s3, s9;
	s31 =	sshrl.u32 s30, $0x1  }
0xa: {  	s8 =	sadd.s32 s8, s5;
	s5 =	sadd.s32 $0xCC00, s6;
	s9 =	smul.u32 $0x2880, s9  }
0xb: {  	s13 =	ssub.s32 s30, s31;
	s7 =	sshrl.u32 s10, $0x2;
	s17 =	sadd.s32 s12, s11  }
0xc: {  	s8 =	sshrl.u32 s8, $0x3;
	s12 =	sshrl.u32 s17, $0x3;
	s14 =	sadd.s32 $0x780, s17  }
0xd: {  	s11 =	sadd.s32 $0x700, s17;
	s20 =	sadd.s32 $0x680, s17;
	s22 =	sadd.s32 $0x600, s17  }
0xe: {  	s23 =	sadd.s32 $0x580, s17;
	s26 =	sadd.s32 $0x500, s17;
	s29 =	sadd.s32 $0x480, s17  }
0xf: {  	s30 =	sadd.s32 $0x380, s17;
	s8 =	sadd.s32 s8, s6;
	s9 =	sshrl.u32 s9, $0x3  }
0x10: {  	s6 =	sadd.s32 s7, s2;
	s16 =	sshrl.u32 s11, $0x3;
	s21 =	sshrl.u32 s20, $0x3  }
0x11: {  	s25 =	sshrl.u32 s23, $0x3;
	s28 =	sshrl.u32 s26, $0x3;
	s11 =	sshrl.u32 s29, $0x3  }
0x12: {  	s20 =	sadd.s32 $0x100, s17;
	s23 =	simm.s32 $0x1;
	s10 =	sadd.s32 s19, s9  }
0x13: {  	s8 =	sadd.s32 $0xD400, s8;
	s9 =	sadd.s32 s12, s19;
	s18 =	sadd.s32 s16, s19  }
0x14: {  	s12 =	sadd.s32 $0x400, s17;
	s11 =	sadd.s32 s11, s19;
	s16 =	sadd.s32 $0x200, s17  }
0x15: {  	s20 =	sshrl.u32 s20, $0x3;
	s7 =	sadd.s32 $0x500, s10;
	[dreg:$0x4] =	wrdreg s9  }
0x16: {  	s10 =	sshrl.u32 s14, $0x3;
	[dreg:$0x6] =	wrdreg s18;
	s9 =	sadd.s32 s21, s19  }
0x17: {  	s12 =	sshrl.u32 s12, $0x3;
	s14 =	sadd.s32 $0x300, s17;
	s16 =	sshrl.u32 s16, $0x3  }
0x18: {  	s18 =	sadd.s32 $0x180, s17;
	s21 =	sadd.s32 $0x80, s17;
	s15 =	sadd.s32 s10, s19  }
0x19: {  	s10 =	sshrl.u32 s22, $0x3;
	[dreg:$0x7] =	wrdreg s9;
	s9 =	smax.u32 s13, $0x1  }
0x1a: {  	s12 =	sadd.s32 s12, s19;
	s13 =	sshrl.u32 s30, $0x3;
	s14 =	sshrl.u32 s14, $0x3  }
0x1b: {  	s16 =	sadd.s32 s16, s19;
	s18 =	sshrl.u32 s18, $0x3;
	s31 =	sshrl.u32 s21, $0x3  }
0x1c: {  	s21 =	simm.s32 $0x2;
	s22 =	simm.s32 $0x80;
	[dreg:$0x5] =	wrdreg s15  }
0x1d: {  	s24 =	sadd.s32 s10, s19;
	s10 =	sadd.s32 s25, s19;
	s13 =	sadd.s32 s13, s19  }
0x1e: {  	s15 =	sadd.s32 $0x280, s17;
	s14 =	sadd.s32 s14, s19;
	s17 =	sadd.s32 s18, s19  }
0x1f: {  	s18 =	sadd.s32 s20, s19;
	s20 =	simm.s32 $0x100;
	[dreg:$0x8] =	wrdreg s24  }
0x20: {  	[dreg:$0x9] =	wrdreg s10;
	s10 =	sadd.s32 s28, s19;
	s15 =	sshrl.u32 s15, $0x3  }
0x21: {  	s24 =	simm.s32 $0x0;
	s15 =	sadd.s32 s15, s19;
	s19 =	sadd.s32 s31, s19  }
.LBB2_1:
0x22: {  	[tilespmem:s20], [sflag:$0x2] =	stream.linear.gather [hbm4b:s5+s4], $0x4000, $0x38;
	[tilespmem:$0x4378] =	vst v63  }
0x23: {  	_ =	swait.ge [sflag:s21], $0x4000  }
0x24: {  	s25 =	sshll.u32 s3, $0x6;
	[sflag:s21] =	ssyncset.done $0x0  }
0x25: {  	s26 =	sshrl.u32 s6, $0x3;
	s25 =	sor.u32 $0x1C02, s25;
	[sflag:s21] =	ssyncadd.s32 $0xFFFFC000  }
0x26: {  	[spmem:s26], [sflag:s25] =	dma.local [hbm:s1], $0x2780  }
0x27: {  	_ =	swait.ge [sflag:s21], $0x2780  }
0x28: {  	[sflag:s21] =	ssyncset.done $0x0  }
0x29: {  	[sflag:s21] =	ssyncadd.s32 $0xFFFFD880  }
0x2a: {  	[bflag:$0x0] =	sbarrier.arrive $0xFFFF  }
0x2b: {  	s28 =	rddreg [dreg:$0x4]  }
0x2c: {  	s28 =	sadd.s32 $0x0, s28  }
0x2d: {  	[tilespmem:s4], [sflag:$0x2] =	stream.linear.gather [hbm4b:s28+s4], $0x80, $0x38;
	[tilespmem:$0x4378] =	vst v63  }
0x2e: {  	_ =	swait.ge [sflag:s21], $0x80  }
0x2f: {  	[sflag:s21] =	ssyncset.done $0x0  }
0x30: {  	[sflag:s21] =	ssyncadd.s32 $0xFFFFFF80  }
0x31: {  	[spmem:s2] =	stream.indirect.scatter.add.f32 [tilespmem:s20], [sflag:$0x1], $0x1, s4, s22, $0xb8;
	[tilespmem:$0x4378] =	vst v63  }
0x32: {  	s28 =	sadd.s32 $0x0, s19  }
0x33: {  	[tilespmem:s22], [sflag:$0x2] =	stream.linear.gather [hbm4b:s28+s4], $0x80, $0x38;
	[tilespmem:$0x4378] =	vst v63  }
0x34: {  	_ =	swait.ge [sflag:s21], $0x80  }
0x35: {  	[sflag:s21] =	ssyncset.done $0x0  }
0x36: {  	[sflag:s21] =	ssyncadd.s32 $0xFFFFFF80  }
0x37: {  	_ =	swait.ge [sflag:s23], $0x80  }
0x38: {  	[sflag:s23] =	ssyncset.done $0x0  }
0x39: {  	[sflag:s23] =	ssyncadd.s32 $0xFFFFFF80  }
0x3a: {  	[spmem:s2] =	stream.indirect.scatter.add.f32 [tilespmem:s20], [sflag:$0x1], $0x1, s22, s22, $0xb8;
	[tilespmem:$0x4378] =	vst v63  }
0x3b: {  	s28 =	sadd.s32 $0x0, s18  }
0x3c: {  	[tilespmem:s4], [sflag:$0x2] =	stream.linear.gather [hbm4b:s28+s4], $0x80, $0x38;
	[tilespmem:$0x4378] =	vst v63  }
0x3d: {  	_ =	swait.ge [sflag:s21], $0x80  }
0x3e: {  	[sflag:s21] =	ssyncset.done $0x0  }
0x3f: {  	[sflag:s21] =	ssyncadd.s32 $0xFFFFFF80  }
0x40: {  	_ =	swait.ge [sflag:s23], $0x80  }
0x41: {  	[sflag:s23] =	ssyncset.done $0x0  }
0x42: {  	[sflag:s23] =	ssyncadd.s32 $0xFFFFFF80  }
0x43: {  	[spmem:s2] =	stream.indirect.scatter.add.f32 [tilespmem:s20], [sflag:$0x1], $0x1, s4, s22, $0xb8;
	[tilespmem:$0x4378] =	vst v63  }
0x44: {  	s28 =	sadd.s32 $0x0, s17  }
0x45: {  	[tilespmem:s22], [sflag:$0x2] =	stream.linear.gather [hbm4b:s28+s4], $0x80, $0x38;
	[tilespmem:$0x4378] =	vst v63  }
0x46: {  	_ =	swait.ge [sflag:s21], $0x80  }
0x47: {  	[sflag:s21] =	ssyncset.done $0x0  }
0x48: {  	[sflag:s21] =	ssyncadd.s32 $0xFFFFFF80  }
0x49: {  	_ =	swait.ge [sflag:s23], $0x80  }
0x4a: {  	[sflag:s23] =	ssyncset.done $0x0  }
0x4b: {  	[sflag:s23] =	ssyncadd.s32 $0xFFFFFF80  }
0x4c: {  	[spmem:s2] =	stream.indirect.scatter.add.f32 [tilespmem:s20], [sflag:$0x1], $0x1, s22, s22, $0xb8;
	[tilespmem:$0x4378] =	vst v63  }
0x4d: {  	s28 =	sadd.s32 $0x0, s16  }
0x4e: {  	[tilespmem:s4], [sflag:$0x2] =	stream.linear.gather [hbm4b:s28+s4], $0x80, $0x38;
	[tilespmem:$0x4378] =	vst v63  }
0x4f: {  	_ =	swait.ge [sflag:s21], $0x80  }
0x50: {  	[sflag:s21] =	ssyncset.done $0x0  }
0x51: {  	[sflag:s21] =	ssyncadd.s32 $0xFFFFFF80  }
0x52: {  	_ =	swait.ge [sflag:s23], $0x80  }
0x53: {  	[sflag:s23] =	ssyncset.done $0x0  }
0x54: {  	[sflag:s23] =	ssyncadd.s32 $0xFFFFFF80  }
0x55: {  	[spmem:s2] =	stream.indirect.scatter.add.f32 [tilespmem:s20], [sflag:$0x1], $0x1, s4, s22, $0xb8;
	[tilespmem:$0x4378] =	vst v63  }
0x56: {  	s28 =	sadd.s32 $0x0, s15  }
0x57: {  	[tilespmem:s22], [sflag:$0x2] =	stream.linear.gather [hbm4b:s28+s4], $0x80, $0x38;
	[tilespmem:$0x4378] =	vst v63  }
0x58: {  	_ =	swait.ge [sflag:s21], $0x80  }
0x59: {  	[sflag:s21] =	ssyncset.done $0x0  }
0x5a: {  	[sflag:s21] =	ssyncadd.s32 $0xFFFFFF80  }
0x5b: {  	_ =	swait.ge [sflag:s23], $0x80  }
0x5c: {  	[sflag:s23] =	ssyncset.done $0x0  }
0x5d: {  	[sflag:s23] =	ssyncadd.s32 $0xFFFFFF80  }
0x5e: {  	[spmem:s2] =	stream.indirect.scatter.add.f32 [tilespmem:s20], [sflag:$0x1], $0x1, s22, s22, $0xb8;
	[tilespmem:$0x4378] =	vst v63  }
0x5f: {  	s28 =	sadd.s32 $0x0, s14  }
0x60: {  	[tilespmem:s4], [sflag:$0x2] =	stream.linear.gather [hbm4b:s28+s4], $0x80, $0x38;
	[tilespmem:$0x4378] =	vst v63  }
0x61: {  	_ =	swait.ge [sflag:s21], $0x80  }
0x62: {  	[sflag:s21] =	ssyncset.done $0x0  }
0x63: {  	[sflag:s21] =	ssyncadd.s32 $0xFFFFFF80  }
0x64: {  	_ =	swait.ge [sflag:s23], $0x80  }
0x65: {  	[sflag:s23] =	ssyncset.done $0x0  }
0x66: {  	[sflag:s23] =	ssyncadd.s32 $0xFFFFFF80  }
0x67: {  	[spmem:s2] =	stream.indirect.scatter.add.f32 [tilespmem:s20], [sflag:$0x1], $0x1, s4, s22, $0xb8;
	[tilespmem:$0x4378] =	vst v63  }
0x68: {  	s28 =	sadd.s32 $0x0, s13  }
0x69: {  	[tilespmem:s22], [sflag:$0x2] =	stream.linear.gather [hbm4b:s28+s4], $0x80, $0x38;
	[tilespmem:$0x4378] =	vst v63  }
0x6a: {  	_ =	swait.ge [sflag:s21], $0x80  }
0x6b: {  	[sflag:s21] =	ssyncset.done $0x0  }
0x6c: {  	[sflag:s21] =	ssyncadd.s32 $0xFFFFFF80  }
0x6d: {  	_ =	swait.ge [sflag:s23], $0x80  }
0x6e: {  	[sflag:s23] =	ssyncset.done $0x0  }
0x6f: {  	[sflag:s23] =	ssyncadd.s32 $0xFFFFFF80  }
0x70: {  	[spmem:s2] =	stream.indirect.scatter.add.f32 [tilespmem:s20], [sflag:$0x1], $0x1, s22, s22, $0xb8;
	[tilespmem:$0x4378] =	vst v63  }
0x71: {  	s28 =	sadd.s32 $0x0, s12  }
0x72: {  	[tilespmem:s4], [sflag:$0x2] =	stream.linear.gather [hbm4b:s28+s4], $0x80, $0x38;
	[tilespmem:$0x4378] =	vst v63  }
0x73: {  	_ =	swait.ge [sflag:s21], $0x80  }
0x74: {  	[sflag:s21] =	ssyncset.done $0x0  }
0x75: {  	[sflag:s21] =	ssyncadd.s32 $0xFFFFFF80  }
0x76: {  	_ =	swait.ge [sflag:s23], $0x80  }
0x77: {  	[sflag:s23] =	ssyncset.done $0x0  }
0x78: {  	[sflag:s23] =	ssyncadd.s32 $0xFFFFFF80  }
0x79: {  	[spmem:s2] =	stream.indirect.scatter.add.f32 [tilespmem:s20], [sflag:$0x1], $0x1, s4, s22, $0xb8;
	[tilespmem:$0x4378] =	vst v63  }
0x7a: {  	s28 =	sadd.s32 $0x0, s11  }
0x7b: {  	[tilespmem:s22], [sflag:$0x2] =	stream.linear.gather [hbm4b:s28+s4], $0x80, $0x38;
	[tilespmem:$0x4378] =	vst v63  }
0x7c: {  	_ =	swait.ge [sflag:s21], $0x80  }
0x7d: {  	[sflag:s21] =	ssyncset.done $0x0  }
0x7e: {  	[sflag:s21] =	ssyncadd.s32 $0xFFFFFF80  }
0x7f: {  	_ =	swait.ge [sflag:s23], $0x80  }
0x80: {  	[sflag:s23] =	ssyncset.done $0x0  }
0x81: {  	[sflag:s23] =	ssyncadd.s32 $0xFFFFFF80  }
0x82: {  	[spmem:s2] =	stream.indirect.scatter.add.f32 [tilespmem:s20], [sflag:$0x1], $0x1, s22, s22, $0xb8;
	[tilespmem:$0x4378] =	vst v63  }
0x83: {  	s28 =	sadd.s32 $0x0, s10  }
0x84: {  	[tilespmem:s4], [sflag:$0x2] =	stream.linear.gather [hbm4b:s28+s4], $0x80, $0x38;
	[tilespmem:$0x4378] =	vst v63  }
0x85: {  	_ =	swait.ge [sflag:s21], $0x80  }
0x86: {  	[sflag:s21] =	ssyncset.done $0x0  }
0x87: {  	[sflag:s21] =	ssyncadd.s32 $0xFFFFFF80  }
0x88: {  	_ =	swait.ge [sflag:s23], $0x80  }
0x89: {  	[sflag:s23] =	ssyncset.done $0x0  }
0x8a: {  	s28 =	rddreg [dreg:$0x9];
	[sflag:s23] =	ssyncadd.s32 $0xFFFFFF80  }
0x8b: {  	[spmem:s2] =	stream.indirect.scatter.add.f32 [tilespmem:s20], [sflag:$0x1], $0x1, s4, s22, $0xb8;
	[tilespmem:$0x4378] =	vst v63  }
0x8c: {  	s28 =	sadd.s32 $0x0, s28  }
0x8d: {  	[tilespmem:s22], [sflag:$0x2] =	stream.linear.gather [hbm4b:s28+s4], $0x80, $0x38;
	[tilespmem:$0x4378] =	vst v63  }
0x8e: {  	_ =	swait.ge [sflag:s21], $0x80  }
0x8f: {  	[sflag:s21] =	ssyncset.done $0x0  }
0x90: {  	[sflag:s21] =	ssyncadd.s32 $0xFFFFFF80  }
0x91: {  	_ =	swait.ge [sflag:s23], $0x80  }
0x92: {  	[sflag:s23] =	ssyncset.done $0x0  }
0x93: {  	s28 =	rddreg [dreg:$0x8];
	[sflag:s23] =	ssyncadd.s32 $0xFFFFFF80  }
0x94: {  	[spmem:s2] =	stream.indirect.scatter.add.f32 [tilespmem:s20], [sflag:$0x1], $0x1, s22, s22, $0xb8;
	[tilespmem:$0x4378] =	vst v63  }
0x95: {  	s28 =	sadd.s32 $0x0, s28  }
0x96: {  	[tilespmem:s4], [sflag:$0x2] =	stream.linear.gather [hbm4b:s28+s4], $0x80, $0x38;
	[tilespmem:$0x4378] =	vst v63  }
0x97: {  	_ =	swait.ge [sflag:s21], $0x80  }
0x98: {  	[sflag:s21] =	ssyncset.done $0x0  }
0x99: {  	[sflag:s21] =	ssyncadd.s32 $0xFFFFFF80  }
0x9a: {  	_ =	swait.ge [sflag:s23], $0x80  }
0x9b: {  	[sflag:s23] =	ssyncset.done $0x0  }
0x9c: {  	s28 =	rddreg [dreg:$0x7];
	[sflag:s23] =	ssyncadd.s32 $0xFFFFFF80  }
0x9d: {  	[spmem:s2] =	stream.indirect.scatter.add.f32 [tilespmem:s20], [sflag:$0x1], $0x1, s4, s22, $0xb8;
	[tilespmem:$0x4378] =	vst v63  }
0x9e: {  	s28 =	sadd.s32 $0x0, s28  }
0x9f: {  	[tilespmem:s22], [sflag:$0x2] =	stream.linear.gather [hbm4b:s28+s4], $0x80, $0x38;
	[tilespmem:$0x4378] =	vst v63  }
0xa0: {  	_ =	swait.ge [sflag:s21], $0x80  }
0xa1: {  	[sflag:s21] =	ssyncset.done $0x0  }
0xa2: {  	[sflag:s21] =	ssyncadd.s32 $0xFFFFFF80  }
0xa3: {  	_ =	swait.ge [sflag:s23], $0x80  }
0xa4: {  	[sflag:s23] =	ssyncset.done $0x0  }
0xa5: {  	s28 =	rddreg [dreg:$0x6];
	[sflag:s23] =	ssyncadd.s32 $0xFFFFFF80  }
0xa6: {  	[spmem:s2] =	stream.indirect.scatter.add.f32 [tilespmem:s20], [sflag:$0x1], $0x1, s22, s22, $0xb8;
	[tilespmem:$0x4378] =	vst v63  }
0xa7: {  	s28 =	sadd.s32 $0x0, s28  }
0xa8: {  	[tilespmem:s4], [sflag:$0x2] =	stream.linear.gather [hbm4b:s28+s4], $0x80, $0x38;
	[tilespmem:$0x4378] =	vst v63  }
0xa9: {  	_ =	swait.ge [sflag:s21], $0x80  }
0xaa: {  	[sflag:s21] =	ssyncset.done $0x0  }
0xab: {  	[sflag:s21] =	ssyncadd.s32 $0xFFFFFF80  }
0xac: {  	_ =	swait.ge [sflag:s23], $0x80  }
0xad: {  	[sflag:s23] =	ssyncset.done $0x0  }
0xae: {  	s28 =	rddreg [dreg:$0x5];
	[sflag:s23] =	ssyncadd.s32 $0xFFFFFF80  }
0xaf: {  	[spmem:s2] =	stream.indirect.scatter.add.f32 [tilespmem:s20], [sflag:$0x1], $0x1, s4, s22, $0xb8;
	[tilespmem:$0x4378] =	vst v63  }
0xb0: {  	s28 =	sadd.s32 $0x0, s28  }
0xb1: {  	[tilespmem:s22], [sflag:$0x2] =	stream.linear.gather [hbm4b:s28+s4], $0x80, $0x38;
	[tilespmem:$0x4378] =	vst v63  }
0xb2: {  	_ =	swait.ge [sflag:s21], $0x80  }
0xb3: {  	[sflag:s21] =	ssyncset.done $0x0  }
0xb4: {  	[sflag:s21] =	ssyncadd.s32 $0xFFFFFF80  }
0xb5: {  	_ =	swait.ge [sflag:s23], $0x80  }
0xb6: {  	[sflag:s23] =	ssyncset.done $0x0  }
0xb7: {  	[sflag:s23] =	ssyncadd.s32 $0xFFFFFF80  }
0xb8: {  	[spmem:s2] =	stream.indirect.scatter.add.f32 [tilespmem:s20], [sflag:$0x2], $0x1, s22, s22, $0xb8;
	[tilespmem:$0x4378] =	vst v63  }
0xb9: {  	s29 =	simm.s32 $0x200;
	_ =	swait.ge [sflag:s21], $0x80  }
0xba: {  	s28 =	simm.s32 $0x100;
	s31 =	rddreg [dreg:$0x4];
	[sflag:s21] =	ssyncset.done $0x0  }
.LBB2_2:
0xbb: {  	[sflag:s21] =	ssyncadd.s32 $0xFFFFFF80;
	s31 =	sadd.s32 s28, s31  }
0xbc: {  	[tilespmem:s4], [sflag:$0x2] =	stream.linear.gather [hbm4b:s31+s4], $0x80, $0x38;
	[tilespmem:$0x4378] =	vst v63  }
0xbd: {  	_ =	swait.ge [sflag:s21], $0x80  }
0xbe: {  	[sflag:s21] =	ssyncset.done $0x0  }
0xbf: {  	[sflag:s21] =	ssyncadd.s32 $0xFFFFFF80  }
0xc0: {  	[spmem:s2] =	stream.indirect.scatter.add.f32 [tilespmem:s20], [sflag:$0x1], $0x1, s4, s22, $0xb8;
	[tilespmem:$0x4378] =	vst v63  }
0xc1: {  	s31 =	sadd.s32 s28, s19  }
0xc2: {  	[tilespmem:s22], [sflag:$0x2] =	stream.linear.gather [hbm4b:s31+s4], $0x80, $0x38;
	[tilespmem:$0x4378] =	vst v63  }
0xc3: {  	_ =	swait.ge [sflag:s21], $0x80  }
0xc4: {  	[sflag:s21] =	ssyncset.done $0x0  }
0xc5: {  	[sflag:s21] =	ssyncadd.s32 $0xFFFFFF80  }
0xc6: {  	_ =	swait.ge [sflag:s23], $0x80  }
0xc7: {  	[sflag:s23] =	ssyncset.done $0x0  }
0xc8: {  	[sflag:s23] =	ssyncadd.s32 $0xFFFFFF80  }
0xc9: {  	[spmem:s2] =	stream.indirect.scatter.add.f32 [tilespmem:s20], [sflag:$0x1], $0x1, s22, s22, $0xb8;
	[tilespmem:$0x4378] =	vst v63  }
0xca: {  	s31 =	sadd.s32 s28, s18  }
0xcb: {  	[tilespmem:s4], [sflag:$0x2] =	stream.linear.gather [hbm4b:s31+s4], $0x80, $0x38;
	[tilespmem:$0x4378] =	vst v63  }
0xcc: {  	_ =	swait.ge [sflag:s21], $0x80  }
0xcd: {  	[sflag:s21] =	ssyncset.done $0x0  }
0xce: {  	[sflag:s21] =	ssyncadd.s32 $0xFFFFFF80  }
0xcf: {  	_ =	swait.ge [sflag:s23], $0x80  }
0xd0: {  	[sflag:s23] =	ssyncset.done $0x0  }
0xd1: {  	[sflag:s23] =	ssyncadd.s32 $0xFFFFFF80  }
0xd2: {  	[spmem:s2] =	stream.indirect.scatter.add.f32 [tilespmem:s20], [sflag:$0x1], $0x1, s4, s22, $0xb8;
	[tilespmem:$0x4378] =	vst v63  }
0xd3: {  	s31 =	sadd.s32 s28, s17  }
0xd4: {  	[tilespmem:s22], [sflag:$0x2] =	stream.linear.gather [hbm4b:s31+s4], $0x80, $0x38;
	[tilespmem:$0x4378] =	vst v63  }
0xd5: {  	_ =	swait.ge [sflag:s21], $0x80  }
0xd6: {  	[sflag:s21] =	ssyncset.done $0x0  }
0xd7: {  	[sflag:s21] =	ssyncadd.s32 $0xFFFFFF80  }
0xd8: {  	_ =	swait.ge [sflag:s23], $0x80  }
0xd9: {  	[sflag:s23] =	ssyncset.done $0x0  }
0xda: {  	[sflag:s23] =	ssyncadd.s32 $0xFFFFFF80  }
0xdb: {  	[spmem:s2] =	stream.indirect.scatter.add.f32 [tilespmem:s20], [sflag:$0x1], $0x1, s22, s22, $0xb8;
	[tilespmem:$0x4378] =	vst v63  }
0xdc: {  	s31 =	sadd.s32 s28, s16  }
0xdd: {  	[tilespmem:s4], [sflag:$0x2] =	stream.linear.gather [hbm4b:s31+s4], $0x80, $0x38;
	[tilespmem:$0x4378] =	vst v63  }
0xde: {  	_ =	swait.ge [sflag:s21], $0x80  }
0xdf: {  	[sflag:s21] =	ssyncset.done $0x0  }
0xe0: {  	[sflag:s21] =	ssyncadd.s32 $0xFFFFFF80  }
0xe1: {  	_ =	swait.ge [sflag:s23], $0x80  }
0xe2: {  	[sflag:s23] =	ssyncset.done $0x0  }
0xe3: {  	[sflag:s23] =	ssyncadd.s32 $0xFFFFFF80  }
0xe4: {  	[spmem:s2] =	stream.indirect.scatter.add.f32 [tilespmem:s20], [sflag:$0x1], $0x1, s4, s22, $0xb8;
	[tilespmem:$0x4378] =	vst v63  }
0xe5: {  	s31 =	sadd.s32 s28, s15  }
0xe6: {  	[tilespmem:s22], [sflag:$0x2] =	stream.linear.gather [hbm4b:s31+s4], $0x80, $0x38;
	[tilespmem:$0x4378] =	vst v63  }
0xe7: {  	_ =	swait.ge [sflag:s21], $0x80  }
0xe8: {  	[sflag:s21] =	ssyncset.done $0x0  }
0xe9: {  	[sflag:s21] =	ssyncadd.s32 $0xFFFFFF80  }
0xea: {  	_ =	swait.ge [sflag:s23], $0x80  }
0xeb: {  	[sflag:s23] =	ssyncset.done $0x0  }
0xec: {  	[sflag:s23] =	ssyncadd.s32 $0xFFFFFF80  }
0xed: {  	[spmem:s2] =	stream.indirect.scatter.add.f32 [tilespmem:s20], [sflag:$0x1], $0x1, s22, s22, $0xb8;
	[tilespmem:$0x4378] =	vst v63  }
0xee: {  	s31 =	sadd.s32 s28, s14  }
0xef: {  	[tilespmem:s4], [sflag:$0x2] =	stream.linear.gather [hbm4b:s31+s4], $0x80, $0x38;
	[tilespmem:$0x4378] =	vst v63  }
0xf0: {  	_ =	swait.ge [sflag:s21], $0x80  }
0xf1: {  	[sflag:s21] =	ssyncset.done $0x0  }
0xf2: {  	[sflag:s21] =	ssyncadd.s32 $0xFFFFFF80  }
0xf3: {  	_ =	swait.ge [sflag:s23], $0x80  }
0xf4: {  	[sflag:s23] =	ssyncset.done $0x0  }
0xf5: {  	[sflag:s23] =	ssyncadd.s32 $0xFFFFFF80  }
0xf6: {  	[spmem:s2] =	stream.indirect.scatter.add.f32 [tilespmem:s20], [sflag:$0x1], $0x1, s4, s22, $0xb8;
	[tilespmem:$0x4378] =	vst v63  }
0xf7: {  	s31 =	sadd.s32 s28, s13  }
0xf8: {  	[tilespmem:s22], [sflag:$0x2] =	stream.linear.gather [hbm4b:s31+s4], $0x80, $0x38;
	[tilespmem:$0x4378] =	vst v63  }
0xf9: {  	_ =	swait.ge [sflag:s21], $0x80  }
0xfa: {  	[sflag:s21] =	ssyncset.done $0x0  }
0xfb: {  	[sflag:s21] =	ssyncadd.s32 $0xFFFFFF80  }
0xfc: {  	_ =	swait.ge [sflag:s23], $0x80  }
0xfd: {  	[sflag:s23] =	ssyncset.done $0x0  }
0xfe: {  	[sflag:s23] =	ssyncadd.s32 $0xFFFFFF80  }
0xff: {  	[spmem:s2] =	stream.indirect.scatter.add.f32 [tilespmem:s20], [sflag:$0x1], $0x1, s22, s22, $0xb8;
	[tilespmem:$0x4378] =	vst v63  }
0x100: {  	s31 =	sadd.s32 s28, s12  }
0x101: {  	[tilespmem:s4], [sflag:$0x2] =	stream.linear.gather [hbm4b:s31+s4], $0x80, $0x38;
	[tilespmem:$0x4378] =	vst v63  }
0x102: {  	_ =	swait.ge [sflag:s21], $0x80  }
0x103: {  	[sflag:s21] =	ssyncset.done $0x0  }
0x104: {  	[sflag:s21] =	ssyncadd.s32 $0xFFFFFF80  }
0x105: {  	_ =	swait.ge [sflag:s23], $0x80  }
0x106: {  	[sflag:s23] =	ssyncset.done $0x0  }
0x107: {  	[sflag:s23] =	ssyncadd.s32 $0xFFFFFF80  }
0x108: {  	[spmem:s2] =	stream.indirect.scatter.add.f32 [tilespmem:s20], [sflag:$0x1], $0x1, s4, s22, $0xb8;
	[tilespmem:$0x4378] =	vst v63  }
0x109: {  	s31 =	sadd.s32 s28, s11  }
0x10a: {  	[tilespmem:s22], [sflag:$0x2] =	stream.linear.gather [hbm4b:s31+s4], $0x80, $0x38;
	[tilespmem:$0x4378] =	vst v63  }
0x10b: {  	_ =	swait.ge [sflag:s21], $0x80  }
0x10c: {  	[sflag:s21] =	ssyncset.done $0x0  }
0x10d: {  	[sflag:s21] =	ssyncadd.s32 $0xFFFFFF80  }
0x10e: {  	_ =	swait.ge [sflag:s23], $0x80  }
0x10f: {  	[sflag:s23] =	ssyncset.done $0x0  }
0x110: {  	[sflag:s23] =	ssyncadd.s32 $0xFFFFFF80  }
0x111: {  	[spmem:s2] =	stream.indirect.scatter.add.f32 [tilespmem:s20], [sflag:$0x1], $0x1, s22, s22, $0xb8;
	[tilespmem:$0x4378] =	vst v63  }
0x112: {  	s31 =	sadd.s32 s28, s10  }
0x113: {  	[tilespmem:s4], [sflag:$0x2] =	stream.linear.gather [hbm4b:s31+s4], $0x80, $0x38;
	[tilespmem:$0x4378] =	vst v63  }
0x114: {  	_ =	swait.ge [sflag:s21], $0x80  }
0x115: {  	[sflag:s21] =	ssyncset.done $0x0  }
0x116: {  	[sflag:s21] =	ssyncadd.s32 $0xFFFFFF80  }
0x117: {  	_ =	swait.ge [sflag:s23], $0x80  }
0x118: {  	[sflag:s23] =	ssyncset.done $0x0  }
0x119: {  	s31 =	rddreg [dreg:$0x9];
	[sflag:s23] =	ssyncadd.s32 $0xFFFFFF80  }
0x11a: {  	[spmem:s2] =	stream.indirect.scatter.add.f32 [tilespmem:s20], [sflag:$0x1], $0x1, s4, s22, $0xb8;
	[tilespmem:$0x4378] =	vst v63  }
0x11b: {  	s31 =	sadd.s32 s28, s31  }
0x11c: {  	[tilespmem:s22], [sflag:$0x2] =	stream.linear.gather [hbm4b:s31+s4], $0x80, $0x38;
	[tilespmem:$0x4378] =	vst v63  }
0x11d: {  	_ =	swait.ge [sflag:s21], $0x80  }
0x11e: {  	[sflag:s21] =	ssyncset.done $0x0  }
0x11f: {  	[sflag:s21] =	ssyncadd.s32 $0xFFFFFF80  }
0x120: {  	_ =	swait.ge [sflag:s23], $0x80  }
0x121: {  	[sflag:s23] =	ssyncset.done $0x0  }
0x122: {  	s31 =	rddreg [dreg:$0x8];
	[sflag:s23] =	ssyncadd.s32 $0xFFFFFF80  }
0x123: {  	[spmem:s2] =	stream.indirect.scatter.add.f32 [tilespmem:s20], [sflag:$0x1], $0x1, s22, s22, $0xb8;
	[tilespmem:$0x4378] =	vst v63  }
0x124: {  	s31 =	sadd.s32 s28, s31  }
0x125: {  	[tilespmem:s4], [sflag:$0x2] =	stream.linear.gather [hbm4b:s31+s4], $0x80, $0x38;
	[tilespmem:$0x4378] =	vst v63  }
0x126: {  	_ =	swait.ge [sflag:s21], $0x80  }
0x127: {  	[sflag:s21] =	ssyncset.done $0x0  }
0x128: {  	[sflag:s21] =	ssyncadd.s32 $0xFFFFFF80  }
0x129: {  	_ =	swait.ge [sflag:s23], $0x80  }
0x12a: {  	[sflag:s23] =	ssyncset.done $0x0  }
0x12b: {  	s31 =	rddreg [dreg:$0x7];
	[sflag:s23] =	ssyncadd.s32 $0xFFFFFF80  }
0x12c: {  	[spmem:s2] =	stream.indirect.scatter.add.f32 [tilespmem:s20], [sflag:$0x1], $0x1, s4, s22, $0xb8;
	[tilespmem:$0x4378] =	vst v63  }
0x12d: {  	s31 =	sadd.s32 s28, s31  }
0x12e: {  	[tilespmem:s22], [sflag:$0x2] =	stream.linear.gather [hbm4b:s31+s4], $0x80, $0x38;
	[tilespmem:$0x4378] =	vst v63  }
0x12f: {  	_ =	swait.ge [sflag:s21], $0x80  }
0x130: {  	[sflag:s21] =	ssyncset.done $0x0  }
0x131: {  	[sflag:s21] =	ssyncadd.s32 $0xFFFFFF80  }
0x132: {  	_ =	swait.ge [sflag:s23], $0x80  }
0x133: {  	[sflag:s23] =	ssyncset.done $0x0  }
0x134: {  	s31 =	rddreg [dreg:$0x6];
	[sflag:s23] =	ssyncadd.s32 $0xFFFFFF80  }
0x135: {  	[spmem:s2] =	stream.indirect.scatter.add.f32 [tilespmem:s20], [sflag:$0x1], $0x1, s22, s22, $0xb8;
	[tilespmem:$0x4378] =	vst v63  }
0x136: {  	s31 =	sadd.s32 s28, s31  }
0x137: {  	[tilespmem:s4], [sflag:$0x2] =	stream.linear.gather [hbm4b:s31+s4], $0x80, $0x38;
	[tilespmem:$0x4378] =	vst v63  }
0x138: {  	_ =	swait.ge [sflag:s21], $0x80  }
0x139: {  	[sflag:s21] =	ssyncset.done $0x0  }
0x13a: {  	[sflag:s21] =	ssyncadd.s32 $0xFFFFFF80  }
0x13b: {  	_ =	swait.ge [sflag:s23], $0x80  }
0x13c: {  	[sflag:s23] =	ssyncset.done $0x0  }
0x13d: {  	s31 =	rddreg [dreg:$0x5];
	[sflag:s23] =	ssyncadd.s32 $0xFFFFFF80  }
0x13e: {  	[spmem:s2] =	stream.indirect.scatter.add.f32 [tilespmem:s20], [sflag:$0x1], $0x1, s4, s22, $0xb8;
	[tilespmem:$0x4378] =	vst v63  }
0x13f: {  	s31 =	sadd.s32 s28, s31  }
0x140: {  	[tilespmem:s22], [sflag:$0x2] =	stream.linear.gather [hbm4b:s31+s4], $0x80, $0x38;
	[tilespmem:$0x4378] =	vst v63  }
0x141: {  	_ =	swait.ge [sflag:s21], $0x80  }
0x142: {  	[sflag:s21] =	ssyncset.done $0x0  }
0x143: {  	[sflag:s21] =	ssyncadd.s32 $0xFFFFFF80  }
0x144: {  	p0 =	sne.s32 s29, $0x400;
	_ =	swait.ge [sflag:s23], $0x80  }
.Ltmp0:
0x145: {  	[sflag:s23] =	ssyncset.done $0x0;
	(pc) =	sbr.rel @p0 .LBB2_2-.Ltmp0, $4  }
0x146: {  	[sflag:s23] =	ssyncadd.s32 $0xFFFFFF80  }
0x147: {  	[spmem:s2] =	stream.indirect.scatter.add.f32 [tilespmem:s20], [sflag:$0x2], $0x1, s22, s22, $0xb8;
	[tilespmem:$0x4378] =	vst v63  }
0x148: {  	s30 =	smov.u32 s29;
	s29 =	sadd.s32 $0x100, s29;
	_ =	swait.ge [sflag:s21], $0x80  }
0x149: {  	s28 =	smov.u32 s30;
	s31 =	rddreg [dreg:$0x4];
	[sflag:s21] =	ssyncset.done $0x0  }
0x14a: {  	[sflag:s21] =	ssyncadd.s32 $0xFFFFFF80;
	s29 =	sadd.s32 s28, s31  }
0x14b: {  	[tilespmem:s4], [sflag:$0x2] =	stream.linear.gather [hbm4b:s29+s4], $0x80, $0x38;
	[tilespmem:$0x4378] =	vst v63  }
0x14c: {  	_ =	swait.ge [sflag:s21], $0x80  }
0x14d: {  	[sflag:s21] =	ssyncset.done $0x0  }
0x14e: {  	[sflag:s21] =	ssyncadd.s32 $0xFFFFFF80  }
0x14f: {  	[spmem:s2] =	stream.indirect.scatter.add.f32 [tilespmem:s20], [sflag:$0x1], $0x1, s4, s22, $0xb8;
	[tilespmem:$0x4378] =	vst v63  }
0x150: {  	s30 =	sadd.s32 s28, s19  }
0x151: {  	[tilespmem:s22], [sflag:$0x2] =	stream.linear.gather [hbm4b:s30+s4], $0x80, $0x38;
	[tilespmem:$0x4378] =	vst v63  }
0x152: {  	_ =	swait.ge [sflag:s21], $0x80  }
0x153: {  	[sflag:s21] =	ssyncset.done $0x0  }
0x154: {  	[sflag:s21] =	ssyncadd.s32 $0xFFFFFF80  }
0x155: {  	_ =	swait.ge [sflag:s23], $0x80  }
0x156: {  	[sflag:s23] =	ssyncset.done $0x0  }
0x157: {  	[sflag:s23] =	ssyncadd.s32 $0xFFFFFF80  }
0x158: {  	[spmem:s2] =	stream.indirect.scatter.add.f32 [tilespmem:s20], [sflag:$0x1], $0x1, s22, s22, $0xb8;
	[tilespmem:$0x4378] =	vst v63  }
0x159: {  	s31 =	sadd.s32 s28, s18  }
0x15a: {  	[tilespmem:s4], [sflag:$0x2] =	stream.linear.gather [hbm4b:s31+s4], $0x80, $0x38;
	[tilespmem:$0x4378] =	vst v63  }
0x15b: {  	_ =	swait.ge [sflag:s21], $0x80  }
0x15c: {  	[sflag:s21] =	ssyncset.done $0x0  }
0x15d: {  	[sflag:s21] =	ssyncadd.s32 $0xFFFFFF80  }
0x15e: {  	_ =	swait.ge [sflag:s23], $0x80  }
0x15f: {  	[sflag:s23] =	ssyncset.done $0x0  }
0x160: {  	[sflag:s23] =	ssyncadd.s32 $0xFFFFFF80  }
0x161: {  	[spmem:s2] =	stream.indirect.scatter.add.f32 [tilespmem:s20], [sflag:$0x1], $0x1, s4, s22, $0xb8;
	[tilespmem:$0x4378] =	vst v63  }
0x162: {  	s30 =	sadd.s32 s28, s17  }
0x163: {  	[tilespmem:s22], [sflag:$0x2] =	stream.linear.gather [hbm4b:s30+s4], $0x80, $0x38;
	[tilespmem:$0x4378] =	vst v63  }
0x164: {  	_ =	swait.ge [sflag:s21], $0x80  }
0x165: {  	[sflag:s21] =	ssyncset.done $0x0  }
0x166: {  	[sflag:s21] =	ssyncadd.s32 $0xFFFFFF80  }
0x167: {  	_ =	swait.ge [sflag:s23], $0x80  }
0x168: {  	[sflag:s23] =	ssyncset.done $0x0  }
0x169: {  	[sflag:s23] =	ssyncadd.s32 $0xFFFFFF80  }
0x16a: {  	[spmem:s2] =	stream.indirect.scatter.add.f32 [tilespmem:s20], [sflag:$0x1], $0x1, s22, s22, $0xb8;
	[tilespmem:$0x4378] =	vst v63  }
0x16b: {  	s31 =	sadd.s32 s28, s16  }
0x16c: {  	[tilespmem:s4], [sflag:$0x2] =	stream.linear.gather [hbm4b:s31+s4], $0x80, $0x38;
	[tilespmem:$0x4378] =	vst v63  }
0x16d: {  	_ =	swait.ge [sflag:s21], $0x80  }
0x16e: {  	[sflag:s21] =	ssyncset.done $0x0  }
0x16f: {  	[sflag:s21] =	ssyncadd.s32 $0xFFFFFF80  }
0x170: {  	_ =	swait.ge [sflag:s23], $0x80  }
0x171: {  	[sflag:s23] =	ssyncset.done $0x0  }
0x172: {  	[sflag:s23] =	ssyncadd.s32 $0xFFFFFF80  }
0x173: {  	[spmem:s2] =	stream.indirect.scatter.add.f32 [tilespmem:s20], [sflag:$0x1], $0x1, s4, s22, $0xb8;
	[tilespmem:$0x4378] =	vst v63  }
0x174: {  	s30 =	sadd.s32 s28, s15  }
0x175: {  	[tilespmem:s22], [sflag:$0x2] =	stream.linear.gather [hbm4b:s30+s4], $0x80, $0x38;
	[tilespmem:$0x4378] =	vst v63  }
0x176: {  	_ =	swait.ge [sflag:s21], $0x80  }
0x177: {  	[sflag:s21] =	ssyncset.done $0x0  }
0x178: {  	[sflag:s21] =	ssyncadd.s32 $0xFFFFFF80  }
0x179: {  	_ =	swait.ge [sflag:s23], $0x80  }
0x17a: {  	[sflag:s23] =	ssyncset.done $0x0  }
0x17b: {  	[sflag:s23] =	ssyncadd.s32 $0xFFFFFF80  }
0x17c: {  	[spmem:s2] =	stream.indirect.scatter.add.f32 [tilespmem:s20], [sflag:$0x1], $0x1, s22, s22, $0xb8;
	[tilespmem:$0x4378] =	vst v63  }
0x17d: {  	s31 =	sadd.s32 s28, s14  }
0x17e: {  	[tilespmem:s4], [sflag:$0x2] =	stream.linear.gather [hbm4b:s31+s4], $0x80, $0x38;
	[tilespmem:$0x4378] =	vst v63  }
0x17f: {  	_ =	swait.ge [sflag:s21], $0x80  }
0x180: {  	[sflag:s21] =	ssyncset.done $0x0  }
0x181: {  	[sflag:s21] =	ssyncadd.s32 $0xFFFFFF80  }
0x182: {  	_ =	swait.ge [sflag:s23], $0x80  }
0x183: {  	[sflag:s23] =	ssyncset.done $0x0  }
0x184: {  	[sflag:s23] =	ssyncadd.s32 $0xFFFFFF80  }
0x185: {  	[spmem:s2] =	stream.indirect.scatter.add.f32 [tilespmem:s20], [sflag:$0x1], $0x1, s4, s22, $0xb8;
	[tilespmem:$0x4378] =	vst v63  }
0x186: {  	s30 =	sadd.s32 s28, s13  }
0x187: {  	[tilespmem:s22], [sflag:$0x2] =	stream.linear.gather [hbm4b:s30+s4], $0x80, $0x38;
	[tilespmem:$0x4378] =	vst v63  }
0x188: {  	_ =	swait.ge [sflag:s21], $0x80  }
0x189: {  	[sflag:s21] =	ssyncset.done $0x0  }
0x18a: {  	[sflag:s21] =	ssyncadd.s32 $0xFFFFFF80  }
0x18b: {  	_ =	swait.ge [sflag:s23], $0x80  }
0x18c: {  	[sflag:s23] =	ssyncset.done $0x0  }
0x18d: {  	[sflag:s23] =	ssyncadd.s32 $0xFFFFFF80  }
0x18e: {  	[spmem:s2] =	stream.indirect.scatter.add.f32 [tilespmem:s20], [sflag:$0x1], $0x1, s22, s22, $0xb8;
	[tilespmem:$0x4378] =	vst v63  }
0x18f: {  	s31 =	sadd.s32 s28, s12  }
0x190: {  	[tilespmem:s4], [sflag:$0x2] =	stream.linear.gather [hbm4b:s31+s4], $0x80, $0x38;
	[tilespmem:$0x4378] =	vst v63  }
0x191: {  	_ =	swait.ge [sflag:s21], $0x80  }
0x192: {  	[sflag:s21] =	ssyncset.done $0x0  }
0x193: {  	[sflag:s21] =	ssyncadd.s32 $0xFFFFFF80  }
0x194: {  	_ =	swait.ge [sflag:s23], $0x80  }
0x195: {  	[sflag:s23] =	ssyncset.done $0x0  }
0x196: {  	[sflag:s23] =	ssyncadd.s32 $0xFFFFFF80  }
0x197: {  	[spmem:s2] =	stream.indirect.scatter.add.f32 [tilespmem:s20], [sflag:$0x1], $0x1, s4, s22, $0xb8;
	[tilespmem:$0x4378] =	vst v63  }
0x198: {  	s30 =	sadd.s32 s28, s11  }
0x199: {  	[tilespmem:s22], [sflag:$0x2] =	stream.linear.gather [hbm4b:s30+s4], $0x80, $0x38;
	[tilespmem:$0x4378] =	vst v63  }
0x19a: {  	_ =	swait.ge [sflag:s21], $0x80  }
0x19b: {  	[sflag:s21] =	ssyncset.done $0x0  }
0x19c: {  	[sflag:s21] =	ssyncadd.s32 $0xFFFFFF80  }
0x19d: {  	_ =	swait.ge [sflag:s23], $0x80  }
0x19e: {  	[sflag:s23] =	ssyncset.done $0x0  }
0x19f: {  	[sflag:s23] =	ssyncadd.s32 $0xFFFFFF80  }
0x1a0: {  	[spmem:s2] =	stream.indirect.scatter.add.f32 [tilespmem:s20], [sflag:$0x1], $0x1, s22, s22, $0xb8;
	[tilespmem:$0x4378] =	vst v63  }
0x1a1: {  	s31 =	sadd.s32 s28, s10  }
0x1a2: {  	[tilespmem:s4], [sflag:$0x2] =	stream.linear.gather [hbm4b:s31+s4], $0x80, $0x38;
	[tilespmem:$0x4378] =	vst v63  }
0x1a3: {  	_ =	swait.ge [sflag:s21], $0x80  }
0x1a4: {  	[sflag:s21] =	ssyncset.done $0x0  }
0x1a5: {  	[sflag:s21] =	ssyncadd.s32 $0xFFFFFF80  }
0x1a6: {  	_ =	swait.ge [sflag:s23], $0x80  }
0x1a7: {  	[sflag:s23] =	ssyncset.done $0x0  }
0x1a8: {  	s30 =	rddreg [dreg:$0x9];
	[sflag:s23] =	ssyncadd.s32 $0xFFFFFF80  }
0x1a9: {  	[spmem:s2] =	stream.indirect.scatter.add.f32 [tilespmem:s20], [sflag:$0x1], $0x1, s4, s22, $0xb8;
	[tilespmem:$0x4378] =	vst v63  }
0x1aa: {  	s29 =	sadd.s32 s28, s30  }
0x1ab: {  	[tilespmem:s22], [sflag:$0x2] =	stream.linear.gather [hbm4b:s29+s4], $0x80, $0x38;
	[tilespmem:$0x4378] =	vst v63  }
0x1ac: {  	_ =	swait.ge [sflag:s21], $0x80  }
0x1ad: {  	[sflag:s21] =	ssyncset.done $0x0  }
0x1ae: {  	[sflag:s21] =	ssyncadd.s32 $0xFFFFFF80  }
0x1af: {  	_ =	swait.ge [sflag:s23], $0x80  }
0x1b0: {  	[sflag:s23] =	ssyncset.done $0x0  }
0x1b1: {  	s31 =	rddreg [dreg:$0x8];
	[sflag:s23] =	ssyncadd.s32 $0xFFFFFF80  }
0x1b2: {  	[spmem:s2] =	stream.indirect.scatter.add.f32 [tilespmem:s20], [sflag:$0x1], $0x1, s22, s22, $0xb8;
	[tilespmem:$0x4378] =	vst v63  }
0x1b3: {  	s29 =	sadd.s32 s28, s31  }
0x1b4: {  	[tilespmem:s4], [sflag:$0x2] =	stream.linear.gather [hbm4b:s29+s4], $0x80, $0x38;
	[tilespmem:$0x4378] =	vst v63  }
0x1b5: {  	_ =	swait.ge [sflag:s21], $0x80  }
0x1b6: {  	[sflag:s21] =	ssyncset.done $0x0  }
0x1b7: {  	[sflag:s21] =	ssyncadd.s32 $0xFFFFFF80  }
0x1b8: {  	_ =	swait.ge [sflag:s23], $0x80  }
0x1b9: {  	[sflag:s23] =	ssyncset.done $0x0  }
0x1ba: {  	s30 =	rddreg [dreg:$0x7];
	[sflag:s23] =	ssyncadd.s32 $0xFFFFFF80  }
0x1bb: {  	[spmem:s2] =	stream.indirect.scatter.add.f32 [tilespmem:s20], [sflag:$0x1], $0x1, s4, s22, $0xb8;
	[tilespmem:$0x4378] =	vst v63  }
0x1bc: {  	s29 =	sadd.s32 s28, s30  }
0x1bd: {  	[tilespmem:s22], [sflag:$0x2] =	stream.linear.gather [hbm4b:s29+s4], $0x80, $0x38;
	[tilespmem:$0x4378] =	vst v63  }
0x1be: {  	_ =	swait.ge [sflag:s21], $0x80  }
0x1bf: {  	[sflag:s21] =	ssyncset.done $0x0  }
0x1c0: {  	[sflag:s21] =	ssyncadd.s32 $0xFFFFFF80  }
0x1c1: {  	_ =	swait.ge [sflag:s23], $0x80  }
0x1c2: {  	[sflag:s23] =	ssyncset.done $0x0  }
0x1c3: {  	s31 =	rddreg [dreg:$0x6];
	[sflag:s23] =	ssyncadd.s32 $0xFFFFFF80  }
0x1c4: {  	[spmem:s2] =	stream.indirect.scatter.add.f32 [tilespmem:s20], [sflag:$0x1], $0x1, s22, s22, $0xb8;
	[tilespmem:$0x4378] =	vst v63  }
0x1c5: {  	s29 =	sadd.s32 s28, s31  }
0x1c6: {  	[tilespmem:s4], [sflag:$0x2] =	stream.linear.gather [hbm4b:s29+s4], $0x80, $0x38;
	[tilespmem:$0x4378] =	vst v63  }
0x1c7: {  	_ =	swait.ge [sflag:s21], $0x80  }
0x1c8: {  	[sflag:s21] =	ssyncset.done $0x0  }
0x1c9: {  	[sflag:s21] =	ssyncadd.s32 $0xFFFFFF80  }
0x1ca: {  	_ =	swait.ge [sflag:s23], $0x80  }
0x1cb: {  	[sflag:s23] =	ssyncset.done $0x0  }
0x1cc: {  	s30 =	rddreg [dreg:$0x5];
	[sflag:s23] =	ssyncadd.s32 $0xFFFFFF80  }
0x1cd: {  	[spmem:s2] =	stream.indirect.scatter.add.f32 [tilespmem:s20], [sflag:$0x1], $0x1, s4, s22, $0xb8;
	[tilespmem:$0x4378] =	vst v63  }
0x1ce: {  	s31 =	sadd.s32 s28, s30  }
0x1cf: {  	[tilespmem:s22], [sflag:$0x2] =	stream.linear.gather [hbm4b:s31+s4], $0x80, $0x38;
	[tilespmem:$0x4378] =	vst v63  }
0x1d0: {  	_ =	swait.ge [sflag:s21], $0x80  }
0x1d1: {  	[sflag:s21] =	ssyncset.done $0x0  }
0x1d2: {  	[sflag:s21] =	ssyncadd.s32 $0xFFFFFF80  }
0x1d3: {  	_ =	swait.ge [sflag:s23], $0x80  }
0x1d4: {  	[sflag:s23] =	ssyncset.done $0x0  }
0x1d5: {  	[sflag:s23] =	ssyncadd.s32 $0xFFFFFF80  }
0x1d6: {  	[spmem:s2] =	stream.indirect.scatter.add.f32 [tilespmem:s20], [sflag:$0x2], $0x1, s22, s22, $0xb8;
	[tilespmem:$0x4378] =	vst v63  }
0x1d7: {  	_ =	swait.ge [sflag:s21], $0x80  }
0x1d8: {  	[sflag:s21] =	ssyncset.done $0x0  }
0x1d9: {  	[sflag:s21] =	ssyncadd.s32 $0xFFFFFF80  }
0x1da: {  	[tilespmem:s4], [sflag:$0x2] =	stream.linear.gather [hbm4b:s7+s4], $0x80, $0x38;
	[tilespmem:$0x4378] =	vst v63  }
0x1db: {  	_ =	swait.ge [sflag:s21], $0x80  }
0x1dc: {  	[sflag:s21] =	ssyncset.done $0x0  }
0x1dd: {  	[sflag:s21] =	ssyncadd.s32 $0xFFFFFF80  }
0x1de: {  	[spmem:s2] =	stream.indirect.scatter.add.f32 [tilespmem:s20], [sflag:$0x2], $0x1, s4, s22, $0xb8;
	[tilespmem:$0x4378] =	vst v63  }
0x1df: {  	_ =	swait.ge [sflag:s21], $0x80  }
0x1e0: {  	s24 =	sadd.s32 $0x1, s24;
	[sflag:s21] =	ssyncset.done $0x0  }
0x1e1: {  	p0 =	sne.s32 s24, s9;
	[sflag:s21] =	ssyncadd.s32 $0xFFFFFF80  }
.Ltmp1:
0x1e2: {  	[bflag:$0x0] =	sbarrier.arrive $0xFFFF;
	(pc) =	sbr.rel @p0 .LBB2_1-.Ltmp1, $4  }
0x1e3: {  	[hbm:s8], [sflag:s25] =	dma.local [spmem:s26], $0x2780  }
0x1e4: {  	_ =	swait.ge [sflag:s21], $0x2780  }
0x1e5: {  	[sflag:s21] =	ssyncset.done $0x0  }
0x1e6: {  	[sflag:s21] =	ssyncadd.s32 $0xFFFFD880  }
0x1e7: {  	_ =	sfence.sel $0x180000  }
0x1e8: {  	[bflag:$0x0] =	sbarrier.arrive $0xFFFF  }
0x1e9: {  	p0 =	sne.s32 s3, $0x0;
	_ =	strace $0x90000047  }
0x1ea: {  	s0 =	sadd.s32 @!p0 $0x100000, s0;
	[bflag:$0x2] =	sbarrier.arrive $0xFFFF  }
0x1eb: {  	[sflag:s0] =	ssyncadd.tile.s32 @!p0 $0x1;
	_ =	shalt  }
.Lfunc_end2:
_tile_overlayer_lowered:
.L_overlay_start_2:
0x1ec: {  	(tag) =	ssettag $0x2  }
0x1ed: {  	s0 =	rddreg [dreg:$0x0];
	s2 =	stileid.u32  }
0x1ee: {  	s1 =	rddreg [dreg:$0x1];
	p0 =	sne.s32 s2, $0x0  }
0x1ef: {  	s3 =	rddreg [dreg:$0x2];
	[bflag:$0x3] =	sbarrier.arrive $0xFFFF;
	s2 =	simm.s32 @!p0 $0x1C02  }
0x1f0: {  	[timem:s3], [sflag:s2] =	dma.local @!p0 [hbm:s0], s1  }
0x1f1: {  	s0 =	simm.s32 @!p0 $0x2  }
0x1f2: {  	_ =	swait.ge @!p0 [sflag:s0], s1  }
0x1f3: {  	s1 =	ssub.s32 @!p0 $0x0, s1;
	[sflag:s0] =	ssyncset.done @!p0 $0x0  }
0x1f4: {  	[sflag:s0] =	ssyncadd.s32 @!p0 s1  }
0x1f5: {  	[bflag:$0x3] =	sbarrier.arrive $0xFFFF  }
0x1f6: {  	_ =	shalt  }

</sc_bundles>
